<compile_context>
chip_gen: v7x
topology: tpu7x:2x2x1
jax: 0.10.2.dev20260603
libtpu: 0.0.44.dev20260713+nightly
codegen_flags: <defaults>
</compile_context>

<pallas_src>
import jax
import jax.numpy as jnp
from jax import lax
from jax.experimental import pallas as pl
from jax.experimental.pallas import tpu as pltpu
from jax.experimental.pallas import tpu_sc as plsc

N = 10000
NP = 10112
NP2 = 2 * NP
E = 320000
C = 128
NC, NS = 2, 16
NW = NC * NS
GA = 80
GA0 = 112
GA1 = 48
RA = NW * GA
EP = RA * C
GD = 2 * GA
RD = NW * GD
DPR = 40
APR = 16
TREP = 4

_mesh = plsc.VectorSubcoreMesh(core_axis_name="c", subcore_axis_name="s")
_sc_params = pltpu.CompilerParams(
    use_tc_tiling_on_sc=False, needs_layout_passes=False)


def _deg_body(src_hbm, dst_hbm, out_hbm, idx_v, acc_v):
    c = lax.axis_index("c")
    s = lax.axis_index("s")
    w = c * NS + s
    zero16 = jnp.zeros((16,), jnp.float32)
    one16 = jnp.ones((16,), jnp.float32)

    def zero(i, x):
        acc_v[pl.ds(i * 16, 16)] = zero16
        return x
    lax.fori_loop(0, NP // 16, zero, 0)

    def dpass(p, x):
        rows = pl.ds(s * GD + p * DPR, DPR)

        @pl.when(c == 0)
        def _():
            pltpu.sync_copy(src_hbm.at[rows], idx_v)

        @pl.when(c == 1)
        def _():
            pltpu.sync_copy(dst_hbm.at[rows], idx_v)

        @plsc.parallel_loop(0, DPR, unroll=4)
        def count(g):
            for j in range(C // 16):
                idx16 = idx_v[g, pl.ds(j * 16, 16)]
                plsc.addupdate_scatter(acc_v, [idx16], one16)
        return x
    lax.fori_loop(0, GD // DPR, dpass, 0)
    pltpu.sync_copy(acc_v, out_hbm.at[w])


_deg_call = pl.kernel(
    _deg_body,
    out_type=jax.ShapeDtypeStruct((NW, NP), jnp.float32),
    mesh=_mesh,
    scratch_types=[
        pltpu.VMEM((DPR, C), jnp.int32),
        pltpu.VMEM((NP,), jnp.float32),
    ],
    compiler_params=_sc_params,
)


def _agg_body(table_hbm, src_hbm, dst_hbm, out_hbm, table_v, src_v, dst_v, acc_v):
    c = lax.axis_index("c")
    s = lax.axis_index("s")
    w = c * NS + s
    zero16 = jnp.zeros((16,), jnp.float32)

    def zero(i, x):
        for f in range(4):
            acc_v[f, pl.ds(i * 16, 16)] = zero16
        return x
    lax.fori_loop(0, NP // 16, zero, 0)
    pltpu.sync_copy(table_hbm.at[c * 2 + (s % 2)], table_v)

    feat = [jnp.full((16,), f, jnp.int32) for f in range(4)]
    my_rows = jnp.where(c == 0, GA0, GA1)
    row0 = jnp.where(c == 0, s * GA0, NS * GA0 + s * GA1)

    def apass(p, x):
        pltpu.sync_copy(src_hbm.at[pl.ds(row0 + p * APR, APR)], src_v)
        pltpu.sync_copy(dst_hbm.at[pl.ds(row0 + p * APR, APR)], dst_v)

        @plsc.parallel_loop(0, APR, unroll=4)
        def agg(g):
            for j in range(C // 16):
                s16 = src_v[g, pl.ds(j * 16, 16)]
                d16 = dst_v[g, pl.ds(j * 16, 16)]
                for f in range(4):
                    v = plsc.load_gather(table_v, [feat[f], s16])
                    plsc.addupdate_scatter(acc_v, [feat[f], d16], v)
        return x
    lax.fori_loop(0, my_rows // APR, apass, 0)
    pltpu.sync_copy(acc_v, out_hbm.at[w])


_agg_call = pl.kernel(
    _agg_body,
    out_type=jax.ShapeDtypeStruct((NW, 4, NP), jnp.float32),
    mesh=_mesh,
    scratch_types=[
        pltpu.VMEM((4, NP), jnp.float32),
        pltpu.VMEM((APR, C), jnp.int32),
        pltpu.VMEM((APR, C), jnp.int32),
        pltpu.VMEM((4, NP), jnp.float32),
    ],
    compiler_params=_sc_params,
)


def _tc1_body(xp_ref, w1t_ref, degp_ref, msg_ref, ns_ref, nd_ref):
    degp = degp_ref[...]
    od = jnp.sum(degp[:NS], axis=0)[None]
    idg = jnp.sum(degp[NS:], axis=0)[None]
    ns = jnp.where(od > 0, lax.rsqrt(jnp.maximum(od, 1.0)), 0.0)
    nd = jnp.where(idg > 0, lax.rsqrt(jnp.maximum(idg, 1.0)), 0.0)
    h = lax.dot_general(
        w1t_ref[...], xp_ref[...], (((1,), (1,)), ((), ())),
        preferred_element_type=jnp.float32)
    msg_ref[...] = jnp.broadcast_to((h * ns)[None], (TREP, 4, NP))
    ns_ref[...] = ns
    nd_ref[...] = nd


_tc1_call = pl.pallas_call(
    _tc1_body,
    out_shape=(
        jax.ShapeDtypeStruct((TREP, 4, NP), jnp.float32),
        jax.ShapeDtypeStruct((1, NP), jnp.float32),
        jax.ShapeDtypeStruct((1, NP), jnp.float32),
    ),
)


def _tc2_body(p_ref, ns_ref, nd_ref, b1_ref, msg2_ref):
    agg = jnp.sum(p_ref[...], axis=0)
    t = agg * nd_ref[...] + b1_ref[...]
    m = jnp.maximum(t, 0.0) * ns_ref[...]
    msg2_ref[...] = jnp.broadcast_to(m[None], (TREP, 4, NP))


_tc2_call = pl.pallas_call(
    _tc2_body,
    out_shape=jax.ShapeDtypeStruct((TREP, 4, NP), jnp.float32),
)


def _tc3_body(p_ref, nd_ref, w2t_ref, b2_ref, out_ref):
    agg = jnp.sum(p_ref[...], axis=0)
    t = agg * nd_ref[...]
    out_ref[...] = (
        jnp.dot(w2t_ref[...], t, preferred_element_type=jnp.float32) + b2_ref[...]
    )


_tc3_call = pl.pallas_call(
    _tc3_body,
    out_shape=jax.ShapeDtypeStruct((40, NP), jnp.float32),
)


def kernel(in_feat, edge_index, W1, b1, W2, b2):
    src = edge_index[0].astype(jnp.int32)
    dst = edge_index[1].astype(jnp.int32)
    padv = jnp.full((EP - E,), N, jnp.int32)
    srcp = jnp.concatenate([src, padv]).reshape(RA, C)
    dstp = jnp.concatenate([dst, padv]).reshape(RA, C)
    xp = jnp.pad(in_feat, ((0, NP - N), (0, 0)))

    degp = _deg_call(srcp, dstp)
    msg1, ns, nd = _tc1_call(xp, W1.T, degp)
    p1 = _agg_call(msg1, srcp, dstp)
    msg2 = _tc2_call(p1, ns, nd, b1.reshape(4, 1))
    p2 = _agg_call(msg2, srcp, dstp)
    out = _tc3_call(p2, nd, W2.T, b2.reshape(40, 1))
    return out[:, :N].T

# --- scband reference (transcript-rebuilt; emitter-appended) ---
"""Pipeline reference for scband-gcn-23459111371160 (READ-ONLY COPY).

The authoritative reference and input builder live on the scoring server;
editing this copy changes nothing except your own understanding.
"""

import jax, jax.numpy as jnp
import numpy as np

N_NODES = 10000
N_EDGES = 320000
IN_FEATS = 128
HIDDEN = 4
NUM_CLASSES = 40


def setup_inputs(seed: int = 0) -> dict:
    key = jax.random.key(seed)
    k1, k2, k3, k4, k5, k6 = jax.random.split(key, 6)
    in_feat = jax.random.normal(k1, (N_NODES, IN_FEATS), dtype=jnp.float32)
    edge_index = jax.random.randint(k2, (2, N_EDGES), 0, N_NODES, dtype=jnp.int64)
    # GraphConv weights (glorot-ish init)
    W1 = jax.random.normal(k3, (IN_FEATS, HIDDEN), dtype=jnp.float32) * (1.0 / np.sqrt(IN_FEATS))
    b1 = jnp.zeros((HIDDEN,), dtype=jnp.float32)
    W2 = jax.random.normal(k4, (HIDDEN, NUM_CLASSES), dtype=jnp.float32) * (1.0 / np.sqrt(HIDDEN))
    b2 = jnp.zeros((NUM_CLASSES,), dtype=jnp.float32)
    return {"in_feat": in_feat, "edge_index": edge_index, "W1": W1, "b1": b1, "W2": W2, "b2": b2}


def _graph_conv(x, edge_index, W, b):
    # DGL GraphConv with norm='both':
    #   h = D_dst^{-1/2} A (D_src^{-1/2} (X W)) + b
    src = edge_index[0]
    dst = edge_index[1]
    N = x.shape[0]
    ones = jnp.ones((src.shape[0],), dtype=jnp.float32)
    out_deg = jnp.zeros((N,), dtype=jnp.float32).at[src].add(ones)
    in_deg = jnp.zeros((N,), dtype=jnp.float32).at[dst].add(ones)
    norm_src = jnp.where(out_deg > 0, jax.lax.rsqrt(jnp.maximum(out_deg, 1.0)), 0.0)
    norm_dst = jnp.where(in_deg > 0, jax.lax.rsqrt(jnp.maximum(in_deg, 1.0)), 0.0)
    h = x @ W  # weight applied before aggregation (in_feats > out_feats path)
    h = h * norm_src[:, None]
    msgs = jnp.take(h, src, axis=0)
    agg = jnp.zeros((N, h.shape[1]), dtype=h.dtype).at[dst].add(msgs)
    agg = agg * norm_dst[:, None]
    return agg + b


def reference(in_feat, edge_index, W1, b1, W2, b2):
    h = _graph_conv(in_feat, edge_index, W1, b1)
    h = jax.nn.relu(h)
    # dropout is identity in eval mode
    out = _graph_conv(h, edge_index, W2, b2)
    return out

if __name__ == "__main__":
    import jax
    _d = setup_inputs()
    print(jax.jit(kernel)(*tuple(_d.values())))

</pallas_src>

<mosaic_0001>
#map = affine_map<(d0, d1) -> (0, 0)>
module attributes {stable_mosaic.version = 14 : i64} {
  func.func @_deg_body(%arg0: i32, %arg1: i32, %arg2: memref<2560x128xi32, #tpu.memory_space<hbm>>, %arg3: memref<2560x128xi32, #tpu.memory_space<hbm>>, %arg4: memref<32x10112xf32, #tpu.memory_space<hbm>>, %arg5: memref<40x128xi32, #tpu.memory_space<vmem>>, %arg6: memref<10112xf32, #tpu.memory_space<vmem>>) attributes {dimension_semantics = [#tpu.dimension_semantics<core_parallel>, #tpu.dimension_semantics<subcore_parallel>], iteration_bounds = array<i64: 2, 16>, scalar_prefetch = 0 : i64, scratch_operands = 2 : i64, tpu.core_type = #tpu.core_type<sc_vector_subcore>, window_params = [{transform_indices = #map}, {transform_indices = #map}, {transform_indices = #map}]} {
    %mul3A = arith.constant 16 : i32
    %mul3A_0 = arith.muli %arg0, %mul3A : i32
    %add3A = arith.addi %mul3A_0, %arg1 : i32
    %broadcast_in_dim3A = arith.constant 0.000000e+00 : f32
    %broadcast_in_dim3A_1 = vector.broadcast %broadcast_in_dim3A : f32 to vector<16xf32>
    %broadcast_in_dim3A_2 = arith.constant 1.000000e+00 : f32
    %broadcast_in_dim3A_3 = vector.broadcast %broadcast_in_dim3A_2 : f32 to vector<16xf32>
    %scan3A = arith.constant 0 : i32
    %scan3A_4 = arith.constant 0 : i32
    %scan3A_5 = arith.constant 632 : i32
    %scan3A_6 = arith.addi %scan3A_4, %scan3A_5 : i32
    %scan3A_7 = arith.constant 1 : i32
    scf.for %scan3A_15 = %scan3A_4 to %scan3A_6 step %scan3A_7  : i32 {
      %mul3A_16 = arith.constant 16 : i32
      %mul3A_17 = arith.muli %scan3A_15, %mul3A_16 : i32
      %swap3A = arith.index_cast %mul3A_17 : i32 to index
      %swap3A_18 = tpu.vector_load %arg6[%swap3A] {strides = array<i32>} : memref<10112xf32, #tpu.memory_space<vmem>>, vector<16xf32>,
      tpu.vector_store %arg6[%swap3A], %broadcast_in_dim3A_1 {strides = array<i32>} : memref<10112xf32, #tpu.memory_space<vmem>>, vector<16xf32>,
    }
    %scan3A_8 = arith.constant 632 : i32
    %scan3A_9 = arith.constant 0 : i32
    %scan3A_10 = arith.constant 0 : i32
    %scan3A_11 = arith.constant 4 : i32
    %scan3A_12 = arith.addi %scan3A_10, %scan3A_11 : i32
    %scan3A_13 = arith.constant 1 : i32
    scf.for %scan3A_15 = %scan3A_10 to %scan3A_12 step %scan3A_13  : i32 {
      %mul3A_16 = arith.constant 160 : i32
      %mul3A_17 = arith.muli %arg1, %mul3A_16 : i32
      %mul3A_18 = arith.constant 40 : i32
      %mul3A_19 = arith.muli %scan3A_15, %mul3A_18 : i32
      %add3A_20 = arith.addi %mul3A_17, %mul3A_19 : i32
      %eq3A = arith.constant 0 : i32
      %eq3A_21 = arith.cmpi eq, %arg0, %eq3A : i32
      %convert_element_type3A = arith.extui %eq3A_21 : i1 to i32
      %cond3A = arith.constant 0 : i32
      %cond3A_22 = arith.cmpi ne, %convert_element_type3A, %cond3A : i32
      scf.if %cond3A_22 {
        "tpu.region"() ({
          %run_scoped3A = tpu.sem_alloc : memref<!tpu.dma_semaphore, #tpu.memory_space<semaphore_mem>>
          %dma_start3A = arith.constant 0 : i32
          %dma_start3A_30 = tpu.memref_slice %arg2[%add3A_20, %dma_start3A] : memref<2560x128xi32, #tpu.memory_space<hbm>> -> memref<40x128xi32, #tpu.memory_space<hbm>>
          %dma_start3A_31 = arith.constant 0 : i32
          %dma_start3A_32 = tpu.memref_slice %arg2[%add3A_20, %dma_start3A_31] : memref<2560x128xi32, #tpu.memory_space<hbm>> -> memref<40x128xi32, #tpu.memory_space<hbm>>
          tpu.enqueue_dma source(%dma_start3A_32 : memref<40x128xi32, #tpu.memory_space<hbm>>) target(%arg5 : memref<40x128xi32, #tpu.memory_space<vmem>>) target_semaphore(%run_scoped3A : memref<!tpu.dma_semaphore, #tpu.memory_space<semaphore_mem>>)
          %dma_wait3A = arith.constant 0 : i32
          %dma_wait3A_33 = tpu.memref_slice %arg2[%add3A_20, %dma_wait3A] : memref<2560x128xi32, #tpu.memory_space<hbm>> -> memref<40x128xi32, #tpu.memory_space<hbm>>
          %dma_wait3A_34 = arith.constant 0 : i32
          %dma_wait3A_35 = tpu.memref_slice %arg2[%add3A_20, %dma_wait3A_34] : memref<2560x128xi32, #tpu.memory_space<hbm>> -> memref<40x128xi32, #tpu.memory_space<hbm>>
          tpu.wait_dma2 semaphore(%run_scoped3A : memref<!tpu.dma_semaphore, #tpu.memory_space<semaphore_mem>>) src(%dma_wait3A_35 : memref<40x128xi32, #tpu.memory_space<hbm>>) dst(%arg5 : memref<40x128xi32, #tpu.memory_space<vmem>>)
          tpu.yield
        }) : () -> ()
      } else {
      }
      %eq3A_23 = arith.constant 1 : i32
      %eq3A_24 = arith.cmpi eq, %arg0, %eq3A_23 : i32
      %convert_element_type3A_25 = arith.extui %eq3A_24 : i1 to i32
      %cond3A_26 = arith.constant 0 : i32
      %cond3A_27 = arith.cmpi ne, %convert_element_type3A_25, %cond3A_26 : i32
      scf.if %cond3A_27 {
        "tpu.region"() ({
          %run_scoped3A = tpu.sem_alloc : memref<!tpu.dma_semaphore, #tpu.memory_space<semaphore_mem>>
          %dma_start3A = arith.constant 0 : i32
          %dma_start3A_30 = tpu.memref_slice %arg3[%add3A_20, %dma_start3A] : memref<2560x128xi32, #tpu.memory_space<hbm>> -> memref<40x128xi32, #tpu.memory_space<hbm>>
          %dma_start3A_31 = arith.constant 0 : i32
          %dma_start3A_32 = tpu.memref_slice %arg3[%add3A_20, %dma_start3A_31] : memref<2560x128xi32, #tpu.memory_space<hbm>> -> memref<40x128xi32, #tpu.memory_space<hbm>>
          tpu.enqueue_dma source(%dma_start3A_32 : memref<40x128xi32, #tpu.memory_space<hbm>>) target(%arg5 : memref<40x128xi32, #tpu.memory_space<vmem>>) target_semaphore(%run_scoped3A : memref<!tpu.dma_semaphore, #tpu.memory_space<semaphore_mem>>)
          %dma_wait3A = arith.constant 0 : i32
          %dma_wait3A_33 = tpu.memref_slice %arg3[%add3A_20, %dma_wait3A] : memref<2560x128xi32, #tpu.memory_space<hbm>> -> memref<40x128xi32, #tpu.memory_space<hbm>>
          %dma_wait3A_34 = arith.constant 0 : i32
          %dma_wait3A_35 = tpu.memref_slice %arg3[%add3A_20, %dma_wait3A_34] : memref<2560x128xi32, #tpu.memory_space<hbm>> -> memref<40x128xi32, #tpu.memory_space<hbm>>
          tpu.wait_dma2 semaphore(%run_scoped3A : memref<!tpu.dma_semaphore, #tpu.memory_space<semaphore_mem>>) src(%dma_wait3A_35 : memref<40x128xi32, #tpu.memory_space<hbm>>) dst(%arg5 : memref<40x128xi32, #tpu.memory_space<vmem>>)
          tpu.yield
        }) : () -> ()
      } else {
      }
      %parallel_loop3A = arith.constant 0 : i32
      %parallel_loop3A_28 = arith.constant 40 : i32
      %parallel_loop3A_29 = arith.constant 1 : i32
      scf.for %parallel_loop3A_30 = %parallel_loop3A to %parallel_loop3A_28 step %parallel_loop3A_29  : i32 {
        %parallel_loop3A_31 = arith.index_cast %parallel_loop3A_30 : i32 to index
        %parallel_loop3A_32 = arith.constant 0 : index
        %parallel_loop3A_33 = tpu.vector_load %arg5[%parallel_loop3A_31, %parallel_loop3A_32] {strides = array<i32>} : memref<40x128xi32, #tpu.memory_space<vmem>>, vector<16xi32>,
        tpu.vector_store_idx %arg6[%parallel_loop3A_33], %broadcast_in_dim3A_3 {add = true} : memref<10112xf32, #tpu.memory_space<vmem>>[vector<16xi32>], vector<16xf32>,
        %parallel_loop3A_34 = arith.index_cast %parallel_loop3A_30 : i32 to index
        %parallel_loop3A_35 = arith.constant 16 : index
        %parallel_loop3A_36 = tpu.vector_load %arg5[%parallel_loop3A_34, %parallel_loop3A_35] {strides = array<i32>} : memref<40x128xi32, #tpu.memory_space<vmem>>, vector<16xi32>,
        tpu.vector_store_idx %arg6[%parallel_loop3A_36], %broadcast_in_dim3A_3 {add = true} : memref<10112xf32, #tpu.memory_space<vmem>>[vector<16xi32>], vector<16xf32>,
        %parallel_loop3A_37 = arith.index_cast %parallel_loop3A_30 : i32 to index
        %parallel_loop3A_38 = arith.constant 32 : index
        %parallel_loop3A_39 = tpu.vector_load %arg5[%parallel_loop3A_37, %parallel_loop3A_38] {strides = array<i32>} : memref<40x128xi32, #tpu.memory_space<vmem>>, vector<16xi32>,
        tpu.vector_store_idx %arg6[%parallel_loop3A_39], %broadcast_in_dim3A_3 {add = true} : memref<10112xf32, #tpu.memory_space<vmem>>[vector<16xi32>], vector<16xf32>,
        %parallel_loop3A_40 = arith.index_cast %parallel_loop3A_30 : i32 to index
        %parallel_loop3A_41 = arith.constant 48 : index
        %parallel_loop3A_42 = tpu.vector_load %arg5[%parallel_loop3A_40, %parallel_loop3A_41] {strides = array<i32>} : memref<40x128xi32, #tpu.memory_space<vmem>>, vector<16xi32>,
        tpu.vector_store_idx %arg6[%parallel_loop3A_42], %broadcast_in_dim3A_3 {add = true} : memref<10112xf32, #tpu.memory_space<vmem>>[vector<16xi32>], vector<16xf32>,
        %parallel_loop3A_43 = arith.index_cast %parallel_loop3A_30 : i32 to index
        %parallel_loop3A_44 = arith.constant 64 : index
        %parallel_loop3A_45 = tpu.vector_load %arg5[%parallel_loop3A_43, %parallel_loop3A_44] {strides = array<i32>} : memref<40x128xi32, #tpu.memory_space<vmem>>, vector<16xi32>,
        tpu.vector_store_idx %arg6[%parallel_loop3A_45], %broadcast_in_dim3A_3 {add = true} : memref<10112xf32, #tpu.memory_space<vmem>>[vector<16xi32>], vector<16xf32>,
        %parallel_loop3A_46 = arith.index_cast %parallel_loop3A_30 : i32 to index
        %parallel_loop3A_47 = arith.constant 80 : index
        %parallel_loop3A_48 = tpu.vector_load %arg5[%parallel_loop3A_46, %parallel_loop3A_47] {strides = array<i32>} : memref<40x128xi32, #tpu.memory_space<vmem>>, vector<16xi32>,
        tpu.vector_store_idx %arg6[%parallel_loop3A_48], %broadcast_in_dim3A_3 {add = true} : memref<10112xf32, #tpu.memory_space<vmem>>[vector<16xi32>], vector<16xf32>,
        %parallel_loop3A_49 = arith.index_cast %parallel_loop3A_30 : i32 to index
        %parallel_loop3A_50 = arith.constant 96 : index
        %parallel_loop3A_51 = tpu.vector_load %arg5[%parallel_loop3A_49, %parallel_loop3A_50] {strides = array<i32>} : memref<40x128xi32, #tpu.memory_space<vmem>>, vector<16xi32>,
        tpu.vector_store_idx %arg6[%parallel_loop3A_51], %broadcast_in_dim3A_3 {add = true} : memref<10112xf32, #tpu.memory_space<vmem>>[vector<16xi32>], vector<16xf32>,
        %parallel_loop3A_52 = arith.index_cast %parallel_loop3A_30 : i32 to index
        %parallel_loop3A_53 = arith.constant 112 : index
        %parallel_loop3A_54 = tpu.vector_load %arg5[%parallel_loop3A_52, %parallel_loop3A_53] {strides = array<i32>} : memref<40x128xi32, #tpu.memory_space<vmem>>, vector<16xi32>,
        tpu.vector_store_idx %arg6[%parallel_loop3A_54], %broadcast_in_dim3A_3 {add = true} : memref<10112xf32, #tpu.memory_space<vmem>>[vector<16xi32>], vector<16xf32>,
      } {sc.loop_unroll_factor = 4 : i64, sc.parallel_access}
    }
    %scan3A_14 = arith.constant 4 : i32
    "tpu.region"() ({
      %run_scoped3A = tpu.sem_alloc : memref<!tpu.dma_semaphore, #tpu.memory_space<semaphore_mem>>
      %dma_start3A = arith.constant 0 : i32
      %dma_start3A_15 = tpu.memref_slice %arg4[%add3A, %dma_start3A] : memref<32x10112xf32, #tpu.memory_space<hbm>> -> memref<1x10112xf32, #tpu.memory_space<hbm>>
      %dma_start3A_16 = tpu.memref_squeeze %dma_start3A_15 : memref<1x10112xf32, #tpu.memory_space<hbm>> -> memref<10112xf32, #tpu.memory_space<hbm>>
      %dma_start3A_17 = arith.constant 0 : i32
      %dma_start3A_18 = tpu.memref_slice %arg4[%add3A, %dma_start3A_17] : memref<32x10112xf32, #tpu.memory_space<hbm>> -> memref<1x10112xf32, #tpu.memory_space<hbm>>
      %dma_start3A_19 = tpu.memref_squeeze %dma_start3A_18 : memref<1x10112xf32, #tpu.memory_space<hbm>> -> memref<10112xf32, #tpu.memory_space<hbm>>
      tpu.enqueue_dma source(%arg6 : memref<10112xf32, #tpu.memory_space<vmem>>) target(%dma_start3A_19 : memref<10112xf32, #tpu.memory_space<hbm>>) target_semaphore(%run_scoped3A : memref<!tpu.dma_semaphore, #tpu.memory_space<semaphore_mem>>)
      %dma_wait3A = arith.constant 0 : i32
      %dma_wait3A_20 = tpu.memref_slice %arg4[%add3A, %dma_wait3A] : memref<32x10112xf32, #tpu.memory_space<hbm>> -> memref<1x10112xf32, #tpu.memory_space<hbm>>
      %dma_wait3A_21 = tpu.memref_squeeze %dma_wait3A_20 : memref<1x10112xf32, #tpu.memory_space<hbm>> -> memref<10112xf32, #tpu.memory_space<hbm>>
      %dma_wait3A_22 = arith.constant 0 : i32
      %dma_wait3A_23 = tpu.memref_slice %arg4[%add3A, %dma_wait3A_22] : memref<32x10112xf32, #tpu.memory_space<hbm>> -> memref<1x10112xf32, #tpu.memory_space<hbm>>
      %dma_wait3A_24 = tpu.memref_squeeze %dma_wait3A_23 : memref<1x10112xf32, #tpu.memory_space<hbm>> -> memref<10112xf32, #tpu.memory_space<hbm>>
      tpu.wait_dma2 semaphore(%run_scoped3A : memref<!tpu.dma_semaphore, #tpu.memory_space<semaphore_mem>>) src(%arg6 : memref<10112xf32, #tpu.memory_space<vmem>>) dst(%dma_wait3A_24 : memref<10112xf32, #tpu.memory_space<hbm>>)
      tpu.yield
    }) : () -> ()
    return
  }
}

#map = affine_map<(d0, d1) -> (0, 0, 0)>
#map1 = affine_map<(d0, d1) -> (0, 0)>
module attributes {stable_mosaic.version = 14 : i64} {
  func.func @_agg_body(%arg0: i32, %arg1: i32, %arg2: memref<4x4x10112xf32, #tpu.memory_space<hbm>>, %arg3: memref<2560x128xi32, #tpu.memory_space<hbm>>, %arg4: memref<2560x128xi32, #tpu.memory_space<hbm>>, %arg5: memref<32x4x10112xf32, #tpu.memory_space<hbm>>, %arg6: memref<4x10112xf32, #tpu.memory_space<vmem>>, %arg7: memref<16x128xi32, #tpu.memory_space<vmem>>, %arg8: memref<16x128xi32, #tpu.memory_space<vmem>>, %arg9: memref<4x10112xf32, #tpu.memory_space<vmem>>) attributes {dimension_semantics = [#tpu.dimension_semantics<core_parallel>, #tpu.dimension_semantics<subcore_parallel>], iteration_bounds = array<i64: 2, 16>, scalar_prefetch = 0 : i64, scratch_operands = 4 : i64, tpu.core_type = #tpu.core_type<sc_vector_subcore>, window_params = [{transform_indices = #map}, {transform_indices = #map1}, {transform_indices = #map1}, {transform_indices = #map}]} {
    %mul3A = arith.constant 16 : i32
    %mul3A_0 = arith.muli %arg0, %mul3A : i32
    %add3A = arith.addi %mul3A_0, %arg1 : i32
    %broadcast_in_dim3A = arith.constant 0.000000e+00 : f32
    %broadcast_in_dim3A_1 = vector.broadcast %broadcast_in_dim3A : f32 to vector<16xf32>
    %scan3A = arith.constant 0 : i32
    %scan3A_2 = arith.constant 0 : i32
    %scan3A_3 = arith.constant 632 : i32
    %scan3A_4 = arith.addi %scan3A_2, %scan3A_3 : i32
    %scan3A_5 = arith.constant 1 : i32
    scf.for %scan3A_71 = %scan3A_2 to %scan3A_4 step %scan3A_5  : i32 {
      %mul3A_72 = arith.constant 16 : i32
      %mul3A_73 = arith.muli %scan3A_71, %mul3A_72 : i32
      %swap3A = arith.constant 0 : i32
      %swap3A_74 = arith.index_cast %swap3A : i32 to index
      %swap3A_75 = arith.index_cast %mul3A_73 : i32 to index
      %swap3A_76 = tpu.vector_load %arg9[%swap3A_74, %swap3A_75] {strides = array<i32>} : memref<4x10112xf32, #tpu.memory_space<vmem>>, vector<16xf32>,
      tpu.vector_store %arg9[%swap3A_74, %swap3A_75], %broadcast_in_dim3A_1 {strides = array<i32>} : memref<4x10112xf32, #tpu.memory_space<vmem>>, vector<16xf32>,
      %mul3A_77 = arith.constant 16 : i32
      %mul3A_78 = arith.muli %scan3A_71, %mul3A_77 : i32
      %swap3A_79 = arith.constant 1 : i32
      %swap3A_80 = arith.index_cast %swap3A_79 : i32 to index
      %swap3A_81 = arith.index_cast %mul3A_78 : i32 to index
      %swap3A_82 = tpu.vector_load %arg9[%swap3A_80, %swap3A_81] {strides = array<i32>} : memref<4x10112xf32, #tpu.memory_space<vmem>>, vector<16xf32>,
      tpu.vector_store %arg9[%swap3A_80, %swap3A_81], %broadcast_in_dim3A_1 {strides = array<i32>} : memref<4x10112xf32, #tpu.memory_space<vmem>>, vector<16xf32>,
      %mul3A_83 = arith.constant 16 : i32
      %mul3A_84 = arith.muli %scan3A_71, %mul3A_83 : i32
      %swap3A_85 = arith.constant 2 : i32
      %swap3A_86 = arith.index_cast %swap3A_85 : i32 to index
      %swap3A_87 = arith.index_cast %mul3A_84 : i32 to index
      %swap3A_88 = tpu.vector_load %arg9[%swap3A_86, %swap3A_87] {strides = array<i32>} : memref<4x10112xf32, #tpu.memory_space<vmem>>, vector<16xf32>,
      tpu.vector_store %arg9[%swap3A_86, %swap3A_87], %broadcast_in_dim3A_1 {strides = array<i32>} : memref<4x10112xf32, #tpu.memory_space<vmem>>, vector<16xf32>,
      %mul3A_89 = arith.constant 16 : i32
      %mul3A_90 = arith.muli %scan3A_71, %mul3A_89 : i32
      %swap3A_91 = arith.constant 3 : i32
      %swap3A_92 = arith.index_cast %swap3A_91 : i32 to index
      %swap3A_93 = arith.index_cast %mul3A_90 : i32 to index
      %swap3A_94 = tpu.vector_load %arg9[%swap3A_92, %swap3A_93] {strides = array<i32>} : memref<4x10112xf32, #tpu.memory_space<vmem>>, vector<16xf32>,
      tpu.vector_store %arg9[%swap3A_92, %swap3A_93], %broadcast_in_dim3A_1 {strides = array<i32>} : memref<4x10112xf32, #tpu.memory_space<vmem>>, vector<16xf32>,
    }
    %scan3A_6 = arith.constant 632 : i32
    %mul3A_7 = arith.constant 2 : i32
    %mul3A_8 = arith.muli %arg0, %mul3A_7 : i32
    %jit3A = arith.constant 2 : i32
    %eq3A = arith.constant 0 : i32
    %eq3A_9 = arith.cmpi eq, %jit3A, %eq3A : i32
    %jit3A_10 = arith.constant 1 : i32
    %select_n3A = arith.select %eq3A_9, %jit3A_10, %jit3A : i32
    %rem3A = arith.remsi %arg1, %select_n3A : i32
    %ne3A = arith.constant 0 : i32
    %ne3A_11 = arith.cmpi ne, %rem3A, %ne3A : i32
    %lt3A = arith.constant 0 : i32
    %lt3A_12 = arith.cmpi slt, %rem3A, %lt3A : i32
    %lt3A_13 = arith.constant 0 : i32
    %lt3A_14 = arith.cmpi slt, %select_n3A, %lt3A_13 : i32
    %ne3A_15 = arith.xori %lt3A_12, %lt3A_14 : i1
    %and3A = arith.andi %ne3A_15, %ne3A_11 : i1
    %add3A_16 = arith.addi %rem3A, %select_n3A : i32
    %select_n3A_17 = arith.select %and3A, %add3A_16, %rem3A : i32
    %add3A_18 = arith.addi %mul3A_8, %select_n3A_17 : i32
    "tpu.region"() ({
      %run_scoped3A = tpu.sem_alloc : memref<!tpu.dma_semaphore, #tpu.memory_space<semaphore_mem>>
      %dma_start3A = arith.constant 0 : i32
      %dma_start3A_71 = arith.constant 0 : i32
      %dma_start3A_72 = tpu.memref_slice %arg2[%add3A_18, %dma_start3A, %dma_start3A_71] : memref<4x4x10112xf32, #tpu.memory_space<hbm>> -> memref<1x4x10112xf32, #tpu.memory_space<hbm>>
      %dma_start3A_73 = tpu.memref_squeeze %dma_start3A_72 : memref<1x4x10112xf32, #tpu.memory_space<hbm>> -> memref<4x10112xf32, #tpu.memory_space<hbm>>
      %dma_start3A_74 = arith.constant 0 : i32
      %dma_start3A_75 = arith.constant 0 : i32
      %dma_start3A_76 = tpu.memref_slice %arg2[%add3A_18, %dma_start3A_74, %dma_start3A_75] : memref<4x4x10112xf32, #tpu.memory_space<hbm>> -> memref<1x4x10112xf32, #tpu.memory_space<hbm>>
      %dma_start3A_77 = tpu.memref_squeeze %dma_start3A_76 : memref<1x4x10112xf32, #tpu.memory_space<hbm>> -> memref<4x10112xf32, #tpu.memory_space<hbm>>
      tpu.enqueue_dma source(%dma_start3A_77 : memref<4x10112xf32, #tpu.memory_space<hbm>>) target(%arg6 : memref<4x10112xf32, #tpu.memory_space<vmem>>) target_semaphore(%run_scoped3A : memref<!tpu.dma_semaphore, #tpu.memory_space<semaphore_mem>>)
      %dma_wait3A = arith.constant 0 : i32
      %dma_wait3A_78 = arith.constant 0 : i32
      %dma_wait3A_79 = tpu.memref_slice %arg2[%add3A_18, %dma_wait3A, %dma_wait3A_78] : memref<4x4x10112xf32, #tpu.memory_space<hbm>> -> memref<1x4x10112xf32, #tpu.memory_space<hbm>>
      %dma_wait3A_80 = tpu.memref_squeeze %dma_wait3A_79 : memref<1x4x10112xf32, #tpu.memory_space<hbm>> -> memref<4x10112xf32, #tpu.memory_space<hbm>>
      %dma_wait3A_81 = arith.constant 0 : i32
      %dma_wait3A_82 = arith.constant 0 : i32
      %dma_wait3A_83 = tpu.memref_slice %arg2[%add3A_18, %dma_wait3A_81, %dma_wait3A_82] : memref<4x4x10112xf32, #tpu.memory_space<hbm>> -> memref<1x4x10112xf32, #tpu.memory_space<hbm>>
      %dma_wait3A_84 = tpu.memref_squeeze %dma_wait3A_83 : memref<1x4x10112xf32, #tpu.memory_space<hbm>> -> memref<4x10112xf32, #tpu.memory_space<hbm>>
      tpu.wait_dma2 semaphore(%run_scoped3A : memref<!tpu.dma_semaphore, #tpu.memory_space<semaphore_mem>>) src(%dma_wait3A_84 : memref<4x10112xf32, #tpu.memory_space<hbm>>) dst(%arg6 : memref<4x10112xf32, #tpu.memory_space<vmem>>)
      tpu.yield
    }) : () -> ()
    %broadcast_in_dim3A_19 = arith.constant 0 : i32
    %broadcast_in_dim3A_20 = vector.broadcast %broadcast_in_dim3A_19 : i32 to vector<16xi32>
    %broadcast_in_dim3A_21 = arith.constant 1 : i32
    %broadcast_in_dim3A_22 = vector.broadcast %broadcast_in_dim3A_21 : i32 to vector<16xi32>
    %broadcast_in_dim3A_23 = arith.constant 2 : i32
    %broadcast_in_dim3A_24 = vector.broadcast %broadcast_in_dim3A_23 : i32 to vector<16xi32>
    %broadcast_in_dim3A_25 = arith.constant 3 : i32
    %broadcast_in_dim3A_26 = vector.broadcast %broadcast_in_dim3A_25 : i32 to vector<16xi32>
    %eq3A_27 = arith.constant 0 : i32
    %eq3A_28 = arith.cmpi eq, %arg0, %eq3A_27 : i32
    %jit3A_29 = arith.constant 112 : i32
    %jit3A_30 = arith.constant 48 : i32
    %select_n3A_31 = arith.select %eq3A_28, %jit3A_29, %jit3A_30 : i32
    %eq3A_32 = arith.constant 0 : i32
    %eq3A_33 = arith.cmpi eq, %arg0, %eq3A_32 : i32
    %mul3A_34 = arith.constant 112 : i32
    %mul3A_35 = arith.muli %arg1, %mul3A_34 : i32
    %mul3A_36 = arith.constant 48 : i32
    %mul3A_37 = arith.muli %arg1, %mul3A_36 : i32
    %add3A_38 = arith.constant 1792 : i32
    %add3A_39 = arith.addi %add3A_38, %mul3A_37 : i32
    %select_n3A_40 = arith.select %eq3A_33, %mul3A_35, %add3A_39 : i32
    %jit3A_41 = arith.constant 16 : i32
    %div3A = arith.divsi %select_n3A_31, %jit3A_41 : i32
    %sign3A = arith.constant 0 : i32
    %sign3A_42 = arith.cmpi sgt, %select_n3A_31, %sign3A : i32
    %sign3A_43 = arith.extui %sign3A_42 : i1 to i32
    %sign3A_44 = arith.constant 0 : i32
    %sign3A_45 = arith.cmpi slt, %select_n3A_31, %sign3A_44 : i32
    %sign3A_46 = arith.extui %sign3A_45 : i1 to i32
    %sign3A_47 = arith.subi %sign3A_43, %sign3A_46 : i32
    %sign3A_48 = arith.constant 0 : i32
    %sign3A_49 = arith.cmpi sgt, %jit3A_41, %sign3A_48 : i32
    %sign3A_50 = arith.extui %sign3A_49 : i1 to i32
    %sign3A_51 = arith.constant 0 : i32
    %sign3A_52 = arith.cmpi slt, %jit3A_41, %sign3A_51 : i32
    %sign3A_53 = arith.extui %sign3A_52 : i1 to i32
    %sign3A_54 = arith.subi %sign3A_50, %sign3A_53 : i32
    %ne3A_55 = arith.cmpi ne, %sign3A_47, %sign3A_54 : i32
    %rem3A_56 = arith.remsi %select_n3A_31, %jit3A_41 : i32
    %ne3A_57 = arith.constant 0 : i32
    %ne3A_58 = arith.cmpi ne, %rem3A_56, %ne3A_57 : i32
    %and3A_59 = arith.andi %ne3A_55, %ne3A_58 : i1
    %sub3A = arith.constant 1 : i32
    %sub3A_60 = arith.subi %div3A, %sub3A : i32
    %select_n3A_61 = arith.select %and3A_59, %sub3A_60, %div3A : i32
    %while3A = arith.constant 0 : i32
    %while3A_62 = arith.constant 0 : i32
    %while3A_63 = arith.subi %select_n3A_61, %while3A_62 : i32
    %while3A_64 = arith.addi %while3A_62, %while3A_63 : i32
    %while3A_65 = arith.constant 1 : i32
    %while3A_66 = arith.divsi %while3A_63, %while3A_65 : i32
    %while3A_67 = arith.muli %while3A_66, %while3A_65 : i32
    %while3A_68 = arith.addi %while3A_62, %while3A_67 : i32
    %while3A_69 = arith.constant 1 : i32
    scf.for %while3A_71 = %while3A_62 to %while3A_68 step %while3A_69  : i32 {
      %mul3A_72 = arith.constant 16 : i32
      %mul3A_73 = arith.muli %while3A_71, %mul3A_72 : i32
      %add3A_74 = arith.addi %select_n3A_40, %mul3A_73 : i32
      "tpu.region"() ({
        %run_scoped3A = tpu.sem_alloc : memref<!tpu.dma_semaphore, #tpu.memory_space<semaphore_mem>>
        %dma_start3A = arith.constant 0 : i32
        %dma_start3A_80 = tpu.memref_slice %arg3[%add3A_74, %dma_start3A] : memref<2560x128xi32, #tpu.memory_space<hbm>> -> memref<16x128xi32, #tpu.memory_space<hbm>>
        %dma_start3A_81 = arith.constant 0 : i32
        %dma_start3A_82 = tpu.memref_slice %arg3[%add3A_74, %dma_start3A_81] : memref<2560x128xi32, #tpu.memory_space<hbm>> -> memref<16x128xi32, #tpu.memory_space<hbm>>
        tpu.enqueue_dma source(%dma_start3A_82 : memref<16x128xi32, #tpu.memory_space<hbm>>) target(%arg7 : memref<16x128xi32, #tpu.memory_space<vmem>>) target_semaphore(%run_scoped3A : memref<!tpu.dma_semaphore, #tpu.memory_space<semaphore_mem>>)
        %dma_wait3A = arith.constant 0 : i32
        %dma_wait3A_83 = tpu.memref_slice %arg3[%add3A_74, %dma_wait3A] : memref<2560x128xi32, #tpu.memory_space<hbm>> -> memref<16x128xi32, #tpu.memory_space<hbm>>
        %dma_wait3A_84 = arith.constant 0 : i32
        %dma_wait3A_85 = tpu.memref_slice %arg3[%add3A_74, %dma_wait3A_84] : memref<2560x128xi32, #tpu.memory_space<hbm>> -> memref<16x128xi32, #tpu.memory_space<hbm>>
        tpu.wait_dma2 semaphore(%run_scoped3A : memref<!tpu.dma_semaphore, #tpu.memory_space<semaphore_mem>>) src(%dma_wait3A_85 : memref<16x128xi32, #tpu.memory_space<hbm>>) dst(%arg7 : memref<16x128xi32, #tpu.memory_space<vmem>>)
        tpu.yield
      }) : () -> ()
      %mul3A_75 = arith.constant 16 : i32
      %mul3A_76 = arith.muli %while3A_71, %mul3A_75 : i32
      %add3A_77 = arith.addi %select_n3A_40, %mul3A_76 : i32
      "tpu.region"() ({
        %run_scoped3A = tpu.sem_alloc : memref<!tpu.dma_semaphore, #tpu.memory_space<semaphore_mem>>
        %dma_start3A = arith.constant 0 : i32
        %dma_start3A_80 = tpu.memref_slice %arg4[%add3A_77, %dma_start3A] : memref<2560x128xi32, #tpu.memory_space<hbm>> -> memref<16x128xi32, #tpu.memory_space<hbm>>
        %dma_start3A_81 = arith.constant 0 : i32
        %dma_start3A_82 = tpu.memref_slice %arg4[%add3A_77, %dma_start3A_81] : memref<2560x128xi32, #tpu.memory_space<hbm>> -> memref<16x128xi32, #tpu.memory_space<hbm>>
        tpu.enqueue_dma source(%dma_start3A_82 : memref<16x128xi32, #tpu.memory_space<hbm>>) target(%arg8 : memref<16x128xi32, #tpu.memory_space<vmem>>) target_semaphore(%run_scoped3A : memref<!tpu.dma_semaphore, #tpu.memory_space<semaphore_mem>>)
        %dma_wait3A = arith.constant 0 : i32
        %dma_wait3A_83 = tpu.memref_slice %arg4[%add3A_77, %dma_wait3A] : memref<2560x128xi32, #tpu.memory_space<hbm>> -> memref<16x128xi32, #tpu.memory_space<hbm>>
        %dma_wait3A_84 = arith.constant 0 : i32
        %dma_wait3A_85 = tpu.memref_slice %arg4[%add3A_77, %dma_wait3A_84] : memref<2560x128xi32, #tpu.memory_space<hbm>> -> memref<16x128xi32, #tpu.memory_space<hbm>>
        tpu.wait_dma2 semaphore(%run_scoped3A : memref<!tpu.dma_semaphore, #tpu.memory_space<semaphore_mem>>) src(%dma_wait3A_85 : memref<16x128xi32, #tpu.memory_space<hbm>>) dst(%arg8 : memref<16x128xi32, #tpu.memory_space<vmem>>)
        tpu.yield
      }) : () -> ()
      %parallel_loop3A = arith.constant 0 : i32
      %parallel_loop3A_78 = arith.constant 16 : i32
      %parallel_loop3A_79 = arith.constant 1 : i32
      scf.for %parallel_loop3A_80 = %parallel_loop3A to %parallel_loop3A_78 step %parallel_loop3A_79  : i32 {
        %parallel_loop3A_81 = arith.index_cast %parallel_loop3A_80 : i32 to index
        %parallel_loop3A_82 = arith.constant 0 : index
        %parallel_loop3A_83 = tpu.vector_load %arg7[%parallel_loop3A_81, %parallel_loop3A_82] {strides = array<i32>} : memref<16x128xi32, #tpu.memory_space<vmem>>, vector<16xi32>,
        %parallel_loop3A_84 = arith.index_cast %parallel_loop3A_80 : i32 to index
        %parallel_loop3A_85 = arith.constant 0 : index
        %parallel_loop3A_86 = tpu.vector_load %arg8[%parallel_loop3A_84, %parallel_loop3A_85] {strides = array<i32>} : memref<16x128xi32, #tpu.memory_space<vmem>>, vector<16xi32>,
        %parallel_loop3A_87 = tpu.vector_load_idx %arg6[%broadcast_in_dim3A_20, %parallel_loop3A_83] : memref<4x10112xf32, #tpu.memory_space<vmem>>[vector<16xi32>, vector<16xi32>], vector<16xf32>,
        tpu.vector_store_idx %arg9[%broadcast_in_dim3A_20, %parallel_loop3A_86], %parallel_loop3A_87 {add = true} : memref<4x10112xf32, #tpu.memory_space<vmem>>[vector<16xi32>, vector<16xi32>], vector<16xf32>,
        %parallel_loop3A_88 = tpu.vector_load_idx %arg6[%broadcast_in_dim3A_22, %parallel_loop3A_83] : memref<4x10112xf32, #tpu.memory_space<vmem>>[vector<16xi32>, vector<16xi32>], vector<16xf32>,
        tpu.vector_store_idx %arg9[%broadcast_in_dim3A_22, %parallel_loop3A_86], %parallel_loop3A_88 {add = true} : memref<4x10112xf32, #tpu.memory_space<vmem>>[vector<16xi32>, vector<16xi32>], vector<16xf32>,
        %parallel_loop3A_89 = tpu.vector_load_idx %arg6[%broadcast_in_dim3A_24, %parallel_loop3A_83] : memref<4x10112xf32, #tpu.memory_space<vmem>>[vector<16xi32>, vector<16xi32>], vector<16xf32>,
        tpu.vector_store_idx %arg9[%broadcast_in_dim3A_24, %parallel_loop3A_86], %parallel_loop3A_89 {add = true} : memref<4x10112xf32, #tpu.memory_space<vmem>>[vector<16xi32>, vector<16xi32>], vector<16xf32>,
        %parallel_loop3A_90 = tpu.vector_load_idx %arg6[%broadcast_in_dim3A_26, %parallel_loop3A_83] : memref<4x10112xf32, #tpu.memory_space<vmem>>[vector<16xi32>, vector<16xi32>], vector<16xf32>,
        tpu.vector_store_idx %arg9[%broadcast_in_dim3A_26, %parallel_loop3A_86], %parallel_loop3A_90 {add = true} : memref<4x10112xf32, #tpu.memory_space<vmem>>[vector<16xi32>, vector<16xi32>], vector<16xf32>,
        %parallel_loop3A_91 = arith.index_cast %parallel_loop3A_80 : i32 to index
        %parallel_loop3A_92 = arith.constant 16 : index
        %parallel_loop3A_93 = tpu.vector_load %arg7[%parallel_loop3A_91, %parallel_loop3A_92] {strides = array<i32>} : memref<16x128xi32, #tpu.memory_space<vmem>>, vector<16xi32>,
        %parallel_loop3A_94 = arith.index_cast %parallel_loop3A_80 : i32 to index
        %parallel_loop3A_95 = arith.constant 16 : index
        %parallel_loop3A_96 = tpu.vector_load %arg8[%parallel_loop3A_94, %parallel_loop3A_95] {strides = array<i32>} : memref<16x128xi32, #tpu.memory_space<vmem>>, vector<16xi32>,
        %parallel_loop3A_97 = tpu.vector_load_idx %arg6[%broadcast_in_dim3A_20, %parallel_loop3A_93] : memref<4x10112xf32, #tpu.memory_space<vmem>>[vector<16xi32>, vector<16xi32>], vector<16xf32>,
        tpu.vector_store_idx %arg9[%broadcast_in_dim3A_20, %parallel_loop3A_96], %parallel_loop3A_97 {add = true} : memref<4x10112xf32, #tpu.memory_space<vmem>>[vector<16xi32>, vector<16xi32>], vector<16xf32>,
        %parallel_loop3A_98 = tpu.vector_load_idx %arg6[%broadcast_in_dim3A_22, %parallel_loop3A_93] : memref<4x10112xf32, #tpu.memory_space<vmem>>[vector<16xi32>, vector<16xi32>], vector<16xf32>,
        tpu.vector_store_idx %arg9[%broadcast_in_dim3A_22, %parallel_loop3A_96], %parallel_loop3A_98 {add = true} : memref<4x10112xf32, #tpu.memory_space<vmem>>[vector<16xi32>, vector<16xi32>], vector<16xf32>,
        %parallel_loop3A_99 = tpu.vector_load_idx %arg6[%broadcast_in_dim3A_24, %parallel_loop3A_93] : memref<4x10112xf32, #tpu.memory_space<vmem>>[vector<16xi32>, vector<16xi32>], vector<16xf32>,
        tpu.vector_store_idx %arg9[%broadcast_in_dim3A_24, %parallel_loop3A_96], %parallel_loop3A_99 {add = true} : memref<4x10112xf32, #tpu.memory_space<vmem>>[vector<16xi32>, vector<16xi32>], vector<16xf32>,
        %parallel_loop3A_100 = tpu.vector_load_idx %arg6[%broadcast_in_dim3A_26, %parallel_loop3A_93] : memref<4x10112xf32, #tpu.memory_space<vmem>>[vector<16xi32>, vector<16xi32>], vector<16xf32>,
        tpu.vector_store_idx %arg9[%broadcast_in_dim3A_26, %parallel_loop3A_96], %parallel_loop3A_100 {add = true} : memref<4x10112xf32, #tpu.memory_space<vmem>>[vector<16xi32>, vector<16xi32>], vector<16xf32>,
        %parallel_loop3A_101 = arith.index_cast %parallel_loop3A_80 : i32 to index
        %parallel_loop3A_102 = arith.constant 32 : index
        %parallel_loop3A_103 = tpu.vector_load %arg7[%parallel_loop3A_101, %parallel_loop3A_102] {strides = array<i32>} : memref<16x128xi32, #tpu.memory_space<vmem>>, vector<16xi32>,
        %parallel_loop3A_104 = arith.index_cast %parallel_loop3A_80 : i32 to index
        %parallel_loop3A_105 = arith.constant 32 : index
        %parallel_loop3A_106 = tpu.vector_load %arg8[%parallel_loop3A_104, %parallel_loop3A_105] {strides = array<i32>} : memref<16x128xi32, #tpu.memory_space<vmem>>, vector<16xi32>,
        %parallel_loop3A_107 = tpu.vector_load_idx %arg6[%broadcast_in_dim3A_20, %parallel_loop3A_103] : memref<4x10112xf32, #tpu.memory_space<vmem>>[vector<16xi32>, vector<16xi32>], vector<16xf32>,
        tpu.vector_store_idx %arg9[%broadcast_in_dim3A_20, %parallel_loop3A_106], %parallel_loop3A_107 {add = true} : memref<4x10112xf32, #tpu.memory_space<vmem>>[vector<16xi32>, vector<16xi32>], vector<16xf32>,
        %parallel_loop3A_108 = tpu.vector_load_idx %arg6[%broadcast_in_dim3A_22, %parallel_loop3A_103] : memref<4x10112xf32, #tpu.memory_space<vmem>>[vector<16xi32>, vector<16xi32>], vector<16xf32>,
        tpu.vector_store_idx %arg9[%broadcast_in_dim3A_22, %parallel_loop3A_106], %parallel_loop3A_108 {add = true} : memref<4x10112xf32, #tpu.memory_space<vmem>>[vector<16xi32>, vector<16xi32>], vector<16xf32>,
        %parallel_loop3A_109 = tpu.vector_load_idx %arg6[%broadcast_in_dim3A_24, %parallel_loop3A_103] : memref<4x10112xf32, #tpu.memory_space<vmem>>[vector<16xi32>, vector<16xi32>], vector<16xf32>,
        tpu.vector_store_idx %arg9[%broadcast_in_dim3A_24, %parallel_loop3A_106], %parallel_loop3A_109 {add = true} : memref<4x10112xf32, #tpu.memory_space<vmem>>[vector<16xi32>, vector<16xi32>], vector<16xf32>,
        %parallel_loop3A_110 = tpu.vector_load_idx %arg6[%broadcast_in_dim3A_26, %parallel_loop3A_103] : memref<4x10112xf32, #tpu.memory_space<vmem>>[vector<16xi32>, vector<16xi32>], vector<16xf32>,
        tpu.vector_store_idx %arg9[%broadcast_in_dim3A_26, %parallel_loop3A_106], %parallel_loop3A_110 {add = true} : memref<4x10112xf32, #tpu.memory_space<vmem>>[vector<16xi32>, vector<16xi32>], vector<16xf32>,
        %parallel_loop3A_111 = arith.index_cast %parallel_loop3A_80 : i32 to index
        %parallel_loop3A_112 = arith.constant 48 : index
        %parallel_loop3A_113 = tpu.vector_load %arg7[%parallel_loop3A_111, %parallel_loop3A_112] {strides = array<i32>} : memref<16x128xi32, #tpu.memory_space<vmem>>, vector<16xi32>,
        %parallel_loop3A_114 = arith.index_cast %parallel_loop3A_80 : i32 to index
        %parallel_loop3A_115 = arith.constant 48 : index
        %parallel_loop3A_116 = tpu.vector_load %arg8[%parallel_loop3A_114, %parallel_loop3A_115] {strides = array<i32>} : memref<16x128xi32, #tpu.memory_space<vmem>>, vector<16xi32>,
        %parallel_loop3A_117 = tpu.vector_load_idx %arg6[%broadcast_in_dim3A_20, %parallel_loop3A_113] : memref<4x10112xf32, #tpu.memory_space<vmem>>[vector<16xi32>, vector<16xi32>], vector<16xf32>,
        tpu.vector_store_idx %arg9[%broadcast_in_dim3A_20, %parallel_loop3A_116], %parallel_loop3A_117 {add = true} : memref<4x10112xf32, #tpu.memory_space<vmem>>[vector<16xi32>, vector<16xi32>], vector<16xf32>,
        %parallel_loop3A_118 = tpu.vector_load_idx %arg6[%broadcast_in_dim3A_22, %parallel_loop3A_113] : memref<4x10112xf32, #tpu.memory_space<vmem>>[vector<16xi32>, vector<16xi32>], vector<16xf32>,
        tpu.vector_store_idx %arg9[%broadcast_in_dim3A_22, %parallel_loop3A_116], %parallel_loop3A_118 {add = true} : memref<4x10112xf32, #tpu.memory_space<vmem>>[vector<16xi32>, vector<16xi32>], vector<16xf32>,
        %parallel_loop3A_119 = tpu.vector_load_idx %arg6[%broadcast_in_dim3A_24, %parallel_loop3A_113] : memref<4x10112xf32, #tpu.memory_space<vmem>>[vector<16xi32>, vector<16xi32>], vector<16xf32>,
        tpu.vector_store_idx %arg9[%broadcast_in_dim3A_24, %parallel_loop3A_116], %parallel_loop3A_119 {add = true} : memref<4x10112xf32, #tpu.memory_space<vmem>>[vector<16xi32>, vector<16xi32>], vector<16xf32>,
        %parallel_loop3A_120 = tpu.vector_load_idx %arg6[%broadcast_in_dim3A_26, %parallel_loop3A_113] : memref<4x10112xf32, #tpu.memory_space<vmem>>[vector<16xi32>, vector<16xi32>], vector<16xf32>,
        tpu.vector_store_idx %arg9[%broadcast_in_dim3A_26, %parallel_loop3A_116], %parallel_loop3A_120 {add = true} : memref<4x10112xf32, #tpu.memory_space<vmem>>[vector<16xi32>, vector<16xi32>], vector<16xf32>,
        %parallel_loop3A_121 = arith.index_cast %parallel_loop3A_80 : i32 to index
        %parallel_loop3A_122 = arith.constant 64 : index
        %parallel_loop3A_123 = tpu.vector_load %arg7[%parallel_loop3A_121, %parallel_loop3A_122] {strides = array<i32>} : memref<16x128xi32, #tpu.memory_space<vmem>>, vector<16xi32>,
        %parallel_loop3A_124 = arith.index_cast %parallel_loop3A_80 : i32 to index
        %parallel_loop3A_125 = arith.constant 64 : index
        %parallel_loop3A_126 = tpu.vector_load %arg8[%parallel_loop3A_124, %parallel_loop3A_125] {strides = array<i32>} : memref<16x128xi32, #tpu.memory_space<vmem>>, vector<16xi32>,
        %parallel_loop3A_127 = tpu.vector_load_idx %arg6[%broadcast_in_dim3A_20, %parallel_loop3A_123] : memref<4x10112xf32, #tpu.memory_space<vmem>>[vector<16xi32>, vector<16xi32>], vector<16xf32>,
        tpu.vector_store_idx %arg9[%broadcast_in_dim3A_20, %parallel_loop3A_126], %parallel_loop3A_127 {add = true} : memref<4x10112xf32, #tpu.memory_space<vmem>>[vector<16xi32>, vector<16xi32>], vector<16xf32>,
        %parallel_loop3A_128 = tpu.vector_load_idx %arg6[%broadcast_in_dim3A_22, %parallel_loop3A_123] : memref<4x10112xf32, #tpu.memory_space<vmem>>[vector<16xi32>, vector<16xi32>], vector<16xf32>,
        tpu.vector_store_idx %arg9[%broadcast_in_dim3A_22, %parallel_loop3A_126], %parallel_loop3A_128 {add = true} : memref<4x10112xf32, #tpu.memory_space<vmem>>[vector<16xi32>, vector<16xi32>], vector<16xf32>,
        %parallel_loop3A_129 = tpu.vector_load_idx %arg6[%broadcast_in_dim3A_24, %parallel_loop3A_123] : memref<4x10112xf32, #tpu.memory_space<vmem>>[vector<16xi32>, vector<16xi32>], vector<16xf32>,
        tpu.vector_store_idx %arg9[%broadcast_in_dim3A_24, %parallel_loop3A_126], %parallel_loop3A_129 {add = true} : memref<4x10112xf32, #tpu.memory_space<vmem>>[vector<16xi32>, vector<16xi32>], vector<16xf32>,
        %parallel_loop3A_130 = tpu.vector_load_idx %arg6[%broadcast_in_dim3A_26, %parallel_loop3A_123] : memref<4x10112xf32, #tpu.memory_space<vmem>>[vector<16xi32>, vector<16xi32>], vector<16xf32>,
        tpu.vector_store_idx %arg9[%broadcast_in_dim3A_26, %parallel_loop3A_126], %parallel_loop3A_130 {add = true} : memref<4x10112xf32, #tpu.memory_space<vmem>>[vector<16xi32>, vector<16xi32>], vector<16xf32>,
        %parallel_loop3A_131 = arith.index_cast %parallel_loop3A_80 : i32 to index
        %parallel_loop3A_132 = arith.constant 80 : index
        %parallel_loop3A_133 = tpu.vector_load %arg7[%parallel_loop3A_131, %parallel_loop3A_132] {strides = array<i32>} : memref<16x128xi32, #tpu.memory_space<vmem>>, vector<16xi32>,
        %parallel_loop3A_134 = arith.index_cast %parallel_loop3A_80 : i32 to index
        %parallel_loop3A_135 = arith.constant 80 : index
        %parallel_loop3A_136 = tpu.vector_load %arg8[%parallel_loop3A_134, %parallel_loop3A_135] {strides = array<i32>} : memref<16x128xi32, #tpu.memory_space<vmem>>, vector<16xi32>,
        %parallel_loop3A_137 = tpu.vector_load_idx %arg6[%broadcast_in_dim3A_20, %parallel_loop3A_133] : memref<4x10112xf32, #tpu.memory_space<vmem>>[vector<16xi32>, vector<16xi32>], vector<16xf32>,
        tpu.vector_store_idx %arg9[%broadcast_in_dim3A_20, %parallel_loop3A_136], %parallel_loop3A_137 {add = true} : memref<4x10112xf32, #tpu.memory_space<vmem>>[vector<16xi32>, vector<16xi32>], vector<16xf32>,
        %parallel_loop3A_138 = tpu.vector_load_idx %arg6[%broadcast_in_dim3A_22, %parallel_loop3A_133] : memref<4x10112xf32, #tpu.memory_space<vmem>>[vector<16xi32>, vector<16xi32>], vector<16xf32>,
        tpu.vector_store_idx %arg9[%broadcast_in_dim3A_22, %parallel_loop3A_136], %parallel_loop3A_138 {add = true} : memref<4x10112xf32, #tpu.memory_space<vmem>>[vector<16xi32>, vector<16xi32>], vector<16xf32>,
        %parallel_loop3A_139 = tpu.vector_load_idx %arg6[%broadcast_in_dim3A_24, %parallel_loop3A_133] : memref<4x10112xf32, #tpu.memory_space<vmem>>[vector<16xi32>, vector<16xi32>], vector<16xf32>,
        tpu.vector_store_idx %arg9[%broadcast_in_dim3A_24, %parallel_loop3A_136], %parallel_loop3A_139 {add = true} : memref<4x10112xf32, #tpu.memory_space<vmem>>[vector<16xi32>, vector<16xi32>], vector<16xf32>,
        %parallel_loop3A_140 = tpu.vector_load_idx %arg6[%broadcast_in_dim3A_26, %parallel_loop3A_133] : memref<4x10112xf32, #tpu.memory_space<vmem>>[vector<16xi32>, vector<16xi32>], vector<16xf32>,
        tpu.vector_store_idx %arg9[%broadcast_in_dim3A_26, %parallel_loop3A_136], %parallel_loop3A_140 {add = true} : memref<4x10112xf32, #tpu.memory_space<vmem>>[vector<16xi32>, vector<16xi32>], vector<16xf32>,
        %parallel_loop3A_141 = arith.index_cast %parallel_loop3A_80 : i32 to index
        %parallel_loop3A_142 = arith.constant 96 : index
        %parallel_loop3A_143 = tpu.vector_load %arg7[%parallel_loop3A_141, %parallel_loop3A_142] {strides = array<i32>} : memref<16x128xi32, #tpu.memory_space<vmem>>, vector<16xi32>,
        %parallel_loop3A_144 = arith.index_cast %parallel_loop3A_80 : i32 to index
        %parallel_loop3A_145 = arith.constant 96 : index
        %parallel_loop3A_146 = tpu.vector_load %arg8[%parallel_loop3A_144, %parallel_loop3A_145] {strides = array<i32>} : memref<16x128xi32, #tpu.memory_space<vmem>>, vector<16xi32>,
        %parallel_loop3A_147 = tpu.vector_load_idx %arg6[%broadcast_in_dim3A_20, %parallel_loop3A_143] : memref<4x10112xf32, #tpu.memory_space<vmem>>[vector<16xi32>, vector<16xi32>], vector<16xf32>,
        tpu.vector_store_idx %arg9[%broadcast_in_dim3A_20, %parallel_loop3A_146], %parallel_loop3A_147 {add = true} : memref<4x10112xf32, #tpu.memory_space<vmem>>[vector<16xi32>, vector<16xi32>], vector<16xf32>,
        %parallel_loop3A_148 = tpu.vector_load_idx %arg6[%broadcast_in_dim3A_22, %parallel_loop3A_143] : memref<4x10112xf32, #tpu.memory_space<vmem>>[vector<16xi32>, vector<16xi32>], vector<16xf32>,
        tpu.vector_store_idx %arg9[%broadcast_in_dim3A_22, %parallel_loop3A_146], %parallel_loop3A_148 {add = true} : memref<4x10112xf32, #tpu.memory_space<vmem>>[vector<16xi32>, vector<16xi32>], vector<16xf32>,
        %parallel_loop3A_149 = tpu.vector_load_idx %arg6[%broadcast_in_dim3A_24, %parallel_loop3A_143] : memref<4x10112xf32, #tpu.memory_space<vmem>>[vector<16xi32>, vector<16xi32>], vector<16xf32>,
        tpu.vector_store_idx %arg9[%broadcast_in_dim3A_24, %parallel_loop3A_146], %parallel_loop3A_149 {add = true} : memref<4x10112xf32, #tpu.memory_space<vmem>>[vector<16xi32>, vector<16xi32>], vector<16xf32>,
        %parallel_loop3A_150 = tpu.vector_load_idx %arg6[%broadcast_in_dim3A_26, %parallel_loop3A_143] : memref<4x10112xf32, #tpu.memory_space<vmem>>[vector<16xi32>, vector<16xi32>], vector<16xf32>,
        tpu.vector_store_idx %arg9[%broadcast_in_dim3A_26, %parallel_loop3A_146], %parallel_loop3A_150 {add = true} : memref<4x10112xf32, #tpu.memory_space<vmem>>[vector<16xi32>, vector<16xi32>], vector<16xf32>,
        %parallel_loop3A_151 = arith.index_cast %parallel_loop3A_80 : i32 to index
        %parallel_loop3A_152 = arith.constant 112 : index
        %parallel_loop3A_153 = tpu.vector_load %arg7[%parallel_loop3A_151, %parallel_loop3A_152] {strides = array<i32>} : memref<16x128xi32, #tpu.memory_space<vmem>>, vector<16xi32>,
        %parallel_loop3A_154 = arith.index_cast %parallel_loop3A_80 : i32 to index
        %parallel_loop3A_155 = arith.constant 112 : index
        %parallel_loop3A_156 = tpu.vector_load %arg8[%parallel_loop3A_154, %parallel_loop3A_155] {strides = array<i32>} : memref<16x128xi32, #tpu.memory_space<vmem>>, vector<16xi32>,
        %parallel_loop3A_157 = tpu.vector_load_idx %arg6[%broadcast_in_dim3A_20, %parallel_loop3A_153] : memref<4x10112xf32, #tpu.memory_space<vmem>>[vector<16xi32>, vector<16xi32>], vector<16xf32>,
        tpu.vector_store_idx %arg9[%broadcast_in_dim3A_20, %parallel_loop3A_156], %parallel_loop3A_157 {add = true} : memref<4x10112xf32, #tpu.memory_space<vmem>>[vector<16xi32>, vector<16xi32>], vector<16xf32>,
        %parallel_loop3A_158 = tpu.vector_load_idx %arg6[%broadcast_in_dim3A_22, %parallel_loop3A_153] : memref<4x10112xf32, #tpu.memory_space<vmem>>[vector<16xi32>, vector<16xi32>], vector<16xf32>,
        tpu.vector_store_idx %arg9[%broadcast_in_dim3A_22, %parallel_loop3A_156], %parallel_loop3A_158 {add = true} : memref<4x10112xf32, #tpu.memory_space<vmem>>[vector<16xi32>, vector<16xi32>], vector<16xf32>,
        %parallel_loop3A_159 = tpu.vector_load_idx %arg6[%broadcast_in_dim3A_24, %parallel_loop3A_153] : memref<4x10112xf32, #tpu.memory_space<vmem>>[vector<16xi32>, vector<16xi32>], vector<16xf32>,
        tpu.vector_store_idx %arg9[%broadcast_in_dim3A_24, %parallel_loop3A_156], %parallel_loop3A_159 {add = true} : memref<4x10112xf32, #tpu.memory_space<vmem>>[vector<16xi32>, vector<16xi32>], vector<16xf32>,
        %parallel_loop3A_160 = tpu.vector_load_idx %arg6[%broadcast_in_dim3A_26, %parallel_loop3A_153] : memref<4x10112xf32, #tpu.memory_space<vmem>>[vector<16xi32>, vector<16xi32>], vector<16xf32>,
        tpu.vector_store_idx %arg9[%broadcast_in_dim3A_26, %parallel_loop3A_156], %parallel_loop3A_160 {add = true} : memref<4x10112xf32, #tpu.memory_space<vmem>>[vector<16xi32>, vector<16xi32>], vector<16xf32>,
      } {sc.loop_unroll_factor = 4 : i64, sc.parallel_access}
    }
    %while3A_70 = arith.constant 1 : i32
    scf.for %while3A_71 = %while3A_68 to %while3A_64 step %while3A_70  : i32 {
      %mul3A_72 = arith.constant 16 : i32
      %mul3A_73 = arith.muli %while3A_71, %mul3A_72 : i32
      %add3A_74 = arith.addi %select_n3A_40, %mul3A_73 : i32
      "tpu.region"() ({
        %run_scoped3A = tpu.sem_alloc : memref<!tpu.dma_semaphore, #tpu.memory_space<semaphore_mem>>
        %dma_start3A = arith.constant 0 : i32
        %dma_start3A_80 = tpu.memref_slice %arg3[%add3A_74, %dma_start3A] : memref<2560x128xi32, #tpu.memory_space<hbm>> -> memref<16x128xi32, #tpu.memory_space<hbm>>
        %dma_start3A_81 = arith.constant 0 : i32
        %dma_start3A_82 = tpu.memref_slice %arg3[%add3A_74, %dma_start3A_81] : memref<2560x128xi32, #tpu.memory_space<hbm>> -> memref<16x128xi32, #tpu.memory_space<hbm>>
        tpu.enqueue_dma source(%dma_start3A_82 : memref<16x128xi32, #tpu.memory_space<hbm>>) target(%arg7 : memref<16x128xi32, #tpu.memory_space<vmem>>) target_semaphore(%run_scoped3A : memref<!tpu.dma_semaphore, #tpu.memory_space<semaphore_mem>>)
        %dma_wait3A = arith.constant 0 : i32
        %dma_wait3A_83 = tpu.memref_slice %arg3[%add3A_74, %dma_wait3A] : memref<2560x128xi32, #tpu.memory_space<hbm>> -> memref<16x128xi32, #tpu.memory_space<hbm>>
        %dma_wait3A_84 = arith.constant 0 : i32
        %dma_wait3A_85 = tpu.memref_slice %arg3[%add3A_74, %dma_wait3A_84] : memref<2560x128xi32, #tpu.memory_space<hbm>> -> memref<16x128xi32, #tpu.memory_space<hbm>>
        tpu.wait_dma2 semaphore(%run_scoped3A : memref<!tpu.dma_semaphore, #tpu.memory_space<semaphore_mem>>) src(%dma_wait3A_85 : memref<16x128xi32, #tpu.memory_space<hbm>>) dst(%arg7 : memref<16x128xi32, #tpu.memory_space<vmem>>)
        tpu.yield
      }) : () -> ()
      %mul3A_75 = arith.constant 16 : i32
      %mul3A_76 = arith.muli %while3A_71, %mul3A_75 : i32
      %add3A_77 = arith.addi %select_n3A_40, %mul3A_76 : i32
      "tpu.region"() ({
        %run_scoped3A = tpu.sem_alloc : memref<!tpu.dma_semaphore, #tpu.memory_space<semaphore_mem>>
        %dma_start3A = arith.constant 0 : i32
        %dma_start3A_80 = tpu.memref_slice %arg4[%add3A_77, %dma_start3A] : memref<2560x128xi32, #tpu.memory_space<hbm>> -> memref<16x128xi32, #tpu.memory_space<hbm>>
        %dma_start3A_81 = arith.constant 0 : i32
        %dma_start3A_82 = tpu.memref_slice %arg4[%add3A_77, %dma_start3A_81] : memref<2560x128xi32, #tpu.memory_space<hbm>> -> memref<16x128xi32, #tpu.memory_space<hbm>>
        tpu.enqueue_dma source(%dma_start3A_82 : memref<16x128xi32, #tpu.memory_space<hbm>>) target(%arg8 : memref<16x128xi32, #tpu.memory_space<vmem>>) target_semaphore(%run_scoped3A : memref<!tpu.dma_semaphore, #tpu.memory_space<semaphore_mem>>)
        %dma_wait3A = arith.constant 0 : i32
        %dma_wait3A_83 = tpu.memref_slice %arg4[%add3A_77, %dma_wait3A] : memref<2560x128xi32, #tpu.memory_space<hbm>> -> memref<16x128xi32, #tpu.memory_space<hbm>>
        %dma_wait3A_84 = arith.constant 0 : i32
        %dma_wait3A_85 = tpu.memref_slice %arg4[%add3A_77, %dma_wait3A_84] : memref<2560x128xi32, #tpu.memory_space<hbm>> -> memref<16x128xi32, #tpu.memory_space<hbm>>
        tpu.wait_dma2 semaphore(%run_scoped3A : memref<!tpu.dma_semaphore, #tpu.memory_space<semaphore_mem>>) src(%dma_wait3A_85 : memref<16x128xi32, #tpu.memory_space<hbm>>) dst(%arg8 : memref<16x128xi32, #tpu.memory_space<vmem>>)
        tpu.yield
      }) : () -> ()
      %parallel_loop3A = arith.constant 0 : i32
      %parallel_loop3A_78 = arith.constant 16 : i32
      %parallel_loop3A_79 = arith.constant 1 : i32
      scf.for %parallel_loop3A_80 = %parallel_loop3A to %parallel_loop3A_78 step %parallel_loop3A_79  : i32 {
        %parallel_loop3A_81 = arith.index_cast %parallel_loop3A_80 : i32 to index
        %parallel_loop3A_82 = arith.constant 0 : index
        %parallel_loop3A_83 = tpu.vector_load %arg7[%parallel_loop3A_81, %parallel_loop3A_82] {strides = array<i32>} : memref<16x128xi32, #tpu.memory_space<vmem>>, vector<16xi32>,
        %parallel_loop3A_84 = arith.index_cast %parallel_loop3A_80 : i32 to index
        %parallel_loop3A_85 = arith.constant 0 : index
        %parallel_loop3A_86 = tpu.vector_load %arg8[%parallel_loop3A_84, %parallel_loop3A_85] {strides = array<i32>} : memref<16x128xi32, #tpu.memory_space<vmem>>, vector<16xi32>,
        %parallel_loop3A_87 = tpu.vector_load_idx %arg6[%broadcast_in_dim3A_20, %parallel_loop3A_83] : memref<4x10112xf32, #tpu.memory_space<vmem>>[vector<16xi32>, vector<16xi32>], vector<16xf32>,
        tpu.vector_store_idx %arg9[%broadcast_in_dim3A_20, %parallel_loop3A_86], %parallel_loop3A_87 {add = true} : memref<4x10112xf32, #tpu.memory_space<vmem>>[vector<16xi32>, vector<16xi32>], vector<16xf32>,
        %parallel_loop3A_88 = tpu.vector_load_idx %arg6[%broadcast_in_dim3A_22, %parallel_loop3A_83] : memref<4x10112xf32, #tpu.memory_space<vmem>>[vector<16xi32>, vector<16xi32>], vector<16xf32>,
        tpu.vector_store_idx %arg9[%broadcast_in_dim3A_22, %parallel_loop3A_86], %parallel_loop3A_88 {add = true} : memref<4x10112xf32, #tpu.memory_space<vmem>>[vector<16xi32>, vector<16xi32>], vector<16xf32>,
        %parallel_loop3A_89 = tpu.vector_load_idx %arg6[%broadcast_in_dim3A_24, %parallel_loop3A_83] : memref<4x10112xf32, #tpu.memory_space<vmem>>[vector<16xi32>, vector<16xi32>], vector<16xf32>,
        tpu.vector_store_idx %arg9[%broadcast_in_dim3A_24, %parallel_loop3A_86], %parallel_loop3A_89 {add = true} : memref<4x10112xf32, #tpu.memory_space<vmem>>[vector<16xi32>, vector<16xi32>], vector<16xf32>,
        %parallel_loop3A_90 = tpu.vector_load_idx %arg6[%broadcast_in_dim3A_26, %parallel_loop3A_83] : memref<4x10112xf32, #tpu.memory_space<vmem>>[vector<16xi32>, vector<16xi32>], vector<16xf32>,
        tpu.vector_store_idx %arg9[%broadcast_in_dim3A_26, %parallel_loop3A_86], %parallel_loop3A_90 {add = true} : memref<4x10112xf32, #tpu.memory_space<vmem>>[vector<16xi32>, vector<16xi32>], vector<16xf32>,
        %parallel_loop3A_91 = arith.index_cast %parallel_loop3A_80 : i32 to index
        %parallel_loop3A_92 = arith.constant 16 : index
        %parallel_loop3A_93 = tpu.vector_load %arg7[%parallel_loop3A_91, %parallel_loop3A_92] {strides = array<i32>} : memref<16x128xi32, #tpu.memory_space<vmem>>, vector<16xi32>,
        %parallel_loop3A_94 = arith.index_cast %parallel_loop3A_80 : i32 to index
        %parallel_loop3A_95 = arith.constant 16 : index
        %parallel_loop3A_96 = tpu.vector_load %arg8[%parallel_loop3A_94, %parallel_loop3A_95] {strides = array<i32>} : memref<16x128xi32, #tpu.memory_space<vmem>>, vector<16xi32>,
        %parallel_loop3A_97 = tpu.vector_load_idx %arg6[%broadcast_in_dim3A_20, %parallel_loop3A_93] : memref<4x10112xf32, #tpu.memory_space<vmem>>[vector<16xi32>, vector<16xi32>], vector<16xf32>,
        tpu.vector_store_idx %arg9[%broadcast_in_dim3A_20, %parallel_loop3A_96], %parallel_loop3A_97 {add = true} : memref<4x10112xf32, #tpu.memory_space<vmem>>[vector<16xi32>, vector<16xi32>], vector<16xf32>,
        %parallel_loop3A_98 = tpu.vector_load_idx %arg6[%broadcast_in_dim3A_22, %parallel_loop3A_93] : memref<4x10112xf32, #tpu.memory_space<vmem>>[vector<16xi32>, vector<16xi32>], vector<16xf32>,
        tpu.vector_store_idx %arg9[%broadcast_in_dim3A_22, %parallel_loop3A_96], %parallel_loop3A_98 {add = true} : memref<4x10112xf32, #tpu.memory_space<vmem>>[vector<16xi32>, vector<16xi32>], vector<16xf32>,
        %parallel_loop3A_99 = tpu.vector_load_idx %arg6[%broadcast_in_dim3A_24, %parallel_loop3A_93] : memref<4x10112xf32, #tpu.memory_space<vmem>>[vector<16xi32>, vector<16xi32>], vector<16xf32>,
        tpu.vector_store_idx %arg9[%broadcast_in_dim3A_24, %parallel_loop3A_96], %parallel_loop3A_99 {add = true} : memref<4x10112xf32, #tpu.memory_space<vmem>>[vector<16xi32>, vector<16xi32>], vector<16xf32>,
        %parallel_loop3A_100 = tpu.vector_load_idx %arg6[%broadcast_in_dim3A_26, %parallel_loop3A_93] : memref<4x10112xf32, #tpu.memory_space<vmem>>[vector<16xi32>, vector<16xi32>], vector<16xf32>,
        tpu.vector_store_idx %arg9[%broadcast_in_dim3A_26, %parallel_loop3A_96], %parallel_loop3A_100 {add = true} : memref<4x10112xf32, #tpu.memory_space<vmem>>[vector<16xi32>, vector<16xi32>], vector<16xf32>,
        %parallel_loop3A_101 = arith.index_cast %parallel_loop3A_80 : i32 to index
        %parallel_loop3A_102 = arith.constant 32 : index
        %parallel_loop3A_103 = tpu.vector_load %arg7[%parallel_loop3A_101, %parallel_loop3A_102] {strides = array<i32>} : memref<16x128xi32, #tpu.memory_space<vmem>>, vector<16xi32>,
        %parallel_loop3A_104 = arith.index_cast %parallel_loop3A_80 : i32 to index
        %parallel_loop3A_105 = arith.constant 32 : index
        %parallel_loop3A_106 = tpu.vector_load %arg8[%parallel_loop3A_104, %parallel_loop3A_105] {strides = array<i32>} : memref<16x128xi32, #tpu.memory_space<vmem>>, vector<16xi32>,
        %parallel_loop3A_107 = tpu.vector_load_idx %arg6[%broadcast_in_dim3A_20, %parallel_loop3A_103] : memref<4x10112xf32, #tpu.memory_space<vmem>>[vector<16xi32>, vector<16xi32>], vector<16xf32>,
        tpu.vector_store_idx %arg9[%broadcast_in_dim3A_20, %parallel_loop3A_106], %parallel_loop3A_107 {add = true} : memref<4x10112xf32, #tpu.memory_space<vmem>>[vector<16xi32>, vector<16xi32>], vector<16xf32>,
        %parallel_loop3A_108 = tpu.vector_load_idx %arg6[%broadcast_in_dim3A_22, %parallel_loop3A_103] : memref<4x10112xf32, #tpu.memory_space<vmem>>[vector<16xi32>, vector<16xi32>], vector<16xf32>,
        tpu.vector_store_idx %arg9[%broadcast_in_dim3A_22, %parallel_loop3A_106], %parallel_loop3A_108 {add = true} : memref<4x10112xf32, #tpu.memory_space<vmem>>[vector<16xi32>, vector<16xi32>], vector<16xf32>,
        %parallel_loop3A_109 = tpu.vector_load_idx %arg6[%broadcast_in_dim3A_24, %parallel_loop3A_103] : memref<4x10112xf32, #tpu.memory_space<vmem>>[vector<16xi32>, vector<16xi32>], vector<16xf32>,
        tpu.vector_store_idx %arg9[%broadcast_in_dim3A_24, %parallel_loop3A_106], %parallel_loop3A_109 {add = true} : memref<4x10112xf32, #tpu.memory_space<vmem>>[vector<16xi32>, vector<16xi32>], vector<16xf32>,
        %parallel_loop3A_110 = tpu.vector_load_idx %arg6[%broadcast_in_dim3A_26, %parallel_loop3A_103] : memref<4x10112xf32, #tpu.memory_space<vmem>>[vector<16xi32>, vector<16xi32>], vector<16xf32>,
        tpu.vector_store_idx %arg9[%broadcast_in_dim3A_26, %parallel_loop3A_106], %parallel_loop3A_110 {add = true} : memref<4x10112xf32, #tpu.memory_space<vmem>>[vector<16xi32>, vector<16xi32>], vector<16xf32>,
        %parallel_loop3A_111 = arith.index_cast %parallel_loop3A_80 : i32 to index
        %parallel_loop3A_112 = arith.constant 48 : index
        %parallel_loop3A_113 = tpu.vector_load %arg7[%parallel_loop3A_111, %parallel_loop3A_112] {strides = array<i32>} : memref<16x128xi32, #tpu.memory_space<vmem>>, vector<16xi32>,
        %parallel_loop3A_114 = arith.index_cast %parallel_loop3A_80 : i32 to index
        %parallel_loop3A_115 = arith.constant 48 : index
        %parallel_loop3A_116 = tpu.vector_load %arg8[%parallel_loop3A_114, %parallel_loop3A_115] {strides = array<i32>} : memref<16x128xi32, #tpu.memory_space<vmem>>, vector<16xi32>,
        %parallel_loop3A_117 = tpu.vector_load_idx %arg6[%broadcast_in_dim3A_20, %parallel_loop3A_113] : memref<4x10112xf32, #tpu.memory_space<vmem>>[vector<16xi32>, vector<16xi32>], vector<16xf32>,
        tpu.vector_store_idx %arg9[%broadcast_in_dim3A_20, %parallel_loop3A_116], %parallel_loop3A_117 {add = true} : memref<4x10112xf32, #tpu.memory_space<vmem>>[vector<16xi32>, vector<16xi32>], vector<16xf32>,
        %parallel_loop3A_118 = tpu.vector_load_idx %arg6[%broadcast_in_dim3A_22, %parallel_loop3A_113] : memref<4x10112xf32, #tpu.memory_space<vmem>>[vector<16xi32>, vector<16xi32>], vector<16xf32>,
        tpu.vector_store_idx %arg9[%broadcast_in_dim3A_22, %parallel_loop3A_116], %parallel_loop3A_118 {add = true} : memref<4x10112xf32, #tpu.memory_space<vmem>>[vector<16xi32>, vector<16xi32>], vector<16xf32>,
        %parallel_loop3A_119 = tpu.vector_load_idx %arg6[%broadcast_in_dim3A_24, %parallel_loop3A_113] : memref<4x10112xf32, #tpu.memory_space<vmem>>[vector<16xi32>, vector<16xi32>], vector<16xf32>,
        tpu.vector_store_idx %arg9[%broadcast_in_dim3A_24, %parallel_loop3A_116], %parallel_loop3A_119 {add = true} : memref<4x10112xf32, #tpu.memory_space<vmem>>[vector<16xi32>, vector<16xi32>], vector<16xf32>,
        %parallel_loop3A_120 = tpu.vector_load_idx %arg6[%broadcast_in_dim3A_26, %parallel_loop3A_113] : memref<4x10112xf32, #tpu.memory_space<vmem>>[vector<16xi32>, vector<16xi32>], vector<16xf32>,
        tpu.vector_store_idx %arg9[%broadcast_in_dim3A_26, %parallel_loop3A_116], %parallel_loop3A_120 {add = true} : memref<4x10112xf32, #tpu.memory_space<vmem>>[vector<16xi32>, vector<16xi32>], vector<16xf32>,
        %parallel_loop3A_121 = arith.index_cast %parallel_loop3A_80 : i32 to index
        %parallel_loop3A_122 = arith.constant 64 : index
        %parallel_loop3A_123 = tpu.vector_load %arg7[%parallel_loop3A_121, %parallel_loop3A_122] {strides = array<i32>} : memref<16x128xi32, #tpu.memory_space<vmem>>, vector<16xi32>,
        %parallel_loop3A_124 = arith.index_cast %parallel_loop3A_80 : i32 to index
        %parallel_loop3A_125 = arith.constant 64 : index
        %parallel_loop3A_126 = tpu.vector_load %arg8[%parallel_loop3A_124, %parallel_loop3A_125] {strides = array<i32>} : memref<16x128xi32, #tpu.memory_space<vmem>>, vector<16xi32>,
        %parallel_loop3A_127 = tpu.vector_load_idx %arg6[%broadcast_in_dim3A_20, %parallel_loop3A_123] : memref<4x10112xf32, #tpu.memory_space<vmem>>[vector<16xi32>, vector<16xi32>], vector<16xf32>,
        tpu.vector_store_idx %arg9[%broadcast_in_dim3A_20, %parallel_loop3A_126], %parallel_loop3A_127 {add = true} : memref<4x10112xf32, #tpu.memory_space<vmem>>[vector<16xi32>, vector<16xi32>], vector<16xf32>,
        %parallel_loop3A_128 = tpu.vector_load_idx %arg6[%broadcast_in_dim3A_22, %parallel_loop3A_123] : memref<4x10112xf32, #tpu.memory_space<vmem>>[vector<16xi32>, vector<16xi32>], vector<16xf32>,
        tpu.vector_store_idx %arg9[%broadcast_in_dim3A_22, %parallel_loop3A_126], %parallel_loop3A_128 {add = true} : memref<4x10112xf32, #tpu.memory_space<vmem>>[vector<16xi32>, vector<16xi32>], vector<16xf32>,
        %parallel_loop3A_129 = tpu.vector_load_idx %arg6[%broadcast_in_dim3A_24, %parallel_loop3A_123] : memref<4x10112xf32, #tpu.memory_space<vmem>>[vector<16xi32>, vector<16xi32>], vector<16xf32>,
        tpu.vector_store_idx %arg9[%broadcast_in_dim3A_24, %parallel_loop3A_126], %parallel_loop3A_129 {add = true} : memref<4x10112xf32, #tpu.memory_space<vmem>>[vector<16xi32>, vector<16xi32>], vector<16xf32>,
        %parallel_loop3A_130 = tpu.vector_load_idx %arg6[%broadcast_in_dim3A_26, %parallel_loop3A_123] : memref<4x10112xf32, #tpu.memory_space<vmem>>[vector<16xi32>, vector<16xi32>], vector<16xf32>,
        tpu.vector_store_idx %arg9[%broadcast_in_dim3A_26, %parallel_loop3A_126], %parallel_loop3A_130 {add = true} : memref<4x10112xf32, #tpu.memory_space<vmem>>[vector<16xi32>, vector<16xi32>], vector<16xf32>,
        %parallel_loop3A_131 = arith.index_cast %parallel_loop3A_80 : i32 to index
        %parallel_loop3A_132 = arith.constant 80 : index
        %parallel_loop3A_133 = tpu.vector_load %arg7[%parallel_loop3A_131, %parallel_loop3A_132] {strides = array<i32>} : memref<16x128xi32, #tpu.memory_space<vmem>>, vector<16xi32>,
        %parallel_loop3A_134 = arith.index_cast %parallel_loop3A_80 : i32 to index
        %parallel_loop3A_135 = arith.constant 80 : index
        %parallel_loop3A_136 = tpu.vector_load %arg8[%parallel_loop3A_134, %parallel_loop3A_135] {strides = array<i32>} : memref<16x128xi32, #tpu.memory_space<vmem>>, vector<16xi32>,
        %parallel_loop3A_137 = tpu.vector_load_idx %arg6[%broadcast_in_dim3A_20, %parallel_loop3A_133] : memref<4x10112xf32, #tpu.memory_space<vmem>>[vector<16xi32>, vector<16xi32>], vector<16xf32>,
        tpu.vector_store_idx %arg9[%broadcast_in_dim3A_20, %parallel_loop3A_136], %parallel_loop3A_137 {add = true} : memref<4x10112xf32, #tpu.memory_space<vmem>>[vector<16xi32>, vector<16xi32>], vector<16xf32>,
        %parallel_loop3A_138 = tpu.vector_load_idx %arg6[%broadcast_in_dim3A_22, %parallel_loop3A_133] : memref<4x10112xf32, #tpu.memory_space<vmem>>[vector<16xi32>, vector<16xi32>], vector<16xf32>,
        tpu.vector_store_idx %arg9[%broadcast_in_dim3A_22, %parallel_loop3A_136], %parallel_loop3A_138 {add = true} : memref<4x10112xf32, #tpu.memory_space<vmem>>[vector<16xi32>, vector<16xi32>], vector<16xf32>,
        %parallel_loop3A_139 = tpu.vector_load_idx %arg6[%broadcast_in_dim3A_24, %parallel_loop3A_133] : memref<4x10112xf32, #tpu.memory_space<vmem>>[vector<16xi32>, vector<16xi32>], vector<16xf32>,
        tpu.vector_store_idx %arg9[%broadcast_in_dim3A_24, %parallel_loop3A_136], %parallel_loop3A_139 {add = true} : memref<4x10112xf32, #tpu.memory_space<vmem>>[vector<16xi32>, vector<16xi32>], vector<16xf32>,
        %parallel_loop3A_140 = tpu.vector_load_idx %arg6[%broadcast_in_dim3A_26, %parallel_loop3A_133] : memref<4x10112xf32, #tpu.memory_space<vmem>>[vector<16xi32>, vector<16xi32>], vector<16xf32>,
        tpu.vector_store_idx %arg9[%broadcast_in_dim3A_26, %parallel_loop3A_136], %parallel_loop3A_140 {add = true} : memref<4x10112xf32, #tpu.memory_space<vmem>>[vector<16xi32>, vector<16xi32>], vector<16xf32>,
        %parallel_loop3A_141 = arith.index_cast %parallel_loop3A_80 : i32 to index
        %parallel_loop3A_142 = arith.constant 96 : index
        %parallel_loop3A_143 = tpu.vector_load %arg7[%parallel_loop3A_141, %parallel_loop3A_142] {strides = array<i32>} : memref<16x128xi32, #tpu.memory_space<vmem>>, vector<16xi32>,
        %parallel_loop3A_144 = arith.index_cast %parallel_loop3A_80 : i32 to index
        %parallel_loop3A_145 = arith.constant 96 : index
        %parallel_loop3A_146 = tpu.vector_load %arg8[%parallel_loop3A_144, %parallel_loop3A_145] {strides = array<i32>} : memref<16x128xi32, #tpu.memory_space<vmem>>, vector<16xi32>,
        %parallel_loop3A_147 = tpu.vector_load_idx %arg6[%broadcast_in_dim3A_20, %parallel_loop3A_143] : memref<4x10112xf32, #tpu.memory_space<vmem>>[vector<16xi32>, vector<16xi32>], vector<16xf32>,
        tpu.vector_store_idx %arg9[%broadcast_in_dim3A_20, %parallel_loop3A_146], %parallel_loop3A_147 {add = true} : memref<4x10112xf32, #tpu.memory_space<vmem>>[vector<16xi32>, vector<16xi32>], vector<16xf32>,
        %parallel_loop3A_148 = tpu.vector_load_idx %arg6[%broadcast_in_dim3A_22, %parallel_loop3A_143] : memref<4x10112xf32, #tpu.memory_space<vmem>>[vector<16xi32>, vector<16xi32>], vector<16xf32>,
        tpu.vector_store_idx %arg9[%broadcast_in_dim3A_22, %parallel_loop3A_146], %parallel_loop3A_148 {add = true} : memref<4x10112xf32, #tpu.memory_space<vmem>>[vector<16xi32>, vector<16xi32>], vector<16xf32>,
        %parallel_loop3A_149 = tpu.vector_load_idx %arg6[%broadcast_in_dim3A_24, %parallel_loop3A_143] : memref<4x10112xf32, #tpu.memory_space<vmem>>[vector<16xi32>, vector<16xi32>], vector<16xf32>,
        tpu.vector_store_idx %arg9[%broadcast_in_dim3A_24, %parallel_loop3A_146], %parallel_loop3A_149 {add = true} : memref<4x10112xf32, #tpu.memory_space<vmem>>[vector<16xi32>, vector<16xi32>], vector<16xf32>,
        %parallel_loop3A_150 = tpu.vector_load_idx %arg6[%broadcast_in_dim3A_26, %parallel_loop3A_143] : memref<4x10112xf32, #tpu.memory_space<vmem>>[vector<16xi32>, vector<16xi32>], vector<16xf32>,
        tpu.vector_store_idx %arg9[%broadcast_in_dim3A_26, %parallel_loop3A_146], %parallel_loop3A_150 {add = true} : memref<4x10112xf32, #tpu.memory_space<vmem>>[vector<16xi32>, vector<16xi32>], vector<16xf32>,
        %parallel_loop3A_151 = arith.index_cast %parallel_loop3A_80 : i32 to index
        %parallel_loop3A_152 = arith.constant 112 : index
        %parallel_loop3A_153 = tpu.vector_load %arg7[%parallel_loop3A_151, %parallel_loop3A_152] {strides = array<i32>} : memref<16x128xi32, #tpu.memory_space<vmem>>, vector<16xi32>,
        %parallel_loop3A_154 = arith.index_cast %parallel_loop3A_80 : i32 to index
        %parallel_loop3A_155 = arith.constant 112 : index
        %parallel_loop3A_156 = tpu.vector_load %arg8[%parallel_loop3A_154, %parallel_loop3A_155] {strides = array<i32>} : memref<16x128xi32, #tpu.memory_space<vmem>>, vector<16xi32>,
        %parallel_loop3A_157 = tpu.vector_load_idx %arg6[%broadcast_in_dim3A_20, %parallel_loop3A_153] : memref<4x10112xf32, #tpu.memory_space<vmem>>[vector<16xi32>, vector<16xi32>], vector<16xf32>,
        tpu.vector_store_idx %arg9[%broadcast_in_dim3A_20, %parallel_loop3A_156], %parallel_loop3A_157 {add = true} : memref<4x10112xf32, #tpu.memory_space<vmem>>[vector<16xi32>, vector<16xi32>], vector<16xf32>,
        %parallel_loop3A_158 = tpu.vector_load_idx %arg6[%broadcast_in_dim3A_22, %parallel_loop3A_153] : memref<4x10112xf32, #tpu.memory_space<vmem>>[vector<16xi32>, vector<16xi32>], vector<16xf32>,
        tpu.vector_store_idx %arg9[%broadcast_in_dim3A_22, %parallel_loop3A_156], %parallel_loop3A_158 {add = true} : memref<4x10112xf32, #tpu.memory_space<vmem>>[vector<16xi32>, vector<16xi32>], vector<16xf32>,
        %parallel_loop3A_159 = tpu.vector_load_idx %arg6[%broadcast_in_dim3A_24, %parallel_loop3A_153] : memref<4x10112xf32, #tpu.memory_space<vmem>>[vector<16xi32>, vector<16xi32>], vector<16xf32>,
        tpu.vector_store_idx %arg9[%broadcast_in_dim3A_24, %parallel_loop3A_156], %parallel_loop3A_159 {add = true} : memref<4x10112xf32, #tpu.memory_space<vmem>>[vector<16xi32>, vector<16xi32>], vector<16xf32>,
        %parallel_loop3A_160 = tpu.vector_load_idx %arg6[%broadcast_in_dim3A_26, %parallel_loop3A_153] : memref<4x10112xf32, #tpu.memory_space<vmem>>[vector<16xi32>, vector<16xi32>], vector<16xf32>,
        tpu.vector_store_idx %arg9[%broadcast_in_dim3A_26, %parallel_loop3A_156], %parallel_loop3A_160 {add = true} : memref<4x10112xf32, #tpu.memory_space<vmem>>[vector<16xi32>, vector<16xi32>], vector<16xf32>,
      } {sc.loop_unroll_factor = 4 : i64, sc.parallel_access}
    }
    "tpu.region"() ({
      %run_scoped3A = tpu.sem_alloc : memref<!tpu.dma_semaphore, #tpu.memory_space<semaphore_mem>>
      %dma_start3A = arith.constant 0 : i32
      %dma_start3A_71 = arith.constant 0 : i32
      %dma_start3A_72 = tpu.memref_slice %arg5[%add3A, %dma_start3A, %dma_start3A_71] : memref<32x4x10112xf32, #tpu.memory_space<hbm>> -> memref<1x4x10112xf32, #tpu.memory_space<hbm>>
      %dma_start3A_73 = tpu.memref_squeeze %dma_start3A_72 : memref<1x4x10112xf32, #tpu.memory_space<hbm>> -> memref<4x10112xf32, #tpu.memory_space<hbm>>
      %dma_start3A_74 = arith.constant 0 : i32
      %dma_start3A_75 = arith.constant 0 : i32
      %dma_start3A_76 = tpu.memref_slice %arg5[%add3A, %dma_start3A_74, %dma_start3A_75] : memref<32x4x10112xf32, #tpu.memory_space<hbm>> -> memref<1x4x10112xf32, #tpu.memory_space<hbm>>
      %dma_start3A_77 = tpu.memref_squeeze %dma_start3A_76 : memref<1x4x10112xf32, #tpu.memory_space<hbm>> -> memref<4x10112xf32, #tpu.memory_space<hbm>>
      tpu.enqueue_dma source(%arg9 : memref<4x10112xf32, #tpu.memory_space<vmem>>) target(%dma_start3A_77 : memref<4x10112xf32, #tpu.memory_space<hbm>>) target_semaphore(%run_scoped3A : memref<!tpu.dma_semaphore, #tpu.memory_space<semaphore_mem>>)
      %dma_wait3A = arith.constant 0 : i32
      %dma_wait3A_78 = arith.constant 0 : i32
      %dma_wait3A_79 = tpu.memref_slice %arg5[%add3A, %dma_wait3A, %dma_wait3A_78] : memref<32x4x10112xf32, #tpu.memory_space<hbm>> -> memref<1x4x10112xf32, #tpu.memory_space<hbm>>
      %dma_wait3A_80 = tpu.memref_squeeze %dma_wait3A_79 : memref<1x4x10112xf32, #tpu.memory_space<hbm>> -> memref<4x10112xf32, #tpu.memory_space<hbm>>
      %dma_wait3A_81 = arith.constant 0 : i32
      %dma_wait3A_82 = arith.constant 0 : i32
      %dma_wait3A_83 = tpu.memref_slice %arg5[%add3A, %dma_wait3A_81, %dma_wait3A_82] : memref<32x4x10112xf32, #tpu.memory_space<hbm>> -> memref<1x4x10112xf32, #tpu.memory_space<hbm>>
      %dma_wait3A_84 = tpu.memref_squeeze %dma_wait3A_83 : memref<1x4x10112xf32, #tpu.memory_space<hbm>> -> memref<4x10112xf32, #tpu.memory_space<hbm>>
      tpu.wait_dma2 semaphore(%run_scoped3A : memref<!tpu.dma_semaphore, #tpu.memory_space<semaphore_mem>>) src(%arg9 : memref<4x10112xf32, #tpu.memory_space<vmem>>) dst(%dma_wait3A_84 : memref<4x10112xf32, #tpu.memory_space<hbm>>)
      tpu.yield
    }) : () -> ()
    return
  }
}

#map = affine_map<(d0, d1) -> (0, 0, 0)>
#map1 = affine_map<(d0, d1) -> (0, 0)>
module attributes {stable_mosaic.version = 14 : i64} {
  func.func @_agg_body(%arg0: i32, %arg1: i32, %arg2: memref<4x4x10112xf32, #tpu.memory_space<hbm>>, %arg3: memref<2560x128xi32, #tpu.memory_space<hbm>>, %arg4: memref<2560x128xi32, #tpu.memory_space<hbm>>, %arg5: memref<32x4x10112xf32, #tpu.memory_space<hbm>>, %arg6: memref<4x10112xf32, #tpu.memory_space<vmem>>, %arg7: memref<16x128xi32, #tpu.memory_space<vmem>>, %arg8: memref<16x128xi32, #tpu.memory_space<vmem>>, %arg9: memref<4x10112xf32, #tpu.memory_space<vmem>>) attributes {dimension_semantics = [#tpu.dimension_semantics<core_parallel>, #tpu.dimension_semantics<subcore_parallel>], iteration_bounds = array<i64: 2, 16>, scalar_prefetch = 0 : i64, scratch_operands = 4 : i64, tpu.core_type = #tpu.core_type<sc_vector_subcore>, window_params = [{transform_indices = #map}, {transform_indices = #map1}, {transform_indices = #map1}, {transform_indices = #map}]} {
    %mul3A = arith.constant 16 : i32
    %mul3A_0 = arith.muli %arg0, %mul3A : i32
    %add3A = arith.addi %mul3A_0, %arg1 : i32
    %broadcast_in_dim3A = arith.constant 0.000000e+00 : f32
    %broadcast_in_dim3A_1 = vector.broadcast %broadcast_in_dim3A : f32 to vector<16xf32>
    %scan3A = arith.constant 0 : i32
    %scan3A_2 = arith.constant 0 : i32
    %scan3A_3 = arith.constant 632 : i32
    %scan3A_4 = arith.addi %scan3A_2, %scan3A_3 : i32
    %scan3A_5 = arith.constant 1 : i32
    scf.for %scan3A_71 = %scan3A_2 to %scan3A_4 step %scan3A_5  : i32 {
      %mul3A_72 = arith.constant 16 : i32
      %mul3A_73 = arith.muli %scan3A_71, %mul3A_72 : i32
      %swap3A = arith.constant 0 : i32
      %swap3A_74 = arith.index_cast %swap3A : i32 to index
      %swap3A_75 = arith.index_cast %mul3A_73 : i32 to index
      %swap3A_76 = tpu.vector_load %arg9[%swap3A_74, %swap3A_75] {strides = array<i32>} : memref<4x10112xf32, #tpu.memory_space<vmem>>, vector<16xf32>,
      tpu.vector_store %arg9[%swap3A_74, %swap3A_75], %broadcast_in_dim3A_1 {strides = array<i32>} : memref<4x10112xf32, #tpu.memory_space<vmem>>, vector<16xf32>,
      %mul3A_77 = arith.constant 16 : i32
      %mul3A_78 = arith.muli %scan3A_71, %mul3A_77 : i32
      %swap3A_79 = arith.constant 1 : i32
      %swap3A_80 = arith.index_cast %swap3A_79 : i32 to index
      %swap3A_81 = arith.index_cast %mul3A_78 : i32 to index
      %swap3A_82 = tpu.vector_load %arg9[%swap3A_80, %swap3A_81] {strides = array<i32>} : memref<4x10112xf32, #tpu.memory_space<vmem>>, vector<16xf32>,
      tpu.vector_store %arg9[%swap3A_80, %swap3A_81], %broadcast_in_dim3A_1 {strides = array<i32>} : memref<4x10112xf32, #tpu.memory_space<vmem>>, vector<16xf32>,
      %mul3A_83 = arith.constant 16 : i32
      %mul3A_84 = arith.muli %scan3A_71, %mul3A_83 : i32
      %swap3A_85 = arith.constant 2 : i32
      %swap3A_86 = arith.index_cast %swap3A_85 : i32 to index
      %swap3A_87 = arith.index_cast %mul3A_84 : i32 to index
      %swap3A_88 = tpu.vector_load %arg9[%swap3A_86, %swap3A_87] {strides = array<i32>} : memref<4x10112xf32, #tpu.memory_space<vmem>>, vector<16xf32>,
      tpu.vector_store %arg9[%swap3A_86, %swap3A_87], %broadcast_in_dim3A_1 {strides = array<i32>} : memref<4x10112xf32, #tpu.memory_space<vmem>>, vector<16xf32>,
      %mul3A_89 = arith.constant 16 : i32
      %mul3A_90 = arith.muli %scan3A_71, %mul3A_89 : i32
      %swap3A_91 = arith.constant 3 : i32
      %swap3A_92 = arith.index_cast %swap3A_91 : i32 to index
      %swap3A_93 = arith.index_cast %mul3A_90 : i32 to index
      %swap3A_94 = tpu.vector_load %arg9[%swap3A_92, %swap3A_93] {strides = array<i32>} : memref<4x10112xf32, #tpu.memory_space<vmem>>, vector<16xf32>,
      tpu.vector_store %arg9[%swap3A_92, %swap3A_93], %broadcast_in_dim3A_1 {strides = array<i32>} : memref<4x10112xf32, #tpu.memory_space<vmem>>, vector<16xf32>,
    }
    %scan3A_6 = arith.constant 632 : i32
    %mul3A_7 = arith.constant 2 : i32
    %mul3A_8 = arith.muli %arg0, %mul3A_7 : i32
    %jit3A = arith.constant 2 : i32
    %eq3A = arith.constant 0 : i32
    %eq3A_9 = arith.cmpi eq, %jit3A, %eq3A : i32
    %jit3A_10 = arith.constant 1 : i32
    %select_n3A = arith.select %eq3A_9, %jit3A_10, %jit3A : i32
    %rem3A = arith.remsi %arg1, %select_n3A : i32
    %ne3A = arith.constant 0 : i32
    %ne3A_11 = arith.cmpi ne, %rem3A, %ne3A : i32
    %lt3A = arith.constant 0 : i32
    %lt3A_12 = arith.cmpi slt, %rem3A, %lt3A : i32
    %lt3A_13 = arith.constant 0 : i32
    %lt3A_14 = arith.cmpi slt, %select_n3A, %lt3A_13 : i32
    %ne3A_15 = arith.xori %lt3A_12, %lt3A_14 : i1
    %and3A = arith.andi %ne3A_15, %ne3A_11 : i1
    %add3A_16 = arith.addi %rem3A, %select_n3A : i32
    %select_n3A_17 = arith.select %and3A, %add3A_16, %rem3A : i32
    %add3A_18 = arith.addi %mul3A_8, %select_n3A_17 : i32
    "tpu.region"() ({
      %run_scoped3A = tpu.sem_alloc : memref<!tpu.dma_semaphore, #tpu.memory_space<semaphore_mem>>
      %dma_start3A = arith.constant 0 : i32
      %dma_start3A_71 = arith.constant 0 : i32
      %dma_start3A_72 = tpu.memref_slice %arg2[%add3A_18, %dma_start3A, %dma_start3A_71] : memref<4x4x10112xf32, #tpu.memory_space<hbm>> -> memref<1x4x10112xf32, #tpu.memory_space<hbm>>
      %dma_start3A_73 = tpu.memref_squeeze %dma_start3A_72 : memref<1x4x10112xf32, #tpu.memory_space<hbm>> -> memref<4x10112xf32, #tpu.memory_space<hbm>>
      %dma_start3A_74 = arith.constant 0 : i32
      %dma_start3A_75 = arith.constant 0 : i32
      %dma_start3A_76 = tpu.memref_slice %arg2[%add3A_18, %dma_start3A_74, %dma_start3A_75] : memref<4x4x10112xf32, #tpu.memory_space<hbm>> -> memref<1x4x10112xf32, #tpu.memory_space<hbm>>
      %dma_start3A_77 = tpu.memref_squeeze %dma_start3A_76 : memref<1x4x10112xf32, #tpu.memory_space<hbm>> -> memref<4x10112xf32, #tpu.memory_space<hbm>>
      tpu.enqueue_dma source(%dma_start3A_77 : memref<4x10112xf32, #tpu.memory_space<hbm>>) target(%arg6 : memref<4x10112xf32, #tpu.memory_space<vmem>>) target_semaphore(%run_scoped3A : memref<!tpu.dma_semaphore, #tpu.memory_space<semaphore_mem>>)
      %dma_wait3A = arith.constant 0 : i32
      %dma_wait3A_78 = arith.constant 0 : i32
      %dma_wait3A_79 = tpu.memref_slice %arg2[%add3A_18, %dma_wait3A, %dma_wait3A_78] : memref<4x4x10112xf32, #tpu.memory_space<hbm>> -> memref<1x4x10112xf32, #tpu.memory_space<hbm>>
      %dma_wait3A_80 = tpu.memref_squeeze %dma_wait3A_79 : memref<1x4x10112xf32, #tpu.memory_space<hbm>> -> memref<4x10112xf32, #tpu.memory_space<hbm>>
      %dma_wait3A_81 = arith.constant 0 : i32
      %dma_wait3A_82 = arith.constant 0 : i32
      %dma_wait3A_83 = tpu.memref_slice %arg2[%add3A_18, %dma_wait3A_81, %dma_wait3A_82] : memref<4x4x10112xf32, #tpu.memory_space<hbm>> -> memref<1x4x10112xf32, #tpu.memory_space<hbm>>
      %dma_wait3A_84 = tpu.memref_squeeze %dma_wait3A_83 : memref<1x4x10112xf32, #tpu.memory_space<hbm>> -> memref<4x10112xf32, #tpu.memory_space<hbm>>
      tpu.wait_dma2 semaphore(%run_scoped3A : memref<!tpu.dma_semaphore, #tpu.memory_space<semaphore_mem>>) src(%dma_wait3A_84 : memref<4x10112xf32, #tpu.memory_space<hbm>>) dst(%arg6 : memref<4x10112xf32, #tpu.memory_space<vmem>>)
      tpu.yield
    }) : () -> ()
    %broadcast_in_dim3A_19 = arith.constant 0 : i32
    %broadcast_in_dim3A_20 = vector.broadcast %broadcast_in_dim3A_19 : i32 to vector<16xi32>
    %broadcast_in_dim3A_21 = arith.constant 1 : i32
    %broadcast_in_dim3A_22 = vector.broadcast %broadcast_in_dim3A_21 : i32 to vector<16xi32>
    %broadcast_in_dim3A_23 = arith.constant 2 : i32
    %broadcast_in_dim3A_24 = vector.broadcast %broadcast_in_dim3A_23 : i32 to vector<16xi32>
    %broadcast_in_dim3A_25 = arith.constant 3 : i32
    %broadcast_in_dim3A_26 = vector.broadcast %broadcast_in_dim3A_25 : i32 to vector<16xi32>
    %eq3A_27 = arith.constant 0 : i32
    %eq3A_28 = arith.cmpi eq, %arg0, %eq3A_27 : i32
    %jit3A_29 = arith.constant 112 : i32
    %jit3A_30 = arith.constant 48 : i32
    %select_n3A_31 = arith.select %eq3A_28, %jit3A_29, %jit3A_30 : i32
    %eq3A_32 = arith.constant 0 : i32
    %eq3A_33 = arith.cmpi eq, %arg0, %eq3A_32 : i32
    %mul3A_34 = arith.constant 112 : i32
    %mul3A_35 = arith.muli %arg1, %mul3A_34 : i32
    %mul3A_36 = arith.constant 48 : i32
    %mul3A_37 = arith.muli %arg1, %mul3A_36 : i32
    %add3A_38 = arith.constant 1792 : i32
    %add3A_39 = arith.addi %add3A_38, %mul3A_37 : i32
    %select_n3A_40 = arith.select %eq3A_33, %mul3A_35, %add3A_39 : i32
    %jit3A_41 = arith.constant 16 : i32
    %div3A = arith.divsi %select_n3A_31, %jit3A_41 : i32
    %sign3A = arith.constant 0 : i32
    %sign3A_42 = arith.cmpi sgt, %select_n3A_31, %sign3A : i32
    %sign3A_43 = arith.extui %sign3A_42 : i1 to i32
    %sign3A_44 = arith.constant 0 : i32
    %sign3A_45 = arith.cmpi slt, %select_n3A_31, %sign3A_44 : i32
    %sign3A_46 = arith.extui %sign3A_45 : i1 to i32
    %sign3A_47 = arith.subi %sign3A_43, %sign3A_46 : i32
    %sign3A_48 = arith.constant 0 : i32
    %sign3A_49 = arith.cmpi sgt, %jit3A_41, %sign3A_48 : i32
    %sign3A_50 = arith.extui %sign3A_49 : i1 to i32
    %sign3A_51 = arith.constant 0 : i32
    %sign3A_52 = arith.cmpi slt, %jit3A_41, %sign3A_51 : i32
    %sign3A_53 = arith.extui %sign3A_52 : i1 to i32
    %sign3A_54 = arith.subi %sign3A_50, %sign3A_53 : i32
    %ne3A_55 = arith.cmpi ne, %sign3A_47, %sign3A_54 : i32
    %rem3A_56 = arith.remsi %select_n3A_31, %jit3A_41 : i32
    %ne3A_57 = arith.constant 0 : i32
    %ne3A_58 = arith.cmpi ne, %rem3A_56, %ne3A_57 : i32
    %and3A_59 = arith.andi %ne3A_55, %ne3A_58 : i1
    %sub3A = arith.constant 1 : i32
    %sub3A_60 = arith.subi %div3A, %sub3A : i32
    %select_n3A_61 = arith.select %and3A_59, %sub3A_60, %div3A : i32
    %while3A = arith.constant 0 : i32
    %while3A_62 = arith.constant 0 : i32
    %while3A_63 = arith.subi %select_n3A_61, %while3A_62 : i32
    %while3A_64 = arith.addi %while3A_62, %while3A_63 : i32
    %while3A_65 = arith.constant 1 : i32
    %while3A_66 = arith.divsi %while3A_63, %while3A_65 : i32
    %while3A_67 = arith.muli %while3A_66, %while3A_65 : i32
    %while3A_68 = arith.addi %while3A_62, %while3A_67 : i32
    %while3A_69 = arith.constant 1 : i32
    scf.for %while3A_71 = %while3A_62 to %while3A_68 step %while3A_69  : i32 {
      %mul3A_72 = arith.constant 16 : i32
      %mul3A_73 = arith.muli %while3A_71, %mul3A_72 : i32
      %add3A_74 = arith.addi %select_n3A_40, %mul3A_73 : i32
      "tpu.region"() ({
        %run_scoped3A = tpu.sem_alloc : memref<!tpu.dma_semaphore, #tpu.memory_space<semaphore_mem>>
        %dma_start3A = arith.constant 0 : i32
        %dma_start3A_80 = tpu.memref_slice %arg3[%add3A_74, %dma_start3A] : memref<2560x128xi32, #tpu.memory_space<hbm>> -> memref<16x128xi32, #tpu.memory_space<hbm>>
        %dma_start3A_81 = arith.constant 0 : i32
        %dma_start3A_82 = tpu.memref_slice %arg3[%add3A_74, %dma_start3A_81] : memref<2560x128xi32, #tpu.memory_space<hbm>> -> memref<16x128xi32, #tpu.memory_space<hbm>>
        tpu.enqueue_dma source(%dma_start3A_82 : memref<16x128xi32, #tpu.memory_space<hbm>>) target(%arg7 : memref<16x128xi32, #tpu.memory_space<vmem>>) target_semaphore(%run_scoped3A : memref<!tpu.dma_semaphore, #tpu.memory_space<semaphore_mem>>)
        %dma_wait3A = arith.constant 0 : i32
        %dma_wait3A_83 = tpu.memref_slice %arg3[%add3A_74, %dma_wait3A] : memref<2560x128xi32, #tpu.memory_space<hbm>> -> memref<16x128xi32, #tpu.memory_space<hbm>>
        %dma_wait3A_84 = arith.constant 0 : i32
        %dma_wait3A_85 = tpu.memref_slice %arg3[%add3A_74, %dma_wait3A_84] : memref<2560x128xi32, #tpu.memory_space<hbm>> -> memref<16x128xi32, #tpu.memory_space<hbm>>
        tpu.wait_dma2 semaphore(%run_scoped3A : memref<!tpu.dma_semaphore, #tpu.memory_space<semaphore_mem>>) src(%dma_wait3A_85 : memref<16x128xi32, #tpu.memory_space<hbm>>) dst(%arg7 : memref<16x128xi32, #tpu.memory_space<vmem>>)
        tpu.yield
      }) : () -> ()
      %mul3A_75 = arith.constant 16 : i32
      %mul3A_76 = arith.muli %while3A_71, %mul3A_75 : i32
      %add3A_77 = arith.addi %select_n3A_40, %mul3A_76 : i32
      "tpu.region"() ({
        %run_scoped3A = tpu.sem_alloc : memref<!tpu.dma_semaphore, #tpu.memory_space<semaphore_mem>>
        %dma_start3A = arith.constant 0 : i32
        %dma_start3A_80 = tpu.memref_slice %arg4[%add3A_77, %dma_start3A] : memref<2560x128xi32, #tpu.memory_space<hbm>> -> memref<16x128xi32, #tpu.memory_space<hbm>>
        %dma_start3A_81 = arith.constant 0 : i32
        %dma_start3A_82 = tpu.memref_slice %arg4[%add3A_77, %dma_start3A_81] : memref<2560x128xi32, #tpu.memory_space<hbm>> -> memref<16x128xi32, #tpu.memory_space<hbm>>
        tpu.enqueue_dma source(%dma_start3A_82 : memref<16x128xi32, #tpu.memory_space<hbm>>) target(%arg8 : memref<16x128xi32, #tpu.memory_space<vmem>>) target_semaphore(%run_scoped3A : memref<!tpu.dma_semaphore, #tpu.memory_space<semaphore_mem>>)
        %dma_wait3A = arith.constant 0 : i32
        %dma_wait3A_83 = tpu.memref_slice %arg4[%add3A_77, %dma_wait3A] : memref<2560x128xi32, #tpu.memory_space<hbm>> -> memref<16x128xi32, #tpu.memory_space<hbm>>
        %dma_wait3A_84 = arith.constant 0 : i32
        %dma_wait3A_85 = tpu.memref_slice %arg4[%add3A_77, %dma_wait3A_84] : memref<2560x128xi32, #tpu.memory_space<hbm>> -> memref<16x128xi32, #tpu.memory_space<hbm>>
        tpu.wait_dma2 semaphore(%run_scoped3A : memref<!tpu.dma_semaphore, #tpu.memory_space<semaphore_mem>>) src(%dma_wait3A_85 : memref<16x128xi32, #tpu.memory_space<hbm>>) dst(%arg8 : memref<16x128xi32, #tpu.memory_space<vmem>>)
        tpu.yield
      }) : () -> ()
      %parallel_loop3A = arith.constant 0 : i32
      %parallel_loop3A_78 = arith.constant 16 : i32
      %parallel_loop3A_79 = arith.constant 1 : i32
      scf.for %parallel_loop3A_80 = %parallel_loop3A to %parallel_loop3A_78 step %parallel_loop3A_79  : i32 {
        %parallel_loop3A_81 = arith.index_cast %parallel_loop3A_80 : i32 to index
        %parallel_loop3A_82 = arith.constant 0 : index
        %parallel_loop3A_83 = tpu.vector_load %arg7[%parallel_loop3A_81, %parallel_loop3A_82] {strides = array<i32>} : memref<16x128xi32, #tpu.memory_space<vmem>>, vector<16xi32>,
        %parallel_loop3A_84 = arith.index_cast %parallel_loop3A_80 : i32 to index
        %parallel_loop3A_85 = arith.constant 0 : index
        %parallel_loop3A_86 = tpu.vector_load %arg8[%parallel_loop3A_84, %parallel_loop3A_85] {strides = array<i32>} : memref<16x128xi32, #tpu.memory_space<vmem>>, vector<16xi32>,
        %parallel_loop3A_87 = tpu.vector_load_idx %arg6[%broadcast_in_dim3A_20, %parallel_loop3A_83] : memref<4x10112xf32, #tpu.memory_space<vmem>>[vector<16xi32>, vector<16xi32>], vector<16xf32>,
        tpu.vector_store_idx %arg9[%broadcast_in_dim3A_20, %parallel_loop3A_86], %parallel_loop3A_87 {add = true} : memref<4x10112xf32, #tpu.memory_space<vmem>>[vector<16xi32>, vector<16xi32>], vector<16xf32>,
        %parallel_loop3A_88 = tpu.vector_load_idx %arg6[%broadcast_in_dim3A_22, %parallel_loop3A_83] : memref<4x10112xf32, #tpu.memory_space<vmem>>[vector<16xi32>, vector<16xi32>], vector<16xf32>,
        tpu.vector_store_idx %arg9[%broadcast_in_dim3A_22, %parallel_loop3A_86], %parallel_loop3A_88 {add = true} : memref<4x10112xf32, #tpu.memory_space<vmem>>[vector<16xi32>, vector<16xi32>], vector<16xf32>,
        %parallel_loop3A_89 = tpu.vector_load_idx %arg6[%broadcast_in_dim3A_24, %parallel_loop3A_83] : memref<4x10112xf32, #tpu.memory_space<vmem>>[vector<16xi32>, vector<16xi32>], vector<16xf32>,
        tpu.vector_store_idx %arg9[%broadcast_in_dim3A_24, %parallel_loop3A_86], %parallel_loop3A_89 {add = true} : memref<4x10112xf32, #tpu.memory_space<vmem>>[vector<16xi32>, vector<16xi32>], vector<16xf32>,
        %parallel_loop3A_90 = tpu.vector_load_idx %arg6[%broadcast_in_dim3A_26, %parallel_loop3A_83] : memref<4x10112xf32, #tpu.memory_space<vmem>>[vector<16xi32>, vector<16xi32>], vector<16xf32>,
        tpu.vector_store_idx %arg9[%broadcast_in_dim3A_26, %parallel_loop3A_86], %parallel_loop3A_90 {add = true} : memref<4x10112xf32, #tpu.memory_space<vmem>>[vector<16xi32>, vector<16xi32>], vector<16xf32>,
        %parallel_loop3A_91 = arith.index_cast %parallel_loop3A_80 : i32 to index
        %parallel_loop3A_92 = arith.constant 16 : index
        %parallel_loop3A_93 = tpu.vector_load %arg7[%parallel_loop3A_91, %parallel_loop3A_92] {strides = array<i32>} : memref<16x128xi32, #tpu.memory_space<vmem>>, vector<16xi32>,
        %parallel_loop3A_94 = arith.index_cast %parallel_loop3A_80 : i32 to index
        %parallel_loop3A_95 = arith.constant 16 : index
        %parallel_loop3A_96 = tpu.vector_load %arg8[%parallel_loop3A_94, %parallel_loop3A_95] {strides = array<i32>} : memref<16x128xi32, #tpu.memory_space<vmem>>, vector<16xi32>,
        %parallel_loop3A_97 = tpu.vector_load_idx %arg6[%broadcast_in_dim3A_20, %parallel_loop3A_93] : memref<4x10112xf32, #tpu.memory_space<vmem>>[vector<16xi32>, vector<16xi32>], vector<16xf32>,
        tpu.vector_store_idx %arg9[%broadcast_in_dim3A_20, %parallel_loop3A_96], %parallel_loop3A_97 {add = true} : memref<4x10112xf32, #tpu.memory_space<vmem>>[vector<16xi32>, vector<16xi32>], vector<16xf32>,
        %parallel_loop3A_98 = tpu.vector_load_idx %arg6[%broadcast_in_dim3A_22, %parallel_loop3A_93] : memref<4x10112xf32, #tpu.memory_space<vmem>>[vector<16xi32>, vector<16xi32>], vector<16xf32>,
        tpu.vector_store_idx %arg9[%broadcast_in_dim3A_22, %parallel_loop3A_96], %parallel_loop3A_98 {add = true} : memref<4x10112xf32, #tpu.memory_space<vmem>>[vector<16xi32>, vector<16xi32>], vector<16xf32>,
        %parallel_loop3A_99 = tpu.vector_load_idx %arg6[%broadcast_in_dim3A_24, %parallel_loop3A_93] : memref<4x10112xf32, #tpu.memory_space<vmem>>[vector<16xi32>, vector<16xi32>], vector<16xf32>,
        tpu.vector_store_idx %arg9[%broadcast_in_dim3A_24, %parallel_loop3A_96], %parallel_loop3A_99 {add = true} : memref<4x10112xf32, #tpu.memory_space<vmem>>[vector<16xi32>, vector<16xi32>], vector<16xf32>,
        %parallel_loop3A_100 = tpu.vector_load_idx %arg6[%broadcast_in_dim3A_26, %parallel_loop3A_93] : memref<4x10112xf32, #tpu.memory_space<vmem>>[vector<16xi32>, vector<16xi32>], vector<16xf32>,
        tpu.vector_store_idx %arg9[%broadcast_in_dim3A_26, %parallel_loop3A_96], %parallel_loop3A_100 {add = true} : memref<4x10112xf32, #tpu.memory_space<vmem>>[vector<16xi32>, vector<16xi32>], vector<16xf32>,
        %parallel_loop3A_101 = arith.index_cast %parallel_loop3A_80 : i32 to index
        %parallel_loop3A_102 = arith.constant 32 : index
        %parallel_loop3A_103 = tpu.vector_load %arg7[%parallel_loop3A_101, %parallel_loop3A_102] {strides = array<i32>} : memref<16x128xi32, #tpu.memory_space<vmem>>, vector<16xi32>,
        %parallel_loop3A_104 = arith.index_cast %parallel_loop3A_80 : i32 to index
        %parallel_loop3A_105 = arith.constant 32 : index
        %parallel_loop3A_106 = tpu.vector_load %arg8[%parallel_loop3A_104, %parallel_loop3A_105] {strides = array<i32>} : memref<16x128xi32, #tpu.memory_space<vmem>>, vector<16xi32>,
        %parallel_loop3A_107 = tpu.vector_load_idx %arg6[%broadcast_in_dim3A_20, %parallel_loop3A_103] : memref<4x10112xf32, #tpu.memory_space<vmem>>[vector<16xi32>, vector<16xi32>], vector<16xf32>,
        tpu.vector_store_idx %arg9[%broadcast_in_dim3A_20, %parallel_loop3A_106], %parallel_loop3A_107 {add = true} : memref<4x10112xf32, #tpu.memory_space<vmem>>[vector<16xi32>, vector<16xi32>], vector<16xf32>,
        %parallel_loop3A_108 = tpu.vector_load_idx %arg6[%broadcast_in_dim3A_22, %parallel_loop3A_103] : memref<4x10112xf32, #tpu.memory_space<vmem>>[vector<16xi32>, vector<16xi32>], vector<16xf32>,
        tpu.vector_store_idx %arg9[%broadcast_in_dim3A_22, %parallel_loop3A_106], %parallel_loop3A_108 {add = true} : memref<4x10112xf32, #tpu.memory_space<vmem>>[vector<16xi32>, vector<16xi32>], vector<16xf32>,
        %parallel_loop3A_109 = tpu.vector_load_idx %arg6[%broadcast_in_dim3A_24, %parallel_loop3A_103] : memref<4x10112xf32, #tpu.memory_space<vmem>>[vector<16xi32>, vector<16xi32>], vector<16xf32>,
        tpu.vector_store_idx %arg9[%broadcast_in_dim3A_24, %parallel_loop3A_106], %parallel_loop3A_109 {add = true} : memref<4x10112xf32, #tpu.memory_space<vmem>>[vector<16xi32>, vector<16xi32>], vector<16xf32>,
        %parallel_loop3A_110 = tpu.vector_load_idx %arg6[%broadcast_in_dim3A_26, %parallel_loop3A_103] : memref<4x10112xf32, #tpu.memory_space<vmem>>[vector<16xi32>, vector<16xi32>], vector<16xf32>,
        tpu.vector_store_idx %arg9[%broadcast_in_dim3A_26, %parallel_loop3A_106], %parallel_loop3A_110 {add = true} : memref<4x10112xf32, #tpu.memory_space<vmem>>[vector<16xi32>, vector<16xi32>], vector<16xf32>,
        %parallel_loop3A_111 = arith.index_cast %parallel_loop3A_80 : i32 to index
        %parallel_loop3A_112 = arith.constant 48 : index
        %parallel_loop3A_113 = tpu.vector_load %arg7[%parallel_loop3A_111, %parallel_loop3A_112] {strides = array<i32>} : memref<16x128xi32, #tpu.memory_space<vmem>>, vector<16xi32>,
        %parallel_loop3A_114 = arith.index_cast %parallel_loop3A_80 : i32 to index
        %parallel_loop3A_115 = arith.constant 48 : index
        %parallel_loop3A_116 = tpu.vector_load %arg8[%parallel_loop3A_114, %parallel_loop3A_115] {strides = array<i32>} : memref<16x128xi32, #tpu.memory_space<vmem>>, vector<16xi32>,
        %parallel_loop3A_117 = tpu.vector_load_idx %arg6[%broadcast_in_dim3A_20, %parallel_loop3A_113] : memref<4x10112xf32, #tpu.memory_space<vmem>>[vector<16xi32>, vector<16xi32>], vector<16xf32>,
        tpu.vector_store_idx %arg9[%broadcast_in_dim3A_20, %parallel_loop3A_116], %parallel_loop3A_117 {add = true} : memref<4x10112xf32, #tpu.memory_space<vmem>>[vector<16xi32>, vector<16xi32>], vector<16xf32>,
        %parallel_loop3A_118 = tpu.vector_load_idx %arg6[%broadcast_in_dim3A_22, %parallel_loop3A_113] : memref<4x10112xf32, #tpu.memory_space<vmem>>[vector<16xi32>, vector<16xi32>], vector<16xf32>,
        tpu.vector_store_idx %arg9[%broadcast_in_dim3A_22, %parallel_loop3A_116], %parallel_loop3A_118 {add = true} : memref<4x10112xf32, #tpu.memory_space<vmem>>[vector<16xi32>, vector<16xi32>], vector<16xf32>,
        %parallel_loop3A_119 = tpu.vector_load_idx %arg6[%broadcast_in_dim3A_24, %parallel_loop3A_113] : memref<4x10112xf32, #tpu.memory_space<vmem>>[vector<16xi32>, vector<16xi32>], vector<16xf32>,
        tpu.vector_store_idx %arg9[%broadcast_in_dim3A_24, %parallel_loop3A_116], %parallel_loop3A_119 {add = true} : memref<4x10112xf32, #tpu.memory_space<vmem>>[vector<16xi32>, vector<16xi32>], vector<16xf32>,
        %parallel_loop3A_120 = tpu.vector_load_idx %arg6[%broadcast_in_dim3A_26, %parallel_loop3A_113] : memref<4x10112xf32, #tpu.memory_space<vmem>>[vector<16xi32>, vector<16xi32>], vector<16xf32>,
        tpu.vector_store_idx %arg9[%broadcast_in_dim3A_26, %parallel_loop3A_116], %parallel_loop3A_120 {add = true} : memref<4x10112xf32, #tpu.memory_space<vmem>>[vector<16xi32>, vector<16xi32>], vector<16xf32>,
        %parallel_loop3A_121 = arith.index_cast %parallel_loop3A_80 : i32 to index
        %parallel_loop3A_122 = arith.constant 64 : index
        %parallel_loop3A_123 = tpu.vector_load %arg7[%parallel_loop3A_121, %parallel_loop3A_122] {strides = array<i32>} : memref<16x128xi32, #tpu.memory_space<vmem>>, vector<16xi32>,
        %parallel_loop3A_124 = arith.index_cast %parallel_loop3A_80 : i32 to index
        %parallel_loop3A_125 = arith.constant 64 : index
        %parallel_loop3A_126 = tpu.vector_load %arg8[%parallel_loop3A_124, %parallel_loop3A_125] {strides = array<i32>} : memref<16x128xi32, #tpu.memory_space<vmem>>, vector<16xi32>,
        %parallel_loop3A_127 = tpu.vector_load_idx %arg6[%broadcast_in_dim3A_20, %parallel_loop3A_123] : memref<4x10112xf32, #tpu.memory_space<vmem>>[vector<16xi32>, vector<16xi32>], vector<16xf32>,
        tpu.vector_store_idx %arg9[%broadcast_in_dim3A_20, %parallel_loop3A_126], %parallel_loop3A_127 {add = true} : memref<4x10112xf32, #tpu.memory_space<vmem>>[vector<16xi32>, vector<16xi32>], vector<16xf32>,
        %parallel_loop3A_128 = tpu.vector_load_idx %arg6[%broadcast_in_dim3A_22, %parallel_loop3A_123] : memref<4x10112xf32, #tpu.memory_space<vmem>>[vector<16xi32>, vector<16xi32>], vector<16xf32>,
        tpu.vector_store_idx %arg9[%broadcast_in_dim3A_22, %parallel_loop3A_126], %parallel_loop3A_128 {add = true} : memref<4x10112xf32, #tpu.memory_space<vmem>>[vector<16xi32>, vector<16xi32>], vector<16xf32>,
        %parallel_loop3A_129 = tpu.vector_load_idx %arg6[%broadcast_in_dim3A_24, %parallel_loop3A_123] : memref<4x10112xf32, #tpu.memory_space<vmem>>[vector<16xi32>, vector<16xi32>], vector<16xf32>,
        tpu.vector_store_idx %arg9[%broadcast_in_dim3A_24, %parallel_loop3A_126], %parallel_loop3A_129 {add = true} : memref<4x10112xf32, #tpu.memory_space<vmem>>[vector<16xi32>, vector<16xi32>], vector<16xf32>,
        %parallel_loop3A_130 = tpu.vector_load_idx %arg6[%broadcast_in_dim3A_26, %parallel_loop3A_123] : memref<4x10112xf32, #tpu.memory_space<vmem>>[vector<16xi32>, vector<16xi32>], vector<16xf32>,
        tpu.vector_store_idx %arg9[%broadcast_in_dim3A_26, %parallel_loop3A_126], %parallel_loop3A_130 {add = true} : memref<4x10112xf32, #tpu.memory_space<vmem>>[vector<16xi32>, vector<16xi32>], vector<16xf32>,
        %parallel_loop3A_131 = arith.index_cast %parallel_loop3A_80 : i32 to index
        %parallel_loop3A_132 = arith.constant 80 : index
        %parallel_loop3A_133 = tpu.vector_load %arg7[%parallel_loop3A_131, %parallel_loop3A_132] {strides = array<i32>} : memref<16x128xi32, #tpu.memory_space<vmem>>, vector<16xi32>,
        %parallel_loop3A_134 = arith.index_cast %parallel_loop3A_80 : i32 to index
        %parallel_loop3A_135 = arith.constant 80 : index
        %parallel_loop3A_136 = tpu.vector_load %arg8[%parallel_loop3A_134, %parallel_loop3A_135] {strides = array<i32>} : memref<16x128xi32, #tpu.memory_space<vmem>>, vector<16xi32>,
        %parallel_loop3A_137 = tpu.vector_load_idx %arg6[%broadcast_in_dim3A_20, %parallel_loop3A_133] : memref<4x10112xf32, #tpu.memory_space<vmem>>[vector<16xi32>, vector<16xi32>], vector<16xf32>,
        tpu.vector_store_idx %arg9[%broadcast_in_dim3A_20, %parallel_loop3A_136], %parallel_loop3A_137 {add = true} : memref<4x10112xf32, #tpu.memory_space<vmem>>[vector<16xi32>, vector<16xi32>], vector<16xf32>,
        %parallel_loop3A_138 = tpu.vector_load_idx %arg6[%broadcast_in_dim3A_22, %parallel_loop3A_133] : memref<4x10112xf32, #tpu.memory_space<vmem>>[vector<16xi32>, vector<16xi32>], vector<16xf32>,
        tpu.vector_store_idx %arg9[%broadcast_in_dim3A_22, %parallel_loop3A_136], %parallel_loop3A_138 {add = true} : memref<4x10112xf32, #tpu.memory_space<vmem>>[vector<16xi32>, vector<16xi32>], vector<16xf32>,
        %parallel_loop3A_139 = tpu.vector_load_idx %arg6[%broadcast_in_dim3A_24, %parallel_loop3A_133] : memref<4x10112xf32, #tpu.memory_space<vmem>>[vector<16xi32>, vector<16xi32>], vector<16xf32>,
        tpu.vector_store_idx %arg9[%broadcast_in_dim3A_24, %parallel_loop3A_136], %parallel_loop3A_139 {add = true} : memref<4x10112xf32, #tpu.memory_space<vmem>>[vector<16xi32>, vector<16xi32>], vector<16xf32>,
        %parallel_loop3A_140 = tpu.vector_load_idx %arg6[%broadcast_in_dim3A_26, %parallel_loop3A_133] : memref<4x10112xf32, #tpu.memory_space<vmem>>[vector<16xi32>, vector<16xi32>], vector<16xf32>,
        tpu.vector_store_idx %arg9[%broadcast_in_dim3A_26, %parallel_loop3A_136], %parallel_loop3A_140 {add = true} : memref<4x10112xf32, #tpu.memory_space<vmem>>[vector<16xi32>, vector<16xi32>], vector<16xf32>,
        %parallel_loop3A_141 = arith.index_cast %parallel_loop3A_80 : i32 to index
        %parallel_loop3A_142 = arith.constant 96 : index
        %parallel_loop3A_143 = tpu.vector_load %arg7[%parallel_loop3A_141, %parallel_loop3A_142] {strides = array<i32>} : memref<16x128xi32, #tpu.memory_space<vmem>>, vector<16xi32>,
        %parallel_loop3A_144 = arith.index_cast %parallel_loop3A_80 : i32 to index
        %parallel_loop3A_145 = arith.constant 96 : index
        %parallel_loop3A_146 = tpu.vector_load %arg8[%parallel_loop3A_144, %parallel_loop3A_145] {strides = array<i32>} : memref<16x128xi32, #tpu.memory_space<vmem>>, vector<16xi32>,
        %parallel_loop3A_147 = tpu.vector_load_idx %arg6[%broadcast_in_dim3A_20, %parallel_loop3A_143] : memref<4x10112xf32, #tpu.memory_space<vmem>>[vector<16xi32>, vector<16xi32>], vector<16xf32>,
        tpu.vector_store_idx %arg9[%broadcast_in_dim3A_20, %parallel_loop3A_146], %parallel_loop3A_147 {add = true} : memref<4x10112xf32, #tpu.memory_space<vmem>>[vector<16xi32>, vector<16xi32>], vector<16xf32>,
        %parallel_loop3A_148 = tpu.vector_load_idx %arg6[%broadcast_in_dim3A_22, %parallel_loop3A_143] : memref<4x10112xf32, #tpu.memory_space<vmem>>[vector<16xi32>, vector<16xi32>], vector<16xf32>,
        tpu.vector_store_idx %arg9[%broadcast_in_dim3A_22, %parallel_loop3A_146], %parallel_loop3A_148 {add = true} : memref<4x10112xf32, #tpu.memory_space<vmem>>[vector<16xi32>, vector<16xi32>], vector<16xf32>,
        %parallel_loop3A_149 = tpu.vector_load_idx %arg6[%broadcast_in_dim3A_24, %parallel_loop3A_143] : memref<4x10112xf32, #tpu.memory_space<vmem>>[vector<16xi32>, vector<16xi32>], vector<16xf32>,
        tpu.vector_store_idx %arg9[%broadcast_in_dim3A_24, %parallel_loop3A_146], %parallel_loop3A_149 {add = true} : memref<4x10112xf32, #tpu.memory_space<vmem>>[vector<16xi32>, vector<16xi32>], vector<16xf32>,
        %parallel_loop3A_150 = tpu.vector_load_idx %arg6[%broadcast_in_dim3A_26, %parallel_loop3A_143] : memref<4x10112xf32, #tpu.memory_space<vmem>>[vector<16xi32>, vector<16xi32>], vector<16xf32>,
        tpu.vector_store_idx %arg9[%broadcast_in_dim3A_26, %parallel_loop3A_146], %parallel_loop3A_150 {add = true} : memref<4x10112xf32, #tpu.memory_space<vmem>>[vector<16xi32>, vector<16xi32>], vector<16xf32>,
        %parallel_loop3A_151 = arith.index_cast %parallel_loop3A_80 : i32 to index
        %parallel_loop3A_152 = arith.constant 112 : index
        %parallel_loop3A_153 = tpu.vector_load %arg7[%parallel_loop3A_151, %parallel_loop3A_152] {strides = array<i32>} : memref<16x128xi32, #tpu.memory_space<vmem>>, vector<16xi32>,
        %parallel_loop3A_154 = arith.index_cast %parallel_loop3A_80 : i32 to index
        %parallel_loop3A_155 = arith.constant 112 : index
        %parallel_loop3A_156 = tpu.vector_load %arg8[%parallel_loop3A_154, %parallel_loop3A_155] {strides = array<i32>} : memref<16x128xi32, #tpu.memory_space<vmem>>, vector<16xi32>,
        %parallel_loop3A_157 = tpu.vector_load_idx %arg6[%broadcast_in_dim3A_20, %parallel_loop3A_153] : memref<4x10112xf32, #tpu.memory_space<vmem>>[vector<16xi32>, vector<16xi32>], vector<16xf32>,
        tpu.vector_store_idx %arg9[%broadcast_in_dim3A_20, %parallel_loop3A_156], %parallel_loop3A_157 {add = true} : memref<4x10112xf32, #tpu.memory_space<vmem>>[vector<16xi32>, vector<16xi32>], vector<16xf32>,
        %parallel_loop3A_158 = tpu.vector_load_idx %arg6[%broadcast_in_dim3A_22, %parallel_loop3A_153] : memref<4x10112xf32, #tpu.memory_space<vmem>>[vector<16xi32>, vector<16xi32>], vector<16xf32>,
        tpu.vector_store_idx %arg9[%broadcast_in_dim3A_22, %parallel_loop3A_156], %parallel_loop3A_158 {add = true} : memref<4x10112xf32, #tpu.memory_space<vmem>>[vector<16xi32>, vector<16xi32>], vector<16xf32>,
        %parallel_loop3A_159 = tpu.vector_load_idx %arg6[%broadcast_in_dim3A_24, %parallel_loop3A_153] : memref<4x10112xf32, #tpu.memory_space<vmem>>[vector<16xi32>, vector<16xi32>], vector<16xf32>,
        tpu.vector_store_idx %arg9[%broadcast_in_dim3A_24, %parallel_loop3A_156], %parallel_loop3A_159 {add = true} : memref<4x10112xf32, #tpu.memory_space<vmem>>[vector<16xi32>, vector<16xi32>], vector<16xf32>,
        %parallel_loop3A_160 = tpu.vector_load_idx %arg6[%broadcast_in_dim3A_26, %parallel_loop3A_153] : memref<4x10112xf32, #tpu.memory_space<vmem>>[vector<16xi32>, vector<16xi32>], vector<16xf32>,
        tpu.vector_store_idx %arg9[%broadcast_in_dim3A_26, %parallel_loop3A_156], %parallel_loop3A_160 {add = true} : memref<4x10112xf32, #tpu.memory_space<vmem>>[vector<16xi32>, vector<16xi32>], vector<16xf32>,
      } {sc.loop_unroll_factor = 4 : i64, sc.parallel_access}
    }
    %while3A_70 = arith.constant 1 : i32
    scf.for %while3A_71 = %while3A_68 to %while3A_64 step %while3A_70  : i32 {
      %mul3A_72 = arith.constant 16 : i32
      %mul3A_73 = arith.muli %while3A_71, %mul3A_72 : i32
      %add3A_74 = arith.addi %select_n3A_40, %mul3A_73 : i32
      "tpu.region"() ({
        %run_scoped3A = tpu.sem_alloc : memref<!tpu.dma_semaphore, #tpu.memory_space<semaphore_mem>>
        %dma_start3A = arith.constant 0 : i32
        %dma_start3A_80 = tpu.memref_slice %arg3[%add3A_74, %dma_start3A] : memref<2560x128xi32, #tpu.memory_space<hbm>> -> memref<16x128xi32, #tpu.memory_space<hbm>>
        %dma_start3A_81 = arith.constant 0 : i32
        %dma_start3A_82 = tpu.memref_slice %arg3[%add3A_74, %dma_start3A_81] : memref<2560x128xi32, #tpu.memory_space<hbm>> -> memref<16x128xi32, #tpu.memory_space<hbm>>
        tpu.enqueue_dma source(%dma_start3A_82 : memref<16x128xi32, #tpu.memory_space<hbm>>) target(%arg7 : memref<16x128xi32, #tpu.memory_space<vmem>>) target_semaphore(%run_scoped3A : memref<!tpu.dma_semaphore, #tpu.memory_space<semaphore_mem>>)
        %dma_wait3A = arith.constant 0 : i32
        %dma_wait3A_83 = tpu.memref_slice %arg3[%add3A_74, %dma_wait3A] : memref<2560x128xi32, #tpu.memory_space<hbm>> -> memref<16x128xi32, #tpu.memory_space<hbm>>
        %dma_wait3A_84 = arith.constant 0 : i32
        %dma_wait3A_85 = tpu.memref_slice %arg3[%add3A_74, %dma_wait3A_84] : memref<2560x128xi32, #tpu.memory_space<hbm>> -> memref<16x128xi32, #tpu.memory_space<hbm>>
        tpu.wait_dma2 semaphore(%run_scoped3A : memref<!tpu.dma_semaphore, #tpu.memory_space<semaphore_mem>>) src(%dma_wait3A_85 : memref<16x128xi32, #tpu.memory_space<hbm>>) dst(%arg7 : memref<16x128xi32, #tpu.memory_space<vmem>>)
        tpu.yield
      }) : () -> ()
      %mul3A_75 = arith.constant 16 : i32
      %mul3A_76 = arith.muli %while3A_71, %mul3A_75 : i32
      %add3A_77 = arith.addi %select_n3A_40, %mul3A_76 : i32
      "tpu.region"() ({
        %run_scoped3A = tpu.sem_alloc : memref<!tpu.dma_semaphore, #tpu.memory_space<semaphore_mem>>
        %dma_start3A = arith.constant 0 : i32
        %dma_start3A_80 = tpu.memref_slice %arg4[%add3A_77, %dma_start3A] : memref<2560x128xi32, #tpu.memory_space<hbm>> -> memref<16x128xi32, #tpu.memory_space<hbm>>
        %dma_start3A_81 = arith.constant 0 : i32
        %dma_start3A_82 = tpu.memref_slice %arg4[%add3A_77, %dma_start3A_81] : memref<2560x128xi32, #tpu.memory_space<hbm>> -> memref<16x128xi32, #tpu.memory_space<hbm>>
        tpu.enqueue_dma source(%dma_start3A_82 : memref<16x128xi32, #tpu.memory_space<hbm>>) target(%arg8 : memref<16x128xi32, #tpu.memory_space<vmem>>) target_semaphore(%run_scoped3A : memref<!tpu.dma_semaphore, #tpu.memory_space<semaphore_mem>>)
        %dma_wait3A = arith.constant 0 : i32
        %dma_wait3A_83 = tpu.memref_slice %arg4[%add3A_77, %dma_wait3A] : memref<2560x128xi32, #tpu.memory_space<hbm>> -> memref<16x128xi32, #tpu.memory_space<hbm>>
        %dma_wait3A_84 = arith.constant 0 : i32
        %dma_wait3A_85 = tpu.memref_slice %arg4[%add3A_77, %dma_wait3A_84] : memref<2560x128xi32, #tpu.memory_space<hbm>> -> memref<16x128xi32, #tpu.memory_space<hbm>>
        tpu.wait_dma2 semaphore(%run_scoped3A : memref<!tpu.dma_semaphore, #tpu.memory_space<semaphore_mem>>) src(%dma_wait3A_85 : memref<16x128xi32, #tpu.memory_space<hbm>>) dst(%arg8 : memref<16x128xi32, #tpu.memory_space<vmem>>)
        tpu.yield
      }) : () -> ()
      %parallel_loop3A = arith.constant 0 : i32
      %parallel_loop3A_78 = arith.constant 16 : i32
      %parallel_loop3A_79 = arith.constant 1 : i32
      scf.for %parallel_loop3A_80 = %parallel_loop3A to %parallel_loop3A_78 step %parallel_loop3A_79  : i32 {
        %parallel_loop3A_81 = arith.index_cast %parallel_loop3A_80 : i32 to index
        %parallel_loop3A_82 = arith.constant 0 : index
        %parallel_loop3A_83 = tpu.vector_load %arg7[%parallel_loop3A_81, %parallel_loop3A_82] {strides = array<i32>} : memref<16x128xi32, #tpu.memory_space<vmem>>, vector<16xi32>,
        %parallel_loop3A_84 = arith.index_cast %parallel_loop3A_80 : i32 to index
        %parallel_loop3A_85 = arith.constant 0 : index
        %parallel_loop3A_86 = tpu.vector_load %arg8[%parallel_loop3A_84, %parallel_loop3A_85] {strides = array<i32>} : memref<16x128xi32, #tpu.memory_space<vmem>>, vector<16xi32>,
        %parallel_loop3A_87 = tpu.vector_load_idx %arg6[%broadcast_in_dim3A_20, %parallel_loop3A_83] : memref<4x10112xf32, #tpu.memory_space<vmem>>[vector<16xi32>, vector<16xi32>], vector<16xf32>,
        tpu.vector_store_idx %arg9[%broadcast_in_dim3A_20, %parallel_loop3A_86], %parallel_loop3A_87 {add = true} : memref<4x10112xf32, #tpu.memory_space<vmem>>[vector<16xi32>, vector<16xi32>], vector<16xf32>,
        %parallel_loop3A_88 = tpu.vector_load_idx %arg6[%broadcast_in_dim3A_22, %parallel_loop3A_83] : memref<4x10112xf32, #tpu.memory_space<vmem>>[vector<16xi32>, vector<16xi32>], vector<16xf32>,
        tpu.vector_store_idx %arg9[%broadcast_in_dim3A_22, %parallel_loop3A_86], %parallel_loop3A_88 {add = true} : memref<4x10112xf32, #tpu.memory_space<vmem>>[vector<16xi32>, vector<16xi32>], vector<16xf32>,
        %parallel_loop3A_89 = tpu.vector_load_idx %arg6[%broadcast_in_dim3A_24, %parallel_loop3A_83] : memref<4x10112xf32, #tpu.memory_space<vmem>>[vector<16xi32>, vector<16xi32>], vector<16xf32>,
        tpu.vector_store_idx %arg9[%broadcast_in_dim3A_24, %parallel_loop3A_86], %parallel_loop3A_89 {add = true} : memref<4x10112xf32, #tpu.memory_space<vmem>>[vector<16xi32>, vector<16xi32>], vector<16xf32>,
        %parallel_loop3A_90 = tpu.vector_load_idx %arg6[%broadcast_in_dim3A_26, %parallel_loop3A_83] : memref<4x10112xf32, #tpu.memory_space<vmem>>[vector<16xi32>, vector<16xi32>], vector<16xf32>,
        tpu.vector_store_idx %arg9[%broadcast_in_dim3A_26, %parallel_loop3A_86], %parallel_loop3A_90 {add = true} : memref<4x10112xf32, #tpu.memory_space<vmem>>[vector<16xi32>, vector<16xi32>], vector<16xf32>,
        %parallel_loop3A_91 = arith.index_cast %parallel_loop3A_80 : i32 to index
        %parallel_loop3A_92 = arith.constant 16 : index
        %parallel_loop3A_93 = tpu.vector_load %arg7[%parallel_loop3A_91, %parallel_loop3A_92] {strides = array<i32>} : memref<16x128xi32, #tpu.memory_space<vmem>>, vector<16xi32>,
        %parallel_loop3A_94 = arith.index_cast %parallel_loop3A_80 : i32 to index
        %parallel_loop3A_95 = arith.constant 16 : index
        %parallel_loop3A_96 = tpu.vector_load %arg8[%parallel_loop3A_94, %parallel_loop3A_95] {strides = array<i32>} : memref<16x128xi32, #tpu.memory_space<vmem>>, vector<16xi32>,
        %parallel_loop3A_97 = tpu.vector_load_idx %arg6[%broadcast_in_dim3A_20, %parallel_loop3A_93] : memref<4x10112xf32, #tpu.memory_space<vmem>>[vector<16xi32>, vector<16xi32>], vector<16xf32>,
        tpu.vector_store_idx %arg9[%broadcast_in_dim3A_20, %parallel_loop3A_96], %parallel_loop3A_97 {add = true} : memref<4x10112xf32, #tpu.memory_space<vmem>>[vector<16xi32>, vector<16xi32>], vector<16xf32>,
        %parallel_loop3A_98 = tpu.vector_load_idx %arg6[%broadcast_in_dim3A_22, %parallel_loop3A_93] : memref<4x10112xf32, #tpu.memory_space<vmem>>[vector<16xi32>, vector<16xi32>], vector<16xf32>,
        tpu.vector_store_idx %arg9[%broadcast_in_dim3A_22, %parallel_loop3A_96], %parallel_loop3A_98 {add = true} : memref<4x10112xf32, #tpu.memory_space<vmem>>[vector<16xi32>, vector<16xi32>], vector<16xf32>,
        %parallel_loop3A_99 = tpu.vector_load_idx %arg6[%broadcast_in_dim3A_24, %parallel_loop3A_93] : memref<4x10112xf32, #tpu.memory_space<vmem>>[vector<16xi32>, vector<16xi32>], vector<16xf32>,
        tpu.vector_store_idx %arg9[%broadcast_in_dim3A_24, %parallel_loop3A_96], %parallel_loop3A_99 {add = true} : memref<4x10112xf32, #tpu.memory_space<vmem>>[vector<16xi32>, vector<16xi32>], vector<16xf32>,
        %parallel_loop3A_100 = tpu.vector_load_idx %arg6[%broadcast_in_dim3A_26, %parallel_loop3A_93] : memref<4x10112xf32, #tpu.memory_space<vmem>>[vector<16xi32>, vector<16xi32>], vector<16xf32>,
        tpu.vector_store_idx %arg9[%broadcast_in_dim3A_26, %parallel_loop3A_96], %parallel_loop3A_100 {add = true} : memref<4x10112xf32, #tpu.memory_space<vmem>>[vector<16xi32>, vector<16xi32>], vector<16xf32>,
        %parallel_loop3A_101 = arith.index_cast %parallel_loop3A_80 : i32 to index
        %parallel_loop3A_102 = arith.constant 32 : index
        %parallel_loop3A_103 = tpu.vector_load %arg7[%parallel_loop3A_101, %parallel_loop3A_102] {strides = array<i32>} : memref<16x128xi32, #tpu.memory_space<vmem>>, vector<16xi32>,
        %parallel_loop3A_104 = arith.index_cast %parallel_loop3A_80 : i32 to index
        %parallel_loop3A_105 = arith.constant 32 : index
        %parallel_loop3A_106 = tpu.vector_load %arg8[%parallel_loop3A_104, %parallel_loop3A_105] {strides = array<i32>} : memref<16x128xi32, #tpu.memory_space<vmem>>, vector<16xi32>,
        %parallel_loop3A_107 = tpu.vector_load_idx %arg6[%broadcast_in_dim3A_20, %parallel_loop3A_103] : memref<4x10112xf32, #tpu.memory_space<vmem>>[vector<16xi32>, vector<16xi32>], vector<16xf32>,
        tpu.vector_store_idx %arg9[%broadcast_in_dim3A_20, %parallel_loop3A_106], %parallel_loop3A_107 {add = true} : memref<4x10112xf32, #tpu.memory_space<vmem>>[vector<16xi32>, vector<16xi32>], vector<16xf32>,
        %parallel_loop3A_108 = tpu.vector_load_idx %arg6[%broadcast_in_dim3A_22, %parallel_loop3A_103] : memref<4x10112xf32, #tpu.memory_space<vmem>>[vector<16xi32>, vector<16xi32>], vector<16xf32>,
        tpu.vector_store_idx %arg9[%broadcast_in_dim3A_22, %parallel_loop3A_106], %parallel_loop3A_108 {add = true} : memref<4x10112xf32, #tpu.memory_space<vmem>>[vector<16xi32>, vector<16xi32>], vector<16xf32>,
        %parallel_loop3A_109 = tpu.vector_load_idx %arg6[%broadcast_in_dim3A_24, %parallel_loop3A_103] : memref<4x10112xf32, #tpu.memory_space<vmem>>[vector<16xi32>, vector<16xi32>], vector<16xf32>,
        tpu.vector_store_idx %arg9[%broadcast_in_dim3A_24, %parallel_loop3A_106], %parallel_loop3A_109 {add = true} : memref<4x10112xf32, #tpu.memory_space<vmem>>[vector<16xi32>, vector<16xi32>], vector<16xf32>,
        %parallel_loop3A_110 = tpu.vector_load_idx %arg6[%broadcast_in_dim3A_26, %parallel_loop3A_103] : memref<4x10112xf32, #tpu.memory_space<vmem>>[vector<16xi32>, vector<16xi32>], vector<16xf32>,
        tpu.vector_store_idx %arg9[%broadcast_in_dim3A_26, %parallel_loop3A_106], %parallel_loop3A_110 {add = true} : memref<4x10112xf32, #tpu.memory_space<vmem>>[vector<16xi32>, vector<16xi32>], vector<16xf32>,
        %parallel_loop3A_111 = arith.index_cast %parallel_loop3A_80 : i32 to index
        %parallel_loop3A_112 = arith.constant 48 : index
        %parallel_loop3A_113 = tpu.vector_load %arg7[%parallel_loop3A_111, %parallel_loop3A_112] {strides = array<i32>} : memref<16x128xi32, #tpu.memory_space<vmem>>, vector<16xi32>,
        %parallel_loop3A_114 = arith.index_cast %parallel_loop3A_80 : i32 to index
        %parallel_loop3A_115 = arith.constant 48 : index
        %parallel_loop3A_116 = tpu.vector_load %arg8[%parallel_loop3A_114, %parallel_loop3A_115] {strides = array<i32>} : memref<16x128xi32, #tpu.memory_space<vmem>>, vector<16xi32>,
        %parallel_loop3A_117 = tpu.vector_load_idx %arg6[%broadcast_in_dim3A_20, %parallel_loop3A_113] : memref<4x10112xf32, #tpu.memory_space<vmem>>[vector<16xi32>, vector<16xi32>], vector<16xf32>,
        tpu.vector_store_idx %arg9[%broadcast_in_dim3A_20, %parallel_loop3A_116], %parallel_loop3A_117 {add = true} : memref<4x10112xf32, #tpu.memory_space<vmem>>[vector<16xi32>, vector<16xi32>], vector<16xf32>,
        %parallel_loop3A_118 = tpu.vector_load_idx %arg6[%broadcast_in_dim3A_22, %parallel_loop3A_113] : memref<4x10112xf32, #tpu.memory_space<vmem>>[vector<16xi32>, vector<16xi32>], vector<16xf32>,
        tpu.vector_store_idx %arg9[%broadcast_in_dim3A_22, %parallel_loop3A_116], %parallel_loop3A_118 {add = true} : memref<4x10112xf32, #tpu.memory_space<vmem>>[vector<16xi32>, vector<16xi32>], vector<16xf32>,
        %parallel_loop3A_119 = tpu.vector_load_idx %arg6[%broadcast_in_dim3A_24, %parallel_loop3A_113] : memref<4x10112xf32, #tpu.memory_space<vmem>>[vector<16xi32>, vector<16xi32>], vector<16xf32>,
        tpu.vector_store_idx %arg9[%broadcast_in_dim3A_24, %parallel_loop3A_116], %parallel_loop3A_119 {add = true} : memref<4x10112xf32, #tpu.memory_space<vmem>>[vector<16xi32>, vector<16xi32>], vector<16xf32>,
        %parallel_loop3A_120 = tpu.vector_load_idx %arg6[%broadcast_in_dim3A_26, %parallel_loop3A_113] : memref<4x10112xf32, #tpu.memory_space<vmem>>[vector<16xi32>, vector<16xi32>], vector<16xf32>,
        tpu.vector_store_idx %arg9[%broadcast_in_dim3A_26, %parallel_loop3A_116], %parallel_loop3A_120 {add = true} : memref<4x10112xf32, #tpu.memory_space<vmem>>[vector<16xi32>, vector<16xi32>], vector<16xf32>,
        %parallel_loop3A_121 = arith.index_cast %parallel_loop3A_80 : i32 to index
        %parallel_loop3A_122 = arith.constant 64 : index
        %parallel_loop3A_123 = tpu.vector_load %arg7[%parallel_loop3A_121, %parallel_loop3A_122] {strides = array<i32>} : memref<16x128xi32, #tpu.memory_space<vmem>>, vector<16xi32>,
        %parallel_loop3A_124 = arith.index_cast %parallel_loop3A_80 : i32 to index
        %parallel_loop3A_125 = arith.constant 64 : index
        %parallel_loop3A_126 = tpu.vector_load %arg8[%parallel_loop3A_124, %parallel_loop3A_125] {strides = array<i32>} : memref<16x128xi32, #tpu.memory_space<vmem>>, vector<16xi32>,
        %parallel_loop3A_127 = tpu.vector_load_idx %arg6[%broadcast_in_dim3A_20, %parallel_loop3A_123] : memref<4x10112xf32, #tpu.memory_space<vmem>>[vector<16xi32>, vector<16xi32>], vector<16xf32>,
        tpu.vector_store_idx %arg9[%broadcast_in_dim3A_20, %parallel_loop3A_126], %parallel_loop3A_127 {add = true} : memref<4x10112xf32, #tpu.memory_space<vmem>>[vector<16xi32>, vector<16xi32>], vector<16xf32>,
        %parallel_loop3A_128 = tpu.vector_load_idx %arg6[%broadcast_in_dim3A_22, %parallel_loop3A_123] : memref<4x10112xf32, #tpu.memory_space<vmem>>[vector<16xi32>, vector<16xi32>], vector<16xf32>,
        tpu.vector_store_idx %arg9[%broadcast_in_dim3A_22, %parallel_loop3A_126], %parallel_loop3A_128 {add = true} : memref<4x10112xf32, #tpu.memory_space<vmem>>[vector<16xi32>, vector<16xi32>], vector<16xf32>,
        %parallel_loop3A_129 = tpu.vector_load_idx %arg6[%broadcast_in_dim3A_24, %parallel_loop3A_123] : memref<4x10112xf32, #tpu.memory_space<vmem>>[vector<16xi32>, vector<16xi32>], vector<16xf32>,
        tpu.vector_store_idx %arg9[%broadcast_in_dim3A_24, %parallel_loop3A_126], %parallel_loop3A_129 {add = true} : memref<4x10112xf32, #tpu.memory_space<vmem>>[vector<16xi32>, vector<16xi32>], vector<16xf32>,
        %parallel_loop3A_130 = tpu.vector_load_idx %arg6[%broadcast_in_dim3A_26, %parallel_loop3A_123] : memref<4x10112xf32, #tpu.memory_space<vmem>>[vector<16xi32>, vector<16xi32>], vector<16xf32>,
        tpu.vector_store_idx %arg9[%broadcast_in_dim3A_26, %parallel_loop3A_126], %parallel_loop3A_130 {add = true} : memref<4x10112xf32, #tpu.memory_space<vmem>>[vector<16xi32>, vector<16xi32>], vector<16xf32>,
        %parallel_loop3A_131 = arith.index_cast %parallel_loop3A_80 : i32 to index
        %parallel_loop3A_132 = arith.constant 80 : index
        %parallel_loop3A_133 = tpu.vector_load %arg7[%parallel_loop3A_131, %parallel_loop3A_132] {strides = array<i32>} : memref<16x128xi32, #tpu.memory_space<vmem>>, vector<16xi32>,
        %parallel_loop3A_134 = arith.index_cast %parallel_loop3A_80 : i32 to index
        %parallel_loop3A_135 = arith.constant 80 : index
        %parallel_loop3A_136 = tpu.vector_load %arg8[%parallel_loop3A_134, %parallel_loop3A_135] {strides = array<i32>} : memref<16x128xi32, #tpu.memory_space<vmem>>, vector<16xi32>,
        %parallel_loop3A_137 = tpu.vector_load_idx %arg6[%broadcast_in_dim3A_20, %parallel_loop3A_133] : memref<4x10112xf32, #tpu.memory_space<vmem>>[vector<16xi32>, vector<16xi32>], vector<16xf32>,
        tpu.vector_store_idx %arg9[%broadcast_in_dim3A_20, %parallel_loop3A_136], %parallel_loop3A_137 {add = true} : memref<4x10112xf32, #tpu.memory_space<vmem>>[vector<16xi32>, vector<16xi32>], vector<16xf32>,
        %parallel_loop3A_138 = tpu.vector_load_idx %arg6[%broadcast_in_dim3A_22, %parallel_loop3A_133] : memref<4x10112xf32, #tpu.memory_space<vmem>>[vector<16xi32>, vector<16xi32>], vector<16xf32>,
        tpu.vector_store_idx %arg9[%broadcast_in_dim3A_22, %parallel_loop3A_136], %parallel_loop3A_138 {add = true} : memref<4x10112xf32, #tpu.memory_space<vmem>>[vector<16xi32>, vector<16xi32>], vector<16xf32>,
        %parallel_loop3A_139 = tpu.vector_load_idx %arg6[%broadcast_in_dim3A_24, %parallel_loop3A_133] : memref<4x10112xf32, #tpu.memory_space<vmem>>[vector<16xi32>, vector<16xi32>], vector<16xf32>,
        tpu.vector_store_idx %arg9[%broadcast_in_dim3A_24, %parallel_loop3A_136], %parallel_loop3A_139 {add = true} : memref<4x10112xf32, #tpu.memory_space<vmem>>[vector<16xi32>, vector<16xi32>], vector<16xf32>,
        %parallel_loop3A_140 = tpu.vector_load_idx %arg6[%broadcast_in_dim3A_26, %parallel_loop3A_133] : memref<4x10112xf32, #tpu.memory_space<vmem>>[vector<16xi32>, vector<16xi32>], vector<16xf32>,
        tpu.vector_store_idx %arg9[%broadcast_in_dim3A_26, %parallel_loop3A_136], %parallel_loop3A_140 {add = true} : memref<4x10112xf32, #tpu.memory_space<vmem>>[vector<16xi32>, vector<16xi32>], vector<16xf32>,
        %parallel_loop3A_141 = arith.index_cast %parallel_loop3A_80 : i32 to index
        %parallel_loop3A_142 = arith.constant 96 : index
        %parallel_loop3A_143 = tpu.vector_load %arg7[%parallel_loop3A_141, %parallel_loop3A_142] {strides = array<i32>} : memref<16x128xi32, #tpu.memory_space<vmem>>, vector<16xi32>,
        %parallel_loop3A_144 = arith.index_cast %parallel_loop3A_80 : i32 to index
        %parallel_loop3A_145 = arith.constant 96 : index
        %parallel_loop3A_146 = tpu.vector_load %arg8[%parallel_loop3A_144, %parallel_loop3A_145] {strides = array<i32>} : memref<16x128xi32, #tpu.memory_space<vmem>>, vector<16xi32>,
        %parallel_loop3A_147 = tpu.vector_load_idx %arg6[%broadcast_in_dim3A_20, %parallel_loop3A_143] : memref<4x10112xf32, #tpu.memory_space<vmem>>[vector<16xi32>, vector<16xi32>], vector<16xf32>,
        tpu.vector_store_idx %arg9[%broadcast_in_dim3A_20, %parallel_loop3A_146], %parallel_loop3A_147 {add = true} : memref<4x10112xf32, #tpu.memory_space<vmem>>[vector<16xi32>, vector<16xi32>], vector<16xf32>,
        %parallel_loop3A_148 = tpu.vector_load_idx %arg6[%broadcast_in_dim3A_22, %parallel_loop3A_143] : memref<4x10112xf32, #tpu.memory_space<vmem>>[vector<16xi32>, vector<16xi32>], vector<16xf32>,
        tpu.vector_store_idx %arg9[%broadcast_in_dim3A_22, %parallel_loop3A_146], %parallel_loop3A_148 {add = true} : memref<4x10112xf32, #tpu.memory_space<vmem>>[vector<16xi32>, vector<16xi32>], vector<16xf32>,
        %parallel_loop3A_149 = tpu.vector_load_idx %arg6[%broadcast_in_dim3A_24, %parallel_loop3A_143] : memref<4x10112xf32, #tpu.memory_space<vmem>>[vector<16xi32>, vector<16xi32>], vector<16xf32>,
        tpu.vector_store_idx %arg9[%broadcast_in_dim3A_24, %parallel_loop3A_146], %parallel_loop3A_149 {add = true} : memref<4x10112xf32, #tpu.memory_space<vmem>>[vector<16xi32>, vector<16xi32>], vector<16xf32>,
        %parallel_loop3A_150 = tpu.vector_load_idx %arg6[%broadcast_in_dim3A_26, %parallel_loop3A_143] : memref<4x10112xf32, #tpu.memory_space<vmem>>[vector<16xi32>, vector<16xi32>], vector<16xf32>,
        tpu.vector_store_idx %arg9[%broadcast_in_dim3A_26, %parallel_loop3A_146], %parallel_loop3A_150 {add = true} : memref<4x10112xf32, #tpu.memory_space<vmem>>[vector<16xi32>, vector<16xi32>], vector<16xf32>,
        %parallel_loop3A_151 = arith.index_cast %parallel_loop3A_80 : i32 to index
        %parallel_loop3A_152 = arith.constant 112 : index
        %parallel_loop3A_153 = tpu.vector_load %arg7[%parallel_loop3A_151, %parallel_loop3A_152] {strides = array<i32>} : memref<16x128xi32, #tpu.memory_space<vmem>>, vector<16xi32>,
        %parallel_loop3A_154 = arith.index_cast %parallel_loop3A_80 : i32 to index
        %parallel_loop3A_155 = arith.constant 112 : index
        %parallel_loop3A_156 = tpu.vector_load %arg8[%parallel_loop3A_154, %parallel_loop3A_155] {strides = array<i32>} : memref<16x128xi32, #tpu.memory_space<vmem>>, vector<16xi32>,
        %parallel_loop3A_157 = tpu.vector_load_idx %arg6[%broadcast_in_dim3A_20, %parallel_loop3A_153] : memref<4x10112xf32, #tpu.memory_space<vmem>>[vector<16xi32>, vector<16xi32>], vector<16xf32>,
        tpu.vector_store_idx %arg9[%broadcast_in_dim3A_20, %parallel_loop3A_156], %parallel_loop3A_157 {add = true} : memref<4x10112xf32, #tpu.memory_space<vmem>>[vector<16xi32>, vector<16xi32>], vector<16xf32>,
        %parallel_loop3A_158 = tpu.vector_load_idx %arg6[%broadcast_in_dim3A_22, %parallel_loop3A_153] : memref<4x10112xf32, #tpu.memory_space<vmem>>[vector<16xi32>, vector<16xi32>], vector<16xf32>,
        tpu.vector_store_idx %arg9[%broadcast_in_dim3A_22, %parallel_loop3A_156], %parallel_loop3A_158 {add = true} : memref<4x10112xf32, #tpu.memory_space<vmem>>[vector<16xi32>, vector<16xi32>], vector<16xf32>,
        %parallel_loop3A_159 = tpu.vector_load_idx %arg6[%broadcast_in_dim3A_24, %parallel_loop3A_153] : memref<4x10112xf32, #tpu.memory_space<vmem>>[vector<16xi32>, vector<16xi32>], vector<16xf32>,
        tpu.vector_store_idx %arg9[%broadcast_in_dim3A_24, %parallel_loop3A_156], %parallel_loop3A_159 {add = true} : memref<4x10112xf32, #tpu.memory_space<vmem>>[vector<16xi32>, vector<16xi32>], vector<16xf32>,
        %parallel_loop3A_160 = tpu.vector_load_idx %arg6[%broadcast_in_dim3A_26, %parallel_loop3A_153] : memref<4x10112xf32, #tpu.memory_space<vmem>>[vector<16xi32>, vector<16xi32>], vector<16xf32>,
        tpu.vector_store_idx %arg9[%broadcast_in_dim3A_26, %parallel_loop3A_156], %parallel_loop3A_160 {add = true} : memref<4x10112xf32, #tpu.memory_space<vmem>>[vector<16xi32>, vector<16xi32>], vector<16xf32>,
      } {sc.loop_unroll_factor = 4 : i64, sc.parallel_access}
    }
    "tpu.region"() ({
      %run_scoped3A = tpu.sem_alloc : memref<!tpu.dma_semaphore, #tpu.memory_space<semaphore_mem>>
      %dma_start3A = arith.constant 0 : i32
      %dma_start3A_71 = arith.constant 0 : i32
      %dma_start3A_72 = tpu.memref_slice %arg5[%add3A, %dma_start3A, %dma_start3A_71] : memref<32x4x10112xf32, #tpu.memory_space<hbm>> -> memref<1x4x10112xf32, #tpu.memory_space<hbm>>
      %dma_start3A_73 = tpu.memref_squeeze %dma_start3A_72 : memref<1x4x10112xf32, #tpu.memory_space<hbm>> -> memref<4x10112xf32, #tpu.memory_space<hbm>>
      %dma_start3A_74 = arith.constant 0 : i32
      %dma_start3A_75 = arith.constant 0 : i32
      %dma_start3A_76 = tpu.memref_slice %arg5[%add3A, %dma_start3A_74, %dma_start3A_75] : memref<32x4x10112xf32, #tpu.memory_space<hbm>> -> memref<1x4x10112xf32, #tpu.memory_space<hbm>>
      %dma_start3A_77 = tpu.memref_squeeze %dma_start3A_76 : memref<1x4x10112xf32, #tpu.memory_space<hbm>> -> memref<4x10112xf32, #tpu.memory_space<hbm>>
      tpu.enqueue_dma source(%arg9 : memref<4x10112xf32, #tpu.memory_space<vmem>>) target(%dma_start3A_77 : memref<4x10112xf32, #tpu.memory_space<hbm>>) target_semaphore(%run_scoped3A : memref<!tpu.dma_semaphore, #tpu.memory_space<semaphore_mem>>)
      %dma_wait3A = arith.constant 0 : i32
      %dma_wait3A_78 = arith.constant 0 : i32
      %dma_wait3A_79 = tpu.memref_slice %arg5[%add3A, %dma_wait3A, %dma_wait3A_78] : memref<32x4x10112xf32, #tpu.memory_space<hbm>> -> memref<1x4x10112xf32, #tpu.memory_space<hbm>>
      %dma_wait3A_80 = tpu.memref_squeeze %dma_wait3A_79 : memref<1x4x10112xf32, #tpu.memory_space<hbm>> -> memref<4x10112xf32, #tpu.memory_space<hbm>>
      %dma_wait3A_81 = arith.constant 0 : i32
      %dma_wait3A_82 = arith.constant 0 : i32
      %dma_wait3A_83 = tpu.memref_slice %arg5[%add3A, %dma_wait3A_81, %dma_wait3A_82] : memref<32x4x10112xf32, #tpu.memory_space<hbm>> -> memref<1x4x10112xf32, #tpu.memory_space<hbm>>
      %dma_wait3A_84 = tpu.memref_squeeze %dma_wait3A_83 : memref<1x4x10112xf32, #tpu.memory_space<hbm>> -> memref<4x10112xf32, #tpu.memory_space<hbm>>
      tpu.wait_dma2 semaphore(%run_scoped3A : memref<!tpu.dma_semaphore, #tpu.memory_space<semaphore_mem>>) src(%arg9 : memref<4x10112xf32, #tpu.memory_space<vmem>>) dst(%dma_wait3A_84 : memref<4x10112xf32, #tpu.memory_space<hbm>>)
      tpu.yield
    }) : () -> ()
    return
  }
}

module attributes {stable_mosaic.version = 14 : i64} {
  func.func @_tc1_body(%arg0: memref<10112x128xf32, #tpu.memory_space<vmem>>, %arg1: memref<4x128xf32, #tpu.memory_space<vmem>>, %arg2: memref<32x10112xf32, #tpu.memory_space<vmem>>, %arg3: memref<4x4x10112xf32, #tpu.memory_space<vmem>>, %arg4: memref<1x10112xf32, #tpu.memory_space<vmem>>, %arg5: memref<1x10112xf32, #tpu.memory_space<vmem>>) attributes {dimension_semantics = [], scalar_prefetch = 0 : i64, scratch_operands = 0 : i64, tpu.core_type = #tpu.core_type<tc>} {
    %get3A = arith.constant 0 : index
    %get3A_0 = arith.constant 0 : index
    %get3A_1 = vector.load %arg2[%get3A, %get3A_0] : memref<32x10112xf32, #tpu.memory_space<vmem>>, vector<32x10112xf32>
    %slice3A = vector.extract_strided_slice %get3A_1 {offsets = [0, 0], sizes = [16, 10112], strides = [1, 1]} : vector<32x10112xf32> to vector<16x10112xf32>
    %reduce_sum3A = arith.constant dense<0.000000e+00> : vector<10112xf32>
    %reduce_sum3A_2 = vector.multi_reduction <add>, %slice3A, %reduce_sum3A [0] : vector<16x10112xf32> to vector<10112xf32>
    %broadcast_in_dim3A = vector.shape_cast %reduce_sum3A_2 : vector<10112xf32> to vector<1x10112xf32>
    %slice3A_3 = vector.extract_strided_slice %get3A_1 {offsets = [16, 0], sizes = [16, 10112], strides = [1, 1]} : vector<32x10112xf32> to vector<16x10112xf32>
    %reduce_sum3A_4 = arith.constant dense<0.000000e+00> : vector<10112xf32>
    %reduce_sum3A_5 = vector.multi_reduction <add>, %slice3A_3, %reduce_sum3A_4 [0] : vector<16x10112xf32> to vector<10112xf32>
    %broadcast_in_dim3A_6 = vector.shape_cast %reduce_sum3A_5 : vector<10112xf32> to vector<1x10112xf32>
    %gt3A = arith.constant 0.000000e+00 : f32
    %gt3A_7 = vector.broadcast %gt3A : f32 to vector<1x10112xf32>
    %gt3A_8 = arith.cmpf ogt, %broadcast_in_dim3A, %gt3A_7 : vector<1x10112xf32>
    %max3A = arith.constant 1.000000e+00 : f32
    %max3A_9 = vector.broadcast %max3A : f32 to vector<1x10112xf32>
    %max3A_10 = arith.maximumf %broadcast_in_dim3A, %max3A_9 : vector<1x10112xf32>
    %rsqrt3A = math.rsqrt %max3A_10 : vector<1x10112xf32>
    %jit3A = arith.constant 0.000000e+00 : f32
    %broadcast_in_dim3A_11 = vector.broadcast %jit3A : f32 to vector<1x10112xf32>
    %select_n3A = arith.select %gt3A_8, %rsqrt3A, %broadcast_in_dim3A_11 : vector<1x10112xi1>, vector<1x10112xf32>
    %gt3A_12 = arith.constant 0.000000e+00 : f32
    %gt3A_13 = vector.broadcast %gt3A_12 : f32 to vector<1x10112xf32>
    %gt3A_14 = arith.cmpf ogt, %broadcast_in_dim3A_6, %gt3A_13 : vector<1x10112xf32>
    %max3A_15 = arith.constant 1.000000e+00 : f32
    %max3A_16 = vector.broadcast %max3A_15 : f32 to vector<1x10112xf32>
    %max3A_17 = arith.maximumf %broadcast_in_dim3A_6, %max3A_16 : vector<1x10112xf32>
    %rsqrt3A_18 = math.rsqrt %max3A_17 : vector<1x10112xf32>
    %jit3A_19 = arith.constant 0.000000e+00 : f32
    %broadcast_in_dim3A_20 = vector.broadcast %jit3A_19 : f32 to vector<1x10112xf32>
    %select_n3A_21 = arith.select %gt3A_14, %rsqrt3A_18, %broadcast_in_dim3A_20 : vector<1x10112xi1>, vector<1x10112xf32>
    %get3A_22 = arith.constant 0 : index
    %get3A_23 = arith.constant 0 : index
    %get3A_24 = vector.load %arg1[%get3A_22, %get3A_23] : memref<4x128xf32, #tpu.memory_space<vmem>>, vector<4x128xf32>
    %get3A_25 = arith.constant 0 : index
    %get3A_26 = arith.constant 0 : index
    %get3A_27 = vector.load %arg0[%get3A_25, %get3A_26] : memref<10112x128xf32, #tpu.memory_space<vmem>>, vector<10112x128xf32>
    %dot_general3A = arith.constant dense<0.000000e+00> : vector<4x10112xf32>
    %dot_general3A_28 = tpu.matmul %get3A_24, %get3A_27, %dot_general3A {dimension_numbers = #tpu.dot_dimension_numbers<[1], [1], [0], [0], [0, 0, 1, 0], [], []>, transpose_lhs_hint = false} : vector<4x128xf32>, vector<10112x128xf32>, vector<4x10112xf32> -> vector<4x10112xf32>
    %mul3A = vector.broadcast %select_n3A : vector<1x10112xf32> to vector<4x10112xf32>
    %mul3A_29 = arith.mulf %dot_general3A_28, %mul3A : vector<4x10112xf32>
    %broadcast_in_dim3A_30 = vector.shape_cast %mul3A_29 : vector<4x10112xf32> to vector<1x4x10112xf32>
    %broadcast_in_dim3A_31 = vector.shape_cast %broadcast_in_dim3A_30 : vector<1x4x10112xf32> to vector<1x4x10112xf32>
    %broadcast_in_dim3A_32 = vector.broadcast %broadcast_in_dim3A_31 : vector<1x4x10112xf32> to vector<4x4x10112xf32>
    %swap3A = arith.constant 0 : index
    %swap3A_33 = arith.constant 0 : index
    %swap3A_34 = arith.constant 0 : index
    %swap3A_35 = vector.load %arg3[%swap3A, %swap3A_33, %swap3A_34] : memref<4x4x10112xf32, #tpu.memory_space<vmem>>, vector<4x4x10112xf32>
    tpu.vector_store %arg3[%swap3A, %swap3A_33, %swap3A_34], %broadcast_in_dim3A_32 {strides = array<i32>} : memref<4x4x10112xf32, #tpu.memory_space<vmem>>, vector<4x4x10112xf32>,
    %swap3A_36 = arith.constant 0 : index
    %swap3A_37 = arith.constant 0 : index
    %swap3A_38 = vector.load %arg4[%swap3A_36, %swap3A_37] : memref<1x10112xf32, #tpu.memory_space<vmem>>, vector<1x10112xf32>
    tpu.vector_store %arg4[%swap3A_36, %swap3A_37], %select_n3A {strides = array<i32>} : memref<1x10112xf32, #tpu.memory_space<vmem>>, vector<1x10112xf32>,
    %swap3A_39 = arith.constant 0 : index
    %swap3A_40 = arith.constant 0 : index
    %swap3A_41 = vector.load %arg5[%swap3A_39, %swap3A_40] : memref<1x10112xf32, #tpu.memory_space<vmem>>, vector<1x10112xf32>
    tpu.vector_store %arg5[%swap3A_39, %swap3A_40], %select_n3A_21 {strides = array<i32>} : memref<1x10112xf32, #tpu.memory_space<vmem>>, vector<1x10112xf32>,
    return
  }
}

module attributes {stable_mosaic.version = 14 : i64} {
  func.func @_tc2_body(%arg0: memref<32x4x10112xf32, #tpu.memory_space<vmem>>, %arg1: memref<1x10112xf32, #tpu.memory_space<vmem>>, %arg2: memref<1x10112xf32, #tpu.memory_space<vmem>>, %arg3: memref<4x1xf32, #tpu.memory_space<vmem>>, %arg4: memref<4x4x10112xf32, #tpu.memory_space<vmem>>) attributes {dimension_semantics = [], scalar_prefetch = 0 : i64, scratch_operands = 0 : i64, tpu.core_type = #tpu.core_type<tc>} {
    %get3A = arith.constant 0 : index
    %get3A_0 = arith.constant 0 : index
    %get3A_1 = arith.constant 0 : index
    %get3A_2 = vector.load %arg0[%get3A, %get3A_0, %get3A_1] : memref<32x4x10112xf32, #tpu.memory_space<vmem>>, vector<32x4x10112xf32>
    %reduce_sum3A = arith.constant dense<0.000000e+00> : vector<4x10112xf32>
    %reduce_sum3A_3 = vector.multi_reduction <add>, %get3A_2, %reduce_sum3A [0] : vector<32x4x10112xf32> to vector<4x10112xf32>
    %get3A_4 = arith.constant 0 : index
    %get3A_5 = arith.constant 0 : index
    %get3A_6 = vector.load %arg2[%get3A_4, %get3A_5] : memref<1x10112xf32, #tpu.memory_space<vmem>>, vector<1x10112xf32>
    %mul3A = vector.broadcast %get3A_6 : vector<1x10112xf32> to vector<4x10112xf32>
    %mul3A_7 = arith.mulf %reduce_sum3A_3, %mul3A : vector<4x10112xf32>
    %get3A_8 = arith.constant 0 : index
    %get3A_9 = arith.constant 0 : index
    %get3A_10 = vector.load %arg3[%get3A_8, %get3A_9] : memref<4x1xf32, #tpu.memory_space<vmem>>, vector<4x1xf32>
    %add3A = vector.broadcast %get3A_10 : vector<4x1xf32> to vector<4x10112xf32>
    %add3A_11 = arith.addf %mul3A_7, %add3A : vector<4x10112xf32>
    %max3A = arith.constant 0.000000e+00 : f32
    %max3A_12 = vector.broadcast %max3A : f32 to vector<4x10112xf32>
    %max3A_13 = arith.maximumf %add3A_11, %max3A_12 : vector<4x10112xf32>
    %get3A_14 = arith.constant 0 : index
    %get3A_15 = arith.constant 0 : index
    %get3A_16 = vector.load %arg1[%get3A_14, %get3A_15] : memref<1x10112xf32, #tpu.memory_space<vmem>>, vector<1x10112xf32>
    %mul3A_17 = vector.broadcast %get3A_16 : vector<1x10112xf32> to vector<4x10112xf32>
    %mul3A_18 = arith.mulf %max3A_13, %mul3A_17 : vector<4x10112xf32>
    %broadcast_in_dim3A = vector.shape_cast %mul3A_18 : vector<4x10112xf32> to vector<1x4x10112xf32>
    %broadcast_in_dim3A_19 = vector.shape_cast %broadcast_in_dim3A : vector<1x4x10112xf32> to vector<1x4x10112xf32>
    %broadcast_in_dim3A_20 = vector.broadcast %broadcast_in_dim3A_19 : vector<1x4x10112xf32> to vector<4x4x10112xf32>
    %swap3A = arith.constant 0 : index
    %swap3A_21 = arith.constant 0 : index
    %swap3A_22 = arith.constant 0 : index
    %swap3A_23 = vector.load %arg4[%swap3A, %swap3A_21, %swap3A_22] : memref<4x4x10112xf32, #tpu.memory_space<vmem>>, vector<4x4x10112xf32>
    tpu.vector_store %arg4[%swap3A, %swap3A_21, %swap3A_22], %broadcast_in_dim3A_20 {strides = array<i32>} : memref<4x4x10112xf32, #tpu.memory_space<vmem>>, vector<4x4x10112xf32>,
    return
  }
}

module attributes {stable_mosaic.version = 14 : i64} {
  func.func @_tc3_body(%arg0: memref<32x4x10112xf32, #tpu.memory_space<vmem>>, %arg1: memref<1x10112xf32, #tpu.memory_space<vmem>>, %arg2: memref<40x4xf32, #tpu.memory_space<vmem>>, %arg3: memref<40x1xf32, #tpu.memory_space<vmem>>, %arg4: memref<40x10112xf32, #tpu.memory_space<vmem>>) attributes {dimension_semantics = [], scalar_prefetch = 0 : i64, scratch_operands = 0 : i64, tpu.core_type = #tpu.core_type<tc>} {
    %get3A = arith.constant 0 : index
    %get3A_0 = arith.constant 0 : index
    %get3A_1 = arith.constant 0 : index
    %get3A_2 = vector.load %arg0[%get3A, %get3A_0, %get3A_1] : memref<32x4x10112xf32, #tpu.memory_space<vmem>>, vector<32x4x10112xf32>
    %reduce_sum3A = arith.constant dense<0.000000e+00> : vector<4x10112xf32>
    %reduce_sum3A_3 = vector.multi_reduction <add>, %get3A_2, %reduce_sum3A [0] : vector<32x4x10112xf32> to vector<4x10112xf32>
    %get3A_4 = arith.constant 0 : index
    %get3A_5 = arith.constant 0 : index
    %get3A_6 = vector.load %arg1[%get3A_4, %get3A_5] : memref<1x10112xf32, #tpu.memory_space<vmem>>, vector<1x10112xf32>
    %mul3A = vector.broadcast %get3A_6 : vector<1x10112xf32> to vector<4x10112xf32>
    %mul3A_7 = arith.mulf %reduce_sum3A_3, %mul3A : vector<4x10112xf32>
    %get3A_8 = arith.constant 0 : index
    %get3A_9 = arith.constant 0 : index
    %get3A_10 = vector.load %arg2[%get3A_8, %get3A_9] : memref<40x4xf32, #tpu.memory_space<vmem>>, vector<40x4xf32>
    %dot_general3A = arith.constant dense<0.000000e+00> : vector<40x10112xf32>
    %dot_general3A_11 = tpu.matmul %get3A_10, %mul3A_7, %dot_general3A {dimension_numbers = #tpu.dot_dimension_numbers<[1], [0], [0], [1], [0, 0, 1, 1], [], []>, transpose_lhs_hint = false} : vector<40x4xf32>, vector<4x10112xf32>, vector<40x10112xf32> -> vector<40x10112xf32>
    %get3A_12 = arith.constant 0 : index
    %get3A_13 = arith.constant 0 : index
    %get3A_14 = vector.load %arg3[%get3A_12, %get3A_13] : memref<40x1xf32, #tpu.memory_space<vmem>>, vector<40x1xf32>
    %add3A = vector.broadcast %get3A_14 : vector<40x1xf32> to vector<40x10112xf32>
    %add3A_15 = arith.addf %dot_general3A_11, %add3A : vector<40x10112xf32>
    %swap3A = arith.constant 0 : index
    %swap3A_16 = arith.constant 0 : index
    %swap3A_17 = vector.load %arg4[%swap3A, %swap3A_16] : memref<40x10112xf32, #tpu.memory_space<vmem>>, vector<40x10112xf32>
    tpu.vector_store %arg4[%swap3A, %swap3A_16], %add3A_15 {strides = array<i32>} : memref<40x10112xf32, #tpu.memory_space<vmem>>, vector<40x10112xf32>,
    return
  }
}

</mosaic_0001>

<sc_bundles>
// kernel: kernel.11.cloned.1.call-start
scs
__scs_entry_jumppad:
0x0: {  	(pc) =	sbr.rel $0x88, $3  }
0x1: {  	(tag) =	ssettag $0x0;
	lr =	simm.s32 $0x1  }
0x2: {  	[smem:$0x3F9B] =	sst lr;
	_ =	strace $0xD0000000  }
0x3: {  	_ = 	snop  }
0x4: {  	_ = 	snop  }
0x5: {  	_ = 	snop  }
0x6: {  	_ = 	snop  }
0x7: {  	_ = 	snop  }
__scs_overlays_trampoline_lowered:
0x8: {  	[smem:$0x3FAA] =	sst s0  }
0x9: {  	[smem:$0x3FAB] =	sst s1  }
0xa: {  	[smem:$0x3FAC] =	sst s2  }
0xb: {  	[smem:$0x3FAD] =	sst s3  }
0xc: {  	[smem:$0x3FAE] =	sst s4  }
0xd: {  	[smem:$0x3FAF] =	sst s5  }
0xe: {  	[smem:$0x3FB0] =	sst s6  }
0xf: {  	[smem:$0x3FB1] =	sst s7  }
0x10: {  	[smem:$0x3FB2] =	sst s8  }
0x11: {  	[smem:$0x3FB3] =	sst s9;
	s0 =	simm.s32 @!p0 $0x0  }
0x12: {  	s1 =	sld [smem:$0x3F99];
	s0 =	simm.s32 @p0 $0x1  }
0x13: {  	[smem:$0x3FB4] =	sst s0;
	s0 =	simm.s32 @!p1 $0x0  }
0x14: {  	s2 =	sld [smem:$0x3F98];
	s0 =	simm.s32 @p1 $0x1  }
0x15: {  	[smem:$0x3FB5] =	sst s0;
	s0 =	simm.s32 @!p2 $0x0  }
0x16: {  	s3 =	sld [smem:$0x3FDB];
	s0 =	simm.s32 @p2 $0x1  }
0x17: {  	s4 =	simm.s32 $0x1BF5;
	[smem:$0x3FB7] =	sst s0  }
0x18: {  	s0 =	sld [smem:$0x3F9A];
	_ =	swait.ge [sflag:s4], $0x0  }
0x19: {  	s7 =	sld [smem:$0x3F9B]  }
0x1a: {  	s8 =	sadd.s32 $0xFFFFE003, lr  }
0x1b: {  	s9 =	sadd.s32 $0xFFFFFEF7, lr;
	s5 =	simm.s32 $0xFFFFFFFF;
	p2 =	slt.u32 s8, $0xFFFFF086  }
0x1c: {  	p1 =	slt.u32 s9, $0xF7A;
	s5 =	simm.s32 @!p2 $0x0  }
0x1d: {  	s5 =	simm.s32 @p1 $0x1;
	p0 =	seq.s32 s7, s2  }
0x1e: {  	s7 =	smul.u32 @!p0 $0xF7A, s2;
	p2 =	seq.s32 @!p0 s5, $0x0  }
0x1f: {  	s9 =	smul.u32 $0xF7A, s1;
	s8 =	simm.s32 @!p0 $0x1BF5;
	p2 =	por !p2, p0  }
0x20: {  	[sflag:s8] =	ssyncset.s32 @!p0 $0xFFFFF086;
	s6 =	sadd.s32 @!p0 s3, s7;
	s7 =	simm.s32 @!p0 $0x108  }
0x21: {  	s3 =	sadd.s32 s3, s9;
	s6 =	sadd.s32 @!p0 $0x88, s6;
	s7 =	simm.s32 @p2 $0x1082  }
0x22: {  	[simem:s7], [sflag:s8] =	dma.local @!p0 [hbm:s6], $0xF7A  }
0x23: {  	s9 =	sor.u32 $0xD0000000, s2;
	s6 =	simm.s32 $0x108;
	_ =	swait.ge @!p0 [sflag:s8], $0x0  }
0x24: {  	s3 =	sadd.s32 $0x88, s3;
	s6 =	simm.s32 @!p1 $0x1082;
	[sflag:s4] =	ssyncset.s32 $0xFFFFF086  }
0x25: {  	[simem:s6], [sflag:s4] =	dma.local [hbm:s3], $0xF7A  }
0x26: {  	[smem:$0x3F9B] =	sst s1;
	(tag) =	ssettag s2;
	_ =	strace s9  }
0x27: {  	s1 =	sld [smem:$0x3FAB]  }
0x28: {  	s2 =	sld [smem:$0x3FAC]  }
0x29: {  	s4 =	sld [smem:$0x3FAE]  }
0x2a: {  	p0 =	seq.s32 s5, $0x0;
	s5 =	sld [smem:$0x3FAF]  }
0x2b: {  	s6 =	sld [smem:$0x3FB0]  }
0x2c: {  	s7 =	sld [smem:$0x3FB1]  }
0x2d: {  	s3 =	simm.s32 $0x108;
	s8 =	sld [smem:$0x3FB2]  }
0x2e: {  	s3 =	simm.s32 @!p0 $0x1082;
	s9 =	sld [smem:$0x3FB3]  }
0x2f: {  	lr =	sadd.s32 s0, s3;
	s0 =	sld [smem:$0x3FAA]  }
0x30: {  	s3 =	sld [smem:$0x3FAD]  }
0x31: {  	[smem:$0x3FB6] =	sst s10  }
0x32: {  	s10 =	sld [smem:$0x3FB4];
	_ =	sdelay $0x3  }
0x33: {  	p0 =	seq.s32 s10, $0x1;
	s10 =	sld [smem:$0x3FB6];
	_ =	sdelay $0x3  }
0x34: {  	[smem:$0x3FB6] =	sst s10  }
0x35: {  	s10 =	sld [smem:$0x3FB5];
	_ =	sdelay $0x3  }
0x36: {  	p1 =	seq.s32 s10, $0x1;
	s10 =	sld [smem:$0x3FB6];
	_ =	sdelay $0x3  }
0x37: {  	[smem:$0x3FB6] =	sst s10  }
0x38: {  	s10 =	sld [smem:$0x3FB7]  }
0x39: {  	_ = 	snop;
	(pc) =	sbr.ind lr, $3  }
0x3a: {  	_ = 	snop  }
0x3b: {  	_ = 	snop  }
0x3c: {  	p2 =	seq.s32 s10, $0x1;
	s10 =	sld [smem:$0x3FB6]  }
0x3d: {  	_ =	shalt  }
0x3e: {  	_ =	shalt  }
0x3f: {  	_ =	shalt  }
0x40: {  	_ =	shalt  }
0x41: {  	_ =	shalt  }
0x42: {  	_ =	shalt  }
0x43: {  	_ =	shalt  }
0x44: {  	_ =	shalt  }
0x45: {  	_ =	shalt  }
0x46: {  	_ =	shalt  }
0x47: {  	_ =	shalt  }
0x48: {  	_ =	shalt  }
0x49: {  	_ =	shalt  }
0x4a: {  	_ =	shalt  }
0x4b: {  	_ =	shalt  }
0x4c: {  	_ =	shalt  }
0x4d: {  	_ =	shalt  }
0x4e: {  	_ =	shalt  }
0x4f: {  	_ =	shalt  }
0x50: {  	_ =	shalt  }
0x51: {  	_ =	shalt  }
0x52: {  	_ =	shalt  }
0x53: {  	_ =	shalt  }
0x54: {  	_ =	shalt  }
0x55: {  	_ =	shalt  }
0x56: {  	_ =	shalt  }
0x57: {  	_ =	shalt  }
0x58: {  	_ =	shalt  }
0x59: {  	_ =	shalt  }
0x5a: {  	_ =	shalt  }
0x5b: {  	_ =	shalt  }
0x5c: {  	_ =	shalt  }
0x5d: {  	_ =	shalt  }
0x5e: {  	_ =	shalt  }
0x5f: {  	_ =	shalt  }
0x60: {  	_ =	shalt  }
0x61: {  	_ =	shalt  }
0x62: {  	_ =	shalt  }
0x63: {  	_ =	shalt  }
0x64: {  	_ =	shalt  }
0x65: {  	_ =	shalt  }
0x66: {  	_ =	shalt  }
0x67: {  	_ =	shalt  }
0x68: {  	_ =	shalt  }
0x69: {  	_ =	shalt  }
0x6a: {  	_ =	shalt  }
0x6b: {  	_ =	shalt  }
0x6c: {  	_ =	shalt  }
0x6d: {  	_ =	shalt  }
0x6e: {  	_ =	shalt  }
0x6f: {  	_ =	shalt  }
0x70: {  	_ =	shalt  }
0x71: {  	_ =	shalt  }
0x72: {  	_ =	shalt  }
0x73: {  	_ =	shalt  }
0x74: {  	_ =	shalt  }
0x75: {  	_ =	shalt  }
0x76: {  	_ =	shalt  }
0x77: {  	_ =	shalt  }
0x78: {  	_ =	shalt  }
0x79: {  	_ =	shalt  }
0x7a: {  	_ =	shalt  }
0x7b: {  	_ =	shalt  }
0x7c: {  	_ =	shalt  }
0x7d: {  	_ =	shalt  }
0x7e: {  	_ =	shalt  }
0x7f: {  	_ =	shalt  }
0x80: {  	_ =	shalt  }
0x81: {  	_ =	shalt  }
0x82: {  	_ =	shalt  }
0x83: {  	_ =	shalt  }
0x84: {  	_ =	shalt  }
0x85: {  	_ =	shalt  }
0x86: {  	_ =	shalt  }
0x87: {  	_ =	shalt  }
.Lfunc_end0:
.L_simem_size_0:
called_computation.1_lowered:
.L_overlay_start_0:
0x88: {  	s2 =	sld [smem:$0x3FD9]  }
0x89: {  	s3 =	sld [smem:$0x3FFE];
	_ =	sdelay $0x1  }
0x8a: {  	s1 =	srdreg.scid  }
0x8b: {  	s0 =	sand.u32 $0x1, s1  }
0x8c: {  	s17 =	sshll.u32 s0, $0xA;
	s2 =	sadd.s32 s3, s2  }
0x8d: {  	s2 =	sadd.s32 s2, s17  }
0x8e: {  	[smem:$0x3FC2] =	sst s2  }
0x8f: {  	_ = 	snop  }
0x90: {  	s2 =	sld [smem:$0x3FD0];
	(tm) =	ssettm $0x1  }
0x91: {  	s18 =	sld [smem:$0x3FFB];
	_ =	sdelay $0x3  }
0x92: {  	_ =	strace s18  }
0x93: {  	s3 =	sld [smem:$0x3FFC];
	_ =	sdelay $0x3  }
0x94: {  	_ =	strace s3  }
0x95: {  	s3 =	sld [smem:$0x3FFD];
	_ =	sdelay $0x3  }
0x96: {  	_ =	strace s3  }
0x97: {  	_ =	strace $0x8FFFFFFF  }
0x98: {  	s19 =	sld [smem:$0x3FDB];
	_ =	sdelay $0x1  }
0x99: {  	s4 =	simm.s32 $_scs_section_size  }
0x9a: {  	s5 =	simm.s32 $_size__tile_overlayer_lowered;
	s6 =	simm.s32 $_tile_overlayer_lowered  }
0x9b: {  	s22 =	simm.s32 $0x1BFF;
	s21 =	sshll.u32 s6, $0x1;
	s3 =	sadd.s32 s4, s19  }
0x9c: {  	s7 =	simm.s32 $0x0;
	s20 =	sshll.u32 s5, $0x1;
	s5 =	sadd.s32 s21, s3  }
0x9d: {  	[timem:s7], [sflag:s22] =	dma.local [hbm:s5], s20  }
0x9e: {  	_ =	swait.ge [sflag:s22], s20  }
0x9f: {  	s4 =	ssub.s32 $0x0, s20;
	[sflag:s22] =	ssyncset.done $0x0  }
0xa0: {  	[sflag:s22] =	ssyncadd.s32 s4;
	_ =	sdelay $0x1  }
0xa1: {  	s23 =	simm.s32 $0x1B8B  }
0xa2: {  	_ =	swait.ge [sflag:s23], $0x1  }
0xa3: {  	[sflag:s23] =	ssyncset.done $0x0  }
0xa4: {  	s25 =	simm.s32 $0x1B8E;
	s24 =	sld [smem:$0x3FFE];
	[sflag:s23] =	ssyncadd.s32 $0xFFFFFFFF  }
0xa5: {  	s26 =	simm.s32 $execute0_lowered;
	[smem:$0x3FD2] =	sst s25  }
0xa6: {  	s5 =	sshll.u32 s26, $0x1;
	_ =	strace $0x80000049;
	[dreg:$0x1] =	wrdreg $0xFFFFFFFF  }
0xa7: {  	s28 =	simm.s32 $_size_execute0_lowered;
	s3 =	sadd.s32 s3, s5;
	[dreg:$0x0] =	wrdreg $0x0  }
0xa8: {  	s5 =	sshll.u32 s28, $0x1;
	[dreg:$0x2] =	wrdreg s3  }
0xa9: {  	[dreg:$0x3] =	wrdreg s5  }
0xaa: {  	[dreg:$0x4] =	wrdreg $0xC0  }
0xab: {  	_ =	task [dreg:s7], $0x5FFFF  }
0xac: {  	[dreg:$0x1] =	wrdreg $0xFFFFFFFF  }
0xad: {  	[dreg:$0x0] =	wrdreg $0x60  }
0xae: {  	[dreg:$0x2] =	wrdreg s24  }
0xaf: {  	[dreg:$0x3] =	wrdreg s2  }
0xb0: {  	[dreg:$0x4] =	wrdreg $0x9  }
0xb1: {  	_ =	task.clear_ibuf [dreg:s7], $0x5FFFF;
	_ =	strace $0x90000049  }
0xb2: {  	s29 =	simm.s32 $0x9;
	_ =	strace $0x8000004B  }
0xb3: {  	_ =	swait.ge [sflag:s29], $0x1  }
0xb4: {  	[sflag:s29] =	ssyncadd.s32 $0xFFFFFFFF  }
0xb5: {  	_ =	strace $0x9000004B  }
0xb6: {  	_ =	sfence  }
0xb7: {  	s30 =	sld [smem:$0x0];
	_ =	sdelay $0x2  }
0xb8: {  	s31 =	sshll.u32 s1, $0xD;
	s1 =	sshrl.u32 s1, $0x2  }
0xb9: {  	s3 =	sand.u32 $0x4000, s31;
	s1 =	sadd.s32 s1, s30  }
0xba: {  	s0 =	sor.u32 s3, s0;
	s1 =	sshll.u32 s1, $0x11  }
0xbb: {  	s0 =	sor.u32 s1, s0  }
0xbc: {  	s0 =	sadd.s32 $0x8F2B, s0  }
0xbd: {  	[sflag:s0] =	ssyncadd.remote.s32 $0x1  }
0xbe: {  	_ =	sfence.sel $0xFFFF  }
0xbf: {  	[dreg:$0x0] =	wrdreg $0xFFFFFFFF;
	(pc) =	sbr.abs _section_cstart, $3  }
0xc0: {  	[dreg:$0x1] =	wrdreg $0xFFFFFFFF  }
0xc1: {  	_ =	task.clear_ibuf [dreg:s7], $0x2FFFF;
	_ =	strace $0x9FFFFFFF  }
0xc2: {  	(tm) =	ssettm $0x7FFFFFFF  }
0xc3: {  	_ =	shalt  }
tec
execute0_lowered:
.L_overlay_start_1:
0x0: {  	(tag) =	ssettag $0x1  }
0x1: {  	s1 =	srdreg.scid;
	s5 =	rddreg [dreg:$0x0]  }
0x2: {  	s0 =	stileid.u32;
	s2 =	rddreg [dreg:$0x1];
	s12 =	simm.s32 $0xA600  }
0x3: {  	s13 =	simm.s32 $0xAE00;
	s14 =	simm.s32 $0x0;
	s6 =	sand.u32 $0x1, s1  }
0x4: {  	s4 =	sand.u32 $0x1, s0;
	s1 =	rddreg [dreg:$0x2];
	s10 =	smul.u32 $0x30, s0  }
0x5: {  	s3 =	sshll.u32 s6, $0x1;
	s7 =	sshll.u32 s6, $0x4;
	s9 =	ssub.s32 $0x2, s6  }
0x6: {  	p0 =	seq.s32 s6, $0x0;
	s6 =	simm.s32 $0x7;
	s4 =	sor.u32 s4, s3  }
0x7: {  	s3 =	simm.s32 $0x0;
	s7 =	sor.u32 s0, s7;
	s31 =	sshrl.u32 s9, $0x1  }
0x8: {  	s10 =	sadd.s32 $0x700, s10;
	s6 =	simm.s32 @!p0 $0x3;
	s7 =	smul.u32 $0x13C0, s7  }
0x9: {  	s4 =	smul.u32 $0x13C0, s4;
	[smem:$0x7FF] =	sst s3;
	s9 =	ssub.s32 s9, s31  }
0xa: {  	_ =	strace $0x8000004A;
	s11 =	sadd.s32 s7, s5;
	s7 =	smul.u32 $0x70, s0  }
0xb: {  	s9 =	smax.u32 s9, $0x1;
	s8 =	sadd.s32 s4, s5;
	s4 =	sadd.s32 $0x1600, s5  }
0xc: {  	s5 =	sadd.s32 $0xB600, s8;
	s8 =	sadd.s32 $0x10600, s11;
	s10 =	smov.u32 @p0 s7  }
0xd: {  	v0 =	vimm.f32 $0.0e+00;
	s11 =	simm.s32 $0x9E00;
	s7 =	sshll.u32 s10, $0x7;
	s10 =	simm.s32 $0x1  }
.LBB2_1:
0xe: {  	s16 =	simm.s32 $0x40;
	s15 =	simm.s32 $0x0  }
.LBB2_2:
0xf: {  	p0 =	sne.s32 s16, $0x9DC0;
	[tilespmem:s15+$0x12480] =	vst v0;
	s17 =	smov.u32 s16;
	s16 =	sadd.s32 $0x40, s16  }
.Ltmp0:
0x10: {  	[tilespmem:s15+$0xFD00] =	vst v0;
	(pc) =	sbr.rel @p0 .LBB2_2-.Ltmp0, $3  }
0x11: {  	[tilespmem:s15+$0xAE00] =	vst v0  }
0x12: {  	[tilespmem:s15+$0xD580] =	vst v0;
	_ =	sdelay $0x1  }
0x13: {  	s15 =	sshra.s32 s17, $0x2  }
0x14: {  	[tilespmem:s15+$0x12480] =	vst v0  }
0x15: {  	[tilespmem:s15+$0xFD00] =	vst v0  }
0x16: {  	[tilespmem:s15+$0xAE00] =	vst v0  }
0x17: {  	[tilespmem:s15+$0xD580] =	vst v0;
	s15 =	simm.s32 $0x0  }
0x18: {  	[tilespmem:s15], [sflag:$0x1] =	stream.linear.gather [hbm4b:s5+s15], $0x9E00, $0x38;
	[tilespmem:$0x14C00] =	vst v63  }
0x19: {  	_ =	swait.ge [sflag:s10], $0x9E00  }
0x1a: {  	[sflag:s10] =	ssyncset.done $0x0  }
0x1b: {  	[sflag:s10] =	ssyncadd.s32 $0xFFFF6200  }
.LBB2_4:
0x1c: {  	s16 =	sshll.u32 s15, $0xB  }
0x1d: {  	s16 =	sadd.s32 s7, s16  }
0x1e: {  	s16 =	sshrl.u32 s16, $0x3  }
0x1f: {  	s17 =	sadd.s32 s2, s16  }
0x20: {  	[tilespmem:s11], [sflag:$0x1] =	stream.linear.gather [hbm4b:s17+s3], $0x800, $0x38;
	[tilespmem:$0x14C00] =	vst v63  }
0x21: {  	_ =	swait.ge [sflag:s10], $0x800  }
0x22: {  	[sflag:s10] =	ssyncset.done $0x0  }
0x23: {  	s16 =	sadd.s32 s4, s16;
	[sflag:s10] =	ssyncadd.s32 $0xFFFFF800  }
0x24: {  	[tilespmem:s12], [sflag:$0x1] =	stream.linear.gather [hbm4b:s16+s3], $0x800, $0x38;
	[tilespmem:$0x14C00] =	vst v63  }
0x25: {  	_ =	swait.ge [sflag:s10], $0x800  }
0x26: {  	[sflag:s10] =	ssyncset.done $0x0  }
0x27: {  	s31 =	simm.s32 $0x9F00;
	[sflag:s10] =	ssyncadd.s32 $0xFFFFF800  }
0x28: {  	v1 =	vld [tilespmem:s31+$0x80]  }
0x29: {  	v3 =	vld [tilespmem:s31+$0xFFFFFF00];
	_ =	sdelay $0x1  }
0x2a: {  	v2 =	vld [tilespmem:s31+$0xFFFFFF80]  }
0x2b: {  	s16 =	simm.s32 $0xA700;
	v5 =	vld [tilespmem:s31+$0x0]  }
0x2c: {  	v4 =	vld [tilespmem:s16+$0x80]  }
0x2d: {  	v6 =	vld [tilespmem:s16+$0xFFFFFF00]  }
0x2e: {  	v10 =	vld [tilespmem:s16+$0xFFFFFF80]  }
0x2f: {  	v7 =	vld.idx.msk [tilespmem:v1+s3+$0x0], $0xffff  }
0x30: {  	v11 =	vld.idx.msk [tilespmem:v3+s3+$0x0], $0xffff  }
0x31: {  	v13 =	vld [tilespmem:s16+$0x0];
	v9 =	vadd.s32 $0x2780, v1  }
0x32: {  	v8 =	vld.idx.msk [tilespmem:v2+s3+$0x0], $0xffff  }
0x33: {  	v12 =	vadd.s32 $0x2780, v3;
	v14 =	vld.idx.msk [tilespmem:v5+s3+$0x0], $0xffff  }
0x34: {  	[tilespmem:v4+s13+$0x0] =	vst.idx.add.f32.msk $0xffff, v7  }
0x35: {  	v16 =	vadd.s32 $0x2780, v5;
	[tilespmem:v6+s13+$0x0] =	vst.idx.add.f32.msk $0xffff, v11  }
0x36: {  	v7 =	vld.idx.msk [tilespmem:v9+s3+$0x0], $0xffff;
	v9 =	vadd.s32 $0x2780, v4  }
0x37: {  	v15 =	vadd.s32 $0x4F00, v1;
	[tilespmem:v10+s13+$0x0] =	vst.idx.add.f32.msk $0xffff, v8  }
0x38: {  	v8 =	vadd.s32 $0x2780, v6;
	v12 =	vld.idx.msk [tilespmem:v12+s3+$0x0], $0xffff  }
0x39: {  	v11 =	vadd.s32 $0x2780, v2;
	[tilespmem:v13+s13+$0x0] =	vst.idx.add.f32.msk $0xffff, v14  }
0x3a: {  	v17 =	vadd.s32 $0x2780, v13;
	v16 =	vld.idx.msk [tilespmem:v16+s3+$0x0], $0xffff  }
0x3b: {  	[tilespmem:v9+s13+$0x0] =	vst.idx.add.f32.msk $0xffff, v7;
	v7 =	vadd.s32 $0x4F00, v3  }
0x3c: {  	v14 =	vadd.s32 $0x4F00, v4;
	v9 =	vld.idx.msk [tilespmem:v15+s3+$0x0], $0xffff  }
0x3d: {  	[tilespmem:v8+s13+$0x0] =	vst.idx.add.f32.msk $0xffff, v12;
	v12 =	vadd.s32 $0x4F00, v5  }
0x3e: {  	v1 =	vadd.s32 $0x7680, v1;
	v11 =	vld.idx.msk [tilespmem:v11+s3+$0x0], $0xffff  }
0x3f: {  	[tilespmem:v17+s13+$0x0] =	vst.idx.add.f32.msk $0xffff, v16;
	v15 =	vadd.s32 $0x2780, v10  }
0x40: {  	v8 =	vadd.s32 $0x4F00, v2;
	v7 =	vld.idx.msk [tilespmem:v7+s3+$0x0], $0xffff  }
0x41: {  	[tilespmem:v14+s13+$0x0] =	vst.idx.add.f32.msk $0xffff, v9;
	v9 =	vadd.s32 $0x4F00, v6  }
0x42: {  	v12 =	vld.idx.msk [tilespmem:v12+s3+$0x0], $0xffff;
	v14 =	vadd.s32 $0x4F00, v13  }
0x43: {  	v4 =	vadd.s32 $0x7680, v4;
	v1 =	vld.idx.msk [tilespmem:v1+s3+$0x0], $0xffff  }
0x44: {  	[tilespmem:v15+s13+$0x0] =	vst.idx.add.f32.msk $0xffff, v11  }
0x45: {  	v3 =	vadd.s32 $0x7680, v3;
	v8 =	vld.idx.msk [tilespmem:v8+s3+$0x0], $0xffff  }
0x46: {  	v11 =	vadd.s32 $0x4F00, v10;
	[tilespmem:v9+s13+$0x0] =	vst.idx.add.f32.msk $0xffff, v7  }
0x47: {  	v2 =	vadd.s32 $0x7680, v2;
	[tilespmem:v14+s13+$0x0] =	vst.idx.add.f32.msk $0xffff, v12  }
0x48: {  	[tilespmem:v4+s13+$0x0] =	vst.idx.add.f32.msk $0xffff, v1  }
0x49: {  	v1 =	vadd.s32 $0x7680, v5;
	v4 =	vld [tilespmem:s31+$0x90]  }
0x4a: {  	v3 =	vld.idx.msk [tilespmem:v3+s3+$0x0], $0xffff;
	v5 =	vadd.s32 $0x7680, v6  }
0x4b: {  	[tilespmem:v11+s13+$0x0] =	vst.idx.add.f32.msk $0xffff, v8  }
0x4c: {  	v2 =	vld.idx.msk [tilespmem:v2+s3+$0x0], $0xffff  }
0x4d: {  	v6 =	vadd.s32 $0x7680, v10;
	v8 =	vld [tilespmem:s16+$0x90]  }
0x4e: {  	v7 =	vadd.s32 $0x7680, v13;
	v1 =	vld.idx.msk [tilespmem:v1+s3+$0x0], $0xffff  }
0x4f: {  	[tilespmem:v5+s13+$0x0] =	vst.idx.add.f32.msk $0xffff, v3  }
0x50: {  	v5 =	vld [tilespmem:s31+$0xFFFFFF10]  }
0x51: {  	v3 =	vld.idx.msk [tilespmem:v4+s3+$0x0], $0xffff  }
0x52: {  	[tilespmem:v6+s13+$0x0] =	vst.idx.add.f32.msk $0xffff, v2  }
0x53: {  	v2 =	vadd.s32 $0x2780, v4;
	[tilespmem:v7+s13+$0x0] =	vst.idx.add.f32.msk $0xffff, v1  }
0x54: {  	v1 =	vld [tilespmem:s31+$0xFFFFFF90]  }
0x55: {  	v6 =	vld [tilespmem:s31+$0x10]  }
0x56: {  	[tilespmem:v8+s13+$0x0] =	vst.idx.add.f32.msk $0xffff, v3  }
0x57: {  	v3 =	vld [tilespmem:s16+$0xFFFFFF10]  }
0x58: {  	v7 =	vadd.s32 $0x2780, v8;
	v2 =	vld.idx.msk [tilespmem:v2+s3+$0x0], $0xffff  }
0x59: {  	v10 =	vadd.s32 $0x4F00, v4;
	v11 =	vld [tilespmem:s16+$0xFFFFFF90]  }
0x5a: {  	v12 =	vld [tilespmem:s16+$0x10]  }
0x5b: {  	v9 =	vld.idx.msk [tilespmem:v5+s3+$0x0], $0xffff  }
0x5c: {  	v13 =	vadd.s32 $0x2780, v5;
	v14 =	vld.idx.msk [tilespmem:v1+s3+$0x0], $0xffff  }
0x5d: {  	[tilespmem:v7+s13+$0x0] =	vst.idx.add.f32.msk $0xffff, v2  }
0x5e: {  	v2 =	vadd.s32 $0x2780, v1;
	v7 =	vld.idx.msk [tilespmem:v10+s3+$0x0], $0xffff  }
0x5f: {  	v15 =	vadd.s32 $0x4F00, v8;
	v10 =	vld.idx.msk [tilespmem:v6+s3+$0x0], $0xffff  }
0x60: {  	[tilespmem:v3+s13+$0x0] =	vst.idx.add.f32.msk $0xffff, v9  }
0x61: {  	v4 =	vadd.s32 $0x7680, v4;
	v9 =	vld.idx.msk [tilespmem:v13+s3+$0x0], $0xffff  }
0x62: {  	v13 =	vadd.s32 $0x2780, v6;
	[tilespmem:v11+s13+$0x0] =	vst.idx.add.f32.msk $0xffff, v14  }
0x63: {  	v14 =	vadd.s32 $0x2780, v3;
	v2 =	vld.idx.msk [tilespmem:v2+s3+$0x0], $0xffff  }
0x64: {  	v16 =	vadd.s32 $0x4F00, v5;
	[tilespmem:v15+s13+$0x0] =	vst.idx.add.f32.msk $0xffff, v7  }
0x65: {  	v7 =	vadd.s32 $0x7680, v8;
	[tilespmem:v12+s13+$0x0] =	vst.idx.add.f32.msk $0xffff, v10;
	v8 =	vadd.s32 $0x2780, v11  }
0x66: {  	v4 =	vld.idx.msk [tilespmem:v4+s3+$0x0], $0xffff  }
0x67: {  	v10 =	vld.idx.msk [tilespmem:v13+s3+$0x0], $0xffff  }
0x68: {  	v13 =	vadd.s32 $0x2780, v12;
	[tilespmem:v14+s13+$0x0] =	vst.idx.add.f32.msk $0xffff, v9  }
0x69: {  	v9 =	vadd.s32 $0x4F00, v1;
	v14 =	vld.idx.msk [tilespmem:v16+s3+$0x0], $0xffff  }
0x6a: {  	v15 =	vadd.s32 $0x4F00, v6;
	[tilespmem:v8+s13+$0x0] =	vst.idx.add.f32.msk $0xffff, v2  }
0x6b: {  	[tilespmem:v7+s13+$0x0] =	vst.idx.add.f32.msk $0xffff, v4;
	v4 =	vadd.s32 $0x4F00, v3  }
0x6c: {  	v7 =	vld [tilespmem:s31+$0xA0]  }
0x6d: {  	v2 =	vadd.s32 $0x7680, v5;
	[tilespmem:v13+s13+$0x0] =	vst.idx.add.f32.msk $0xffff, v10  }
0x6e: {  	v8 =	vadd.s32 $0x4F00, v11;
	v5 =	vld.idx.msk [tilespmem:v9+s3+$0x0], $0xffff  }
0x6f: {  	v10 =	vadd.s32 $0x4F00, v12;
	v9 =	vld.idx.msk [tilespmem:v15+s3+$0x0], $0xffff  }
0x70: {  	v1 =	vadd.s32 $0x7680, v1;
	[tilespmem:v4+s13+$0x0] =	vst.idx.add.f32.msk $0xffff, v14  }
0x71: {  	v6 =	vadd.s32 $0x7680, v6;
	v4 =	vld [tilespmem:s16+$0xA0]  }
0x72: {  	v2 =	vld.idx.msk [tilespmem:v2+s3+$0x0], $0xffff  }
0x73: {  	[tilespmem:v8+s13+$0x0] =	vst.idx.add.f32.msk $0xffff, v5  }
0x74: {  	v3 =	vadd.s32 $0x7680, v3;
	[tilespmem:v10+s13+$0x0] =	vst.idx.add.f32.msk $0xffff, v9  }
0x75: {  	v8 =	vadd.s32 $0x7680, v11;
	v1 =	vld.idx.msk [tilespmem:v1+s3+$0x0], $0xffff  }
0x76: {  	v9 =	vadd.s32 $0x7680, v12;
	v6 =	vld.idx.msk [tilespmem:v6+s3+$0x0], $0xffff;
	_ =	sdelay $0x1  }
0x77: {  	v13 =	vld.idx.msk [tilespmem:v7+s3+$0x0], $0xffff  }
0x78: {  	v5 =	vadd.s32 $0x2780, v7;
	[tilespmem:v3+s13+$0x0] =	vst.idx.add.f32.msk $0xffff, v2  }
0x79: {  	[tilespmem:v8+s13+$0x0] =	vst.idx.add.f32.msk $0xffff, v1  }
0x7a: {  	[tilespmem:v9+s13+$0x0] =	vst.idx.add.f32.msk $0xffff, v6  }
0x7b: {  	v6 =	vld [tilespmem:s31+$0xFFFFFFA0]  }
0x7c: {  	[tilespmem:v4+s13+$0x0] =	vst.idx.add.f32.msk $0xffff, v13  }
0x7d: {  	v2 =	vld.idx.msk [tilespmem:v5+s3+$0x0], $0xffff;
	v5 =	vadd.s32 $0x2780, v4;
	_ =	sdelay $0x1  }
0x7e: {  	v3 =	vld [tilespmem:s31+$0xFFFFFF20];
	v1 =	vadd.s32 $0x4F00, v7  }
0x7f: {  	v10 =	vld [tilespmem:s16+$0xFFFFFFA0]  }
0x80: {  	v8 =	vld [tilespmem:s31+$0x20]  }
0x81: {  	[tilespmem:v5+s13+$0x0] =	vst.idx.add.f32.msk $0xffff, v2  }
0x82: {  	v2 =	vld [tilespmem:s16+$0xFFFFFF20]  }
0x83: {  	v5 =	vadd.s32 $0x4F00, v4;
	v1 =	vld.idx.msk [tilespmem:v1+s3+$0x0], $0xffff  }
0x84: {  	v13 =	vld.idx.msk [tilespmem:v6+s3+$0x0], $0xffff  }
0x85: {  	v7 =	vadd.s32 $0x7680, v7  }
0x86: {  	v11 =	vld [tilespmem:s16+$0x20]  }
0x87: {  	v9 =	vld.idx.msk [tilespmem:v3+s3+$0x0], $0xffff  }
0x88: {  	v12 =	vadd.s32 $0x2780, v3;
	[tilespmem:v5+s13+$0x0] =	vst.idx.add.f32.msk $0xffff, v1  }
0x89: {  	v1 =	vadd.s32 $0x2780, v6;
	[tilespmem:v10+s13+$0x0] =	vst.idx.add.f32.msk $0xffff, v13  }
0x8a: {  	v4 =	vadd.s32 $0x7680, v4;
	v5 =	vld.idx.msk [tilespmem:v7+s3+$0x0], $0xffff  }
0x8b: {  	v7 =	vld.idx.msk [tilespmem:v8+s3+$0x0], $0xffff  }
0x8c: {  	[tilespmem:v2+s13+$0x0] =	vst.idx.add.f32.msk $0xffff, v9  }
0x8d: {  	v9 =	vld.idx.msk [tilespmem:v12+s3+$0x0], $0xffff;
	v12 =	vadd.s32 $0x2780, v8  }
0x8e: {  	v13 =	vadd.s32 $0x2780, v2;
	v1 =	vld.idx.msk [tilespmem:v1+s3+$0x0], $0xffff  }
0x8f: {  	v14 =	vadd.s32 $0x2780, v10;
	[tilespmem:v4+s13+$0x0] =	vst.idx.add.f32.msk $0xffff, v5  }
0x90: {  	[tilespmem:v11+s13+$0x0] =	vst.idx.add.f32.msk $0xffff, v7  }
0x91: {  	v4 =	vadd.s32 $0x4F00, v3;
	v5 =	vld [tilespmem:s31+$0xB0]  }
0x92: {  	v7 =	vadd.s32 $0x4F00, v6;
	v12 =	vld.idx.msk [tilespmem:v12+s3+$0x0], $0xffff  }
0x93: {  	[tilespmem:v13+s13+$0x0] =	vst.idx.add.f32.msk $0xffff, v9;
	v9 =	vadd.s32 $0x2780, v11  }
0x94: {  	[tilespmem:v14+s13+$0x0] =	vst.idx.add.f32.msk $0xffff, v1  }
0x95: {  	v1 =	vadd.s32 $0x4F00, v8;
	v14 =	vld [tilespmem:s16+$0xB0]  }
0x96: {  	v13 =	vadd.s32 $0x4F00, v2;
	v4 =	vld.idx.msk [tilespmem:v4+s3+$0x0], $0xffff  }
0x97: {  	v15 =	vadd.s32 $0x4F00, v10;
	v7 =	vld.idx.msk [tilespmem:v7+s3+$0x0], $0xffff  }
0x98: {  	v3 =	vadd.s32 $0x7680, v3;
	[tilespmem:v9+s13+$0x0] =	vst.idx.add.f32.msk $0xffff, v12  }
0x99: {  	v16 =	vld.idx.msk [tilespmem:v5+s3+$0x0], $0xffff  }
0x9a: {  	v12 =	vadd.s32 $0x4F00, v11;
	v1 =	vld.idx.msk [tilespmem:v1+s3+$0x0], $0xffff  }
0x9b: {  	v9 =	vadd.s32 $0x2780, v5;
	[tilespmem:v13+s13+$0x0] =	vst.idx.add.f32.msk $0xffff, v4  }
0x9c: {  	v4 =	vadd.s32 $0x7680, v6;
	[tilespmem:v15+s13+$0x0] =	vst.idx.add.f32.msk $0xffff, v7  }
0x9d: {  	v6 =	vadd.s32 $0x7680, v8;
	v3 =	vld.idx.msk [tilespmem:v3+s3+$0x0], $0xffff  }
0x9e: {  	v2 =	vadd.s32 $0x7680, v2;
	[tilespmem:v14+s13+$0x0] =	vst.idx.add.f32.msk $0xffff, v16  }
0x9f: {  	[tilespmem:v12+s13+$0x0] =	vst.idx.add.f32.msk $0xffff, v1  }
0xa0: {  	v1 =	vadd.s32 $0x2780, v14;
	v7 =	vld.idx.msk [tilespmem:v9+s3+$0x0], $0xffff  }
0xa1: {  	v4 =	vld.idx.msk [tilespmem:v4+s3+$0x0], $0xffff;
	v9 =	vadd.s32 $0x7680, v10  }
0xa2: {  	v6 =	vld.idx.msk [tilespmem:v6+s3+$0x0], $0xffff;
	v10 =	vadd.s32 $0x7680, v11  }
0xa3: {  	v8 =	vadd.s32 $0x4F00, v5;
	[tilespmem:v2+s13+$0x0] =	vst.idx.add.f32.msk $0xffff, v3  }
0xa4: {  	v2 =	vld [tilespmem:s31+$0xFFFFFF30]  }
0xa5: {  	[tilespmem:v1+s13+$0x0] =	vst.idx.add.f32.msk $0xffff, v7  }
0xa6: {  	[tilespmem:v9+s13+$0x0] =	vst.idx.add.f32.msk $0xffff, v4  }
0xa7: {  	[tilespmem:v10+s13+$0x0] =	vst.idx.add.f32.msk $0xffff, v6  }
0xa8: {  	v3 =	vadd.s32 $0x4F00, v14;
	v1 =	vld.idx.msk [tilespmem:v8+s3+$0x0], $0xffff  }
0xa9: {  	v4 =	vadd.s32 $0x7680, v5;
	v5 =	vld [tilespmem:s31+$0xFFFFFFB0]  }
0xaa: {  	v6 =	vld [tilespmem:s31+$0x30]  }
0xab: {  	v7 =	vld [tilespmem:s16+$0xFFFFFF30]  }
0xac: {  	v8 =	vld [tilespmem:s16+$0xFFFFFFB0]  }
0xad: {  	[tilespmem:v3+s13+$0x0] =	vst.idx.add.f32.msk $0xffff, v1  }
0xae: {  	v3 =	vld.idx.msk [tilespmem:v2+s3+$0x0], $0xffff  }
0xaf: {  	v1 =	vld.idx.msk [tilespmem:v4+s3+$0x0], $0xffff;
	v4 =	vadd.s32 $0x7680, v14  }
0xb0: {  	v9 =	vld [tilespmem:s16+$0x30]  }
0xb1: {  	v10 =	vadd.s32 $0x2780, v2;
	v11 =	vld.idx.msk [tilespmem:v5+s3+$0x0], $0xffff  }
0xb2: {  	v12 =	vld.idx.msk [tilespmem:v6+s3+$0x0], $0xffff  }
0xb3: {  	[tilespmem:v7+s13+$0x0] =	vst.idx.add.f32.msk $0xffff, v3  }
0xb4: {  	[tilespmem:v4+s13+$0x0] =	vst.idx.add.f32.msk $0xffff, v1  }
0xb5: {  	v3 =	vadd.s32 $0x2780, v6;
	v4 =	vld [tilespmem:s31+$0xC0]  }
0xb6: {  	v1 =	vadd.s32 $0x2780, v5;
	v10 =	vld.idx.msk [tilespmem:v10+s3+$0x0], $0xffff  }
0xb7: {  	[tilespmem:v8+s13+$0x0] =	vst.idx.add.f32.msk $0xffff, v11;
	v11 =	vadd.s32 $0x2780, v7  }
0xb8: {  	v14 =	vld [tilespmem:s16+$0xC0]  }
0xb9: {  	[tilespmem:v9+s13+$0x0] =	vst.idx.add.f32.msk $0xffff, v12;
	v12 =	vadd.s32 $0x4F00, v2  }
0xba: {  	v16 =	vadd.s32 $0x2780, v9;
	v3 =	vld.idx.msk [tilespmem:v3+s3+$0x0], $0xffff  }
0xbb: {  	v13 =	vadd.s32 $0x2780, v8;
	v1 =	vld.idx.msk [tilespmem:v1+s3+$0x0], $0xffff  }
0xbc: {  	v15 =	vadd.s32 $0x4F00, v5;
	[tilespmem:v11+s13+$0x0] =	vst.idx.add.f32.msk $0xffff, v10  }
0xbd: {  	v17 =	vld.idx.msk [tilespmem:v4+s3+$0x0], $0xffff  }
0xbe: {  	v11 =	vadd.s32 $0x2780, v4;
	v10 =	vld.idx.msk [tilespmem:v12+s3+$0x0], $0xffff  }
0xbf: {  	v12 =	vadd.s32 $0x4F00, v6;
	[tilespmem:v16+s13+$0x0] =	vst.idx.add.f32.msk $0xffff, v3  }
0xc0: {  	[tilespmem:v13+s13+$0x0] =	vst.idx.add.f32.msk $0xffff, v1;
	v1 =	vadd.s32 $0x4F00, v7  }
0xc1: {  	v13 =	vld.idx.msk [tilespmem:v15+s3+$0x0], $0xffff;
	v15 =	vadd.s32 $0x4F00, v8  }
0xc2: {  	v2 =	vadd.s32 $0x7680, v2;
	[tilespmem:v14+s13+$0x0] =	vst.idx.add.f32.msk $0xffff, v17  }
0xc3: {  	v3 =	vadd.s32 $0x7680, v5;
	v5 =	vld.idx.msk [tilespmem:v11+s3+$0x0], $0xffff  }
0xc4: {  	v11 =	vld.idx.msk [tilespmem:v12+s3+$0x0], $0xffff;
	v12 =	vadd.s32 $0x2780, v14  }
0xc5: {  	[tilespmem:v1+s13+$0x0] =	vst.idx.add.f32.msk $0xffff, v10;
	v10 =	vadd.s32 $0x4F00, v9  }
0xc6: {  	v1 =	vadd.s32 $0x4F00, v4;
	[tilespmem:v15+s13+$0x0] =	vst.idx.add.f32.msk $0xffff, v13  }
0xc7: {  	v6 =	vadd.s32 $0x7680, v6;
	v2 =	vld.idx.msk [tilespmem:v2+s3+$0x0], $0xffff  }
0xc8: {  	v7 =	vadd.s32 $0x7680, v7;
	v3 =	vld.idx.msk [tilespmem:v3+s3+$0x0], $0xffff  }
0xc9: {  	v8 =	vadd.s32 $0x7680, v8;
	[tilespmem:v12+s13+$0x0] =	vst.idx.add.f32.msk $0xffff, v5  }
0xca: {  	[tilespmem:v10+s13+$0x0] =	vst.idx.add.f32.msk $0xffff, v11  }
0xcb: {  	v5 =	vadd.s32 $0x4F00, v14;
	v1 =	vld.idx.msk [tilespmem:v1+s3+$0x0], $0xffff  }
0xcc: {  	v9 =	vadd.s32 $0x7680, v9;
	v6 =	vld.idx.msk [tilespmem:v6+s3+$0x0], $0xffff  }
0xcd: {  	v4 =	vadd.s32 $0x7680, v4;
	[tilespmem:v7+s13+$0x0] =	vst.idx.add.f32.msk $0xffff, v2  }
0xce: {  	[tilespmem:v8+s13+$0x0] =	vst.idx.add.f32.msk $0xffff, v3  }
0xcf: {  	v2 =	vld [tilespmem:s31+$0xFFFFFF40]  }
0xd0: {  	[tilespmem:v5+s13+$0x0] =	vst.idx.add.f32.msk $0xffff, v1  }
0xd1: {  	[tilespmem:v9+s13+$0x0] =	vst.idx.add.f32.msk $0xffff, v6  }
0xd2: {  	v1 =	vld.idx.msk [tilespmem:v4+s3+$0x0], $0xffff  }
0xd3: {  	v3 =	vadd.s32 $0x7680, v14;
	v4 =	vld [tilespmem:s31+$0xFFFFFFC0]  }
0xd4: {  	v5 =	vld [tilespmem:s31+$0x40]  }
0xd5: {  	v7 =	vld [tilespmem:s16+$0xFFFFFFC0]  }
0xd6: {  	v6 =	vld [tilespmem:s16+$0xFFFFFF40]  }
0xd7: {  	v8 =	vld [tilespmem:s16+$0x40]  }
0xd8: {  	[tilespmem:v3+s13+$0x0] =	vst.idx.add.f32.msk $0xffff, v1  }
0xd9: {  	v3 =	vld.idx.msk [tilespmem:v2+s3+$0x0], $0xffff  }
0xda: {  	v11 =	vadd.s32 $0x2780, v2;
	v1 =	vld [tilespmem:s31+$0xD0]  }
0xdb: {  	v9 =	vld.idx.msk [tilespmem:v4+s3+$0x0], $0xffff  }
0xdc: {  	v10 =	vld.idx.msk [tilespmem:v5+s3+$0x0], $0xffff  }
0xdd: {  	v12 =	vld [tilespmem:s16+$0xD0]  }
0xde: {  	v13 =	vadd.s32 $0x2780, v4;
	[tilespmem:v6+s13+$0x0] =	vst.idx.add.f32.msk $0xffff, v3  }
0xdf: {  	v11 =	vld.idx.msk [tilespmem:v11+s3+$0x0], $0xffff  }
0xe0: {  	v3 =	vadd.s32 $0x2780, v5;
	[tilespmem:v7+s13+$0x0] =	vst.idx.add.f32.msk $0xffff, v9  }
0xe1: {  	[tilespmem:v8+s13+$0x0] =	vst.idx.add.f32.msk $0xffff, v10;
	v10 =	vadd.s32 $0x2780, v6  }
0xe2: {  	v14 =	vld.idx.msk [tilespmem:v1+s3+$0x0], $0xffff  }
0xe3: {  	v15 =	vadd.s32 $0x2780, v7;
	v13 =	vld.idx.msk [tilespmem:v13+s3+$0x0], $0xffff  }
0xe4: {  	v17 =	vadd.s32 $0x4F00, v2  }
0xe5: {  	v9 =	vadd.s32 $0x2780, v1;
	v3 =	vld.idx.msk [tilespmem:v3+s3+$0x0], $0xffff  }
0xe6: {  	v16 =	vadd.s32 $0x2780, v8;
	[tilespmem:v10+s13+$0x0] =	vst.idx.add.f32.msk $0xffff, v11  }
0xe7: {  	[tilespmem:v12+s13+$0x0] =	vst.idx.add.f32.msk $0xffff, v14  }
0xe8: {  	v11 =	vadd.s32 $0x4F00, v4;
	[tilespmem:v15+s13+$0x0] =	vst.idx.add.f32.msk $0xffff, v13  }
0xe9: {  	v13 =	vadd.s32 $0x4F00, v5;
	v15 =	vld.idx.msk [tilespmem:v17+s3+$0x0], $0xffff  }
0xea: {  	v14 =	vadd.s32 $0x2780, v12;
	v9 =	vld.idx.msk [tilespmem:v9+s3+$0x0], $0xffff  }
0xeb: {  	[tilespmem:v16+s13+$0x0] =	vst.idx.add.f32.msk $0xffff, v3;
	v3 =	vadd.s32 $0x4F00, v6  }
0xec: {  	v10 =	vadd.s32 $0x4F00, v1  }
0xed: {  	v2 =	vadd.s32 $0x7680, v2;
	v11 =	vld.idx.msk [tilespmem:v11+s3+$0x0], $0xffff  }
0xee: {  	v16 =	vadd.s32 $0x4F00, v8;
	v13 =	vld.idx.msk [tilespmem:v13+s3+$0x0], $0xffff  }
0xef: {  	[tilespmem:v14+s13+$0x0] =	vst.idx.add.f32.msk $0xffff, v9;
	v14 =	vadd.s32 $0x4F00, v7  }
0xf0: {  	[tilespmem:v3+s13+$0x0] =	vst.idx.add.f32.msk $0xffff, v15;
	v3 =	vadd.s32 $0x7680, v4;
	v4 =	vadd.s32 $0x7680, v5  }
0xf1: {  	v9 =	vld.idx.msk [tilespmem:v10+s3+$0x0], $0xffff;
	v10 =	vadd.s32 $0x4F00, v12  }
0xf2: {  	v1 =	vadd.s32 $0x7680, v1;
	v2 =	vld.idx.msk [tilespmem:v2+s3+$0x0], $0xffff  }
0xf3: {  	[tilespmem:v16+s13+$0x0] =	vst.idx.add.f32.msk $0xffff, v13  }
0xf4: {  	v5 =	vadd.s32 $0x7680, v6;
	[tilespmem:v14+s13+$0x0] =	vst.idx.add.f32.msk $0xffff, v11  }
0xf5: {  	v4 =	vld.idx.msk [tilespmem:v4+s3+$0x0], $0xffff  }
0xf6: {  	v8 =	vadd.s32 $0x7680, v8;
	[tilespmem:v10+s13+$0x0] =	vst.idx.add.f32.msk $0xffff, v9  }
0xf7: {  	v6 =	vadd.s32 $0x7680, v12;
	v1 =	vld.idx.msk [tilespmem:v1+s3+$0x0], $0xffff  }
0xf8: {  	v3 =	vld.idx.msk [tilespmem:v3+s3+$0x0], $0xffff  }
0xf9: {  	v7 =	vadd.s32 $0x7680, v7;
	[tilespmem:v5+s13+$0x0] =	vst.idx.add.f32.msk $0xffff, v2  }
0xfa: {  	v2 =	vld [tilespmem:s31+$0xFFFFFF50]  }
0xfb: {  	[tilespmem:v8+s13+$0x0] =	vst.idx.add.f32.msk $0xffff, v4  }
0xfc: {  	[tilespmem:v6+s13+$0x0] =	vst.idx.add.f32.msk $0xffff, v1  }
0xfd: {  	v1 =	vld [tilespmem:s31+$0xE0]  }
0xfe: {  	[tilespmem:v7+s13+$0x0] =	vst.idx.add.f32.msk $0xffff, v3  }
0xff: {  	v4 =	vld [tilespmem:s31+$0x50]  }
0x100: {  	v3 =	vld [tilespmem:s31+$0xFFFFFFD0]  }
0x101: {  	v6 =	vld [tilespmem:s16+$0xFFFFFF50]  }
0x102: {  	v5 =	vld [tilespmem:s16+$0xE0]  }
0x103: {  	v11 =	vld [tilespmem:s16+$0x50]  }
0x104: {  	v8 =	vld.idx.msk [tilespmem:v2+s3+$0x0], $0xffff  }
0x105: {  	v7 =	vld.idx.msk [tilespmem:v1+s3+$0x0], $0xffff  }
0x106: {  	v9 =	vld [tilespmem:s16+$0xFFFFFFD0];
	v10 =	vadd.s32 $0x2780, v1  }
0x107: {  	v12 =	vadd.s32 $0x2780, v2;
	v14 =	vld.idx.msk [tilespmem:v4+s3+$0x0], $0xffff  }
0x108: {  	v13 =	vld.idx.msk [tilespmem:v3+s3+$0x0], $0xffff  }
0x109: {  	[tilespmem:v6+s13+$0x0] =	vst.idx.add.f32.msk $0xffff, v8  }
0x10a: {  	[tilespmem:v5+s13+$0x0] =	vst.idx.add.f32.msk $0xffff, v7;
	v7 =	vadd.s32 $0x2780, v3  }
0x10b: {  	v8 =	vadd.s32 $0x2780, v5;
	v10 =	vld.idx.msk [tilespmem:v10+s3+$0x0], $0xffff  }
0x10c: {  	v15 =	vadd.s32 $0x4F00, v1;
	v12 =	vld.idx.msk [tilespmem:v12+s3+$0x0], $0xffff  }
0x10d: {  	v16 =	vadd.s32 $0x2780, v4;
	[tilespmem:v11+s13+$0x0] =	vst.idx.add.f32.msk $0xffff, v14  }
0x10e: {  	[tilespmem:v9+s13+$0x0] =	vst.idx.add.f32.msk $0xffff, v13;
	v13 =	vadd.s32 $0x2780, v6  }
0x10f: {  	v14 =	vadd.s32 $0x4F00, v2;
	v7 =	vld.idx.msk [tilespmem:v7+s3+$0x0], $0xffff  }
0x110: {  	v17 =	vadd.s32 $0x2780, v9;
	[tilespmem:v8+s13+$0x0] =	vst.idx.add.f32.msk $0xffff, v10  }
0x111: {  	v8 =	vadd.s32 $0x4F00, v3;
	v10 =	vld.idx.msk [tilespmem:v15+s3+$0x0], $0xffff  }
0x112: {  	v15 =	vld.idx.msk [tilespmem:v16+s3+$0x0], $0xffff;
	v16 =	vadd.s32 $0x4F00, v5  }
0x113: {  	[tilespmem:v13+s13+$0x0] =	vst.idx.add.f32.msk $0xffff, v12;
	v12 =	vadd.s32 $0x2780, v11  }
0x114: {  	v1 =	vadd.s32 $0x7680, v1;
	v13 =	vld.idx.msk [tilespmem:v14+s3+$0x0], $0xffff  }
0x115: {  	v14 =	vadd.s32 $0x4F00, v4;
	[tilespmem:v17+s13+$0x0] =	vst.idx.add.f32.msk $0xffff, v7  }
0x116: {  	v7 =	vadd.s32 $0x4F00, v6;
	v8 =	vld.idx.msk [tilespmem:v8+s3+$0x0], $0xffff  }
0x117: {  	v2 =	vadd.s32 $0x7680, v2;
	[tilespmem:v16+s13+$0x0] =	vst.idx.add.f32.msk $0xffff, v10  }
0x118: {  	[tilespmem:v12+s13+$0x0] =	vst.idx.add.f32.msk $0xffff, v15;
	v10 =	vadd.s32 $0x4F00, v9  }
0x119: {  	v5 =	vadd.s32 $0x7680, v5;
	v1 =	vld.idx.msk [tilespmem:v1+s3+$0x0], $0xffff  }
0x11a: {  	v12 =	vld.idx.msk [tilespmem:v14+s3+$0x0], $0xffff;
	v14 =	vadd.s32 $0x4F00, v11  }
0x11b: {  	v3 =	vadd.s32 $0x7680, v3;
	[tilespmem:v7+s13+$0x0] =	vst.idx.add.f32.msk $0xffff, v13  }
0x11c: {  	v2 =	vld.idx.msk [tilespmem:v2+s3+$0x0], $0xffff  }
0x11d: {  	v4 =	vadd.s32 $0x7680, v4;
	[tilespmem:v10+s13+$0x0] =	vst.idx.add.f32.msk $0xffff, v8  }
0x11e: {  	[tilespmem:v5+s13+$0x0] =	vst.idx.add.f32.msk $0xffff, v1;
	v1 =	vadd.s32 $0x7680, v6  }
0x11f: {  	[tilespmem:v14+s13+$0x0] =	vst.idx.add.f32.msk $0xffff, v12  }
0x120: {  	v3 =	vld.idx.msk [tilespmem:v3+s3+$0x0], $0xffff  }
0x121: {  	v6 =	vadd.s32 $0x7680, v9;
	v5 =	vld [tilespmem:s31+$0xF0]  }
0x122: {  	v7 =	vadd.s32 $0x7680, v11;
	v4 =	vld.idx.msk [tilespmem:v4+s3+$0x0], $0xffff  }
0x123: {  	[tilespmem:v1+s13+$0x0] =	vst.idx.add.f32.msk $0xffff, v2  }
0x124: {  	v2 =	vld [tilespmem:s16+$0xF0]  }
0x125: {  	v1 =	vld [tilespmem:s31+$0xFFFFFF60]  }
0x126: {  	[tilespmem:v6+s13+$0x0] =	vst.idx.add.f32.msk $0xffff, v3  }
0x127: {  	[tilespmem:v7+s13+$0x0] =	vst.idx.add.f32.msk $0xffff, v4  }
0x128: {  	v4 =	vld [tilespmem:s31+$0xFFFFFFE0]  }
0x129: {  	v8 =	vld.idx.msk [tilespmem:v5+s3+$0x0], $0xffff  }
0x12a: {  	v3 =	vadd.s32 $0x2780, v5;
	v6 =	vld [tilespmem:s31+$0x60]  }
0x12b: {  	v7 =	vld [tilespmem:s16+$0xFFFFFF60]  }
0x12c: {  	v10 =	vld [tilespmem:s16+$0xFFFFFFE0]  }
0x12d: {  	v9 =	vld.idx.msk [tilespmem:v1+s3+$0x0], $0xffff  }
0x12e: {  	[tilespmem:v2+s13+$0x0] =	vst.idx.add.f32.msk $0xffff, v8  }
0x12f: {  	v8 =	vadd.s32 $0x2780, v2;
	v3 =	vld.idx.msk [tilespmem:v3+s3+$0x0], $0xffff  }
0x130: {  	v12 =	vld [tilespmem:s16+$0x60];
	v13 =	vadd.s32 $0x2780, v1  }
0x131: {  	v11 =	vadd.s32 $0x4F00, v5;
	v14 =	vld.idx.msk [tilespmem:v4+s3+$0x0], $0xffff  }
0x132: {  	v15 =	vld.idx.msk [tilespmem:v6+s3+$0x0], $0xffff  }
0x133: {  	[tilespmem:v7+s13+$0x0] =	vst.idx.add.f32.msk $0xffff, v9  }
0x134: {  	[tilespmem:v8+s13+$0x0] =	vst.idx.add.f32.msk $0xffff, v3;
	v3 =	vadd.s32 $0x2780, v4  }
0x135: {  	v16 =	vadd.s32 $0x2780, v7;
	v13 =	vld.idx.msk [tilespmem:v13+s3+$0x0], $0xffff  }
0x136: {  	v9 =	vadd.s32 $0x4F00, v2;
	v8 =	vld.idx.msk [tilespmem:v11+s3+$0x0], $0xffff  }
0x137: {  	[tilespmem:v10+s13+$0x0] =	vst.idx.add.f32.msk $0xffff, v14;
	v11 =	vadd.s32 $0x2780, v6  }
0x138: {  	v14 =	vadd.s32 $0x4F00, v1;
	[tilespmem:v12+s13+$0x0] =	vst.idx.add.f32.msk $0xffff, v15  }
0x139: {  	v3 =	vld.idx.msk [tilespmem:v3+s3+$0x0], $0xffff  }
0x13a: {  	v15 =	vadd.s32 $0x2780, v10;
	[tilespmem:v16+s13+$0x0] =	vst.idx.add.f32.msk $0xffff, v13  }
0x13b: {  	v17 =	vadd.s32 $0x4F00, v4;
	[tilespmem:v9+s13+$0x0] =	vst.idx.add.f32.msk $0xffff, v8  }
0x13c: {  	v8 =	vadd.s32 $0x2780, v12;
	v9 =	vld.idx.msk [tilespmem:v11+s3+$0x0], $0xffff  }
0x13d: {  	v13 =	vadd.s32 $0x4F00, v7;
	v14 =	vld.idx.msk [tilespmem:v14+s3+$0x0], $0xffff  }
0x13e: {  	v11 =	vadd.s32 $0x4F00, v6  }
0x13f: {  	v1 =	vadd.s32 $0x7680, v1;
	[tilespmem:v15+s13+$0x0] =	vst.idx.add.f32.msk $0xffff, v3  }
0x140: {  	v15 =	vld.idx.msk [tilespmem:v17+s3+$0x0], $0xffff  }
0x141: {  	v3 =	vadd.s32 $0x4F00, v10;
	[tilespmem:v8+s13+$0x0] =	vst.idx.add.f32.msk $0xffff, v9  }
0x142: {  	v4 =	vadd.s32 $0x7680, v4;
	[tilespmem:v13+s13+$0x0] =	vst.idx.add.f32.msk $0xffff, v14  }
0x143: {  	v8 =	vadd.s32 $0x4F00, v12;
	v9 =	vld.idx.msk [tilespmem:v11+s3+$0x0], $0xffff  }
0x144: {  	v7 =	vadd.s32 $0x7680, v7;
	v1 =	vld.idx.msk [tilespmem:v1+s3+$0x0], $0xffff  }
0x145: {  	v6 =	vadd.s32 $0x7680, v6  }
0x146: {  	[tilespmem:v3+s13+$0x0] =	vst.idx.add.f32.msk $0xffff, v15  }
0x147: {  	v5 =	vadd.s32 $0x7680, v5;
	v4 =	vld.idx.msk [tilespmem:v4+s3+$0x0], $0xffff  }
0x148: {  	[tilespmem:v8+s13+$0x0] =	vst.idx.add.f32.msk $0xffff, v9  }
0x149: {  	v3 =	vadd.s32 $0x7680, v10;
	[tilespmem:v7+s13+$0x0] =	vst.idx.add.f32.msk $0xffff, v1  }
0x14a: {  	v6 =	vld.idx.msk [tilespmem:v6+s3+$0x0], $0xffff  }
0x14b: {  	v8 =	vadd.s32 $0x7680, v12;
	v1 =	vld [tilespmem:s31+$0xFFFFFF70]  }
0x14c: {  	v5 =	vld.idx.msk [tilespmem:v5+s3+$0x0], $0xffff  }
0x14d: {  	v7 =	vld [tilespmem:s16+$0xFFFFFF70]  }
0x14e: {  	[tilespmem:v3+s13+$0x0] =	vst.idx.add.f32.msk $0xffff, v4  }
0x14f: {  	v3 =	vld [tilespmem:s31+$0xFFFFFFF0]  }
0x150: {  	v2 =	vadd.s32 $0x7680, v2;
	[tilespmem:v8+s13+$0x0] =	vst.idx.add.f32.msk $0xffff, v6  }
0x151: {  	v4 =	vld [tilespmem:s31+$0x70];
	_ =	sdelay $0x1  }
0x152: {  	v6 =	vld.idx.msk [tilespmem:v1+s3+$0x0], $0xffff  }
0x153: {  	v14 =	vld [tilespmem:s16+$0xFFFFFFF0]  }
0x154: {  	[tilespmem:v2+s13+$0x0] =	vst.idx.add.f32.msk $0xffff, v5;
	v8 =	vadd.s32 $0x2780, v1  }
0x155: {  	v17 =	vld [tilespmem:s16+$0x70]  }
0x156: {  	v9 =	vld.idx.msk [tilespmem:v3+s3+$0x0], $0xffff  }
0x157: {  	v2 =	vadd.s32 $0x2780, v3;
	[tilespmem:v7+s13+$0x0] =	vst.idx.add.f32.msk $0xffff, v6  }
0x158: {  	v13 =	vld.idx.msk [tilespmem:v4+s3+$0x0], $0xffff  }
0x159: {  	v18 =	vadd.s32 $0x2780, v7;
	v19 =	vld.idx.msk [tilespmem:v8+s3+$0x0], $0xffff  }
0x15a: {  	v16 =	vadd.s32 $0x2780, v4  }
0x15b: {  	v11 =	vadd.s32 $0x4F00, v1;
	v10 =	vadd.s32 $0x4F00, v3;
	[tilespmem:v14+s13+$0x0] =	vst.idx.add.f32.msk $0xffff, v9  }
0x15c: {  	v5 =	vadd.s32 $0x7680, v3;
	v12 =	vadd.s32 $0x4F00, v4;
	v6 =	vadd.s32 $0x7680, v1;
	v15 =	vld.idx.msk [tilespmem:v2+s3+$0x0], $0xffff  }
0x15d: {  	v1 =	vadd.s32 $0x7680, v7;
	v3 =	vadd.s32 $0x7680, v17;
	v4 =	vadd.s32 $0x7680, v4;
	[tilespmem:v17+s13+$0x0] =	vst.idx.add.f32.msk $0xffff, v13  }
0x15e: {  	v8 =	vadd.s32 $0x4F00, v14;
	v9 =	vadd.s32 $0x4F00, v7;
	v7 =	vadd.s32 $0x4F00, v17;
	[tilespmem:v18+s13+$0x0] =	vst.idx.add.f32.msk $0xffff, v19  }
0x15f: {  	s18 =	simm.s32 $0xA100;
	s17 =	simm.s32 $0x0;
	v13 =	vadd.s32 $0x2780, v14;
	v2 =	vadd.s32 $0x7680, v14;
	v14 =	vadd.s32 $0x2780, v17;
	v16 =	vld.idx.msk [tilespmem:v16+s3+$0x0], $0xffff  }
.LBB2_5:
0x160: {  	v17 =	vld [tilespmem:s18+$0x80];
	s17 =	sadd.s32 $0x4, s17  }
0x161: {  	v18 =	vld [tilespmem:s18+$0xFFFFFF80];
	p0 =	slt.u32 s17, $0xC  }
0x162: {  	v19 =	vld [tilespmem:s18+$0x0]  }
0x163: {  	v20 =	vld [tilespmem:s18+$0xFFFFFF00]  }
0x164: {  	[tilespmem:v13+s13+$0x0] =	vst.idx.add.f32.msk $0xffff, v15  }
0x165: {  	s16 =	sadd.s32 $0x200, s16;
	[tilespmem:v14+s13+$0x0] =	vst.idx.add.f32.msk $0xffff, v16  }
0x166: {  	v13 =	vadd.s32 $0x2780, v18;
	v14 =	vadd.s32 $0x4F00, v18;
	v15 =	vadd.s32 $0x7680, v18;
	v16 =	vld [tilespmem:s16+$0x80]  }
0x167: {  	v21 =	vld [tilespmem:s16+$0xFFFFFF00];
	v22 =	vadd.s32 $0x2780, v19;
	v23 =	vadd.s32 $0x4F00, v19;
	v24 =	vadd.s32 $0x7680, v19  }
0x168: {  	v25 =	vadd.s32 $0x2780, v20;
	v26 =	vadd.s32 $0x4F00, v20;
	v27 =	vadd.s32 $0x7680, v20;
	v28 =	vld.idx.msk [tilespmem:v17+s3+$0x0], $0xffff  }
0x169: {  	v18 =	vld.idx.msk [tilespmem:v18+s3+$0x0], $0xffff  }
0x16a: {  	v29 =	vadd.s32 $0x2780, v17;
	v19 =	vld.idx.msk [tilespmem:v19+s3+$0x0], $0xffff  }
0x16b: {  	v20 =	vld.idx.msk [tilespmem:v20+s3+$0x0], $0xffff  }
0x16c: {  	v30 =	vadd.s32 $0x2780, v21;
	v31 =	vadd.s32 $0x4F00, v21;
	v32 =	vadd.s32 $0x7680, v21;
	v33 =	vld [tilespmem:s16+$0xFFFFFF80]  }
0x16d: {  	v34 =	vld [tilespmem:s16+$0x0]  }
0x16e: {  	[tilespmem:v16+s13+$0x0] =	vst.idx.add.f32.msk $0xffff, v28  }
0x16f: {  	v28 =	vld.idx.msk [tilespmem:v29+s3+$0x0], $0xffff  }
0x170: {  	v29 =	vadd.s32 $0x2780, v16;
	v11 =	vld.idx.msk [tilespmem:v11+s3+$0x0], $0xffff  }
0x171: {  	v35 =	vadd.s32 $0x4F00, v17;
	[tilespmem:v21+s13+$0x0] =	vst.idx.add.f32.msk $0xffff, v20;
	v20 =	vadd.s32 $0x2780, v33;
	v21 =	vadd.s32 $0x4F00, v33  }
0x172: {  	v36 =	vadd.s32 $0x7680, v33;
	v25 =	vld.idx.msk [tilespmem:v25+s3+$0x0], $0xffff;
	v37 =	vadd.s32 $0x2780, v34;
	v38 =	vadd.s32 $0x4F00, v34  }
0x173: {  	v39 =	vadd.s32 $0x7680, v34;
	v10 =	vld.idx.msk [tilespmem:v10+s3+$0x0], $0xffff  }
0x174: {  	[tilespmem:v33+s13+$0x0] =	vst.idx.add.f32.msk $0xffff, v18  }
0x175: {  	[tilespmem:v29+s13+$0x0] =	vst.idx.add.f32.msk $0xffff, v28  }
0x176: {  	v18 =	vld.idx.msk [tilespmem:v35+s3+$0x0], $0xffff  }
0x177: {  	[tilespmem:v34+s13+$0x0] =	vst.idx.add.f32.msk $0xffff, v19;
	v19 =	vadd.s32 $0x4F00, v16  }
0x178: {  	v17 =	vadd.s32 $0x7680, v17;
	v13 =	vld.idx.msk [tilespmem:v13+s3+$0x0], $0xffff  }
0x179: {  	v22 =	vld.idx.msk [tilespmem:v22+s3+$0x0], $0xffff  }
0x17a: {  	[tilespmem:v30+s13+$0x0] =	vst.idx.add.f32.msk $0xffff, v25  }
0x17b: {  	v25 =	vld.idx.msk [tilespmem:v26+s3+$0x0], $0xffff  }
0x17c: {  	[tilespmem:v19+s13+$0x0] =	vst.idx.add.f32.msk $0xffff, v18  }
0x17d: {  	v17 =	vld.idx.msk [tilespmem:v17+s3+$0x0], $0xffff  }
0x17e: {  	[tilespmem:v20+s13+$0x0] =	vst.idx.add.f32.msk $0xffff, v13;
	v13 =	vadd.s32 $0x7680, v16  }
0x17f: {  	[tilespmem:v37+s13+$0x0] =	vst.idx.add.f32.msk $0xffff, v22  }
0x180: {  	v14 =	vld.idx.msk [tilespmem:v14+s3+$0x0], $0xffff  }
0x181: {  	v16 =	vld.idx.msk [tilespmem:v23+s3+$0x0], $0xffff  }
0x182: {  	[tilespmem:v31+s13+$0x0] =	vst.idx.add.f32.msk $0xffff, v25  }
0x183: {  	[tilespmem:v13+s13+$0x0] =	vst.idx.add.f32.msk $0xffff, v17  }
0x184: {  	v13 =	vld [tilespmem:s18+$0x90]  }
0x185: {  	v17 =	vld.idx.msk [tilespmem:v27+s3+$0x0], $0xffff  }
0x186: {  	[tilespmem:v21+s13+$0x0] =	vst.idx.add.f32.msk $0xffff, v14  }
0x187: {  	[tilespmem:v38+s13+$0x0] =	vst.idx.add.f32.msk $0xffff, v16  }
0x188: {  	v14 =	vld.idx.msk [tilespmem:v15+s3+$0x0], $0xffff  }
0x189: {  	v15 =	vld.idx.msk [tilespmem:v24+s3+$0x0], $0xffff  }
0x18a: {  	v16 =	vld [tilespmem:s16+$0x90]  }
0x18b: {  	[tilespmem:v32+s13+$0x0] =	vst.idx.add.f32.msk $0xffff, v17  }
0x18c: {  	v17 =	vld.idx.msk [tilespmem:v13+s3+$0x0], $0xffff  }
0x18d: {  	v18 =	vld [tilespmem:s18+$0xFFFFFF10]  }
0x18e: {  	[tilespmem:v36+s13+$0x0] =	vst.idx.add.f32.msk $0xffff, v14;
	v14 =	vadd.s32 $0x2780, v13  }
0x18f: {  	[tilespmem:v39+s13+$0x0] =	vst.idx.add.f32.msk $0xffff, v15  }
0x190: {  	v15 =	vld [tilespmem:s18+$0xFFFFFF90]  }
0x191: {  	v19 =	vld [tilespmem:s18+$0x10]  }
0x192: {  	v20 =	vadd.s32 $0x2780, v18;
	v21 =	vadd.s32 $0x4F00, v18;
	v22 =	vadd.s32 $0x7680, v18;
	[tilespmem:v16+s13+$0x0] =	vst.idx.add.f32.msk $0xffff, v17  }
0x193: {  	v14 =	vld.idx.msk [tilespmem:v14+s3+$0x0], $0xffff  }
0x194: {  	v23 =	vadd.s32 $0x2780, v16;
	v17 =	vld [tilespmem:s16+$0xFFFFFF10]  }
0x195: {  	v26 =	vadd.s32 $0x4F00, v13;
	v18 =	vld.idx.msk [tilespmem:v18+s3+$0x0], $0xffff;
	v24 =	vadd.s32 $0x2780, v15;
	v25 =	vadd.s32 $0x4F00, v15  }
0x196: {  	v28 =	vadd.s32 $0x7680, v15;
	v27 =	vld [tilespmem:s16+$0xFFFFFF90];
	v29 =	vadd.s32 $0x2780, v19;
	v30 =	vadd.s32 $0x4F00, v19  }
0x197: {  	v32 =	vadd.s32 $0x7680, v19;
	v31 =	vld [tilespmem:s16+$0x10]  }
0x198: {  	v15 =	vld.idx.msk [tilespmem:v15+s3+$0x0], $0xffff  }
0x199: {  	v33 =	vadd.s32 $0x2780, v17;
	v34 =	vadd.s32 $0x4F00, v17;
	v35 =	vadd.s32 $0x7680, v17;
	[tilespmem:v23+s13+$0x0] =	vst.idx.add.f32.msk $0xffff, v14  }
0x19a: {  	v14 =	vld.idx.msk [tilespmem:v26+s3+$0x0], $0xffff  }
0x19b: {  	v36 =	vadd.s32 $0x4F00, v16;
	v23 =	vadd.s32 $0x2780, v27;
	v26 =	vadd.s32 $0x4F00, v27;
	v19 =	vld.idx.msk [tilespmem:v19+s3+$0x0], $0xffff  }
0x19c: {  	v13 =	vadd.s32 $0x7680, v13;
	[tilespmem:v17+s13+$0x0] =	vst.idx.add.f32.msk $0xffff, v18;
	v17 =	vadd.s32 $0x2780, v31;
	v18 =	vadd.s32 $0x4F00, v31  }
0x19d: {  	v37 =	vadd.s32 $0x7680, v27;
	v38 =	vadd.s32 $0x7680, v31;
	v20 =	vld.idx.msk [tilespmem:v20+s3+$0x0], $0xffff  }
0x19e: {  	[tilespmem:v27+s13+$0x0] =	vst.idx.add.f32.msk $0xffff, v15  }
0x19f: {  	v15 =	vld.idx.msk [tilespmem:v24+s3+$0x0], $0xffff  }
0x1a0: {  	[tilespmem:v36+s13+$0x0] =	vst.idx.add.f32.msk $0xffff, v14  }
0x1a1: {  	v13 =	vld.idx.msk [tilespmem:v13+s3+$0x0], $0xffff  }
0x1a2: {  	v14 =	vadd.s32 $0x7680, v16;
	[tilespmem:v31+s13+$0x0] =	vst.idx.add.f32.msk $0xffff, v19  }
0x1a3: {  	v16 =	vld.idx.msk [tilespmem:v29+s3+$0x0], $0xffff  }
0x1a4: {  	[tilespmem:v33+s13+$0x0] =	vst.idx.add.f32.msk $0xffff, v20  }
0x1a5: {  	[tilespmem:v23+s13+$0x0] =	vst.idx.add.f32.msk $0xffff, v15  }
0x1a6: {  	v15 =	vld.idx.msk [tilespmem:v21+s3+$0x0], $0xffff  }
0x1a7: {  	[tilespmem:v14+s13+$0x0] =	vst.idx.add.f32.msk $0xffff, v13  }
0x1a8: {  	v13 =	vld [tilespmem:s18+$0xA0]  }
0x1a9: {  	[tilespmem:v17+s13+$0x0] =	vst.idx.add.f32.msk $0xffff, v16  }
0x1aa: {  	v14 =	vld.idx.msk [tilespmem:v25+s3+$0x0], $0xffff  }
0x1ab: {  	v16 =	vld.idx.msk [tilespmem:v30+s3+$0x0], $0xffff  }
0x1ac: {  	[tilespmem:v34+s13+$0x0] =	vst.idx.add.f32.msk $0xffff, v15  }
0x1ad: {  	v15 =	vld.idx.msk [tilespmem:v22+s3+$0x0], $0xffff  }
0x1ae: {  	v17 =	vld [tilespmem:s16+$0xA0]  }
0x1af: {  	v12 =	vld.idx.msk [tilespmem:v12+s3+$0x0], $0xffff  }
0x1b0: {  	v19 =	vld.idx.msk [tilespmem:v13+s3+$0x0], $0xffff  }
0x1b1: {  	[tilespmem:v26+s13+$0x0] =	vst.idx.add.f32.msk $0xffff, v14  }
0x1b2: {  	v14 =	vadd.s32 $0x2780, v13;
	[tilespmem:v18+s13+$0x0] =	vst.idx.add.f32.msk $0xffff, v16  }
0x1b3: {  	v16 =	vld.idx.msk [tilespmem:v28+s3+$0x0], $0xffff  }
0x1b4: {  	v18 =	vld.idx.msk [tilespmem:v32+s3+$0x0], $0xffff  }
0x1b5: {  	[tilespmem:v35+s13+$0x0] =	vst.idx.add.f32.msk $0xffff, v15  }
0x1b6: {  	[tilespmem:v17+s13+$0x0] =	vst.idx.add.f32.msk $0xffff, v19  }
0x1b7: {  	v14 =	vld.idx.msk [tilespmem:v14+s3+$0x0], $0xffff  }
0x1b8: {  	v19 =	vadd.s32 $0x2780, v17;
	v15 =	vld [tilespmem:s18+$0xFFFFFF20]  }
0x1b9: {  	[tilespmem:v37+s13+$0x0] =	vst.idx.add.f32.msk $0xffff, v16;
	v16 =	vadd.s32 $0x4F00, v13  }
0x1ba: {  	[tilespmem:v38+s13+$0x0] =	vst.idx.add.f32.msk $0xffff, v18  }
0x1bb: {  	v18 =	vld [tilespmem:s18+$0xFFFFFFA0]  }
0x1bc: {  	v20 =	vld [tilespmem:s18+$0x20]  }
0x1bd: {  	v21 =	vadd.s32 $0x2780, v15;
	v22 =	vadd.s32 $0x4F00, v15;
	v23 =	vadd.s32 $0x7680, v15;
	[tilespmem:v19+s13+$0x0] =	vst.idx.add.f32.msk $0xffff, v14  }
0x1be: {  	v14 =	vld.idx.msk [tilespmem:v16+s3+$0x0], $0xffff  }
0x1bf: {  	v19 =	vadd.s32 $0x4F00, v17;
	v16 =	vld [tilespmem:s16+$0xFFFFFF20]  }
0x1c0: {  	v13 =	vadd.s32 $0x7680, v13;
	v15 =	vld.idx.msk [tilespmem:v15+s3+$0x0], $0xffff;
	v24 =	vadd.s32 $0x2780, v18;
	v25 =	vadd.s32 $0x4F00, v18  }
0x1c1: {  	v27 =	vadd.s32 $0x7680, v18;
	v26 =	vld [tilespmem:s16+$0xFFFFFFA0];
	v28 =	vadd.s32 $0x2780, v20;
	v29 =	vadd.s32 $0x4F00, v20  }
0x1c2: {  	v31 =	vadd.s32 $0x7680, v20;
	v30 =	vld [tilespmem:s16+$0x20]  }
0x1c3: {  	v18 =	vld.idx.msk [tilespmem:v18+s3+$0x0], $0xffff  }
0x1c4: {  	v32 =	vadd.s32 $0x2780, v16;
	v33 =	vadd.s32 $0x4F00, v16;
	v34 =	vadd.s32 $0x7680, v16;
	[tilespmem:v19+s13+$0x0] =	vst.idx.add.f32.msk $0xffff, v14  }
0x1c5: {  	v13 =	vld.idx.msk [tilespmem:v13+s3+$0x0], $0xffff  }
0x1c6: {  	v17 =	vadd.s32 $0x7680, v17;
	v14 =	vadd.s32 $0x2780, v26;
	v19 =	vadd.s32 $0x4F00, v26;
	v20 =	vld.idx.msk [tilespmem:v20+s3+$0x0], $0xffff  }
0x1c7: {  	[tilespmem:v16+s13+$0x0] =	vst.idx.add.f32.msk $0xffff, v15;
	v15 =	vadd.s32 $0x7680, v26;
	v16 =	vadd.s32 $0x2780, v30;
	v35 =	vadd.s32 $0x4F00, v30  }
0x1c8: {  	v36 =	vadd.s32 $0x7680, v30;
	v21 =	vld.idx.msk [tilespmem:v21+s3+$0x0], $0xffff  }
0x1c9: {  	[tilespmem:v26+s13+$0x0] =	vst.idx.add.f32.msk $0xffff, v18  }
0x1ca: {  	v18 =	vld.idx.msk [tilespmem:v24+s3+$0x0], $0xffff  }
0x1cb: {  	[tilespmem:v17+s13+$0x0] =	vst.idx.add.f32.msk $0xffff, v13  }
0x1cc: {  	v13 =	vld [tilespmem:s18+$0xB0]  }
0x1cd: {  	[tilespmem:v30+s13+$0x0] =	vst.idx.add.f32.msk $0xffff, v20  }
0x1ce: {  	v17 =	vld.idx.msk [tilespmem:v28+s3+$0x0], $0xffff  }
0x1cf: {  	[tilespmem:v32+s13+$0x0] =	vst.idx.add.f32.msk $0xffff, v21  }
0x1d0: {  	[tilespmem:v14+s13+$0x0] =	vst.idx.add.f32.msk $0xffff, v18  }
0x1d1: {  	v14 =	vld.idx.msk [tilespmem:v22+s3+$0x0], $0xffff  }
0x1d2: {  	v18 =	vld [tilespmem:s16+$0xB0]  }
0x1d3: {  	v20 =	vld.idx.msk [tilespmem:v25+s3+$0x0], $0xffff  }
0x1d4: {  	v21 =	vld.idx.msk [tilespmem:v13+s3+$0x0], $0xffff  }
0x1d5: {  	[tilespmem:v16+s13+$0x0] =	vst.idx.add.f32.msk $0xffff, v17  }
0x1d6: {  	v17 =	vadd.s32 $0x2780, v13;
	v16 =	vld.idx.msk [tilespmem:v29+s3+$0x0], $0xffff  }
0x1d7: {  	[tilespmem:v33+s13+$0x0] =	vst.idx.add.f32.msk $0xffff, v14  }
0x1d8: {  	v14 =	vld.idx.msk [tilespmem:v23+s3+$0x0], $0xffff  }
0x1d9: {  	[tilespmem:v19+s13+$0x0] =	vst.idx.add.f32.msk $0xffff, v20  }
0x1da: {  	[tilespmem:v18+s13+$0x0] =	vst.idx.add.f32.msk $0xffff, v21  }
0x1db: {  	v17 =	vld.idx.msk [tilespmem:v17+s3+$0x0], $0xffff  }
0x1dc: {  	[tilespmem:v35+s13+$0x0] =	vst.idx.add.f32.msk $0xffff, v16;
	v16 =	vadd.s32 $0x2780, v18  }
0x1dd: {  	v20 =	vadd.s32 $0x4F00, v13;
	v19 =	vld.idx.msk [tilespmem:v27+s3+$0x0], $0xffff  }
0x1de: {  	v21 =	vld.idx.msk [tilespmem:v31+s3+$0x0], $0xffff  }
0x1df: {  	[tilespmem:v34+s13+$0x0] =	vst.idx.add.f32.msk $0xffff, v14  }
0x1e0: {  	v14 =	vld [tilespmem:s18+$0xFFFFFF30]  }
0x1e1: {  	[tilespmem:v16+s13+$0x0] =	vst.idx.add.f32.msk $0xffff, v17  }
0x1e2: {  	v16 =	vld.idx.msk [tilespmem:v20+s3+$0x0], $0xffff  }
0x1e3: {  	[tilespmem:v15+s13+$0x0] =	vst.idx.add.f32.msk $0xffff, v19;
	v15 =	vadd.s32 $0x4F00, v18  }
0x1e4: {  	v13 =	vadd.s32 $0x7680, v13;
	[tilespmem:v36+s13+$0x0] =	vst.idx.add.f32.msk $0xffff, v21  }
0x1e5: {  	v17 =	vadd.s32 $0x2780, v14;
	v19 =	vadd.s32 $0x4F00, v14;
	v20 =	vadd.s32 $0x7680, v14;
	v21 =	vld [tilespmem:s18+$0xFFFFFFB0]  }
0x1e6: {  	v22 =	vld [tilespmem:s18+$0x30]  }
0x1e7: {  	v23 =	vld [tilespmem:s16+$0xFFFFFF30]  }
0x1e8: {  	[tilespmem:v15+s13+$0x0] =	vst.idx.add.f32.msk $0xffff, v16  }
0x1e9: {  	v13 =	vld.idx.msk [tilespmem:v13+s3+$0x0], $0xffff  }
0x1ea: {  	v18 =	vadd.s32 $0x7680, v18;
	v14 =	vld.idx.msk [tilespmem:v14+s3+$0x0], $0xffff;
	v15 =	vadd.s32 $0x2780, v21;
	v16 =	vadd.s32 $0x4F00, v21  }
0x1eb: {  	v25 =	vadd.s32 $0x7680, v21;
	v24 =	vld [tilespmem:s16+$0xFFFFFFB0];
	v26 =	vadd.s32 $0x2780, v22;
	v27 =	vadd.s32 $0x4F00, v22  }
0x1ec: {  	v31 =	vadd.s32 $0x7680, v22;
	v28 =	vadd.s32 $0x2780, v23;
	v29 =	vadd.s32 $0x4F00, v23;
	v30 =	vld [tilespmem:s16+$0x30]  }
0x1ed: {  	v32 =	vadd.s32 $0x7680, v23;
	v21 =	vld.idx.msk [tilespmem:v21+s3+$0x0], $0xffff  }
0x1ee: {  	v22 =	vld.idx.msk [tilespmem:v22+s3+$0x0], $0xffff  }
0x1ef: {  	[tilespmem:v18+s13+$0x0] =	vst.idx.add.f32.msk $0xffff, v13  }
0x1f0: {  	v13 =	vadd.s32 $0x2780, v24;
	v18 =	vadd.s32 $0x4F00, v24;
	v33 =	vadd.s32 $0x7680, v24;
	v34 =	vld [tilespmem:s18+$0xC0]  }
0x1f1: {  	[tilespmem:v23+s13+$0x0] =	vst.idx.add.f32.msk $0xffff, v14;
	v14 =	vadd.s32 $0x2780, v30;
	v23 =	vadd.s32 $0x4F00, v30;
	v35 =	vadd.s32 $0x7680, v30  }
0x1f2: {  	v17 =	vld.idx.msk [tilespmem:v17+s3+$0x0], $0xffff  }
0x1f3: {  	[tilespmem:v24+s13+$0x0] =	vst.idx.add.f32.msk $0xffff, v21  }
0x1f4: {  	[tilespmem:v30+s13+$0x0] =	vst.idx.add.f32.msk $0xffff, v22  }
0x1f5: {  	v15 =	vld.idx.msk [tilespmem:v15+s3+$0x0], $0xffff  }
0x1f6: {  	v21 =	vld [tilespmem:s16+$0xC0]  }
0x1f7: {  	v22 =	vld.idx.msk [tilespmem:v26+s3+$0x0], $0xffff  }
0x1f8: {  	v24 =	vld.idx.msk [tilespmem:v34+s3+$0x0], $0xffff  }
0x1f9: {  	[tilespmem:v28+s13+$0x0] =	vst.idx.add.f32.msk $0xffff, v17  }
0x1fa: {  	v17 =	vld.idx.msk [tilespmem:v19+s3+$0x0], $0xffff;
	v19 =	vadd.s32 $0x2780, v34  }
0x1fb: {  	[tilespmem:v13+s13+$0x0] =	vst.idx.add.f32.msk $0xffff, v15  }
0x1fc: {  	v13 =	vld.idx.msk [tilespmem:v16+s3+$0x0], $0xffff  }
0x1fd: {  	[tilespmem:v14+s13+$0x0] =	vst.idx.add.f32.msk $0xffff, v22  }
0x1fe: {  	[tilespmem:v21+s13+$0x0] =	vst.idx.add.f32.msk $0xffff, v24  }
0x1ff: {  	v14 =	vld.idx.msk [tilespmem:v19+s3+$0x0], $0xffff  }
0x200: {  	v16 =	vadd.s32 $0x2780, v21;
	v15 =	vld.idx.msk [tilespmem:v27+s3+$0x0], $0xffff  }
0x201: {  	[tilespmem:v29+s13+$0x0] =	vst.idx.add.f32.msk $0xffff, v17;
	v17 =	vadd.s32 $0x4F00, v34  }
0x202: {  	[tilespmem:v18+s13+$0x0] =	vst.idx.add.f32.msk $0xffff, v13  }
0x203: {  	v13 =	vld.idx.msk [tilespmem:v20+s3+$0x0], $0xffff  }
0x204: {  	v18 =	vld.idx.msk [tilespmem:v25+s3+$0x0], $0xffff  }
0x205: {  	[tilespmem:v16+s13+$0x0] =	vst.idx.add.f32.msk $0xffff, v14  }
0x206: {  	v14 =	vld.idx.msk [tilespmem:v17+s3+$0x0], $0xffff  }
0x207: {  	[tilespmem:v23+s13+$0x0] =	vst.idx.add.f32.msk $0xffff, v15;
	v15 =	vadd.s32 $0x4F00, v21  }
0x208: {  	v17 =	vadd.s32 $0x7680, v34;
	v16 =	vld.idx.msk [tilespmem:v31+s3+$0x0], $0xffff  }
0x209: {  	[tilespmem:v32+s13+$0x0] =	vst.idx.add.f32.msk $0xffff, v13  }
0x20a: {  	[tilespmem:v33+s13+$0x0] =	vst.idx.add.f32.msk $0xffff, v18  }
0x20b: {  	v13 =	vld [tilespmem:s18+$0xFFFFFF40]  }
0x20c: {  	[tilespmem:v15+s13+$0x0] =	vst.idx.add.f32.msk $0xffff, v14  }
0x20d: {  	v14 =	vld.idx.msk [tilespmem:v17+s3+$0x0], $0xffff  }
0x20e: {  	v15 =	vadd.s32 $0x7680, v21;
	[tilespmem:v35+s13+$0x0] =	vst.idx.add.f32.msk $0xffff, v16  }
0x20f: {  	v16 =	vld [tilespmem:s18+$0xFFFFFFC0]  }
0x210: {  	v17 =	vadd.s32 $0x2780, v13;
	v18 =	vadd.s32 $0x4F00, v13;
	v19 =	vadd.s32 $0x7680, v13;
	v20 =	vld [tilespmem:s18+$0x40]  }
0x211: {  	v21 =	vld [tilespmem:s16+$0xFFFFFF40]  }
0x212: {  	v22 =	vld [tilespmem:s16+$0xFFFFFFC0]  }
0x213: {  	[tilespmem:v15+s13+$0x0] =	vst.idx.add.f32.msk $0xffff, v14  }
0x214: {  	v14 =	vadd.s32 $0x2780, v16;
	v15 =	vadd.s32 $0x4F00, v16;
	v23 =	vadd.s32 $0x7680, v16;
	v24 =	vld [tilespmem:s18+$0xD0]  }
0x215: {  	v13 =	vld.idx.msk [tilespmem:v13+s3+$0x0], $0xffff;
	v25 =	vadd.s32 $0x2780, v20;
	v26 =	vadd.s32 $0x4F00, v20;
	v27 =	vadd.s32 $0x7680, v20  }
0x216: {  	v28 =	vadd.s32 $0x2780, v21;
	v29 =	vadd.s32 $0x4F00, v21;
	v30 =	vadd.s32 $0x7680, v21;
	v31 =	vld [tilespmem:s16+$0x40]  }
0x217: {  	v16 =	vld.idx.msk [tilespmem:v16+s3+$0x0], $0xffff;
	v32 =	vadd.s32 $0x2780, v22;
	v33 =	vadd.s32 $0x4F00, v22;
	v34 =	vadd.s32 $0x7680, v22  }
0x218: {  	v20 =	vld.idx.msk [tilespmem:v20+s3+$0x0], $0xffff  }
0x219: {  	[tilespmem:v9+s13+$0x0] =	vst.idx.add.f32.msk $0xffff, v11  }
0x21a: {  	v9 =	vld [tilespmem:s16+$0xD0]  }
0x21b: {  	[tilespmem:v21+s13+$0x0] =	vst.idx.add.f32.msk $0xffff, v13;
	v11 =	vadd.s32 $0x2780, v31;
	v13 =	vadd.s32 $0x4F00, v31;
	v21 =	vadd.s32 $0x7680, v31  }
0x21c: {  	v35 =	vld.idx.msk [tilespmem:v24+s3+$0x0], $0xffff  }
0x21d: {  	[tilespmem:v22+s13+$0x0] =	vst.idx.add.f32.msk $0xffff, v16  }
0x21e: {  	v16 =	vadd.s32 $0x2780, v24;
	[tilespmem:v31+s13+$0x0] =	vst.idx.add.f32.msk $0xffff, v20  }
0x21f: {  	v17 =	vld.idx.msk [tilespmem:v17+s3+$0x0], $0xffff  }
0x220: {  	v14 =	vld.idx.msk [tilespmem:v14+s3+$0x0], $0xffff  }
0x221: {  	v20 =	vld.idx.msk [tilespmem:v25+s3+$0x0], $0xffff  }
0x222: {  	[tilespmem:v9+s13+$0x0] =	vst.idx.add.f32.msk $0xffff, v35  }
0x223: {  	v16 =	vld.idx.msk [tilespmem:v16+s3+$0x0], $0xffff  }
0x224: {  	v22 =	vadd.s32 $0x2780, v9;
	[tilespmem:v8+s13+$0x0] =	vst.idx.add.f32.msk $0xffff, v10  }
0x225: {  	v8 =	vadd.s32 $0x4F00, v24;
	[tilespmem:v28+s13+$0x0] =	vst.idx.add.f32.msk $0xffff, v17  }
0x226: {  	[tilespmem:v32+s13+$0x0] =	vst.idx.add.f32.msk $0xffff, v14  }
0x227: {  	[tilespmem:v11+s13+$0x0] =	vst.idx.add.f32.msk $0xffff, v20  }
0x228: {  	v10 =	vld.idx.msk [tilespmem:v18+s3+$0x0], $0xffff  }
0x229: {  	[tilespmem:v22+s13+$0x0] =	vst.idx.add.f32.msk $0xffff, v16  }
0x22a: {  	v8 =	vld.idx.msk [tilespmem:v8+s3+$0x0], $0xffff  }
0x22b: {  	v14 =	vadd.s32 $0x4F00, v9;
	v11 =	vld.idx.msk [tilespmem:v15+s3+$0x0], $0xffff  }
0x22c: {  	v16 =	vadd.s32 $0x7680, v24;
	v15 =	vld.idx.msk [tilespmem:v26+s3+$0x0], $0xffff  }
0x22d: {  	[tilespmem:v7+s13+$0x0] =	vst.idx.add.f32.msk $0xffff, v12  }
0x22e: {  	[tilespmem:v29+s13+$0x0] =	vst.idx.add.f32.msk $0xffff, v10  }
0x22f: {  	v7 =	vld.idx.msk [tilespmem:v19+s3+$0x0], $0xffff  }
0x230: {  	[tilespmem:v14+s13+$0x0] =	vst.idx.add.f32.msk $0xffff, v8  }
0x231: {  	v8 =	vld.idx.msk [tilespmem:v16+s3+$0x0], $0xffff  }
0x232: {  	v9 =	vadd.s32 $0x7680, v9;
	[tilespmem:v33+s13+$0x0] =	vst.idx.add.f32.msk $0xffff, v11  }
0x233: {  	[tilespmem:v13+s13+$0x0] =	vst.idx.add.f32.msk $0xffff, v15  }
0x234: {  	v10 =	vld.idx.msk [tilespmem:v23+s3+$0x0], $0xffff  }
0x235: {  	v11 =	vld.idx.msk [tilespmem:v27+s3+$0x0], $0xffff  }
0x236: {  	[tilespmem:v30+s13+$0x0] =	vst.idx.add.f32.msk $0xffff, v7  }
0x237: {  	[tilespmem:v9+s13+$0x0] =	vst.idx.add.f32.msk $0xffff, v8  }
0x238: {  	v7 =	vld [tilespmem:s18+$0xE0]  }
0x239: {  	v8 =	vld [tilespmem:s18+$0xFFFFFF50]  }
0x23a: {  	[tilespmem:v34+s13+$0x0] =	vst.idx.add.f32.msk $0xffff, v10  }
0x23b: {  	[tilespmem:v21+s13+$0x0] =	vst.idx.add.f32.msk $0xffff, v11  }
0x23c: {  	v9 =	vld [tilespmem:s18+$0xFFFFFFD0]  }
0x23d: {  	v10 =	vld [tilespmem:s18+$0x50]  }
0x23e: {  	v11 =	vadd.s32 $0x2780, v8;
	v12 =	vadd.s32 $0x4F00, v8;
	v13 =	vadd.s32 $0x7680, v8;
	v14 =	vld [tilespmem:s16+$0xE0]  }
0x23f: {  	v15 =	vld [tilespmem:s16+$0xFFFFFF50]  }
0x240: {  	v16 =	vld.idx.msk [tilespmem:v7+s3+$0x0], $0xffff  }
0x241: {  	v8 =	vld.idx.msk [tilespmem:v8+s3+$0x0], $0xffff;
	v17 =	vadd.s32 $0x2780, v9;
	v18 =	vadd.s32 $0x4F00, v9;
	v19 =	vadd.s32 $0x7680, v9  }
0x242: {  	v23 =	vadd.s32 $0x2780, v7;
	v20 =	vld [tilespmem:s16+$0xFFFFFFD0];
	v21 =	vadd.s32 $0x2780, v10;
	v22 =	vadd.s32 $0x4F00, v10  }
0x243: {  	v25 =	vadd.s32 $0x7680, v10;
	v24 =	vld [tilespmem:s16+$0x50]  }
0x244: {  	v26 =	vadd.s32 $0x2780, v15;
	v27 =	vadd.s32 $0x4F00, v15;
	v28 =	vadd.s32 $0x7680, v15;
	v9 =	vld.idx.msk [tilespmem:v9+s3+$0x0], $0xffff  }
0x245: {  	v10 =	vld.idx.msk [tilespmem:v10+s3+$0x0], $0xffff  }
0x246: {  	[tilespmem:v14+s13+$0x0] =	vst.idx.add.f32.msk $0xffff, v16  }
0x247: {  	v16 =	vadd.s32 $0x2780, v20;
	v29 =	vadd.s32 $0x4F00, v20;
	v30 =	vadd.s32 $0x7680, v20;
	v23 =	vld.idx.msk [tilespmem:v23+s3+$0x0], $0xffff  }
0x248: {  	v31 =	vadd.s32 $0x2780, v14;
	[tilespmem:v15+s13+$0x0] =	vst.idx.add.f32.msk $0xffff, v8;
	v8 =	vadd.s32 $0x2780, v24;
	v15 =	vadd.s32 $0x4F00, v24  }
0x249: {  	v33 =	vadd.s32 $0x4F00, v7;
	v32 =	vadd.s32 $0x7680, v24;
	v11 =	vld.idx.msk [tilespmem:v11+s3+$0x0], $0xffff  }
0x24a: {  	[tilespmem:v20+s13+$0x0] =	vst.idx.add.f32.msk $0xffff, v9  }
0x24b: {  	[tilespmem:v24+s13+$0x0] =	vst.idx.add.f32.msk $0xffff, v10  }
0x24c: {  	v9 =	vld.idx.msk [tilespmem:v17+s3+$0x0], $0xffff  }
0x24d: {  	[tilespmem:v31+s13+$0x0] =	vst.idx.add.f32.msk $0xffff, v23  }
0x24e: {  	v10 =	vld.idx.msk [tilespmem:v33+s3+$0x0], $0xffff  }
0x24f: {  	v20 =	vadd.s32 $0x4F00, v14;
	v17 =	vld.idx.msk [tilespmem:v21+s3+$0x0], $0xffff  }
0x250: {  	v7 =	vadd.s32 $0x7680, v7;
	[tilespmem:v26+s13+$0x0] =	vst.idx.add.f32.msk $0xffff, v11  }
0x251: {  	v11 =	vld.idx.msk [tilespmem:v12+s3+$0x0], $0xffff  }
0x252: {  	[tilespmem:v16+s13+$0x0] =	vst.idx.add.f32.msk $0xffff, v9  }
0x253: {  	v9 =	vld.idx.msk [tilespmem:v18+s3+$0x0], $0xffff  }
0x254: {  	[tilespmem:v20+s13+$0x0] =	vst.idx.add.f32.msk $0xffff, v10  }
0x255: {  	v7 =	vld.idx.msk [tilespmem:v7+s3+$0x0], $0xffff  }
0x256: {  	[tilespmem:v8+s13+$0x0] =	vst.idx.add.f32.msk $0xffff, v17;
	v8 =	vadd.s32 $0x7680, v14  }
0x257: {  	v10 =	vld.idx.msk [tilespmem:v22+s3+$0x0], $0xffff  }
0x258: {  	[tilespmem:v27+s13+$0x0] =	vst.idx.add.f32.msk $0xffff, v11  }
0x259: {  	[tilespmem:v29+s13+$0x0] =	vst.idx.add.f32.msk $0xffff, v9  }
0x25a: {  	v9 =	vld.idx.msk [tilespmem:v13+s3+$0x0], $0xffff  }
0x25b: {  	[tilespmem:v8+s13+$0x0] =	vst.idx.add.f32.msk $0xffff, v7  }
0x25c: {  	v7 =	vld [tilespmem:s18+$0xF0]  }
0x25d: {  	[tilespmem:v15+s13+$0x0] =	vst.idx.add.f32.msk $0xffff, v10  }
0x25e: {  	v8 =	vld.idx.msk [tilespmem:v19+s3+$0x0], $0xffff  }
0x25f: {  	v10 =	vld.idx.msk [tilespmem:v25+s3+$0x0], $0xffff  }
0x260: {  	[tilespmem:v28+s13+$0x0] =	vst.idx.add.f32.msk $0xffff, v9  }
0x261: {  	v9 =	vld [tilespmem:s18+$0xFFFFFF60]  }
0x262: {  	v11 =	vld [tilespmem:s16+$0xF0]  }
0x263: {  	v12 =	vld [tilespmem:s16+$0xFFFFFF60]  }
0x264: {  	v13 =	vld.idx.msk [tilespmem:v7+s3+$0x0], $0xffff  }
0x265: {  	[tilespmem:v30+s13+$0x0] =	vst.idx.add.f32.msk $0xffff, v8  }
0x266: {  	v8 =	vadd.s32 $0x2780, v9;
	v14 =	vadd.s32 $0x4F00, v9;
	[tilespmem:v32+s13+$0x0] =	vst.idx.add.f32.msk $0xffff, v10;
	v10 =	vadd.s32 $0x2780, v7  }
0x267: {  	v15 =	vadd.s32 $0x7680, v9;
	v16 =	vld [tilespmem:s18+$0xFFFFFFE0]  }
0x268: {  	v17 =	vadd.s32 $0x2780, v12;
	v18 =	vadd.s32 $0x4F00, v12;
	v19 =	vadd.s32 $0x7680, v12;
	v20 =	vld [tilespmem:s18+$0x60]  }
0x269: {  	v9 =	vld.idx.msk [tilespmem:v9+s3+$0x0], $0xffff  }
0x26a: {  	[tilespmem:v11+s13+$0x0] =	vst.idx.add.f32.msk $0xffff, v13  }
0x26b: {  	v10 =	vld.idx.msk [tilespmem:v10+s3+$0x0], $0xffff  }
0x26c: {  	v23 =	vadd.s32 $0x2780, v11;
	v13 =	vld [tilespmem:s16+$0xFFFFFFE0];
	v21 =	vadd.s32 $0x2780, v16;
	v22 =	vadd.s32 $0x4F00, v16  }
0x26d: {  	v27 =	vadd.s32 $0x4F00, v7;
	v24 =	vld [tilespmem:s16+$0x60];
	v25 =	vadd.s32 $0x2780, v20;
	v26 =	vadd.s32 $0x4F00, v20  }
0x26e: {  	v28 =	vadd.s32 $0x7680, v16;
	v29 =	vadd.s32 $0x7680, v20;
	v30 =	vld.idx.msk [tilespmem:v6+s3+$0x0], $0xffff  }
0x26f: {  	v6 =	vld.idx.msk [tilespmem:v16+s3+$0x0], $0xffff  }
0x270: {  	v16 =	vld.idx.msk [tilespmem:v20+s3+$0x0], $0xffff  }
0x271: {  	v20 =	vadd.s32 $0x2780, v13;
	v31 =	vadd.s32 $0x4F00, v13;
	v32 =	vadd.s32 $0x7680, v13;
	[tilespmem:v23+s13+$0x0] =	vst.idx.add.f32.msk $0xffff, v10  }
0x272: {  	v10 =	vadd.s32 $0x2780, v24;
	v23 =	vadd.s32 $0x4F00, v24;
	v33 =	vadd.s32 $0x7680, v24;
	v27 =	vld.idx.msk [tilespmem:v27+s3+$0x0], $0xffff  }
0x273: {  	[tilespmem:v12+s13+$0x0] =	vst.idx.add.f32.msk $0xffff, v9;
	v9 =	vadd.s32 $0x4F00, v11  }
0x274: {  	v7 =	vadd.s32 $0x7680, v7;
	v8 =	vld.idx.msk [tilespmem:v8+s3+$0x0], $0xffff  }
0x275: {  	[tilespmem:v13+s13+$0x0] =	vst.idx.add.f32.msk $0xffff, v6  }
0x276: {  	[tilespmem:v24+s13+$0x0] =	vst.idx.add.f32.msk $0xffff, v16  }
0x277: {  	v6 =	vld.idx.msk [tilespmem:v21+s3+$0x0], $0xffff  }
0x278: {  	[tilespmem:v9+s13+$0x0] =	vst.idx.add.f32.msk $0xffff, v27  }
0x279: {  	v7 =	vld.idx.msk [tilespmem:v7+s3+$0x0], $0xffff  }
0x27a: {  	v11 =	vadd.s32 $0x7680, v11;
	v9 =	vld.idx.msk [tilespmem:v25+s3+$0x0], $0xffff  }
0x27b: {  	[tilespmem:v17+s13+$0x0] =	vst.idx.add.f32.msk $0xffff, v8  }
0x27c: {  	v8 =	vld.idx.msk [tilespmem:v14+s3+$0x0], $0xffff  }
0x27d: {  	[tilespmem:v20+s13+$0x0] =	vst.idx.add.f32.msk $0xffff, v6  }
0x27e: {  	v6 =	vld.idx.msk [tilespmem:v22+s3+$0x0], $0xffff  }
0x27f: {  	[tilespmem:v11+s13+$0x0] =	vst.idx.add.f32.msk $0xffff, v7  }
0x280: {  	[tilespmem:v10+s13+$0x0] =	vst.idx.add.f32.msk $0xffff, v9  }
0x281: {  	v7 =	vld.idx.msk [tilespmem:v26+s3+$0x0], $0xffff  }
0x282: {  	[tilespmem:v18+s13+$0x0] =	vst.idx.add.f32.msk $0xffff, v8  }
0x283: {  	v8 =	vld.idx.msk [tilespmem:v15+s3+$0x0], $0xffff  }
0x284: {  	[tilespmem:v31+s13+$0x0] =	vst.idx.add.f32.msk $0xffff, v6  }
0x285: {  	v6 =	vld.idx.msk [tilespmem:v28+s3+$0x0], $0xffff  }
0x286: {  	v15 =	vld.idx.msk [tilespmem:v5+s3+$0x0], $0xffff  }
0x287: {  	[tilespmem:v23+s13+$0x0] =	vst.idx.add.f32.msk $0xffff, v7  }
0x288: {  	v5 =	vld.idx.msk [tilespmem:v29+s3+$0x0], $0xffff  }
0x289: {  	[tilespmem:v19+s13+$0x0] =	vst.idx.add.f32.msk $0xffff, v8  }
0x28a: {  	v7 =	vld [tilespmem:s18+$0xFFFFFF70]  }
0x28b: {  	[tilespmem:v32+s13+$0x0] =	vst.idx.add.f32.msk $0xffff, v6  }
0x28c: {  	v8 =	vld [tilespmem:s18+$0xFFFFFFF0]  }
0x28d: {  	v16 =	vld [tilespmem:s16+$0xFFFFFF70]  }
0x28e: {  	[tilespmem:v33+s13+$0x0] =	vst.idx.add.f32.msk $0xffff, v5  }
0x28f: {  	v17 =	vadd.s32 $0x2780, v7;
	v11 =	vadd.s32 $0x4F00, v7;
	v6 =	vadd.s32 $0x7680, v7;
	v18 =	vld [tilespmem:s18+$0x70]  }
0x290: {  	v19 =	vld [tilespmem:s16+$0xFFFFFFF0]  }
0x291: {  	v20 =	vadd.s32 $0x2780, v8;
	v10 =	vadd.s32 $0x4F00, v8;
	v5 =	vadd.s32 $0x7680, v8;
	v21 =	vld [tilespmem:s16+$0x70]  }
0x292: {  	v22 =	vld.idx.msk [tilespmem:v7+s3+$0x0], $0xffff;
	v23 =	vadd.s32 $0x2780, v16;
	v9 =	vadd.s32 $0x4F00, v16;
	v7 =	vadd.s32 $0x7680, v16  }
0x293: {  	v24 =	vld.idx.msk [tilespmem:v4+s3+$0x0], $0xffff  }
0x294: {  	v25 =	vld.idx.msk [tilespmem:v8+s3+$0x0], $0xffff;
	v26 =	vadd.s32 $0x2780, v18;
	v12 =	vadd.s32 $0x4F00, v18;
	v4 =	vadd.s32 $0x7680, v18  }
0x295: {  	v13 =	vadd.s32 $0x2780, v19;
	v8 =	vadd.s32 $0x4F00, v19;
	v27 =	vadd.s32 $0x7680, v19;
	[tilespmem:v1+s13+$0x0] =	vst.idx.add.f32.msk $0xffff, v30;
	v1 =	vmovc v7  }
0x296: {  	v14 =	vadd.s32 $0x2780, v21;
	v7 =	vadd.s32 $0x4F00, v21;
	v28 =	vadd.s32 $0x7680, v21;
	[tilespmem:v2+s13+$0x0] =	vst.idx.add.f32.msk $0xffff, v15;
	v2 =	vmovc v27  }
0x297: {  	v18 =	vld.idx.msk [tilespmem:v18+s3+$0x0], $0xffff  }
0x298: {  	[tilespmem:v16+s13+$0x0] =	vst.idx.add.f32.msk $0xffff, v22  }
0x299: {  	v17 =	vld.idx.msk [tilespmem:v17+s3+$0x0], $0xffff  }
0x29a: {  	[tilespmem:v19+s13+$0x0] =	vst.idx.add.f32.msk $0xffff, v25  }
.Ltmp1:
0x29b: {  	v15 =	vld.idx.msk [tilespmem:v20+s3+$0x0], $0xffff;
	(pc) =	sbr.rel @p0 .LBB2_5-.Ltmp1, $4  }
0x29c: {  	[tilespmem:v3+s13+$0x0] =	vst.idx.add.f32.msk $0xffff, v24;
	v3 =	vmov v28  }
0x29d: {  	[tilespmem:v21+s13+$0x0] =	vst.idx.add.f32.msk $0xffff, v18  }
0x29e: {  	v16 =	vld.idx.msk [tilespmem:v26+s3+$0x0], $0xffff  }
0x29f: {  	s18 =	sadd.s32 $0x200, s18;
	[tilespmem:v23+s13+$0x0] =	vst.idx.add.f32.msk $0xffff, v17  }
0x2a0: {  	_ =	sdelay $0x3  }
0x2a1: {  	[tilespmem:v13+s13+$0x0] =	vst.idx.add.f32.msk $0xffff, v15  }
0x2a2: {  	v11 =	vld.idx.msk [tilespmem:v11+s3+$0x0], $0xffff  }
0x2a3: {  	v10 =	vld.idx.msk [tilespmem:v10+s3+$0x0], $0xffff;
	_ =	sdelay $0x1  }
0x2a4: {  	[tilespmem:v14+s13+$0x0] =	vst.idx.add.f32.msk $0xffff, v16  }
0x2a5: {  	v12 =	vld.idx.msk [tilespmem:v12+s3+$0x0], $0xffff  }
0x2a6: {  	[tilespmem:v9+s13+$0x0] =	vst.idx.add.f32.msk $0xffff, v11  }
0x2a7: {  	[tilespmem:v8+s13+$0x0] =	vst.idx.add.f32.msk $0xffff, v10  }
0x2a8: {  	v6 =	vld.idx.msk [tilespmem:v6+s3+$0x0], $0xffff  }
0x2a9: {  	v5 =	vld.idx.msk [tilespmem:v5+s3+$0x0], $0xffff  }
0x2aa: {  	s15 =	sadd.s32 $0x1, s15;
	[tilespmem:v7+s13+$0x0] =	vst.idx.add.f32.msk $0xffff, v12  }
0x2ab: {  	p0 =	sne.s32 s15, s6;
	v4 =	vld.idx.msk [tilespmem:v4+s3+$0x0], $0xffff  }
.Ltmp2:
0x2ac: {  	_ = 	snop;
	(pc) =	sbr.rel @p0 .LBB2_4-.Ltmp2, $4  }
0x2ad: {  	_ = 	snop  }
0x2ae: {  	[tilespmem:v1+s13+$0x0] =	vst.idx.add.f32.msk $0xffff, v6  }
0x2af: {  	[tilespmem:v2+s13+$0x0] =	vst.idx.add.f32.msk $0xffff, v5  }
0x2b0: {  	[tilespmem:v3+s13+$0x0] =	vst.idx.add.f32.msk $0xffff, v4  }
0x2b1: {  	s14 =	sadd.s32 $0x1, s14  }
0x2b2: {  	p0 =	sne.s32 s14, s9  }
.Ltmp3:
0x2b3: {  	_ = 	snop;
	(pc) =	sbr.rel @p0 .LBB2_1-.Ltmp3, $4  }
0x2b4: {  	[hbm4b:s8+s3] =	stream.linear.scatter [tilespmem:s13], [sflag:$0x1], $0x9E00, $0x38;
	[tilespmem:$0x14C00] =	vst v63  }
0x2b5: {  	_ =	swait.ge [sflag:s10], $0x9E00  }
0x2b6: {  	[sflag:s10] =	ssyncset.done $0x0  }
0x2b7: {  	[sflag:s10] =	ssyncadd.s32 $0xFFFF6200  }
0x2b8: {  	_ =	sfence.sel $0x180000  }
0x2b9: {  	[bflag:$0x0] =	sbarrier.arrive $0xFFFF  }
0x2ba: {  	p0 =	sne.s32 s0, $0x0;
	_ =	strace $0x9000004A  }
0x2bb: {  	s0 =	sadd.s32 @!p0 $0x100000, s1;
	[bflag:$0x2] =	sbarrier.arrive $0xFFFF  }
0x2bc: {  	[sflag:s0] =	ssyncadd.tile.s32 @!p0 $0x1;
	_ =	shalt  }
.Lfunc_end2:
_tile_overlayer_lowered:
.L_overlay_start_2:
0x2bd: {  	(tag) =	ssettag $0x2  }
0x2be: {  	s0 =	rddreg [dreg:$0x0];
	s2 =	stileid.u32  }
0x2bf: {  	s1 =	rddreg [dreg:$0x1];
	p0 =	sne.s32 s2, $0x0  }
0x2c0: {  	s3 =	rddreg [dreg:$0x2];
	[bflag:$0x3] =	sbarrier.arrive $0xFFFF;
	s2 =	simm.s32 @!p0 $0x1C01  }
0x2c1: {  	[timem:s3], [sflag:s2] =	dma.local @!p0 [hbm:s0], s1  }
0x2c2: {  	s0 =	simm.s32 @!p0 $0x1  }
0x2c3: {  	_ =	swait.ge @!p0 [sflag:s0], s1  }
0x2c4: {  	s1 =	ssub.s32 @!p0 $0x0, s1;
	[sflag:s0] =	ssyncset.done @!p0 $0x0  }
0x2c5: {  	[sflag:s0] =	ssyncadd.s32 @!p0 s1  }
0x2c6: {  	[bflag:$0x3] =	sbarrier.arrive $0xFFFF  }
0x2c7: {  	_ =	shalt  }

// kernel: kernel.14.cloned.1.call-start
scs
__scs_entry_jumppad:
0x0: {  	(pc) =	sbr.rel $0x88, $3  }
0x1: {  	(tag) =	ssettag $0x0;
	lr =	simm.s32 $0x1  }
0x2: {  	[smem:$0x3F9B] =	sst lr;
	_ =	strace $0xD0000000  }
0x3: {  	_ = 	snop  }
0x4: {  	_ = 	snop  }
0x5: {  	_ = 	snop  }
0x6: {  	_ = 	snop  }
0x7: {  	_ = 	snop  }
__scs_overlays_trampoline_lowered:
0x8: {  	[smem:$0x3FAA] =	sst s0  }
0x9: {  	[smem:$0x3FAB] =	sst s1  }
0xa: {  	[smem:$0x3FAC] =	sst s2  }
0xb: {  	[smem:$0x3FAD] =	sst s3  }
0xc: {  	[smem:$0x3FAE] =	sst s4  }
0xd: {  	[smem:$0x3FAF] =	sst s5  }
0xe: {  	[smem:$0x3FB0] =	sst s6  }
0xf: {  	[smem:$0x3FB1] =	sst s7  }
0x10: {  	[smem:$0x3FB2] =	sst s8  }
0x11: {  	[smem:$0x3FB3] =	sst s9;
	s0 =	simm.s32 @!p0 $0x0  }
0x12: {  	s1 =	sld [smem:$0x3F99];
	s0 =	simm.s32 @p0 $0x1  }
0x13: {  	[smem:$0x3FB4] =	sst s0;
	s0 =	simm.s32 @!p1 $0x0  }
0x14: {  	s2 =	sld [smem:$0x3F98];
	s0 =	simm.s32 @p1 $0x1  }
0x15: {  	[smem:$0x3FB5] =	sst s0;
	s0 =	simm.s32 @!p2 $0x0  }
0x16: {  	s3 =	sld [smem:$0x3FDB];
	s0 =	simm.s32 @p2 $0x1  }
0x17: {  	s4 =	simm.s32 $0x1BF5;
	[smem:$0x3FB7] =	sst s0  }
0x18: {  	s0 =	sld [smem:$0x3F9A];
	_ =	swait.ge [sflag:s4], $0x0  }
0x19: {  	s7 =	sld [smem:$0x3F9B]  }
0x1a: {  	s8 =	sadd.s32 $0xFFFFE003, lr  }
0x1b: {  	s9 =	sadd.s32 $0xFFFFFEF7, lr;
	s5 =	simm.s32 $0xFFFFFFFF;
	p2 =	slt.u32 s8, $0xFFFFF086  }
0x1c: {  	p1 =	slt.u32 s9, $0xF7A;
	s5 =	simm.s32 @!p2 $0x0  }
0x1d: {  	s5 =	simm.s32 @p1 $0x1;
	p0 =	seq.s32 s7, s2  }
0x1e: {  	s7 =	smul.u32 @!p0 $0xF7A, s2;
	p2 =	seq.s32 @!p0 s5, $0x0  }
0x1f: {  	s9 =	smul.u32 $0xF7A, s1;
	s8 =	simm.s32 @!p0 $0x1BF5;
	p2 =	por !p2, p0  }
0x20: {  	[sflag:s8] =	ssyncset.s32 @!p0 $0xFFFFF086;
	s6 =	sadd.s32 @!p0 s3, s7;
	s7 =	simm.s32 @!p0 $0x108  }
0x21: {  	s3 =	sadd.s32 s3, s9;
	s6 =	sadd.s32 @!p0 $0x88, s6;
	s7 =	simm.s32 @p2 $0x1082  }
0x22: {  	[simem:s7], [sflag:s8] =	dma.local @!p0 [hbm:s6], $0xF7A  }
0x23: {  	s9 =	sor.u32 $0xD0000000, s2;
	s6 =	simm.s32 $0x108;
	_ =	swait.ge @!p0 [sflag:s8], $0x0  }
0x24: {  	s3 =	sadd.s32 $0x88, s3;
	s6 =	simm.s32 @!p1 $0x1082;
	[sflag:s4] =	ssyncset.s32 $0xFFFFF086  }
0x25: {  	[simem:s6], [sflag:s4] =	dma.local [hbm:s3], $0xF7A  }
0x26: {  	[smem:$0x3F9B] =	sst s1;
	(tag) =	ssettag s2;
	_ =	strace s9  }
0x27: {  	s1 =	sld [smem:$0x3FAB]  }
0x28: {  	s2 =	sld [smem:$0x3FAC]  }
0x29: {  	s4 =	sld [smem:$0x3FAE]  }
0x2a: {  	p0 =	seq.s32 s5, $0x0;
	s5 =	sld [smem:$0x3FAF]  }
0x2b: {  	s6 =	sld [smem:$0x3FB0]  }
0x2c: {  	s7 =	sld [smem:$0x3FB1]  }
0x2d: {  	s3 =	simm.s32 $0x108;
	s8 =	sld [smem:$0x3FB2]  }
0x2e: {  	s3 =	simm.s32 @!p0 $0x1082;
	s9 =	sld [smem:$0x3FB3]  }
0x2f: {  	lr =	sadd.s32 s0, s3;
	s0 =	sld [smem:$0x3FAA]  }
0x30: {  	s3 =	sld [smem:$0x3FAD]  }
0x31: {  	[smem:$0x3FB6] =	sst s10  }
0x32: {  	s10 =	sld [smem:$0x3FB4];
	_ =	sdelay $0x3  }
0x33: {  	p0 =	seq.s32 s10, $0x1;
	s10 =	sld [smem:$0x3FB6];
	_ =	sdelay $0x3  }
0x34: {  	[smem:$0x3FB6] =	sst s10  }
0x35: {  	s10 =	sld [smem:$0x3FB5];
	_ =	sdelay $0x3  }
0x36: {  	p1 =	seq.s32 s10, $0x1;
	s10 =	sld [smem:$0x3FB6];
	_ =	sdelay $0x3  }
0x37: {  	[smem:$0x3FB6] =	sst s10  }
0x38: {  	s10 =	sld [smem:$0x3FB7]  }
0x39: {  	_ = 	snop;
	(pc) =	sbr.ind lr, $3  }
0x3a: {  	_ = 	snop  }
0x3b: {  	_ = 	snop  }
0x3c: {  	p2 =	seq.s32 s10, $0x1;
	s10 =	sld [smem:$0x3FB6]  }
0x3d: {  	_ =	shalt  }
0x3e: {  	_ =	shalt  }
0x3f: {  	_ =	shalt  }
0x40: {  	_ =	shalt  }
0x41: {  	_ =	shalt  }
0x42: {  	_ =	shalt  }
0x43: {  	_ =	shalt  }
0x44: {  	_ =	shalt  }
0x45: {  	_ =	shalt  }
0x46: {  	_ =	shalt  }
0x47: {  	_ =	shalt  }
0x48: {  	_ =	shalt  }
0x49: {  	_ =	shalt  }
0x4a: {  	_ =	shalt  }
0x4b: {  	_ =	shalt  }
0x4c: {  	_ =	shalt  }
0x4d: {  	_ =	shalt  }
0x4e: {  	_ =	shalt  }
0x4f: {  	_ =	shalt  }
0x50: {  	_ =	shalt  }
0x51: {  	_ =	shalt  }
0x52: {  	_ =	shalt  }
0x53: {  	_ =	shalt  }
0x54: {  	_ =	shalt  }
0x55: {  	_ =	shalt  }
0x56: {  	_ =	shalt  }
0x57: {  	_ =	shalt  }
0x58: {  	_ =	shalt  }
0x59: {  	_ =	shalt  }
0x5a: {  	_ =	shalt  }
0x5b: {  	_ =	shalt  }
0x5c: {  	_ =	shalt  }
0x5d: {  	_ =	shalt  }
0x5e: {  	_ =	shalt  }
0x5f: {  	_ =	shalt  }
0x60: {  	_ =	shalt  }
0x61: {  	_ =	shalt  }
0x62: {  	_ =	shalt  }
0x63: {  	_ =	shalt  }
0x64: {  	_ =	shalt  }
0x65: {  	_ =	shalt  }
0x66: {  	_ =	shalt  }
0x67: {  	_ =	shalt  }
0x68: {  	_ =	shalt  }
0x69: {  	_ =	shalt  }
0x6a: {  	_ =	shalt  }
0x6b: {  	_ =	shalt  }
0x6c: {  	_ =	shalt  }
0x6d: {  	_ =	shalt  }
0x6e: {  	_ =	shalt  }
0x6f: {  	_ =	shalt  }
0x70: {  	_ =	shalt  }
0x71: {  	_ =	shalt  }
0x72: {  	_ =	shalt  }
0x73: {  	_ =	shalt  }
0x74: {  	_ =	shalt  }
0x75: {  	_ =	shalt  }
0x76: {  	_ =	shalt  }
0x77: {  	_ =	shalt  }
0x78: {  	_ =	shalt  }
0x79: {  	_ =	shalt  }
0x7a: {  	_ =	shalt  }
0x7b: {  	_ =	shalt  }
0x7c: {  	_ =	shalt  }
0x7d: {  	_ =	shalt  }
0x7e: {  	_ =	shalt  }
0x7f: {  	_ =	shalt  }
0x80: {  	_ =	shalt  }
0x81: {  	_ =	shalt  }
0x82: {  	_ =	shalt  }
0x83: {  	_ =	shalt  }
0x84: {  	_ =	shalt  }
0x85: {  	_ =	shalt  }
0x86: {  	_ =	shalt  }
0x87: {  	_ =	shalt  }
.Lfunc_end0:
.L_simem_size_0:
called_computation.2_lowered:
.L_overlay_start_0:
0x88: {  	s2 =	sld [smem:$0x3FD9]  }
0x89: {  	s3 =	sld [smem:$0x3FFE];
	_ =	sdelay $0x1  }
0x8a: {  	s1 =	srdreg.scid  }
0x8b: {  	s0 =	sand.u32 $0x1, s1  }
0x8c: {  	s17 =	sshll.u32 s0, $0xA;
	s2 =	sadd.s32 s3, s2  }
0x8d: {  	s2 =	sadd.s32 s2, s17  }
0x8e: {  	[smem:$0x3FC2] =	sst s2  }
0x8f: {  	_ = 	snop  }
0x90: {  	s2 =	sld [smem:$0x3FD0];
	(tm) =	ssettm $0x1  }
0x91: {  	s18 =	sld [smem:$0x3FFB];
	_ =	sdelay $0x3  }
0x92: {  	_ =	strace s18  }
0x93: {  	s3 =	sld [smem:$0x3FFC];
	_ =	sdelay $0x3  }
0x94: {  	_ =	strace s3  }
0x95: {  	s3 =	sld [smem:$0x3FFD];
	_ =	sdelay $0x3  }
0x96: {  	_ =	strace s3  }
0x97: {  	_ =	strace $0x8FFFFFFF  }
0x98: {  	s19 =	sld [smem:$0x3FDB];
	_ =	sdelay $0x1  }
0x99: {  	s4 =	simm.s32 $_scs_section_size  }
0x9a: {  	s5 =	simm.s32 $_size__tile_overlayer_lowered;
	s6 =	simm.s32 $_tile_overlayer_lowered  }
0x9b: {  	s22 =	simm.s32 $0x1BFF;
	s21 =	sshll.u32 s6, $0x1;
	s3 =	sadd.s32 s4, s19  }
0x9c: {  	s7 =	simm.s32 $0x0;
	s20 =	sshll.u32 s5, $0x1;
	s5 =	sadd.s32 s21, s3  }
0x9d: {  	[timem:s7], [sflag:s22] =	dma.local [hbm:s5], s20  }
0x9e: {  	_ =	swait.ge [sflag:s22], s20  }
0x9f: {  	s4 =	ssub.s32 $0x0, s20;
	[sflag:s22] =	ssyncset.done $0x0  }
0xa0: {  	[sflag:s22] =	ssyncadd.s32 s4;
	_ =	sdelay $0x1  }
0xa1: {  	s23 =	simm.s32 $0x1B8B  }
0xa2: {  	_ =	swait.ge [sflag:s23], $0x1  }
0xa3: {  	[sflag:s23] =	ssyncset.done $0x0  }
0xa4: {  	s25 =	simm.s32 $0x1B8E;
	s24 =	sld [smem:$0x3FFE];
	[sflag:s23] =	ssyncadd.s32 $0xFFFFFFFF  }
0xa5: {  	s26 =	simm.s32 $execute0_lowered;
	[smem:$0x3FD2] =	sst s25  }
0xa6: {  	s5 =	sshll.u32 s26, $0x1;
	_ =	strace $0x8000004C;
	[dreg:$0x1] =	wrdreg $0xFFFFFFFF  }
0xa7: {  	s28 =	simm.s32 $_size_execute0_lowered;
	s3 =	sadd.s32 s3, s5;
	[dreg:$0x0] =	wrdreg $0x0  }
0xa8: {  	s5 =	sshll.u32 s28, $0x1;
	[dreg:$0x2] =	wrdreg s3  }
0xa9: {  	[dreg:$0x3] =	wrdreg s5  }
0xaa: {  	[dreg:$0x4] =	wrdreg $0xC0  }
0xab: {  	_ =	task [dreg:s7], $0x5FFFF  }
0xac: {  	[dreg:$0x1] =	wrdreg $0xFFFFFFFF  }
0xad: {  	[dreg:$0x0] =	wrdreg $0x60  }
0xae: {  	[dreg:$0x2] =	wrdreg s24  }
0xaf: {  	[dreg:$0x3] =	wrdreg s2  }
0xb0: {  	[dreg:$0x4] =	wrdreg $0x9  }
0xb1: {  	_ =	task.clear_ibuf [dreg:s7], $0x5FFFF;
	_ =	strace $0x9000004C  }
0xb2: {  	s29 =	simm.s32 $0x9;
	_ =	strace $0x8000004E  }
0xb3: {  	_ =	swait.ge [sflag:s29], $0x1  }
0xb4: {  	[sflag:s29] =	ssyncadd.s32 $0xFFFFFFFF  }
0xb5: {  	_ =	strace $0x9000004E  }
0xb6: {  	_ =	sfence  }
0xb7: {  	s30 =	sld [smem:$0x0];
	_ =	sdelay $0x2  }
0xb8: {  	s31 =	sshll.u32 s1, $0xD;
	s1 =	sshrl.u32 s1, $0x2  }
0xb9: {  	s3 =	sand.u32 $0x4000, s31;
	s1 =	sadd.s32 s1, s30  }
0xba: {  	s0 =	sor.u32 s3, s0;
	s1 =	sshll.u32 s1, $0x11  }
0xbb: {  	s0 =	sor.u32 s1, s0  }
0xbc: {  	s0 =	sadd.s32 $0x8F2B, s0  }
0xbd: {  	[sflag:s0] =	ssyncadd.remote.s32 $0x1  }
0xbe: {  	_ =	sfence.sel $0xFFFF  }
0xbf: {  	[dreg:$0x0] =	wrdreg $0xFFFFFFFF;
	(pc) =	sbr.abs _section_cstart, $3  }
0xc0: {  	[dreg:$0x1] =	wrdreg $0xFFFFFFFF  }
0xc1: {  	_ =	task.clear_ibuf [dreg:s7], $0x2FFFF;
	_ =	strace $0x9FFFFFFF  }
0xc2: {  	(tm) =	ssettm $0x7FFFFFFF  }
0xc3: {  	_ =	shalt  }
tec
execute0_lowered:
.L_overlay_start_1:
0x0: {  	(tag) =	ssettag $0x1  }
0x1: {  	s1 =	srdreg.scid;
	s5 =	rddreg [dreg:$0x0]  }
0x2: {  	s0 =	stileid.u32;
	s2 =	rddreg [dreg:$0x1];
	s12 =	simm.s32 $0xA600  }
0x3: {  	s13 =	simm.s32 $0xAE00;
	s14 =	simm.s32 $0x0;
	s6 =	sand.u32 $0x1, s1  }
0x4: {  	s4 =	sand.u32 $0x1, s0;
	s1 =	rddreg [dreg:$0x2];
	s10 =	smul.u32 $0x30, s0  }
0x5: {  	s3 =	sshll.u32 s6, $0x1;
	s7 =	sshll.u32 s6, $0x4;
	s9 =	ssub.s32 $0x2, s6  }
0x6: {  	p0 =	seq.s32 s6, $0x0;
	s6 =	simm.s32 $0x7;
	s4 =	sor.u32 s4, s3  }
0x7: {  	s3 =	simm.s32 $0x0;
	s7 =	sor.u32 s0, s7;
	s31 =	sshrl.u32 s9, $0x1  }
0x8: {  	s10 =	sadd.s32 $0x700, s10;
	s6 =	simm.s32 @!p0 $0x3;
	s7 =	smul.u32 $0x13C0, s7  }
0x9: {  	s4 =	smul.u32 $0x13C0, s4;
	[smem:$0x7FF] =	sst s3;
	s9 =	ssub.s32 s9, s31  }
0xa: {  	_ =	strace $0x8000004D;
	s11 =	sadd.s32 s7, s5;
	s7 =	smul.u32 $0x70, s0  }
0xb: {  	s9 =	smax.u32 s9, $0x1;
	s8 =	sadd.s32 s4, s5;
	s4 =	sadd.s32 $0x1600, s5  }
0xc: {  	s5 =	sadd.s32 $0xB600, s8;
	s8 =	sadd.s32 $0x10600, s11;
	s10 =	smov.u32 @p0 s7  }
0xd: {  	v0 =	vimm.f32 $0.0e+00;
	s11 =	simm.s32 $0x9E00;
	s7 =	sshll.u32 s10, $0x7;
	s10 =	simm.s32 $0x1  }
.LBB2_1:
0xe: {  	s16 =	simm.s32 $0x40;
	s15 =	simm.s32 $0x0  }
.LBB2_2:
0xf: {  	p0 =	sne.s32 s16, $0x9DC0;
	[tilespmem:s15+$0x12480] =	vst v0;
	s17 =	smov.u32 s16;
	s16 =	sadd.s32 $0x40, s16  }
.Ltmp0:
0x10: {  	[tilespmem:s15+$0xFD00] =	vst v0;
	(pc) =	sbr.rel @p0 .LBB2_2-.Ltmp0, $3  }
0x11: {  	[tilespmem:s15+$0xAE00] =	vst v0  }
0x12: {  	[tilespmem:s15+$0xD580] =	vst v0;
	_ =	sdelay $0x1  }
0x13: {  	s15 =	sshra.s32 s17, $0x2  }
0x14: {  	[tilespmem:s15+$0x12480] =	vst v0  }
0x15: {  	[tilespmem:s15+$0xFD00] =	vst v0  }
0x16: {  	[tilespmem:s15+$0xAE00] =	vst v0  }
0x17: {  	[tilespmem:s15+$0xD580] =	vst v0;
	s15 =	simm.s32 $0x0  }
0x18: {  	[tilespmem:s15], [sflag:$0x1] =	stream.linear.gather [hbm4b:s5+s15], $0x9E00, $0x38;
	[tilespmem:$0x14C00] =	vst v63  }
0x19: {  	_ =	swait.ge [sflag:s10], $0x9E00  }
0x1a: {  	[sflag:s10] =	ssyncset.done $0x0  }
0x1b: {  	[sflag:s10] =	ssyncadd.s32 $0xFFFF6200  }
.LBB2_4:
0x1c: {  	s16 =	sshll.u32 s15, $0xB  }
0x1d: {  	s16 =	sadd.s32 s7, s16  }
0x1e: {  	s16 =	sshrl.u32 s16, $0x3  }
0x1f: {  	s17 =	sadd.s32 s2, s16  }
0x20: {  	[tilespmem:s11], [sflag:$0x1] =	stream.linear.gather [hbm4b:s17+s3], $0x800, $0x38;
	[tilespmem:$0x14C00] =	vst v63  }
0x21: {  	_ =	swait.ge [sflag:s10], $0x800  }
0x22: {  	[sflag:s10] =	ssyncset.done $0x0  }
0x23: {  	s16 =	sadd.s32 s4, s16;
	[sflag:s10] =	ssyncadd.s32 $0xFFFFF800  }
0x24: {  	[tilespmem:s12], [sflag:$0x1] =	stream.linear.gather [hbm4b:s16+s3], $0x800, $0x38;
	[tilespmem:$0x14C00] =	vst v63  }
0x25: {  	_ =	swait.ge [sflag:s10], $0x800  }
0x26: {  	[sflag:s10] =	ssyncset.done $0x0  }
0x27: {  	s31 =	simm.s32 $0x9F00;
	[sflag:s10] =	ssyncadd.s32 $0xFFFFF800  }
0x28: {  	v1 =	vld [tilespmem:s31+$0x80]  }
0x29: {  	v3 =	vld [tilespmem:s31+$0xFFFFFF00];
	_ =	sdelay $0x1  }
0x2a: {  	v2 =	vld [tilespmem:s31+$0xFFFFFF80]  }
0x2b: {  	s16 =	simm.s32 $0xA700;
	v5 =	vld [tilespmem:s31+$0x0]  }
0x2c: {  	v4 =	vld [tilespmem:s16+$0x80]  }
0x2d: {  	v6 =	vld [tilespmem:s16+$0xFFFFFF00]  }
0x2e: {  	v10 =	vld [tilespmem:s16+$0xFFFFFF80]  }
0x2f: {  	v7 =	vld.idx.msk [tilespmem:v1+s3+$0x0], $0xffff  }
0x30: {  	v11 =	vld.idx.msk [tilespmem:v3+s3+$0x0], $0xffff  }
0x31: {  	v13 =	vld [tilespmem:s16+$0x0];
	v9 =	vadd.s32 $0x2780, v1  }
0x32: {  	v8 =	vld.idx.msk [tilespmem:v2+s3+$0x0], $0xffff  }
0x33: {  	v12 =	vadd.s32 $0x2780, v3;
	v14 =	vld.idx.msk [tilespmem:v5+s3+$0x0], $0xffff  }
0x34: {  	[tilespmem:v4+s13+$0x0] =	vst.idx.add.f32.msk $0xffff, v7  }
0x35: {  	v16 =	vadd.s32 $0x2780, v5;
	[tilespmem:v6+s13+$0x0] =	vst.idx.add.f32.msk $0xffff, v11  }
0x36: {  	v7 =	vld.idx.msk [tilespmem:v9+s3+$0x0], $0xffff;
	v9 =	vadd.s32 $0x2780, v4  }
0x37: {  	v15 =	vadd.s32 $0x4F00, v1;
	[tilespmem:v10+s13+$0x0] =	vst.idx.add.f32.msk $0xffff, v8  }
0x38: {  	v8 =	vadd.s32 $0x2780, v6;
	v12 =	vld.idx.msk [tilespmem:v12+s3+$0x0], $0xffff  }
0x39: {  	v11 =	vadd.s32 $0x2780, v2;
	[tilespmem:v13+s13+$0x0] =	vst.idx.add.f32.msk $0xffff, v14  }
0x3a: {  	v17 =	vadd.s32 $0x2780, v13;
	v16 =	vld.idx.msk [tilespmem:v16+s3+$0x0], $0xffff  }
0x3b: {  	[tilespmem:v9+s13+$0x0] =	vst.idx.add.f32.msk $0xffff, v7;
	v7 =	vadd.s32 $0x4F00, v3  }
0x3c: {  	v14 =	vadd.s32 $0x4F00, v4;
	v9 =	vld.idx.msk [tilespmem:v15+s3+$0x0], $0xffff  }
0x3d: {  	[tilespmem:v8+s13+$0x0] =	vst.idx.add.f32.msk $0xffff, v12;
	v12 =	vadd.s32 $0x4F00, v5  }
0x3e: {  	v1 =	vadd.s32 $0x7680, v1;
	v11 =	vld.idx.msk [tilespmem:v11+s3+$0x0], $0xffff  }
0x3f: {  	[tilespmem:v17+s13+$0x0] =	vst.idx.add.f32.msk $0xffff, v16;
	v15 =	vadd.s32 $0x2780, v10  }
0x40: {  	v8 =	vadd.s32 $0x4F00, v2;
	v7 =	vld.idx.msk [tilespmem:v7+s3+$0x0], $0xffff  }
0x41: {  	[tilespmem:v14+s13+$0x0] =	vst.idx.add.f32.msk $0xffff, v9;
	v9 =	vadd.s32 $0x4F00, v6  }
0x42: {  	v12 =	vld.idx.msk [tilespmem:v12+s3+$0x0], $0xffff;
	v14 =	vadd.s32 $0x4F00, v13  }
0x43: {  	v4 =	vadd.s32 $0x7680, v4;
	v1 =	vld.idx.msk [tilespmem:v1+s3+$0x0], $0xffff  }
0x44: {  	[tilespmem:v15+s13+$0x0] =	vst.idx.add.f32.msk $0xffff, v11  }
0x45: {  	v3 =	vadd.s32 $0x7680, v3;
	v8 =	vld.idx.msk [tilespmem:v8+s3+$0x0], $0xffff  }
0x46: {  	v11 =	vadd.s32 $0x4F00, v10;
	[tilespmem:v9+s13+$0x0] =	vst.idx.add.f32.msk $0xffff, v7  }
0x47: {  	v2 =	vadd.s32 $0x7680, v2;
	[tilespmem:v14+s13+$0x0] =	vst.idx.add.f32.msk $0xffff, v12  }
0x48: {  	[tilespmem:v4+s13+$0x0] =	vst.idx.add.f32.msk $0xffff, v1  }
0x49: {  	v1 =	vadd.s32 $0x7680, v5;
	v4 =	vld [tilespmem:s31+$0x90]  }
0x4a: {  	v3 =	vld.idx.msk [tilespmem:v3+s3+$0x0], $0xffff;
	v5 =	vadd.s32 $0x7680, v6  }
0x4b: {  	[tilespmem:v11+s13+$0x0] =	vst.idx.add.f32.msk $0xffff, v8  }
0x4c: {  	v2 =	vld.idx.msk [tilespmem:v2+s3+$0x0], $0xffff  }
0x4d: {  	v6 =	vadd.s32 $0x7680, v10;
	v8 =	vld [tilespmem:s16+$0x90]  }
0x4e: {  	v7 =	vadd.s32 $0x7680, v13;
	v1 =	vld.idx.msk [tilespmem:v1+s3+$0x0], $0xffff  }
0x4f: {  	[tilespmem:v5+s13+$0x0] =	vst.idx.add.f32.msk $0xffff, v3  }
0x50: {  	v5 =	vld [tilespmem:s31+$0xFFFFFF10]  }
0x51: {  	v3 =	vld.idx.msk [tilespmem:v4+s3+$0x0], $0xffff  }
0x52: {  	[tilespmem:v6+s13+$0x0] =	vst.idx.add.f32.msk $0xffff, v2  }
0x53: {  	v2 =	vadd.s32 $0x2780, v4;
	[tilespmem:v7+s13+$0x0] =	vst.idx.add.f32.msk $0xffff, v1  }
0x54: {  	v1 =	vld [tilespmem:s31+$0xFFFFFF90]  }
0x55: {  	v6 =	vld [tilespmem:s31+$0x10]  }
0x56: {  	[tilespmem:v8+s13+$0x0] =	vst.idx.add.f32.msk $0xffff, v3  }
0x57: {  	v3 =	vld [tilespmem:s16+$0xFFFFFF10]  }
0x58: {  	v7 =	vadd.s32 $0x2780, v8;
	v2 =	vld.idx.msk [tilespmem:v2+s3+$0x0], $0xffff  }
0x59: {  	v10 =	vadd.s32 $0x4F00, v4;
	v11 =	vld [tilespmem:s16+$0xFFFFFF90]  }
0x5a: {  	v12 =	vld [tilespmem:s16+$0x10]  }
0x5b: {  	v9 =	vld.idx.msk [tilespmem:v5+s3+$0x0], $0xffff  }
0x5c: {  	v13 =	vadd.s32 $0x2780, v5;
	v14 =	vld.idx.msk [tilespmem:v1+s3+$0x0], $0xffff  }
0x5d: {  	[tilespmem:v7+s13+$0x0] =	vst.idx.add.f32.msk $0xffff, v2  }
0x5e: {  	v2 =	vadd.s32 $0x2780, v1;
	v7 =	vld.idx.msk [tilespmem:v10+s3+$0x0], $0xffff  }
0x5f: {  	v15 =	vadd.s32 $0x4F00, v8;
	v10 =	vld.idx.msk [tilespmem:v6+s3+$0x0], $0xffff  }
0x60: {  	[tilespmem:v3+s13+$0x0] =	vst.idx.add.f32.msk $0xffff, v9  }
0x61: {  	v4 =	vadd.s32 $0x7680, v4;
	v9 =	vld.idx.msk [tilespmem:v13+s3+$0x0], $0xffff  }
0x62: {  	v13 =	vadd.s32 $0x2780, v6;
	[tilespmem:v11+s13+$0x0] =	vst.idx.add.f32.msk $0xffff, v14  }
0x63: {  	v14 =	vadd.s32 $0x2780, v3;
	v2 =	vld.idx.msk [tilespmem:v2+s3+$0x0], $0xffff  }
0x64: {  	v16 =	vadd.s32 $0x4F00, v5;
	[tilespmem:v15+s13+$0x0] =	vst.idx.add.f32.msk $0xffff, v7  }
0x65: {  	v7 =	vadd.s32 $0x7680, v8;
	[tilespmem:v12+s13+$0x0] =	vst.idx.add.f32.msk $0xffff, v10;
	v8 =	vadd.s32 $0x2780, v11  }
0x66: {  	v4 =	vld.idx.msk [tilespmem:v4+s3+$0x0], $0xffff  }
0x67: {  	v10 =	vld.idx.msk [tilespmem:v13+s3+$0x0], $0xffff  }
0x68: {  	v13 =	vadd.s32 $0x2780, v12;
	[tilespmem:v14+s13+$0x0] =	vst.idx.add.f32.msk $0xffff, v9  }
0x69: {  	v9 =	vadd.s32 $0x4F00, v1;
	v14 =	vld.idx.msk [tilespmem:v16+s3+$0x0], $0xffff  }
0x6a: {  	v15 =	vadd.s32 $0x4F00, v6;
	[tilespmem:v8+s13+$0x0] =	vst.idx.add.f32.msk $0xffff, v2  }
0x6b: {  	[tilespmem:v7+s13+$0x0] =	vst.idx.add.f32.msk $0xffff, v4;
	v4 =	vadd.s32 $0x4F00, v3  }
0x6c: {  	v7 =	vld [tilespmem:s31+$0xA0]  }
0x6d: {  	v2 =	vadd.s32 $0x7680, v5;
	[tilespmem:v13+s13+$0x0] =	vst.idx.add.f32.msk $0xffff, v10  }
0x6e: {  	v8 =	vadd.s32 $0x4F00, v11;
	v5 =	vld.idx.msk [tilespmem:v9+s3+$0x0], $0xffff  }
0x6f: {  	v10 =	vadd.s32 $0x4F00, v12;
	v9 =	vld.idx.msk [tilespmem:v15+s3+$0x0], $0xffff  }
0x70: {  	v1 =	vadd.s32 $0x7680, v1;
	[tilespmem:v4+s13+$0x0] =	vst.idx.add.f32.msk $0xffff, v14  }
0x71: {  	v6 =	vadd.s32 $0x7680, v6;
	v4 =	vld [tilespmem:s16+$0xA0]  }
0x72: {  	v2 =	vld.idx.msk [tilespmem:v2+s3+$0x0], $0xffff  }
0x73: {  	[tilespmem:v8+s13+$0x0] =	vst.idx.add.f32.msk $0xffff, v5  }
0x74: {  	v3 =	vadd.s32 $0x7680, v3;
	[tilespmem:v10+s13+$0x0] =	vst.idx.add.f32.msk $0xffff, v9  }
0x75: {  	v8 =	vadd.s32 $0x7680, v11;
	v1 =	vld.idx.msk [tilespmem:v1+s3+$0x0], $0xffff  }
0x76: {  	v9 =	vadd.s32 $0x7680, v12;
	v6 =	vld.idx.msk [tilespmem:v6+s3+$0x0], $0xffff;
	_ =	sdelay $0x1  }
0x77: {  	v13 =	vld.idx.msk [tilespmem:v7+s3+$0x0], $0xffff  }
0x78: {  	v5 =	vadd.s32 $0x2780, v7;
	[tilespmem:v3+s13+$0x0] =	vst.idx.add.f32.msk $0xffff, v2  }
0x79: {  	[tilespmem:v8+s13+$0x0] =	vst.idx.add.f32.msk $0xffff, v1  }
0x7a: {  	[tilespmem:v9+s13+$0x0] =	vst.idx.add.f32.msk $0xffff, v6  }
0x7b: {  	v6 =	vld [tilespmem:s31+$0xFFFFFFA0]  }
0x7c: {  	[tilespmem:v4+s13+$0x0] =	vst.idx.add.f32.msk $0xffff, v13  }
0x7d: {  	v2 =	vld.idx.msk [tilespmem:v5+s3+$0x0], $0xffff;
	v5 =	vadd.s32 $0x2780, v4;
	_ =	sdelay $0x1  }
0x7e: {  	v3 =	vld [tilespmem:s31+$0xFFFFFF20];
	v1 =	vadd.s32 $0x4F00, v7  }
0x7f: {  	v10 =	vld [tilespmem:s16+$0xFFFFFFA0]  }
0x80: {  	v8 =	vld [tilespmem:s31+$0x20]  }
0x81: {  	[tilespmem:v5+s13+$0x0] =	vst.idx.add.f32.msk $0xffff, v2  }
0x82: {  	v2 =	vld [tilespmem:s16+$0xFFFFFF20]  }
0x83: {  	v5 =	vadd.s32 $0x4F00, v4;
	v1 =	vld.idx.msk [tilespmem:v1+s3+$0x0], $0xffff  }
0x84: {  	v13 =	vld.idx.msk [tilespmem:v6+s3+$0x0], $0xffff  }
0x85: {  	v7 =	vadd.s32 $0x7680, v7  }
0x86: {  	v11 =	vld [tilespmem:s16+$0x20]  }
0x87: {  	v9 =	vld.idx.msk [tilespmem:v3+s3+$0x0], $0xffff  }
0x88: {  	v12 =	vadd.s32 $0x2780, v3;
	[tilespmem:v5+s13+$0x0] =	vst.idx.add.f32.msk $0xffff, v1  }
0x89: {  	v1 =	vadd.s32 $0x2780, v6;
	[tilespmem:v10+s13+$0x0] =	vst.idx.add.f32.msk $0xffff, v13  }
0x8a: {  	v4 =	vadd.s32 $0x7680, v4;
	v5 =	vld.idx.msk [tilespmem:v7+s3+$0x0], $0xffff  }
0x8b: {  	v7 =	vld.idx.msk [tilespmem:v8+s3+$0x0], $0xffff  }
0x8c: {  	[tilespmem:v2+s13+$0x0] =	vst.idx.add.f32.msk $0xffff, v9  }
0x8d: {  	v9 =	vld.idx.msk [tilespmem:v12+s3+$0x0], $0xffff;
	v12 =	vadd.s32 $0x2780, v8  }
0x8e: {  	v13 =	vadd.s32 $0x2780, v2;
	v1 =	vld.idx.msk [tilespmem:v1+s3+$0x0], $0xffff  }
0x8f: {  	v14 =	vadd.s32 $0x2780, v10;
	[tilespmem:v4+s13+$0x0] =	vst.idx.add.f32.msk $0xffff, v5  }
0x90: {  	[tilespmem:v11+s13+$0x0] =	vst.idx.add.f32.msk $0xffff, v7  }
0x91: {  	v4 =	vadd.s32 $0x4F00, v3;
	v5 =	vld [tilespmem:s31+$0xB0]  }
0x92: {  	v7 =	vadd.s32 $0x4F00, v6;
	v12 =	vld.idx.msk [tilespmem:v12+s3+$0x0], $0xffff  }
0x93: {  	[tilespmem:v13+s13+$0x0] =	vst.idx.add.f32.msk $0xffff, v9;
	v9 =	vadd.s32 $0x2780, v11  }
0x94: {  	[tilespmem:v14+s13+$0x0] =	vst.idx.add.f32.msk $0xffff, v1  }
0x95: {  	v1 =	vadd.s32 $0x4F00, v8;
	v14 =	vld [tilespmem:s16+$0xB0]  }
0x96: {  	v13 =	vadd.s32 $0x4F00, v2;
	v4 =	vld.idx.msk [tilespmem:v4+s3+$0x0], $0xffff  }
0x97: {  	v15 =	vadd.s32 $0x4F00, v10;
	v7 =	vld.idx.msk [tilespmem:v7+s3+$0x0], $0xffff  }
0x98: {  	v3 =	vadd.s32 $0x7680, v3;
	[tilespmem:v9+s13+$0x0] =	vst.idx.add.f32.msk $0xffff, v12  }
0x99: {  	v16 =	vld.idx.msk [tilespmem:v5+s3+$0x0], $0xffff  }
0x9a: {  	v12 =	vadd.s32 $0x4F00, v11;
	v1 =	vld.idx.msk [tilespmem:v1+s3+$0x0], $0xffff  }
0x9b: {  	v9 =	vadd.s32 $0x2780, v5;
	[tilespmem:v13+s13+$0x0] =	vst.idx.add.f32.msk $0xffff, v4  }
0x9c: {  	v4 =	vadd.s32 $0x7680, v6;
	[tilespmem:v15+s13+$0x0] =	vst.idx.add.f32.msk $0xffff, v7  }
0x9d: {  	v6 =	vadd.s32 $0x7680, v8;
	v3 =	vld.idx.msk [tilespmem:v3+s3+$0x0], $0xffff  }
0x9e: {  	v2 =	vadd.s32 $0x7680, v2;
	[tilespmem:v14+s13+$0x0] =	vst.idx.add.f32.msk $0xffff, v16  }
0x9f: {  	[tilespmem:v12+s13+$0x0] =	vst.idx.add.f32.msk $0xffff, v1  }
0xa0: {  	v1 =	vadd.s32 $0x2780, v14;
	v7 =	vld.idx.msk [tilespmem:v9+s3+$0x0], $0xffff  }
0xa1: {  	v4 =	vld.idx.msk [tilespmem:v4+s3+$0x0], $0xffff;
	v9 =	vadd.s32 $0x7680, v10  }
0xa2: {  	v6 =	vld.idx.msk [tilespmem:v6+s3+$0x0], $0xffff;
	v10 =	vadd.s32 $0x7680, v11  }
0xa3: {  	v8 =	vadd.s32 $0x4F00, v5;
	[tilespmem:v2+s13+$0x0] =	vst.idx.add.f32.msk $0xffff, v3  }
0xa4: {  	v2 =	vld [tilespmem:s31+$0xFFFFFF30]  }
0xa5: {  	[tilespmem:v1+s13+$0x0] =	vst.idx.add.f32.msk $0xffff, v7  }
0xa6: {  	[tilespmem:v9+s13+$0x0] =	vst.idx.add.f32.msk $0xffff, v4  }
0xa7: {  	[tilespmem:v10+s13+$0x0] =	vst.idx.add.f32.msk $0xffff, v6  }
0xa8: {  	v3 =	vadd.s32 $0x4F00, v14;
	v1 =	vld.idx.msk [tilespmem:v8+s3+$0x0], $0xffff  }
0xa9: {  	v4 =	vadd.s32 $0x7680, v5;
	v5 =	vld [tilespmem:s31+$0xFFFFFFB0]  }
0xaa: {  	v6 =	vld [tilespmem:s31+$0x30]  }
0xab: {  	v7 =	vld [tilespmem:s16+$0xFFFFFF30]  }
0xac: {  	v8 =	vld [tilespmem:s16+$0xFFFFFFB0]  }
0xad: {  	[tilespmem:v3+s13+$0x0] =	vst.idx.add.f32.msk $0xffff, v1  }
0xae: {  	v3 =	vld.idx.msk [tilespmem:v2+s3+$0x0], $0xffff  }
0xaf: {  	v1 =	vld.idx.msk [tilespmem:v4+s3+$0x0], $0xffff;
	v4 =	vadd.s32 $0x7680, v14  }
0xb0: {  	v9 =	vld [tilespmem:s16+$0x30]  }
0xb1: {  	v10 =	vadd.s32 $0x2780, v2;
	v11 =	vld.idx.msk [tilespmem:v5+s3+$0x0], $0xffff  }
0xb2: {  	v12 =	vld.idx.msk [tilespmem:v6+s3+$0x0], $0xffff  }
0xb3: {  	[tilespmem:v7+s13+$0x0] =	vst.idx.add.f32.msk $0xffff, v3  }
0xb4: {  	[tilespmem:v4+s13+$0x0] =	vst.idx.add.f32.msk $0xffff, v1  }
0xb5: {  	v3 =	vadd.s32 $0x2780, v6;
	v4 =	vld [tilespmem:s31+$0xC0]  }
0xb6: {  	v1 =	vadd.s32 $0x2780, v5;
	v10 =	vld.idx.msk [tilespmem:v10+s3+$0x0], $0xffff  }
0xb7: {  	[tilespmem:v8+s13+$0x0] =	vst.idx.add.f32.msk $0xffff, v11;
	v11 =	vadd.s32 $0x2780, v7  }
0xb8: {  	v14 =	vld [tilespmem:s16+$0xC0]  }
0xb9: {  	[tilespmem:v9+s13+$0x0] =	vst.idx.add.f32.msk $0xffff, v12;
	v12 =	vadd.s32 $0x4F00, v2  }
0xba: {  	v16 =	vadd.s32 $0x2780, v9;
	v3 =	vld.idx.msk [tilespmem:v3+s3+$0x0], $0xffff  }
0xbb: {  	v13 =	vadd.s32 $0x2780, v8;
	v1 =	vld.idx.msk [tilespmem:v1+s3+$0x0], $0xffff  }
0xbc: {  	v15 =	vadd.s32 $0x4F00, v5;
	[tilespmem:v11+s13+$0x0] =	vst.idx.add.f32.msk $0xffff, v10  }
0xbd: {  	v17 =	vld.idx.msk [tilespmem:v4+s3+$0x0], $0xffff  }
0xbe: {  	v11 =	vadd.s32 $0x2780, v4;
	v10 =	vld.idx.msk [tilespmem:v12+s3+$0x0], $0xffff  }
0xbf: {  	v12 =	vadd.s32 $0x4F00, v6;
	[tilespmem:v16+s13+$0x0] =	vst.idx.add.f32.msk $0xffff, v3  }
0xc0: {  	[tilespmem:v13+s13+$0x0] =	vst.idx.add.f32.msk $0xffff, v1;
	v1 =	vadd.s32 $0x4F00, v7  }
0xc1: {  	v13 =	vld.idx.msk [tilespmem:v15+s3+$0x0], $0xffff;
	v15 =	vadd.s32 $0x4F00, v8  }
0xc2: {  	v2 =	vadd.s32 $0x7680, v2;
	[tilespmem:v14+s13+$0x0] =	vst.idx.add.f32.msk $0xffff, v17  }
0xc3: {  	v3 =	vadd.s32 $0x7680, v5;
	v5 =	vld.idx.msk [tilespmem:v11+s3+$0x0], $0xffff  }
0xc4: {  	v11 =	vld.idx.msk [tilespmem:v12+s3+$0x0], $0xffff;
	v12 =	vadd.s32 $0x2780, v14  }
0xc5: {  	[tilespmem:v1+s13+$0x0] =	vst.idx.add.f32.msk $0xffff, v10;
	v10 =	vadd.s32 $0x4F00, v9  }
0xc6: {  	v1 =	vadd.s32 $0x4F00, v4;
	[tilespmem:v15+s13+$0x0] =	vst.idx.add.f32.msk $0xffff, v13  }
0xc7: {  	v6 =	vadd.s32 $0x7680, v6;
	v2 =	vld.idx.msk [tilespmem:v2+s3+$0x0], $0xffff  }
0xc8: {  	v7 =	vadd.s32 $0x7680, v7;
	v3 =	vld.idx.msk [tilespmem:v3+s3+$0x0], $0xffff  }
0xc9: {  	v8 =	vadd.s32 $0x7680, v8;
	[tilespmem:v12+s13+$0x0] =	vst.idx.add.f32.msk $0xffff, v5  }
0xca: {  	[tilespmem:v10+s13+$0x0] =	vst.idx.add.f32.msk $0xffff, v11  }
0xcb: {  	v5 =	vadd.s32 $0x4F00, v14;
	v1 =	vld.idx.msk [tilespmem:v1+s3+$0x0], $0xffff  }
0xcc: {  	v9 =	vadd.s32 $0x7680, v9;
	v6 =	vld.idx.msk [tilespmem:v6+s3+$0x0], $0xffff  }
0xcd: {  	v4 =	vadd.s32 $0x7680, v4;
	[tilespmem:v7+s13+$0x0] =	vst.idx.add.f32.msk $0xffff, v2  }
0xce: {  	[tilespmem:v8+s13+$0x0] =	vst.idx.add.f32.msk $0xffff, v3  }
0xcf: {  	v2 =	vld [tilespmem:s31+$0xFFFFFF40]  }
0xd0: {  	[tilespmem:v5+s13+$0x0] =	vst.idx.add.f32.msk $0xffff, v1  }
0xd1: {  	[tilespmem:v9+s13+$0x0] =	vst.idx.add.f32.msk $0xffff, v6  }
0xd2: {  	v1 =	vld.idx.msk [tilespmem:v4+s3+$0x0], $0xffff  }
0xd3: {  	v3 =	vadd.s32 $0x7680, v14;
	v4 =	vld [tilespmem:s31+$0xFFFFFFC0]  }
0xd4: {  	v5 =	vld [tilespmem:s31+$0x40]  }
0xd5: {  	v7 =	vld [tilespmem:s16+$0xFFFFFFC0]  }
0xd6: {  	v6 =	vld [tilespmem:s16+$0xFFFFFF40]  }
0xd7: {  	v8 =	vld [tilespmem:s16+$0x40]  }
0xd8: {  	[tilespmem:v3+s13+$0x0] =	vst.idx.add.f32.msk $0xffff, v1  }
0xd9: {  	v3 =	vld.idx.msk [tilespmem:v2+s3+$0x0], $0xffff  }
0xda: {  	v11 =	vadd.s32 $0x2780, v2;
	v1 =	vld [tilespmem:s31+$0xD0]  }
0xdb: {  	v9 =	vld.idx.msk [tilespmem:v4+s3+$0x0], $0xffff  }
0xdc: {  	v10 =	vld.idx.msk [tilespmem:v5+s3+$0x0], $0xffff  }
0xdd: {  	v12 =	vld [tilespmem:s16+$0xD0]  }
0xde: {  	v13 =	vadd.s32 $0x2780, v4;
	[tilespmem:v6+s13+$0x0] =	vst.idx.add.f32.msk $0xffff, v3  }
0xdf: {  	v11 =	vld.idx.msk [tilespmem:v11+s3+$0x0], $0xffff  }
0xe0: {  	v3 =	vadd.s32 $0x2780, v5;
	[tilespmem:v7+s13+$0x0] =	vst.idx.add.f32.msk $0xffff, v9  }
0xe1: {  	[tilespmem:v8+s13+$0x0] =	vst.idx.add.f32.msk $0xffff, v10;
	v10 =	vadd.s32 $0x2780, v6  }
0xe2: {  	v14 =	vld.idx.msk [tilespmem:v1+s3+$0x0], $0xffff  }
0xe3: {  	v15 =	vadd.s32 $0x2780, v7;
	v13 =	vld.idx.msk [tilespmem:v13+s3+$0x0], $0xffff  }
0xe4: {  	v17 =	vadd.s32 $0x4F00, v2  }
0xe5: {  	v9 =	vadd.s32 $0x2780, v1;
	v3 =	vld.idx.msk [tilespmem:v3+s3+$0x0], $0xffff  }
0xe6: {  	v16 =	vadd.s32 $0x2780, v8;
	[tilespmem:v10+s13+$0x0] =	vst.idx.add.f32.msk $0xffff, v11  }
0xe7: {  	[tilespmem:v12+s13+$0x0] =	vst.idx.add.f32.msk $0xffff, v14  }
0xe8: {  	v11 =	vadd.s32 $0x4F00, v4;
	[tilespmem:v15+s13+$0x0] =	vst.idx.add.f32.msk $0xffff, v13  }
0xe9: {  	v13 =	vadd.s32 $0x4F00, v5;
	v15 =	vld.idx.msk [tilespmem:v17+s3+$0x0], $0xffff  }
0xea: {  	v14 =	vadd.s32 $0x2780, v12;
	v9 =	vld.idx.msk [tilespmem:v9+s3+$0x0], $0xffff  }
0xeb: {  	[tilespmem:v16+s13+$0x0] =	vst.idx.add.f32.msk $0xffff, v3;
	v3 =	vadd.s32 $0x4F00, v6  }
0xec: {  	v10 =	vadd.s32 $0x4F00, v1  }
0xed: {  	v2 =	vadd.s32 $0x7680, v2;
	v11 =	vld.idx.msk [tilespmem:v11+s3+$0x0], $0xffff  }
0xee: {  	v16 =	vadd.s32 $0x4F00, v8;
	v13 =	vld.idx.msk [tilespmem:v13+s3+$0x0], $0xffff  }
0xef: {  	[tilespmem:v14+s13+$0x0] =	vst.idx.add.f32.msk $0xffff, v9;
	v14 =	vadd.s32 $0x4F00, v7  }
0xf0: {  	[tilespmem:v3+s13+$0x0] =	vst.idx.add.f32.msk $0xffff, v15;
	v3 =	vadd.s32 $0x7680, v4;
	v4 =	vadd.s32 $0x7680, v5  }
0xf1: {  	v9 =	vld.idx.msk [tilespmem:v10+s3+$0x0], $0xffff;
	v10 =	vadd.s32 $0x4F00, v12  }
0xf2: {  	v1 =	vadd.s32 $0x7680, v1;
	v2 =	vld.idx.msk [tilespmem:v2+s3+$0x0], $0xffff  }
0xf3: {  	[tilespmem:v16+s13+$0x0] =	vst.idx.add.f32.msk $0xffff, v13  }
0xf4: {  	v5 =	vadd.s32 $0x7680, v6;
	[tilespmem:v14+s13+$0x0] =	vst.idx.add.f32.msk $0xffff, v11  }
0xf5: {  	v4 =	vld.idx.msk [tilespmem:v4+s3+$0x0], $0xffff  }
0xf6: {  	v8 =	vadd.s32 $0x7680, v8;
	[tilespmem:v10+s13+$0x0] =	vst.idx.add.f32.msk $0xffff, v9  }
0xf7: {  	v6 =	vadd.s32 $0x7680, v12;
	v1 =	vld.idx.msk [tilespmem:v1+s3+$0x0], $0xffff  }
0xf8: {  	v3 =	vld.idx.msk [tilespmem:v3+s3+$0x0], $0xffff  }
0xf9: {  	v7 =	vadd.s32 $0x7680, v7;
	[tilespmem:v5+s13+$0x0] =	vst.idx.add.f32.msk $0xffff, v2  }
0xfa: {  	v2 =	vld [tilespmem:s31+$0xFFFFFF50]  }
0xfb: {  	[tilespmem:v8+s13+$0x0] =	vst.idx.add.f32.msk $0xffff, v4  }
0xfc: {  	[tilespmem:v6+s13+$0x0] =	vst.idx.add.f32.msk $0xffff, v1  }
0xfd: {  	v1 =	vld [tilespmem:s31+$0xE0]  }
0xfe: {  	[tilespmem:v7+s13+$0x0] =	vst.idx.add.f32.msk $0xffff, v3  }
0xff: {  	v4 =	vld [tilespmem:s31+$0x50]  }
0x100: {  	v3 =	vld [tilespmem:s31+$0xFFFFFFD0]  }
0x101: {  	v6 =	vld [tilespmem:s16+$0xFFFFFF50]  }
0x102: {  	v5 =	vld [tilespmem:s16+$0xE0]  }
0x103: {  	v11 =	vld [tilespmem:s16+$0x50]  }
0x104: {  	v8 =	vld.idx.msk [tilespmem:v2+s3+$0x0], $0xffff  }
0x105: {  	v7 =	vld.idx.msk [tilespmem:v1+s3+$0x0], $0xffff  }
0x106: {  	v9 =	vld [tilespmem:s16+$0xFFFFFFD0];
	v10 =	vadd.s32 $0x2780, v1  }
0x107: {  	v12 =	vadd.s32 $0x2780, v2;
	v14 =	vld.idx.msk [tilespmem:v4+s3+$0x0], $0xffff  }
0x108: {  	v13 =	vld.idx.msk [tilespmem:v3+s3+$0x0], $0xffff  }
0x109: {  	[tilespmem:v6+s13+$0x0] =	vst.idx.add.f32.msk $0xffff, v8  }
0x10a: {  	[tilespmem:v5+s13+$0x0] =	vst.idx.add.f32.msk $0xffff, v7;
	v7 =	vadd.s32 $0x2780, v3  }
0x10b: {  	v8 =	vadd.s32 $0x2780, v5;
	v10 =	vld.idx.msk [tilespmem:v10+s3+$0x0], $0xffff  }
0x10c: {  	v15 =	vadd.s32 $0x4F00, v1;
	v12 =	vld.idx.msk [tilespmem:v12+s3+$0x0], $0xffff  }
0x10d: {  	v16 =	vadd.s32 $0x2780, v4;
	[tilespmem:v11+s13+$0x0] =	vst.idx.add.f32.msk $0xffff, v14  }
0x10e: {  	[tilespmem:v9+s13+$0x0] =	vst.idx.add.f32.msk $0xffff, v13;
	v13 =	vadd.s32 $0x2780, v6  }
0x10f: {  	v14 =	vadd.s32 $0x4F00, v2;
	v7 =	vld.idx.msk [tilespmem:v7+s3+$0x0], $0xffff  }
0x110: {  	v17 =	vadd.s32 $0x2780, v9;
	[tilespmem:v8+s13+$0x0] =	vst.idx.add.f32.msk $0xffff, v10  }
0x111: {  	v8 =	vadd.s32 $0x4F00, v3;
	v10 =	vld.idx.msk [tilespmem:v15+s3+$0x0], $0xffff  }
0x112: {  	v15 =	vld.idx.msk [tilespmem:v16+s3+$0x0], $0xffff;
	v16 =	vadd.s32 $0x4F00, v5  }
0x113: {  	[tilespmem:v13+s13+$0x0] =	vst.idx.add.f32.msk $0xffff, v12;
	v12 =	vadd.s32 $0x2780, v11  }
0x114: {  	v1 =	vadd.s32 $0x7680, v1;
	v13 =	vld.idx.msk [tilespmem:v14+s3+$0x0], $0xffff  }
0x115: {  	v14 =	vadd.s32 $0x4F00, v4;
	[tilespmem:v17+s13+$0x0] =	vst.idx.add.f32.msk $0xffff, v7  }
0x116: {  	v7 =	vadd.s32 $0x4F00, v6;
	v8 =	vld.idx.msk [tilespmem:v8+s3+$0x0], $0xffff  }
0x117: {  	v2 =	vadd.s32 $0x7680, v2;
	[tilespmem:v16+s13+$0x0] =	vst.idx.add.f32.msk $0xffff, v10  }
0x118: {  	[tilespmem:v12+s13+$0x0] =	vst.idx.add.f32.msk $0xffff, v15;
	v10 =	vadd.s32 $0x4F00, v9  }
0x119: {  	v5 =	vadd.s32 $0x7680, v5;
	v1 =	vld.idx.msk [tilespmem:v1+s3+$0x0], $0xffff  }
0x11a: {  	v12 =	vld.idx.msk [tilespmem:v14+s3+$0x0], $0xffff;
	v14 =	vadd.s32 $0x4F00, v11  }
0x11b: {  	v3 =	vadd.s32 $0x7680, v3;
	[tilespmem:v7+s13+$0x0] =	vst.idx.add.f32.msk $0xffff, v13  }
0x11c: {  	v2 =	vld.idx.msk [tilespmem:v2+s3+$0x0], $0xffff  }
0x11d: {  	v4 =	vadd.s32 $0x7680, v4;
	[tilespmem:v10+s13+$0x0] =	vst.idx.add.f32.msk $0xffff, v8  }
0x11e: {  	[tilespmem:v5+s13+$0x0] =	vst.idx.add.f32.msk $0xffff, v1;
	v1 =	vadd.s32 $0x7680, v6  }
0x11f: {  	[tilespmem:v14+s13+$0x0] =	vst.idx.add.f32.msk $0xffff, v12  }
0x120: {  	v3 =	vld.idx.msk [tilespmem:v3+s3+$0x0], $0xffff  }
0x121: {  	v6 =	vadd.s32 $0x7680, v9;
	v5 =	vld [tilespmem:s31+$0xF0]  }
0x122: {  	v7 =	vadd.s32 $0x7680, v11;
	v4 =	vld.idx.msk [tilespmem:v4+s3+$0x0], $0xffff  }
0x123: {  	[tilespmem:v1+s13+$0x0] =	vst.idx.add.f32.msk $0xffff, v2  }
0x124: {  	v2 =	vld [tilespmem:s16+$0xF0]  }
0x125: {  	v1 =	vld [tilespmem:s31+$0xFFFFFF60]  }
0x126: {  	[tilespmem:v6+s13+$0x0] =	vst.idx.add.f32.msk $0xffff, v3  }
0x127: {  	[tilespmem:v7+s13+$0x0] =	vst.idx.add.f32.msk $0xffff, v4  }
0x128: {  	v4 =	vld [tilespmem:s31+$0xFFFFFFE0]  }
0x129: {  	v8 =	vld.idx.msk [tilespmem:v5+s3+$0x0], $0xffff  }
0x12a: {  	v3 =	vadd.s32 $0x2780, v5;
	v6 =	vld [tilespmem:s31+$0x60]  }
0x12b: {  	v7 =	vld [tilespmem:s16+$0xFFFFFF60]  }
0x12c: {  	v10 =	vld [tilespmem:s16+$0xFFFFFFE0]  }
0x12d: {  	v9 =	vld.idx.msk [tilespmem:v1+s3+$0x0], $0xffff  }
0x12e: {  	[tilespmem:v2+s13+$0x0] =	vst.idx.add.f32.msk $0xffff, v8  }
0x12f: {  	v8 =	vadd.s32 $0x2780, v2;
	v3 =	vld.idx.msk [tilespmem:v3+s3+$0x0], $0xffff  }
0x130: {  	v12 =	vld [tilespmem:s16+$0x60];
	v13 =	vadd.s32 $0x2780, v1  }
0x131: {  	v11 =	vadd.s32 $0x4F00, v5;
	v14 =	vld.idx.msk [tilespmem:v4+s3+$0x0], $0xffff  }
0x132: {  	v15 =	vld.idx.msk [tilespmem:v6+s3+$0x0], $0xffff  }
0x133: {  	[tilespmem:v7+s13+$0x0] =	vst.idx.add.f32.msk $0xffff, v9  }
0x134: {  	[tilespmem:v8+s13+$0x0] =	vst.idx.add.f32.msk $0xffff, v3;
	v3 =	vadd.s32 $0x2780, v4  }
0x135: {  	v16 =	vadd.s32 $0x2780, v7;
	v13 =	vld.idx.msk [tilespmem:v13+s3+$0x0], $0xffff  }
0x136: {  	v9 =	vadd.s32 $0x4F00, v2;
	v8 =	vld.idx.msk [tilespmem:v11+s3+$0x0], $0xffff  }
0x137: {  	[tilespmem:v10+s13+$0x0] =	vst.idx.add.f32.msk $0xffff, v14;
	v11 =	vadd.s32 $0x2780, v6  }
0x138: {  	v14 =	vadd.s32 $0x4F00, v1;
	[tilespmem:v12+s13+$0x0] =	vst.idx.add.f32.msk $0xffff, v15  }
0x139: {  	v3 =	vld.idx.msk [tilespmem:v3+s3+$0x0], $0xffff  }
0x13a: {  	v15 =	vadd.s32 $0x2780, v10;
	[tilespmem:v16+s13+$0x0] =	vst.idx.add.f32.msk $0xffff, v13  }
0x13b: {  	v17 =	vadd.s32 $0x4F00, v4;
	[tilespmem:v9+s13+$0x0] =	vst.idx.add.f32.msk $0xffff, v8  }
0x13c: {  	v8 =	vadd.s32 $0x2780, v12;
	v9 =	vld.idx.msk [tilespmem:v11+s3+$0x0], $0xffff  }
0x13d: {  	v13 =	vadd.s32 $0x4F00, v7;
	v14 =	vld.idx.msk [tilespmem:v14+s3+$0x0], $0xffff  }
0x13e: {  	v11 =	vadd.s32 $0x4F00, v6  }
0x13f: {  	v1 =	vadd.s32 $0x7680, v1;
	[tilespmem:v15+s13+$0x0] =	vst.idx.add.f32.msk $0xffff, v3  }
0x140: {  	v15 =	vld.idx.msk [tilespmem:v17+s3+$0x0], $0xffff  }
0x141: {  	v3 =	vadd.s32 $0x4F00, v10;
	[tilespmem:v8+s13+$0x0] =	vst.idx.add.f32.msk $0xffff, v9  }
0x142: {  	v4 =	vadd.s32 $0x7680, v4;
	[tilespmem:v13+s13+$0x0] =	vst.idx.add.f32.msk $0xffff, v14  }
0x143: {  	v8 =	vadd.s32 $0x4F00, v12;
	v9 =	vld.idx.msk [tilespmem:v11+s3+$0x0], $0xffff  }
0x144: {  	v7 =	vadd.s32 $0x7680, v7;
	v1 =	vld.idx.msk [tilespmem:v1+s3+$0x0], $0xffff  }
0x145: {  	v6 =	vadd.s32 $0x7680, v6  }
0x146: {  	[tilespmem:v3+s13+$0x0] =	vst.idx.add.f32.msk $0xffff, v15  }
0x147: {  	v5 =	vadd.s32 $0x7680, v5;
	v4 =	vld.idx.msk [tilespmem:v4+s3+$0x0], $0xffff  }
0x148: {  	[tilespmem:v8+s13+$0x0] =	vst.idx.add.f32.msk $0xffff, v9  }
0x149: {  	v3 =	vadd.s32 $0x7680, v10;
	[tilespmem:v7+s13+$0x0] =	vst.idx.add.f32.msk $0xffff, v1  }
0x14a: {  	v6 =	vld.idx.msk [tilespmem:v6+s3+$0x0], $0xffff  }
0x14b: {  	v8 =	vadd.s32 $0x7680, v12;
	v1 =	vld [tilespmem:s31+$0xFFFFFF70]  }
0x14c: {  	v5 =	vld.idx.msk [tilespmem:v5+s3+$0x0], $0xffff  }
0x14d: {  	v7 =	vld [tilespmem:s16+$0xFFFFFF70]  }
0x14e: {  	[tilespmem:v3+s13+$0x0] =	vst.idx.add.f32.msk $0xffff, v4  }
0x14f: {  	v3 =	vld [tilespmem:s31+$0xFFFFFFF0]  }
0x150: {  	v2 =	vadd.s32 $0x7680, v2;
	[tilespmem:v8+s13+$0x0] =	vst.idx.add.f32.msk $0xffff, v6  }
0x151: {  	v4 =	vld [tilespmem:s31+$0x70];
	_ =	sdelay $0x1  }
0x152: {  	v6 =	vld.idx.msk [tilespmem:v1+s3+$0x0], $0xffff  }
0x153: {  	v14 =	vld [tilespmem:s16+$0xFFFFFFF0]  }
0x154: {  	[tilespmem:v2+s13+$0x0] =	vst.idx.add.f32.msk $0xffff, v5;
	v8 =	vadd.s32 $0x2780, v1  }
0x155: {  	v17 =	vld [tilespmem:s16+$0x70]  }
0x156: {  	v9 =	vld.idx.msk [tilespmem:v3+s3+$0x0], $0xffff  }
0x157: {  	v2 =	vadd.s32 $0x2780, v3;
	[tilespmem:v7+s13+$0x0] =	vst.idx.add.f32.msk $0xffff, v6  }
0x158: {  	v13 =	vld.idx.msk [tilespmem:v4+s3+$0x0], $0xffff  }
0x159: {  	v18 =	vadd.s32 $0x2780, v7;
	v19 =	vld.idx.msk [tilespmem:v8+s3+$0x0], $0xffff  }
0x15a: {  	v16 =	vadd.s32 $0x2780, v4  }
0x15b: {  	v11 =	vadd.s32 $0x4F00, v1;
	v10 =	vadd.s32 $0x4F00, v3;
	[tilespmem:v14+s13+$0x0] =	vst.idx.add.f32.msk $0xffff, v9  }
0x15c: {  	v5 =	vadd.s32 $0x7680, v3;
	v12 =	vadd.s32 $0x4F00, v4;
	v6 =	vadd.s32 $0x7680, v1;
	v15 =	vld.idx.msk [tilespmem:v2+s3+$0x0], $0xffff  }
0x15d: {  	v1 =	vadd.s32 $0x7680, v7;
	v3 =	vadd.s32 $0x7680, v17;
	v4 =	vadd.s32 $0x7680, v4;
	[tilespmem:v17+s13+$0x0] =	vst.idx.add.f32.msk $0xffff, v13  }
0x15e: {  	v8 =	vadd.s32 $0x4F00, v14;
	v9 =	vadd.s32 $0x4F00, v7;
	v7 =	vadd.s32 $0x4F00, v17;
	[tilespmem:v18+s13+$0x0] =	vst.idx.add.f32.msk $0xffff, v19  }
0x15f: {  	s18 =	simm.s32 $0xA100;
	s17 =	simm.s32 $0x0;
	v13 =	vadd.s32 $0x2780, v14;
	v2 =	vadd.s32 $0x7680, v14;
	v14 =	vadd.s32 $0x2780, v17;
	v16 =	vld.idx.msk [tilespmem:v16+s3+$0x0], $0xffff  }
.LBB2_5:
0x160: {  	v17 =	vld [tilespmem:s18+$0x80];
	s17 =	sadd.s32 $0x4, s17  }
0x161: {  	v18 =	vld [tilespmem:s18+$0xFFFFFF80];
	p0 =	slt.u32 s17, $0xC  }
0x162: {  	v19 =	vld [tilespmem:s18+$0x0]  }
0x163: {  	v20 =	vld [tilespmem:s18+$0xFFFFFF00]  }
0x164: {  	[tilespmem:v13+s13+$0x0] =	vst.idx.add.f32.msk $0xffff, v15  }
0x165: {  	s16 =	sadd.s32 $0x200, s16;
	[tilespmem:v14+s13+$0x0] =	vst.idx.add.f32.msk $0xffff, v16  }
0x166: {  	v13 =	vadd.s32 $0x2780, v18;
	v14 =	vadd.s32 $0x4F00, v18;
	v15 =	vadd.s32 $0x7680, v18;
	v16 =	vld [tilespmem:s16+$0x80]  }
0x167: {  	v21 =	vld [tilespmem:s16+$0xFFFFFF00];
	v22 =	vadd.s32 $0x2780, v19;
	v23 =	vadd.s32 $0x4F00, v19;
	v24 =	vadd.s32 $0x7680, v19  }
0x168: {  	v25 =	vadd.s32 $0x2780, v20;
	v26 =	vadd.s32 $0x4F00, v20;
	v27 =	vadd.s32 $0x7680, v20;
	v28 =	vld.idx.msk [tilespmem:v17+s3+$0x0], $0xffff  }
0x169: {  	v18 =	vld.idx.msk [tilespmem:v18+s3+$0x0], $0xffff  }
0x16a: {  	v29 =	vadd.s32 $0x2780, v17;
	v19 =	vld.idx.msk [tilespmem:v19+s3+$0x0], $0xffff  }
0x16b: {  	v20 =	vld.idx.msk [tilespmem:v20+s3+$0x0], $0xffff  }
0x16c: {  	v30 =	vadd.s32 $0x2780, v21;
	v31 =	vadd.s32 $0x4F00, v21;
	v32 =	vadd.s32 $0x7680, v21;
	v33 =	vld [tilespmem:s16+$0xFFFFFF80]  }
0x16d: {  	v34 =	vld [tilespmem:s16+$0x0]  }
0x16e: {  	[tilespmem:v16+s13+$0x0] =	vst.idx.add.f32.msk $0xffff, v28  }
0x16f: {  	v28 =	vld.idx.msk [tilespmem:v29+s3+$0x0], $0xffff  }
0x170: {  	v29 =	vadd.s32 $0x2780, v16;
	v11 =	vld.idx.msk [tilespmem:v11+s3+$0x0], $0xffff  }
0x171: {  	v35 =	vadd.s32 $0x4F00, v17;
	[tilespmem:v21+s13+$0x0] =	vst.idx.add.f32.msk $0xffff, v20;
	v20 =	vadd.s32 $0x2780, v33;
	v21 =	vadd.s32 $0x4F00, v33  }
0x172: {  	v36 =	vadd.s32 $0x7680, v33;
	v25 =	vld.idx.msk [tilespmem:v25+s3+$0x0], $0xffff;
	v37 =	vadd.s32 $0x2780, v34;
	v38 =	vadd.s32 $0x4F00, v34  }
0x173: {  	v39 =	vadd.s32 $0x7680, v34;
	v10 =	vld.idx.msk [tilespmem:v10+s3+$0x0], $0xffff  }
0x174: {  	[tilespmem:v33+s13+$0x0] =	vst.idx.add.f32.msk $0xffff, v18  }
0x175: {  	[tilespmem:v29+s13+$0x0] =	vst.idx.add.f32.msk $0xffff, v28  }
0x176: {  	v18 =	vld.idx.msk [tilespmem:v35+s3+$0x0], $0xffff  }
0x177: {  	[tilespmem:v34+s13+$0x0] =	vst.idx.add.f32.msk $0xffff, v19;
	v19 =	vadd.s32 $0x4F00, v16  }
0x178: {  	v17 =	vadd.s32 $0x7680, v17;
	v13 =	vld.idx.msk [tilespmem:v13+s3+$0x0], $0xffff  }
0x179: {  	v22 =	vld.idx.msk [tilespmem:v22+s3+$0x0], $0xffff  }
0x17a: {  	[tilespmem:v30+s13+$0x0] =	vst.idx.add.f32.msk $0xffff, v25  }
0x17b: {  	v25 =	vld.idx.msk [tilespmem:v26+s3+$0x0], $0xffff  }
0x17c: {  	[tilespmem:v19+s13+$0x0] =	vst.idx.add.f32.msk $0xffff, v18  }
0x17d: {  	v17 =	vld.idx.msk [tilespmem:v17+s3+$0x0], $0xffff  }
0x17e: {  	[tilespmem:v20+s13+$0x0] =	vst.idx.add.f32.msk $0xffff, v13;
	v13 =	vadd.s32 $0x7680, v16  }
0x17f: {  	[tilespmem:v37+s13+$0x0] =	vst.idx.add.f32.msk $0xffff, v22  }
0x180: {  	v14 =	vld.idx.msk [tilespmem:v14+s3+$0x0], $0xffff  }
0x181: {  	v16 =	vld.idx.msk [tilespmem:v23+s3+$0x0], $0xffff  }
0x182: {  	[tilespmem:v31+s13+$0x0] =	vst.idx.add.f32.msk $0xffff, v25  }
0x183: {  	[tilespmem:v13+s13+$0x0] =	vst.idx.add.f32.msk $0xffff, v17  }
0x184: {  	v13 =	vld [tilespmem:s18+$0x90]  }
0x185: {  	v17 =	vld.idx.msk [tilespmem:v27+s3+$0x0], $0xffff  }
0x186: {  	[tilespmem:v21+s13+$0x0] =	vst.idx.add.f32.msk $0xffff, v14  }
0x187: {  	[tilespmem:v38+s13+$0x0] =	vst.idx.add.f32.msk $0xffff, v16  }
0x188: {  	v14 =	vld.idx.msk [tilespmem:v15+s3+$0x0], $0xffff  }
0x189: {  	v15 =	vld.idx.msk [tilespmem:v24+s3+$0x0], $0xffff  }
0x18a: {  	v16 =	vld [tilespmem:s16+$0x90]  }
0x18b: {  	[tilespmem:v32+s13+$0x0] =	vst.idx.add.f32.msk $0xffff, v17  }
0x18c: {  	v17 =	vld.idx.msk [tilespmem:v13+s3+$0x0], $0xffff  }
0x18d: {  	v18 =	vld [tilespmem:s18+$0xFFFFFF10]  }
0x18e: {  	[tilespmem:v36+s13+$0x0] =	vst.idx.add.f32.msk $0xffff, v14;
	v14 =	vadd.s32 $0x2780, v13  }
0x18f: {  	[tilespmem:v39+s13+$0x0] =	vst.idx.add.f32.msk $0xffff, v15  }
0x190: {  	v15 =	vld [tilespmem:s18+$0xFFFFFF90]  }
0x191: {  	v19 =	vld [tilespmem:s18+$0x10]  }
0x192: {  	v20 =	vadd.s32 $0x2780, v18;
	v21 =	vadd.s32 $0x4F00, v18;
	v22 =	vadd.s32 $0x7680, v18;
	[tilespmem:v16+s13+$0x0] =	vst.idx.add.f32.msk $0xffff, v17  }
0x193: {  	v14 =	vld.idx.msk [tilespmem:v14+s3+$0x0], $0xffff  }
0x194: {  	v23 =	vadd.s32 $0x2780, v16;
	v17 =	vld [tilespmem:s16+$0xFFFFFF10]  }
0x195: {  	v26 =	vadd.s32 $0x4F00, v13;
	v18 =	vld.idx.msk [tilespmem:v18+s3+$0x0], $0xffff;
	v24 =	vadd.s32 $0x2780, v15;
	v25 =	vadd.s32 $0x4F00, v15  }
0x196: {  	v28 =	vadd.s32 $0x7680, v15;
	v27 =	vld [tilespmem:s16+$0xFFFFFF90];
	v29 =	vadd.s32 $0x2780, v19;
	v30 =	vadd.s32 $0x4F00, v19  }
0x197: {  	v32 =	vadd.s32 $0x7680, v19;
	v31 =	vld [tilespmem:s16+$0x10]  }
0x198: {  	v15 =	vld.idx.msk [tilespmem:v15+s3+$0x0], $0xffff  }
0x199: {  	v33 =	vadd.s32 $0x2780, v17;
	v34 =	vadd.s32 $0x4F00, v17;
	v35 =	vadd.s32 $0x7680, v17;
	[tilespmem:v23+s13+$0x0] =	vst.idx.add.f32.msk $0xffff, v14  }
0x19a: {  	v14 =	vld.idx.msk [tilespmem:v26+s3+$0x0], $0xffff  }
0x19b: {  	v36 =	vadd.s32 $0x4F00, v16;
	v23 =	vadd.s32 $0x2780, v27;
	v26 =	vadd.s32 $0x4F00, v27;
	v19 =	vld.idx.msk [tilespmem:v19+s3+$0x0], $0xffff  }
0x19c: {  	v13 =	vadd.s32 $0x7680, v13;
	[tilespmem:v17+s13+$0x0] =	vst.idx.add.f32.msk $0xffff, v18;
	v17 =	vadd.s32 $0x2780, v31;
	v18 =	vadd.s32 $0x4F00, v31  }
0x19d: {  	v37 =	vadd.s32 $0x7680, v27;
	v38 =	vadd.s32 $0x7680, v31;
	v20 =	vld.idx.msk [tilespmem:v20+s3+$0x0], $0xffff  }
0x19e: {  	[tilespmem:v27+s13+$0x0] =	vst.idx.add.f32.msk $0xffff, v15  }
0x19f: {  	v15 =	vld.idx.msk [tilespmem:v24+s3+$0x0], $0xffff  }
0x1a0: {  	[tilespmem:v36+s13+$0x0] =	vst.idx.add.f32.msk $0xffff, v14  }
0x1a1: {  	v13 =	vld.idx.msk [tilespmem:v13+s3+$0x0], $0xffff  }
0x1a2: {  	v14 =	vadd.s32 $0x7680, v16;
	[tilespmem:v31+s13+$0x0] =	vst.idx.add.f32.msk $0xffff, v19  }
0x1a3: {  	v16 =	vld.idx.msk [tilespmem:v29+s3+$0x0], $0xffff  }
0x1a4: {  	[tilespmem:v33+s13+$0x0] =	vst.idx.add.f32.msk $0xffff, v20  }
0x1a5: {  	[tilespmem:v23+s13+$0x0] =	vst.idx.add.f32.msk $0xffff, v15  }
0x1a6: {  	v15 =	vld.idx.msk [tilespmem:v21+s3+$0x0], $0xffff  }
0x1a7: {  	[tilespmem:v14+s13+$0x0] =	vst.idx.add.f32.msk $0xffff, v13  }
0x1a8: {  	v13 =	vld [tilespmem:s18+$0xA0]  }
0x1a9: {  	[tilespmem:v17+s13+$0x0] =	vst.idx.add.f32.msk $0xffff, v16  }
0x1aa: {  	v14 =	vld.idx.msk [tilespmem:v25+s3+$0x0], $0xffff  }
0x1ab: {  	v16 =	vld.idx.msk [tilespmem:v30+s3+$0x0], $0xffff  }
0x1ac: {  	[tilespmem:v34+s13+$0x0] =	vst.idx.add.f32.msk $0xffff, v15  }
0x1ad: {  	v15 =	vld.idx.msk [tilespmem:v22+s3+$0x0], $0xffff  }
0x1ae: {  	v17 =	vld [tilespmem:s16+$0xA0]  }
0x1af: {  	v12 =	vld.idx.msk [tilespmem:v12+s3+$0x0], $0xffff  }
0x1b0: {  	v19 =	vld.idx.msk [tilespmem:v13+s3+$0x0], $0xffff  }
0x1b1: {  	[tilespmem:v26+s13+$0x0] =	vst.idx.add.f32.msk $0xffff, v14  }
0x1b2: {  	v14 =	vadd.s32 $0x2780, v13;
	[tilespmem:v18+s13+$0x0] =	vst.idx.add.f32.msk $0xffff, v16  }
0x1b3: {  	v16 =	vld.idx.msk [tilespmem:v28+s3+$0x0], $0xffff  }
0x1b4: {  	v18 =	vld.idx.msk [tilespmem:v32+s3+$0x0], $0xffff  }
0x1b5: {  	[tilespmem:v35+s13+$0x0] =	vst.idx.add.f32.msk $0xffff, v15  }
0x1b6: {  	[tilespmem:v17+s13+$0x0] =	vst.idx.add.f32.msk $0xffff, v19  }
0x1b7: {  	v14 =	vld.idx.msk [tilespmem:v14+s3+$0x0], $0xffff  }
0x1b8: {  	v19 =	vadd.s32 $0x2780, v17;
	v15 =	vld [tilespmem:s18+$0xFFFFFF20]  }
0x1b9: {  	[tilespmem:v37+s13+$0x0] =	vst.idx.add.f32.msk $0xffff, v16;
	v16 =	vadd.s32 $0x4F00, v13  }
0x1ba: {  	[tilespmem:v38+s13+$0x0] =	vst.idx.add.f32.msk $0xffff, v18  }
0x1bb: {  	v18 =	vld [tilespmem:s18+$0xFFFFFFA0]  }
0x1bc: {  	v20 =	vld [tilespmem:s18+$0x20]  }
0x1bd: {  	v21 =	vadd.s32 $0x2780, v15;
	v22 =	vadd.s32 $0x4F00, v15;
	v23 =	vadd.s32 $0x7680, v15;
	[tilespmem:v19+s13+$0x0] =	vst.idx.add.f32.msk $0xffff, v14  }
0x1be: {  	v14 =	vld.idx.msk [tilespmem:v16+s3+$0x0], $0xffff  }
0x1bf: {  	v19 =	vadd.s32 $0x4F00, v17;
	v16 =	vld [tilespmem:s16+$0xFFFFFF20]  }
0x1c0: {  	v13 =	vadd.s32 $0x7680, v13;
	v15 =	vld.idx.msk [tilespmem:v15+s3+$0x0], $0xffff;
	v24 =	vadd.s32 $0x2780, v18;
	v25 =	vadd.s32 $0x4F00, v18  }
0x1c1: {  	v27 =	vadd.s32 $0x7680, v18;
	v26 =	vld [tilespmem:s16+$0xFFFFFFA0];
	v28 =	vadd.s32 $0x2780, v20;
	v29 =	vadd.s32 $0x4F00, v20  }
0x1c2: {  	v31 =	vadd.s32 $0x7680, v20;
	v30 =	vld [tilespmem:s16+$0x20]  }
0x1c3: {  	v18 =	vld.idx.msk [tilespmem:v18+s3+$0x0], $0xffff  }
0x1c4: {  	v32 =	vadd.s32 $0x2780, v16;
	v33 =	vadd.s32 $0x4F00, v16;
	v34 =	vadd.s32 $0x7680, v16;
	[tilespmem:v19+s13+$0x0] =	vst.idx.add.f32.msk $0xffff, v14  }
0x1c5: {  	v13 =	vld.idx.msk [tilespmem:v13+s3+$0x0], $0xffff  }
0x1c6: {  	v17 =	vadd.s32 $0x7680, v17;
	v14 =	vadd.s32 $0x2780, v26;
	v19 =	vadd.s32 $0x4F00, v26;
	v20 =	vld.idx.msk [tilespmem:v20+s3+$0x0], $0xffff  }
0x1c7: {  	[tilespmem:v16+s13+$0x0] =	vst.idx.add.f32.msk $0xffff, v15;
	v15 =	vadd.s32 $0x7680, v26;
	v16 =	vadd.s32 $0x2780, v30;
	v35 =	vadd.s32 $0x4F00, v30  }
0x1c8: {  	v36 =	vadd.s32 $0x7680, v30;
	v21 =	vld.idx.msk [tilespmem:v21+s3+$0x0], $0xffff  }
0x1c9: {  	[tilespmem:v26+s13+$0x0] =	vst.idx.add.f32.msk $0xffff, v18  }
0x1ca: {  	v18 =	vld.idx.msk [tilespmem:v24+s3+$0x0], $0xffff  }
0x1cb: {  	[tilespmem:v17+s13+$0x0] =	vst.idx.add.f32.msk $0xffff, v13  }
0x1cc: {  	v13 =	vld [tilespmem:s18+$0xB0]  }
0x1cd: {  	[tilespmem:v30+s13+$0x0] =	vst.idx.add.f32.msk $0xffff, v20  }
0x1ce: {  	v17 =	vld.idx.msk [tilespmem:v28+s3+$0x0], $0xffff  }
0x1cf: {  	[tilespmem:v32+s13+$0x0] =	vst.idx.add.f32.msk $0xffff, v21  }
0x1d0: {  	[tilespmem:v14+s13+$0x0] =	vst.idx.add.f32.msk $0xffff, v18  }
0x1d1: {  	v14 =	vld.idx.msk [tilespmem:v22+s3+$0x0], $0xffff  }
0x1d2: {  	v18 =	vld [tilespmem:s16+$0xB0]  }
0x1d3: {  	v20 =	vld.idx.msk [tilespmem:v25+s3+$0x0], $0xffff  }
0x1d4: {  	v21 =	vld.idx.msk [tilespmem:v13+s3+$0x0], $0xffff  }
0x1d5: {  	[tilespmem:v16+s13+$0x0] =	vst.idx.add.f32.msk $0xffff, v17  }
0x1d6: {  	v17 =	vadd.s32 $0x2780, v13;
	v16 =	vld.idx.msk [tilespmem:v29+s3+$0x0], $0xffff  }
0x1d7: {  	[tilespmem:v33+s13+$0x0] =	vst.idx.add.f32.msk $0xffff, v14  }
0x1d8: {  	v14 =	vld.idx.msk [tilespmem:v23+s3+$0x0], $0xffff  }
0x1d9: {  	[tilespmem:v19+s13+$0x0] =	vst.idx.add.f32.msk $0xffff, v20  }
0x1da: {  	[tilespmem:v18+s13+$0x0] =	vst.idx.add.f32.msk $0xffff, v21  }
0x1db: {  	v17 =	vld.idx.msk [tilespmem:v17+s3+$0x0], $0xffff  }
0x1dc: {  	[tilespmem:v35+s13+$0x0] =	vst.idx.add.f32.msk $0xffff, v16;
	v16 =	vadd.s32 $0x2780, v18  }
0x1dd: {  	v20 =	vadd.s32 $0x4F00, v13;
	v19 =	vld.idx.msk [tilespmem:v27+s3+$0x0], $0xffff  }
0x1de: {  	v21 =	vld.idx.msk [tilespmem:v31+s3+$0x0], $0xffff  }
0x1df: {  	[tilespmem:v34+s13+$0x0] =	vst.idx.add.f32.msk $0xffff, v14  }
0x1e0: {  	v14 =	vld [tilespmem:s18+$0xFFFFFF30]  }
0x1e1: {  	[tilespmem:v16+s13+$0x0] =	vst.idx.add.f32.msk $0xffff, v17  }
0x1e2: {  	v16 =	vld.idx.msk [tilespmem:v20+s3+$0x0], $0xffff  }
0x1e3: {  	[tilespmem:v15+s13+$0x0] =	vst.idx.add.f32.msk $0xffff, v19;
	v15 =	vadd.s32 $0x4F00, v18  }
0x1e4: {  	v13 =	vadd.s32 $0x7680, v13;
	[tilespmem:v36+s13+$0x0] =	vst.idx.add.f32.msk $0xffff, v21  }
0x1e5: {  	v17 =	vadd.s32 $0x2780, v14;
	v19 =	vadd.s32 $0x4F00, v14;
	v20 =	vadd.s32 $0x7680, v14;
	v21 =	vld [tilespmem:s18+$0xFFFFFFB0]  }
0x1e6: {  	v22 =	vld [tilespmem:s18+$0x30]  }
0x1e7: {  	v23 =	vld [tilespmem:s16+$0xFFFFFF30]  }
0x1e8: {  	[tilespmem:v15+s13+$0x0] =	vst.idx.add.f32.msk $0xffff, v16  }
0x1e9: {  	v13 =	vld.idx.msk [tilespmem:v13+s3+$0x0], $0xffff  }
0x1ea: {  	v18 =	vadd.s32 $0x7680, v18;
	v14 =	vld.idx.msk [tilespmem:v14+s3+$0x0], $0xffff;
	v15 =	vadd.s32 $0x2780, v21;
	v16 =	vadd.s32 $0x4F00, v21  }
0x1eb: {  	v25 =	vadd.s32 $0x7680, v21;
	v24 =	vld [tilespmem:s16+$0xFFFFFFB0];
	v26 =	vadd.s32 $0x2780, v22;
	v27 =	vadd.s32 $0x4F00, v22  }
0x1ec: {  	v31 =	vadd.s32 $0x7680, v22;
	v28 =	vadd.s32 $0x2780, v23;
	v29 =	vadd.s32 $0x4F00, v23;
	v30 =	vld [tilespmem:s16+$0x30]  }
0x1ed: {  	v32 =	vadd.s32 $0x7680, v23;
	v21 =	vld.idx.msk [tilespmem:v21+s3+$0x0], $0xffff  }
0x1ee: {  	v22 =	vld.idx.msk [tilespmem:v22+s3+$0x0], $0xffff  }
0x1ef: {  	[tilespmem:v18+s13+$0x0] =	vst.idx.add.f32.msk $0xffff, v13  }
0x1f0: {  	v13 =	vadd.s32 $0x2780, v24;
	v18 =	vadd.s32 $0x4F00, v24;
	v33 =	vadd.s32 $0x7680, v24;
	v34 =	vld [tilespmem:s18+$0xC0]  }
0x1f1: {  	[tilespmem:v23+s13+$0x0] =	vst.idx.add.f32.msk $0xffff, v14;
	v14 =	vadd.s32 $0x2780, v30;
	v23 =	vadd.s32 $0x4F00, v30;
	v35 =	vadd.s32 $0x7680, v30  }
0x1f2: {  	v17 =	vld.idx.msk [tilespmem:v17+s3+$0x0], $0xffff  }
0x1f3: {  	[tilespmem:v24+s13+$0x0] =	vst.idx.add.f32.msk $0xffff, v21  }
0x1f4: {  	[tilespmem:v30+s13+$0x0] =	vst.idx.add.f32.msk $0xffff, v22  }
0x1f5: {  	v15 =	vld.idx.msk [tilespmem:v15+s3+$0x0], $0xffff  }
0x1f6: {  	v21 =	vld [tilespmem:s16+$0xC0]  }
0x1f7: {  	v22 =	vld.idx.msk [tilespmem:v26+s3+$0x0], $0xffff  }
0x1f8: {  	v24 =	vld.idx.msk [tilespmem:v34+s3+$0x0], $0xffff  }
0x1f9: {  	[tilespmem:v28+s13+$0x0] =	vst.idx.add.f32.msk $0xffff, v17  }
0x1fa: {  	v17 =	vld.idx.msk [tilespmem:v19+s3+$0x0], $0xffff;
	v19 =	vadd.s32 $0x2780, v34  }
0x1fb: {  	[tilespmem:v13+s13+$0x0] =	vst.idx.add.f32.msk $0xffff, v15  }
0x1fc: {  	v13 =	vld.idx.msk [tilespmem:v16+s3+$0x0], $0xffff  }
0x1fd: {  	[tilespmem:v14+s13+$0x0] =	vst.idx.add.f32.msk $0xffff, v22  }
0x1fe: {  	[tilespmem:v21+s13+$0x0] =	vst.idx.add.f32.msk $0xffff, v24  }
0x1ff: {  	v14 =	vld.idx.msk [tilespmem:v19+s3+$0x0], $0xffff  }
0x200: {  	v16 =	vadd.s32 $0x2780, v21;
	v15 =	vld.idx.msk [tilespmem:v27+s3+$0x0], $0xffff  }
0x201: {  	[tilespmem:v29+s13+$0x0] =	vst.idx.add.f32.msk $0xffff, v17;
	v17 =	vadd.s32 $0x4F00, v34  }
0x202: {  	[tilespmem:v18+s13+$0x0] =	vst.idx.add.f32.msk $0xffff, v13  }
0x203: {  	v13 =	vld.idx.msk [tilespmem:v20+s3+$0x0], $0xffff  }
0x204: {  	v18 =	vld.idx.msk [tilespmem:v25+s3+$0x0], $0xffff  }
0x205: {  	[tilespmem:v16+s13+$0x0] =	vst.idx.add.f32.msk $0xffff, v14  }
0x206: {  	v14 =	vld.idx.msk [tilespmem:v17+s3+$0x0], $0xffff  }
0x207: {  	[tilespmem:v23+s13+$0x0] =	vst.idx.add.f32.msk $0xffff, v15;
	v15 =	vadd.s32 $0x4F00, v21  }
0x208: {  	v17 =	vadd.s32 $0x7680, v34;
	v16 =	vld.idx.msk [tilespmem:v31+s3+$0x0], $0xffff  }
0x209: {  	[tilespmem:v32+s13+$0x0] =	vst.idx.add.f32.msk $0xffff, v13  }
0x20a: {  	[tilespmem:v33+s13+$0x0] =	vst.idx.add.f32.msk $0xffff, v18  }
0x20b: {  	v13 =	vld [tilespmem:s18+$0xFFFFFF40]  }
0x20c: {  	[tilespmem:v15+s13+$0x0] =	vst.idx.add.f32.msk $0xffff, v14  }
0x20d: {  	v14 =	vld.idx.msk [tilespmem:v17+s3+$0x0], $0xffff  }
0x20e: {  	v15 =	vadd.s32 $0x7680, v21;
	[tilespmem:v35+s13+$0x0] =	vst.idx.add.f32.msk $0xffff, v16  }
0x20f: {  	v16 =	vld [tilespmem:s18+$0xFFFFFFC0]  }
0x210: {  	v17 =	vadd.s32 $0x2780, v13;
	v18 =	vadd.s32 $0x4F00, v13;
	v19 =	vadd.s32 $0x7680, v13;
	v20 =	vld [tilespmem:s18+$0x40]  }
0x211: {  	v21 =	vld [tilespmem:s16+$0xFFFFFF40]  }
0x212: {  	v22 =	vld [tilespmem:s16+$0xFFFFFFC0]  }
0x213: {  	[tilespmem:v15+s13+$0x0] =	vst.idx.add.f32.msk $0xffff, v14  }
0x214: {  	v14 =	vadd.s32 $0x2780, v16;
	v15 =	vadd.s32 $0x4F00, v16;
	v23 =	vadd.s32 $0x7680, v16;
	v24 =	vld [tilespmem:s18+$0xD0]  }
0x215: {  	v13 =	vld.idx.msk [tilespmem:v13+s3+$0x0], $0xffff;
	v25 =	vadd.s32 $0x2780, v20;
	v26 =	vadd.s32 $0x4F00, v20;
	v27 =	vadd.s32 $0x7680, v20  }
0x216: {  	v28 =	vadd.s32 $0x2780, v21;
	v29 =	vadd.s32 $0x4F00, v21;
	v30 =	vadd.s32 $0x7680, v21;
	v31 =	vld [tilespmem:s16+$0x40]  }
0x217: {  	v16 =	vld.idx.msk [tilespmem:v16+s3+$0x0], $0xffff;
	v32 =	vadd.s32 $0x2780, v22;
	v33 =	vadd.s32 $0x4F00, v22;
	v34 =	vadd.s32 $0x7680, v22  }
0x218: {  	v20 =	vld.idx.msk [tilespmem:v20+s3+$0x0], $0xffff  }
0x219: {  	[tilespmem:v9+s13+$0x0] =	vst.idx.add.f32.msk $0xffff, v11  }
0x21a: {  	v9 =	vld [tilespmem:s16+$0xD0]  }
0x21b: {  	[tilespmem:v21+s13+$0x0] =	vst.idx.add.f32.msk $0xffff, v13;
	v11 =	vadd.s32 $0x2780, v31;
	v13 =	vadd.s32 $0x4F00, v31;
	v21 =	vadd.s32 $0x7680, v31  }
0x21c: {  	v35 =	vld.idx.msk [tilespmem:v24+s3+$0x0], $0xffff  }
0x21d: {  	[tilespmem:v22+s13+$0x0] =	vst.idx.add.f32.msk $0xffff, v16  }
0x21e: {  	v16 =	vadd.s32 $0x2780, v24;
	[tilespmem:v31+s13+$0x0] =	vst.idx.add.f32.msk $0xffff, v20  }
0x21f: {  	v17 =	vld.idx.msk [tilespmem:v17+s3+$0x0], $0xffff  }
0x220: {  	v14 =	vld.idx.msk [tilespmem:v14+s3+$0x0], $0xffff  }
0x221: {  	v20 =	vld.idx.msk [tilespmem:v25+s3+$0x0], $0xffff  }
0x222: {  	[tilespmem:v9+s13+$0x0] =	vst.idx.add.f32.msk $0xffff, v35  }
0x223: {  	v16 =	vld.idx.msk [tilespmem:v16+s3+$0x0], $0xffff  }
0x224: {  	v22 =	vadd.s32 $0x2780, v9;
	[tilespmem:v8+s13+$0x0] =	vst.idx.add.f32.msk $0xffff, v10  }
0x225: {  	v8 =	vadd.s32 $0x4F00, v24;
	[tilespmem:v28+s13+$0x0] =	vst.idx.add.f32.msk $0xffff, v17  }
0x226: {  	[tilespmem:v32+s13+$0x0] =	vst.idx.add.f32.msk $0xffff, v14  }
0x227: {  	[tilespmem:v11+s13+$0x0] =	vst.idx.add.f32.msk $0xffff, v20  }
0x228: {  	v10 =	vld.idx.msk [tilespmem:v18+s3+$0x0], $0xffff  }
0x229: {  	[tilespmem:v22+s13+$0x0] =	vst.idx.add.f32.msk $0xffff, v16  }
0x22a: {  	v8 =	vld.idx.msk [tilespmem:v8+s3+$0x0], $0xffff  }
0x22b: {  	v14 =	vadd.s32 $0x4F00, v9;
	v11 =	vld.idx.msk [tilespmem:v15+s3+$0x0], $0xffff  }
0x22c: {  	v16 =	vadd.s32 $0x7680, v24;
	v15 =	vld.idx.msk [tilespmem:v26+s3+$0x0], $0xffff  }
0x22d: {  	[tilespmem:v7+s13+$0x0] =	vst.idx.add.f32.msk $0xffff, v12  }
0x22e: {  	[tilespmem:v29+s13+$0x0] =	vst.idx.add.f32.msk $0xffff, v10  }
0x22f: {  	v7 =	vld.idx.msk [tilespmem:v19+s3+$0x0], $0xffff  }
0x230: {  	[tilespmem:v14+s13+$0x0] =	vst.idx.add.f32.msk $0xffff, v8  }
0x231: {  	v8 =	vld.idx.msk [tilespmem:v16+s3+$0x0], $0xffff  }
0x232: {  	v9 =	vadd.s32 $0x7680, v9;
	[tilespmem:v33+s13+$0x0] =	vst.idx.add.f32.msk $0xffff, v11  }
0x233: {  	[tilespmem:v13+s13+$0x0] =	vst.idx.add.f32.msk $0xffff, v15  }
0x234: {  	v10 =	vld.idx.msk [tilespmem:v23+s3+$0x0], $0xffff  }
0x235: {  	v11 =	vld.idx.msk [tilespmem:v27+s3+$0x0], $0xffff  }
0x236: {  	[tilespmem:v30+s13+$0x0] =	vst.idx.add.f32.msk $0xffff, v7  }
0x237: {  	[tilespmem:v9+s13+$0x0] =	vst.idx.add.f32.msk $0xffff, v8  }
0x238: {  	v7 =	vld [tilespmem:s18+$0xE0]  }
0x239: {  	v8 =	vld [tilespmem:s18+$0xFFFFFF50]  }
0x23a: {  	[tilespmem:v34+s13+$0x0] =	vst.idx.add.f32.msk $0xffff, v10  }
0x23b: {  	[tilespmem:v21+s13+$0x0] =	vst.idx.add.f32.msk $0xffff, v11  }
0x23c: {  	v9 =	vld [tilespmem:s18+$0xFFFFFFD0]  }
0x23d: {  	v10 =	vld [tilespmem:s18+$0x50]  }
0x23e: {  	v11 =	vadd.s32 $0x2780, v8;
	v12 =	vadd.s32 $0x4F00, v8;
	v13 =	vadd.s32 $0x7680, v8;
	v14 =	vld [tilespmem:s16+$0xE0]  }
0x23f: {  	v15 =	vld [tilespmem:s16+$0xFFFFFF50]  }
0x240: {  	v16 =	vld.idx.msk [tilespmem:v7+s3+$0x0], $0xffff  }
0x241: {  	v8 =	vld.idx.msk [tilespmem:v8+s3+$0x0], $0xffff;
	v17 =	vadd.s32 $0x2780, v9;
	v18 =	vadd.s32 $0x4F00, v9;
	v19 =	vadd.s32 $0x7680, v9  }
0x242: {  	v23 =	vadd.s32 $0x2780, v7;
	v20 =	vld [tilespmem:s16+$0xFFFFFFD0];
	v21 =	vadd.s32 $0x2780, v10;
	v22 =	vadd.s32 $0x4F00, v10  }
0x243: {  	v25 =	vadd.s32 $0x7680, v10;
	v24 =	vld [tilespmem:s16+$0x50]  }
0x244: {  	v26 =	vadd.s32 $0x2780, v15;
	v27 =	vadd.s32 $0x4F00, v15;
	v28 =	vadd.s32 $0x7680, v15;
	v9 =	vld.idx.msk [tilespmem:v9+s3+$0x0], $0xffff  }
0x245: {  	v10 =	vld.idx.msk [tilespmem:v10+s3+$0x0], $0xffff  }
0x246: {  	[tilespmem:v14+s13+$0x0] =	vst.idx.add.f32.msk $0xffff, v16  }
0x247: {  	v16 =	vadd.s32 $0x2780, v20;
	v29 =	vadd.s32 $0x4F00, v20;
	v30 =	vadd.s32 $0x7680, v20;
	v23 =	vld.idx.msk [tilespmem:v23+s3+$0x0], $0xffff  }
0x248: {  	v31 =	vadd.s32 $0x2780, v14;
	[tilespmem:v15+s13+$0x0] =	vst.idx.add.f32.msk $0xffff, v8;
	v8 =	vadd.s32 $0x2780, v24;
	v15 =	vadd.s32 $0x4F00, v24  }
0x249: {  	v33 =	vadd.s32 $0x4F00, v7;
	v32 =	vadd.s32 $0x7680, v24;
	v11 =	vld.idx.msk [tilespmem:v11+s3+$0x0], $0xffff  }
0x24a: {  	[tilespmem:v20+s13+$0x0] =	vst.idx.add.f32.msk $0xffff, v9  }
0x24b: {  	[tilespmem:v24+s13+$0x0] =	vst.idx.add.f32.msk $0xffff, v10  }
0x24c: {  	v9 =	vld.idx.msk [tilespmem:v17+s3+$0x0], $0xffff  }
0x24d: {  	[tilespmem:v31+s13+$0x0] =	vst.idx.add.f32.msk $0xffff, v23  }
0x24e: {  	v10 =	vld.idx.msk [tilespmem:v33+s3+$0x0], $0xffff  }
0x24f: {  	v20 =	vadd.s32 $0x4F00, v14;
	v17 =	vld.idx.msk [tilespmem:v21+s3+$0x0], $0xffff  }
0x250: {  	v7 =	vadd.s32 $0x7680, v7;
	[tilespmem:v26+s13+$0x0] =	vst.idx.add.f32.msk $0xffff, v11  }
0x251: {  	v11 =	vld.idx.msk [tilespmem:v12+s3+$0x0], $0xffff  }
0x252: {  	[tilespmem:v16+s13+$0x0] =	vst.idx.add.f32.msk $0xffff, v9  }
0x253: {  	v9 =	vld.idx.msk [tilespmem:v18+s3+$0x0], $0xffff  }
0x254: {  	[tilespmem:v20+s13+$0x0] =	vst.idx.add.f32.msk $0xffff, v10  }
0x255: {  	v7 =	vld.idx.msk [tilespmem:v7+s3+$0x0], $0xffff  }
0x256: {  	[tilespmem:v8+s13+$0x0] =	vst.idx.add.f32.msk $0xffff, v17;
	v8 =	vadd.s32 $0x7680, v14  }
0x257: {  	v10 =	vld.idx.msk [tilespmem:v22+s3+$0x0], $0xffff  }
0x258: {  	[tilespmem:v27+s13+$0x0] =	vst.idx.add.f32.msk $0xffff, v11  }
0x259: {  	[tilespmem:v29+s13+$0x0] =	vst.idx.add.f32.msk $0xffff, v9  }
0x25a: {  	v9 =	vld.idx.msk [tilespmem:v13+s3+$0x0], $0xffff  }
0x25b: {  	[tilespmem:v8+s13+$0x0] =	vst.idx.add.f32.msk $0xffff, v7  }
0x25c: {  	v7 =	vld [tilespmem:s18+$0xF0]  }
0x25d: {  	[tilespmem:v15+s13+$0x0] =	vst.idx.add.f32.msk $0xffff, v10  }
0x25e: {  	v8 =	vld.idx.msk [tilespmem:v19+s3+$0x0], $0xffff  }
0x25f: {  	v10 =	vld.idx.msk [tilespmem:v25+s3+$0x0], $0xffff  }
0x260: {  	[tilespmem:v28+s13+$0x0] =	vst.idx.add.f32.msk $0xffff, v9  }
0x261: {  	v9 =	vld [tilespmem:s18+$0xFFFFFF60]  }
0x262: {  	v11 =	vld [tilespmem:s16+$0xF0]  }
0x263: {  	v12 =	vld [tilespmem:s16+$0xFFFFFF60]  }
0x264: {  	v13 =	vld.idx.msk [tilespmem:v7+s3+$0x0], $0xffff  }
0x265: {  	[tilespmem:v30+s13+$0x0] =	vst.idx.add.f32.msk $0xffff, v8  }
0x266: {  	v8 =	vadd.s32 $0x2780, v9;
	v14 =	vadd.s32 $0x4F00, v9;
	[tilespmem:v32+s13+$0x0] =	vst.idx.add.f32.msk $0xffff, v10;
	v10 =	vadd.s32 $0x2780, v7  }
0x267: {  	v15 =	vadd.s32 $0x7680, v9;
	v16 =	vld [tilespmem:s18+$0xFFFFFFE0]  }
0x268: {  	v17 =	vadd.s32 $0x2780, v12;
	v18 =	vadd.s32 $0x4F00, v12;
	v19 =	vadd.s32 $0x7680, v12;
	v20 =	vld [tilespmem:s18+$0x60]  }
0x269: {  	v9 =	vld.idx.msk [tilespmem:v9+s3+$0x0], $0xffff  }
0x26a: {  	[tilespmem:v11+s13+$0x0] =	vst.idx.add.f32.msk $0xffff, v13  }
0x26b: {  	v10 =	vld.idx.msk [tilespmem:v10+s3+$0x0], $0xffff  }
0x26c: {  	v23 =	vadd.s32 $0x2780, v11;
	v13 =	vld [tilespmem:s16+$0xFFFFFFE0];
	v21 =	vadd.s32 $0x2780, v16;
	v22 =	vadd.s32 $0x4F00, v16  }
0x26d: {  	v27 =	vadd.s32 $0x4F00, v7;
	v24 =	vld [tilespmem:s16+$0x60];
	v25 =	vadd.s32 $0x2780, v20;
	v26 =	vadd.s32 $0x4F00, v20  }
0x26e: {  	v28 =	vadd.s32 $0x7680, v16;
	v29 =	vadd.s32 $0x7680, v20;
	v30 =	vld.idx.msk [tilespmem:v6+s3+$0x0], $0xffff  }
0x26f: {  	v6 =	vld.idx.msk [tilespmem:v16+s3+$0x0], $0xffff  }
0x270: {  	v16 =	vld.idx.msk [tilespmem:v20+s3+$0x0], $0xffff  }
0x271: {  	v20 =	vadd.s32 $0x2780, v13;
	v31 =	vadd.s32 $0x4F00, v13;
	v32 =	vadd.s32 $0x7680, v13;
	[tilespmem:v23+s13+$0x0] =	vst.idx.add.f32.msk $0xffff, v10  }
0x272: {  	v10 =	vadd.s32 $0x2780, v24;
	v23 =	vadd.s32 $0x4F00, v24;
	v33 =	vadd.s32 $0x7680, v24;
	v27 =	vld.idx.msk [tilespmem:v27+s3+$0x0], $0xffff  }
0x273: {  	[tilespmem:v12+s13+$0x0] =	vst.idx.add.f32.msk $0xffff, v9;
	v9 =	vadd.s32 $0x4F00, v11  }
0x274: {  	v7 =	vadd.s32 $0x7680, v7;
	v8 =	vld.idx.msk [tilespmem:v8+s3+$0x0], $0xffff  }
0x275: {  	[tilespmem:v13+s13+$0x0] =	vst.idx.add.f32.msk $0xffff, v6  }
0x276: {  	[tilespmem:v24+s13+$0x0] =	vst.idx.add.f32.msk $0xffff, v16  }
0x277: {  	v6 =	vld.idx.msk [tilespmem:v21+s3+$0x0], $0xffff  }
0x278: {  	[tilespmem:v9+s13+$0x0] =	vst.idx.add.f32.msk $0xffff, v27  }
0x279: {  	v7 =	vld.idx.msk [tilespmem:v7+s3+$0x0], $0xffff  }
0x27a: {  	v11 =	vadd.s32 $0x7680, v11;
	v9 =	vld.idx.msk [tilespmem:v25+s3+$0x0], $0xffff  }
0x27b: {  	[tilespmem:v17+s13+$0x0] =	vst.idx.add.f32.msk $0xffff, v8  }
0x27c: {  	v8 =	vld.idx.msk [tilespmem:v14+s3+$0x0], $0xffff  }
0x27d: {  	[tilespmem:v20+s13+$0x0] =	vst.idx.add.f32.msk $0xffff, v6  }
0x27e: {  	v6 =	vld.idx.msk [tilespmem:v22+s3+$0x0], $0xffff  }
0x27f: {  	[tilespmem:v11+s13+$0x0] =	vst.idx.add.f32.msk $0xffff, v7  }
0x280: {  	[tilespmem:v10+s13+$0x0] =	vst.idx.add.f32.msk $0xffff, v9  }
0x281: {  	v7 =	vld.idx.msk [tilespmem:v26+s3+$0x0], $0xffff  }
0x282: {  	[tilespmem:v18+s13+$0x0] =	vst.idx.add.f32.msk $0xffff, v8  }
0x283: {  	v8 =	vld.idx.msk [tilespmem:v15+s3+$0x0], $0xffff  }
0x284: {  	[tilespmem:v31+s13+$0x0] =	vst.idx.add.f32.msk $0xffff, v6  }
0x285: {  	v6 =	vld.idx.msk [tilespmem:v28+s3+$0x0], $0xffff  }
0x286: {  	v15 =	vld.idx.msk [tilespmem:v5+s3+$0x0], $0xffff  }
0x287: {  	[tilespmem:v23+s13+$0x0] =	vst.idx.add.f32.msk $0xffff, v7  }
0x288: {  	v5 =	vld.idx.msk [tilespmem:v29+s3+$0x0], $0xffff  }
0x289: {  	[tilespmem:v19+s13+$0x0] =	vst.idx.add.f32.msk $0xffff, v8  }
0x28a: {  	v7 =	vld [tilespmem:s18+$0xFFFFFF70]  }
0x28b: {  	[tilespmem:v32+s13+$0x0] =	vst.idx.add.f32.msk $0xffff, v6  }
0x28c: {  	v8 =	vld [tilespmem:s18+$0xFFFFFFF0]  }
0x28d: {  	v16 =	vld [tilespmem:s16+$0xFFFFFF70]  }
0x28e: {  	[tilespmem:v33+s13+$0x0] =	vst.idx.add.f32.msk $0xffff, v5  }
0x28f: {  	v17 =	vadd.s32 $0x2780, v7;
	v11 =	vadd.s32 $0x4F00, v7;
	v6 =	vadd.s32 $0x7680, v7;
	v18 =	vld [tilespmem:s18+$0x70]  }
0x290: {  	v19 =	vld [tilespmem:s16+$0xFFFFFFF0]  }
0x291: {  	v20 =	vadd.s32 $0x2780, v8;
	v10 =	vadd.s32 $0x4F00, v8;
	v5 =	vadd.s32 $0x7680, v8;
	v21 =	vld [tilespmem:s16+$0x70]  }
0x292: {  	v22 =	vld.idx.msk [tilespmem:v7+s3+$0x0], $0xffff;
	v23 =	vadd.s32 $0x2780, v16;
	v9 =	vadd.s32 $0x4F00, v16;
	v7 =	vadd.s32 $0x7680, v16  }
0x293: {  	v24 =	vld.idx.msk [tilespmem:v4+s3+$0x0], $0xffff  }
0x294: {  	v25 =	vld.idx.msk [tilespmem:v8+s3+$0x0], $0xffff;
	v26 =	vadd.s32 $0x2780, v18;
	v12 =	vadd.s32 $0x4F00, v18;
	v4 =	vadd.s32 $0x7680, v18  }
0x295: {  	v13 =	vadd.s32 $0x2780, v19;
	v8 =	vadd.s32 $0x4F00, v19;
	v27 =	vadd.s32 $0x7680, v19;
	[tilespmem:v1+s13+$0x0] =	vst.idx.add.f32.msk $0xffff, v30;
	v1 =	vmovc v7  }
0x296: {  	v14 =	vadd.s32 $0x2780, v21;
	v7 =	vadd.s32 $0x4F00, v21;
	v28 =	vadd.s32 $0x7680, v21;
	[tilespmem:v2+s13+$0x0] =	vst.idx.add.f32.msk $0xffff, v15;
	v2 =	vmovc v27  }
0x297: {  	v18 =	vld.idx.msk [tilespmem:v18+s3+$0x0], $0xffff  }
0x298: {  	[tilespmem:v16+s13+$0x0] =	vst.idx.add.f32.msk $0xffff, v22  }
0x299: {  	v17 =	vld.idx.msk [tilespmem:v17+s3+$0x0], $0xffff  }
0x29a: {  	[tilespmem:v19+s13+$0x0] =	vst.idx.add.f32.msk $0xffff, v25  }
.Ltmp1:
0x29b: {  	v15 =	vld.idx.msk [tilespmem:v20+s3+$0x0], $0xffff;
	(pc) =	sbr.rel @p0 .LBB2_5-.Ltmp1, $4  }
0x29c: {  	[tilespmem:v3+s13+$0x0] =	vst.idx.add.f32.msk $0xffff, v24;
	v3 =	vmov v28  }
0x29d: {  	[tilespmem:v21+s13+$0x0] =	vst.idx.add.f32.msk $0xffff, v18  }
0x29e: {  	v16 =	vld.idx.msk [tilespmem:v26+s3+$0x0], $0xffff  }
0x29f: {  	s18 =	sadd.s32 $0x200, s18;
	[tilespmem:v23+s13+$0x0] =	vst.idx.add.f32.msk $0xffff, v17  }
0x2a0: {  	_ =	sdelay $0x3  }
0x2a1: {  	[tilespmem:v13+s13+$0x0] =	vst.idx.add.f32.msk $0xffff, v15  }
0x2a2: {  	v11 =	vld.idx.msk [tilespmem:v11+s3+$0x0], $0xffff  }
0x2a3: {  	v10 =	vld.idx.msk [tilespmem:v10+s3+$0x0], $0xffff;
	_ =	sdelay $0x1  }
0x2a4: {  	[tilespmem:v14+s13+$0x0] =	vst.idx.add.f32.msk $0xffff, v16  }
0x2a5: {  	v12 =	vld.idx.msk [tilespmem:v12+s3+$0x0], $0xffff  }
0x2a6: {  	[tilespmem:v9+s13+$0x0] =	vst.idx.add.f32.msk $0xffff, v11  }
0x2a7: {  	[tilespmem:v8+s13+$0x0] =	vst.idx.add.f32.msk $0xffff, v10  }
0x2a8: {  	v6 =	vld.idx.msk [tilespmem:v6+s3+$0x0], $0xffff  }
0x2a9: {  	v5 =	vld.idx.msk [tilespmem:v5+s3+$0x0], $0xffff  }
0x2aa: {  	s15 =	sadd.s32 $0x1, s15;
	[tilespmem:v7+s13+$0x0] =	vst.idx.add.f32.msk $0xffff, v12  }
0x2ab: {  	p0 =	sne.s32 s15, s6;
	v4 =	vld.idx.msk [tilespmem:v4+s3+$0x0], $0xffff  }
.Ltmp2:
0x2ac: {  	_ = 	snop;
	(pc) =	sbr.rel @p0 .LBB2_4-.Ltmp2, $4  }
0x2ad: {  	_ = 	snop  }
0x2ae: {  	[tilespmem:v1+s13+$0x0] =	vst.idx.add.f32.msk $0xffff, v6  }
0x2af: {  	[tilespmem:v2+s13+$0x0] =	vst.idx.add.f32.msk $0xffff, v5  }
0x2b0: {  	[tilespmem:v3+s13+$0x0] =	vst.idx.add.f32.msk $0xffff, v4  }
0x2b1: {  	s14 =	sadd.s32 $0x1, s14  }
0x2b2: {  	p0 =	sne.s32 s14, s9  }
.Ltmp3:
0x2b3: {  	_ = 	snop;
	(pc) =	sbr.rel @p0 .LBB2_1-.Ltmp3, $4  }
0x2b4: {  	[hbm4b:s8+s3] =	stream.linear.scatter [tilespmem:s13], [sflag:$0x1], $0x9E00, $0x38;
	[tilespmem:$0x14C00] =	vst v63  }
0x2b5: {  	_ =	swait.ge [sflag:s10], $0x9E00  }
0x2b6: {  	[sflag:s10] =	ssyncset.done $0x0  }
0x2b7: {  	[sflag:s10] =	ssyncadd.s32 $0xFFFF6200  }
0x2b8: {  	_ =	sfence.sel $0x180000  }
0x2b9: {  	[bflag:$0x0] =	sbarrier.arrive $0xFFFF  }
0x2ba: {  	p0 =	sne.s32 s0, $0x0;
	_ =	strace $0x9000004D  }
0x2bb: {  	s0 =	sadd.s32 @!p0 $0x100000, s1;
	[bflag:$0x2] =	sbarrier.arrive $0xFFFF  }
0x2bc: {  	[sflag:s0] =	ssyncadd.tile.s32 @!p0 $0x1;
	_ =	shalt  }
.Lfunc_end2:
_tile_overlayer_lowered:
.L_overlay_start_2:
0x2bd: {  	(tag) =	ssettag $0x2  }
0x2be: {  	s0 =	rddreg [dreg:$0x0];
	s2 =	stileid.u32  }
0x2bf: {  	s1 =	rddreg [dreg:$0x1];
	p0 =	sne.s32 s2, $0x0  }
0x2c0: {  	s3 =	rddreg [dreg:$0x2];
	[bflag:$0x3] =	sbarrier.arrive $0xFFFF;
	s2 =	simm.s32 @!p0 $0x1C01  }
0x2c1: {  	[timem:s3], [sflag:s2] =	dma.local @!p0 [hbm:s0], s1  }
0x2c2: {  	s0 =	simm.s32 @!p0 $0x1  }
0x2c3: {  	_ =	swait.ge @!p0 [sflag:s0], s1  }
0x2c4: {  	s1 =	ssub.s32 @!p0 $0x0, s1;
	[sflag:s0] =	ssyncset.done @!p0 $0x0  }
0x2c5: {  	[sflag:s0] =	ssyncadd.s32 @!p0 s1  }
0x2c6: {  	[bflag:$0x3] =	sbarrier.arrive $0xFFFF  }
0x2c7: {  	_ =	shalt  }

// kernel: kernel.8.cloned.1.call-start
scs
__scs_entry_jumppad:
0x0: {  	(pc) =	sbr.rel $0x88, $3  }
0x1: {  	(tag) =	ssettag $0x0;
	lr =	simm.s32 $0x1  }
0x2: {  	[smem:$0x3F9B] =	sst lr;
	_ =	strace $0xD0000000  }
0x3: {  	_ = 	snop  }
0x4: {  	_ = 	snop  }
0x5: {  	_ = 	snop  }
0x6: {  	_ = 	snop  }
0x7: {  	_ = 	snop  }
__scs_overlays_trampoline_lowered:
0x8: {  	[smem:$0x3FAA] =	sst s0  }
0x9: {  	[smem:$0x3FAB] =	sst s1  }
0xa: {  	[smem:$0x3FAC] =	sst s2  }
0xb: {  	[smem:$0x3FAD] =	sst s3  }
0xc: {  	[smem:$0x3FAE] =	sst s4  }
0xd: {  	[smem:$0x3FAF] =	sst s5  }
0xe: {  	[smem:$0x3FB0] =	sst s6  }
0xf: {  	[smem:$0x3FB1] =	sst s7  }
0x10: {  	[smem:$0x3FB2] =	sst s8  }
0x11: {  	[smem:$0x3FB3] =	sst s9;
	s0 =	simm.s32 @!p0 $0x0  }
0x12: {  	s1 =	sld [smem:$0x3F99];
	s0 =	simm.s32 @p0 $0x1  }
0x13: {  	[smem:$0x3FB4] =	sst s0;
	s0 =	simm.s32 @!p1 $0x0  }
0x14: {  	s2 =	sld [smem:$0x3F98];
	s0 =	simm.s32 @p1 $0x1  }
0x15: {  	[smem:$0x3FB5] =	sst s0;
	s0 =	simm.s32 @!p2 $0x0  }
0x16: {  	s3 =	sld [smem:$0x3FDB];
	s0 =	simm.s32 @p2 $0x1  }
0x17: {  	s4 =	simm.s32 $0x1BF5;
	[smem:$0x3FB7] =	sst s0  }
0x18: {  	s0 =	sld [smem:$0x3F9A];
	_ =	swait.ge [sflag:s4], $0x0  }
0x19: {  	s7 =	sld [smem:$0x3F9B]  }
0x1a: {  	s8 =	sadd.s32 $0xFFFFE003, lr  }
0x1b: {  	s9 =	sadd.s32 $0xFFFFFEF7, lr;
	s5 =	simm.s32 $0xFFFFFFFF;
	p2 =	slt.u32 s8, $0xFFFFF086  }
0x1c: {  	p1 =	slt.u32 s9, $0xF7A;
	s5 =	simm.s32 @!p2 $0x0  }
0x1d: {  	s5 =	simm.s32 @p1 $0x1;
	p0 =	seq.s32 s7, s2  }
0x1e: {  	s7 =	smul.u32 @!p0 $0xF7A, s2;
	p2 =	seq.s32 @!p0 s5, $0x0  }
0x1f: {  	s9 =	smul.u32 $0xF7A, s1;
	s8 =	simm.s32 @!p0 $0x1BF5;
	p2 =	por !p2, p0  }
0x20: {  	[sflag:s8] =	ssyncset.s32 @!p0 $0xFFFFF086;
	s6 =	sadd.s32 @!p0 s3, s7;
	s7 =	simm.s32 @!p0 $0x108  }
0x21: {  	s3 =	sadd.s32 s3, s9;
	s6 =	sadd.s32 @!p0 $0x88, s6;
	s7 =	simm.s32 @p2 $0x1082  }
0x22: {  	[simem:s7], [sflag:s8] =	dma.local @!p0 [hbm:s6], $0xF7A  }
0x23: {  	s9 =	sor.u32 $0xD0000000, s2;
	s6 =	simm.s32 $0x108;
	_ =	swait.ge @!p0 [sflag:s8], $0x0  }
0x24: {  	s3 =	sadd.s32 $0x88, s3;
	s6 =	simm.s32 @!p1 $0x1082;
	[sflag:s4] =	ssyncset.s32 $0xFFFFF086  }
0x25: {  	[simem:s6], [sflag:s4] =	dma.local [hbm:s3], $0xF7A  }
0x26: {  	[smem:$0x3F9B] =	sst s1;
	(tag) =	ssettag s2;
	_ =	strace s9  }
0x27: {  	s1 =	sld [smem:$0x3FAB]  }
0x28: {  	s2 =	sld [smem:$0x3FAC]  }
0x29: {  	s4 =	sld [smem:$0x3FAE]  }
0x2a: {  	p0 =	seq.s32 s5, $0x0;
	s5 =	sld [smem:$0x3FAF]  }
0x2b: {  	s6 =	sld [smem:$0x3FB0]  }
0x2c: {  	s7 =	sld [smem:$0x3FB1]  }
0x2d: {  	s3 =	simm.s32 $0x108;
	s8 =	sld [smem:$0x3FB2]  }
0x2e: {  	s3 =	simm.s32 @!p0 $0x1082;
	s9 =	sld [smem:$0x3FB3]  }
0x2f: {  	lr =	sadd.s32 s0, s3;
	s0 =	sld [smem:$0x3FAA]  }
0x30: {  	s3 =	sld [smem:$0x3FAD]  }
0x31: {  	[smem:$0x3FB6] =	sst s10  }
0x32: {  	s10 =	sld [smem:$0x3FB4];
	_ =	sdelay $0x3  }
0x33: {  	p0 =	seq.s32 s10, $0x1;
	s10 =	sld [smem:$0x3FB6];
	_ =	sdelay $0x3  }
0x34: {  	[smem:$0x3FB6] =	sst s10  }
0x35: {  	s10 =	sld [smem:$0x3FB5];
	_ =	sdelay $0x3  }
0x36: {  	p1 =	seq.s32 s10, $0x1;
	s10 =	sld [smem:$0x3FB6];
	_ =	sdelay $0x3  }
0x37: {  	[smem:$0x3FB6] =	sst s10  }
0x38: {  	s10 =	sld [smem:$0x3FB7]  }
0x39: {  	_ = 	snop;
	(pc) =	sbr.ind lr, $3  }
0x3a: {  	_ = 	snop  }
0x3b: {  	_ = 	snop  }
0x3c: {  	p2 =	seq.s32 s10, $0x1;
	s10 =	sld [smem:$0x3FB6]  }
0x3d: {  	_ =	shalt  }
0x3e: {  	_ =	shalt  }
0x3f: {  	_ =	shalt  }
0x40: {  	_ =	shalt  }
0x41: {  	_ =	shalt  }
0x42: {  	_ =	shalt  }
0x43: {  	_ =	shalt  }
0x44: {  	_ =	shalt  }
0x45: {  	_ =	shalt  }
0x46: {  	_ =	shalt  }
0x47: {  	_ =	shalt  }
0x48: {  	_ =	shalt  }
0x49: {  	_ =	shalt  }
0x4a: {  	_ =	shalt  }
0x4b: {  	_ =	shalt  }
0x4c: {  	_ =	shalt  }
0x4d: {  	_ =	shalt  }
0x4e: {  	_ =	shalt  }
0x4f: {  	_ =	shalt  }
0x50: {  	_ =	shalt  }
0x51: {  	_ =	shalt  }
0x52: {  	_ =	shalt  }
0x53: {  	_ =	shalt  }
0x54: {  	_ =	shalt  }
0x55: {  	_ =	shalt  }
0x56: {  	_ =	shalt  }
0x57: {  	_ =	shalt  }
0x58: {  	_ =	shalt  }
0x59: {  	_ =	shalt  }
0x5a: {  	_ =	shalt  }
0x5b: {  	_ =	shalt  }
0x5c: {  	_ =	shalt  }
0x5d: {  	_ =	shalt  }
0x5e: {  	_ =	shalt  }
0x5f: {  	_ =	shalt  }
0x60: {  	_ =	shalt  }
0x61: {  	_ =	shalt  }
0x62: {  	_ =	shalt  }
0x63: {  	_ =	shalt  }
0x64: {  	_ =	shalt  }
0x65: {  	_ =	shalt  }
0x66: {  	_ =	shalt  }
0x67: {  	_ =	shalt  }
0x68: {  	_ =	shalt  }
0x69: {  	_ =	shalt  }
0x6a: {  	_ =	shalt  }
0x6b: {  	_ =	shalt  }
0x6c: {  	_ =	shalt  }
0x6d: {  	_ =	shalt  }
0x6e: {  	_ =	shalt  }
0x6f: {  	_ =	shalt  }
0x70: {  	_ =	shalt  }
0x71: {  	_ =	shalt  }
0x72: {  	_ =	shalt  }
0x73: {  	_ =	shalt  }
0x74: {  	_ =	shalt  }
0x75: {  	_ =	shalt  }
0x76: {  	_ =	shalt  }
0x77: {  	_ =	shalt  }
0x78: {  	_ =	shalt  }
0x79: {  	_ =	shalt  }
0x7a: {  	_ =	shalt  }
0x7b: {  	_ =	shalt  }
0x7c: {  	_ =	shalt  }
0x7d: {  	_ =	shalt  }
0x7e: {  	_ =	shalt  }
0x7f: {  	_ =	shalt  }
0x80: {  	_ =	shalt  }
0x81: {  	_ =	shalt  }
0x82: {  	_ =	shalt  }
0x83: {  	_ =	shalt  }
0x84: {  	_ =	shalt  }
0x85: {  	_ =	shalt  }
0x86: {  	_ =	shalt  }
0x87: {  	_ =	shalt  }
.Lfunc_end0:
.L_simem_size_0:
called_computation_lowered:
.L_overlay_start_0:
0x88: {  	s2 =	sld [smem:$0x3FD9]  }
0x89: {  	s3 =	sld [smem:$0x3FFE];
	_ =	sdelay $0x1  }
0x8a: {  	s1 =	srdreg.scid  }
0x8b: {  	s0 =	sand.u32 $0x1, s1  }
0x8c: {  	s17 =	sshll.u32 s0, $0xA;
	s2 =	sadd.s32 s3, s2  }
0x8d: {  	s2 =	sadd.s32 s2, s17  }
0x8e: {  	[smem:$0x3FC2] =	sst s2  }
0x8f: {  	_ = 	snop  }
0x90: {  	s2 =	sld [smem:$0x3FD0];
	(tm) =	ssettm $0x1  }
0x91: {  	s18 =	sld [smem:$0x3FFB];
	_ =	sdelay $0x3  }
0x92: {  	_ =	strace s18  }
0x93: {  	s3 =	sld [smem:$0x3FFC];
	_ =	sdelay $0x3  }
0x94: {  	_ =	strace s3  }
0x95: {  	s3 =	sld [smem:$0x3FFD];
	_ =	sdelay $0x3  }
0x96: {  	_ =	strace s3  }
0x97: {  	_ =	strace $0x8FFFFFFF  }
0x98: {  	s19 =	sld [smem:$0x3FDB];
	_ =	sdelay $0x1  }
0x99: {  	s4 =	simm.s32 $_scs_section_size  }
0x9a: {  	s5 =	simm.s32 $_size__tile_overlayer_lowered;
	s6 =	simm.s32 $_tile_overlayer_lowered  }
0x9b: {  	s22 =	simm.s32 $0x1BFF;
	s21 =	sshll.u32 s6, $0x1;
	s3 =	sadd.s32 s4, s19  }
0x9c: {  	s7 =	simm.s32 $0x0;
	s20 =	sshll.u32 s5, $0x1;
	s5 =	sadd.s32 s21, s3  }
0x9d: {  	[timem:s7], [sflag:s22] =	dma.local [hbm:s5], s20  }
0x9e: {  	_ =	swait.ge [sflag:s22], s20  }
0x9f: {  	s4 =	ssub.s32 $0x0, s20;
	[sflag:s22] =	ssyncset.done $0x0  }
0xa0: {  	[sflag:s22] =	ssyncadd.s32 s4;
	_ =	sdelay $0x1  }
0xa1: {  	s23 =	simm.s32 $0x1B8B  }
0xa2: {  	_ =	swait.ge [sflag:s23], $0x1  }
0xa3: {  	[sflag:s23] =	ssyncset.done $0x0  }
0xa4: {  	s25 =	simm.s32 $0x1B8E;
	s24 =	sld [smem:$0x3FFE];
	[sflag:s23] =	ssyncadd.s32 $0xFFFFFFFF  }
0xa5: {  	s26 =	simm.s32 $execute0_lowered;
	[smem:$0x3FD2] =	sst s25  }
0xa6: {  	s5 =	sshll.u32 s26, $0x1;
	_ =	strace $0x80000046;
	[dreg:$0x1] =	wrdreg $0xFFFFFFFF  }
0xa7: {  	s28 =	simm.s32 $_size_execute0_lowered;
	s3 =	sadd.s32 s3, s5;
	[dreg:$0x0] =	wrdreg $0x0  }
0xa8: {  	s5 =	sshll.u32 s28, $0x1;
	[dreg:$0x2] =	wrdreg s3  }
0xa9: {  	[dreg:$0x3] =	wrdreg s5  }
0xaa: {  	[dreg:$0x4] =	wrdreg $0xC0  }
0xab: {  	_ =	task [dreg:s7], $0x5FFFF  }
0xac: {  	[dreg:$0x1] =	wrdreg $0xFFFFFFFF  }
0xad: {  	[dreg:$0x0] =	wrdreg $0x60  }
0xae: {  	[dreg:$0x2] =	wrdreg s2  }
0xaf: {  	[dreg:$0x3] =	wrdreg s24  }
0xb0: {  	[dreg:$0x4] =	wrdreg $0x9  }
0xb1: {  	_ =	task.clear_ibuf [dreg:s7], $0x5FFFF;
	_ =	strace $0x90000046  }
0xb2: {  	s29 =	simm.s32 $0x9;
	_ =	strace $0x80000048  }
0xb3: {  	_ =	swait.ge [sflag:s29], $0x1  }
0xb4: {  	[sflag:s29] =	ssyncadd.s32 $0xFFFFFFFF  }
0xb5: {  	_ =	strace $0x90000048  }
0xb6: {  	_ =	sfence  }
0xb7: {  	s30 =	sld [smem:$0x0];
	_ =	sdelay $0x2  }
0xb8: {  	s31 =	sshll.u32 s1, $0xD;
	s1 =	sshrl.u32 s1, $0x2  }
0xb9: {  	s3 =	sand.u32 $0x4000, s31;
	s1 =	sadd.s32 s1, s30  }
0xba: {  	s0 =	sor.u32 s3, s0;
	s1 =	sshll.u32 s1, $0x11  }
0xbb: {  	s0 =	sor.u32 s1, s0  }
0xbc: {  	s0 =	sadd.s32 $0x8F2B, s0  }
0xbd: {  	[sflag:s0] =	ssyncadd.remote.s32 $0x1  }
0xbe: {  	_ =	sfence.sel $0xFFFF  }
0xbf: {  	[dreg:$0x0] =	wrdreg $0xFFFFFFFF;
	(pc) =	sbr.abs _section_cstart, $3  }
0xc0: {  	[dreg:$0x1] =	wrdreg $0xFFFFFFFF  }
0xc1: {  	_ =	task.clear_ibuf [dreg:s7], $0x2FFFF;
	_ =	strace $0x9FFFFFFF  }
0xc2: {  	(tm) =	ssettm $0x7FFFFFFF  }
0xc3: {  	_ =	shalt  }
tec
execute0_lowered:
.L_overlay_start_1:
0x0: {  	(tag) =	ssettag $0x1  }
0x1: {  	s0 =	srdreg.scid;
	s2 =	rddreg [dreg:$0x0]  }
0x2: {  	s4 =	rddreg [dreg:$0x1];
	s1 =	stileid.u32  }
0x3: {  	s3 =	simm.s32 $0x0;
	s5 =	sand.u32 $0x1, s0;
	s0 =	rddreg [dreg:$0x2]  }
0x4: {  	s9 =	simm.s32 $0x0;
	[smem:$0x7FF] =	sst s3;
	s6 =	sshll.u32 s5, $0x4  }
0x5: {  	s8 =	sadd.s32 $0x1600, s4;
	_ =	strace $0x80000047;
	s6 =	sor.u32 s1, s6  }
0x6: {  	s7 =	ssub.s32 $0x2, s5;
	p0 =	seq.s32 s5, $0x1;
	s6 =	smul.u32 $0x4F0, s6  }
0x7: {  	s31 =	sshrl.u32 s7, $0x1;
	s2 =	smov.u32 @p0 s8;
	s8 =	simm.s32 $0x1400  }
0x8: {  	s7 =	ssub.s32 s7, s31;
	s6 =	sadd.s32 s6, s4;
	s4 =	smul.u32 $0xA0, s1  }
0x9: {  	v0 =	vimm.f32 $0.0e+00;
	v1 =	vimm.f32 $1.000000000e+00;
	s5 =	sadd.s32 $0xB600, s6;
	s6 =	smax.u32 s7, $0x1;
	s7 =	simm.s32 $0x1  }
.LBB2_1:
0xa: {  	s10 =	simm.s32 $0x0  }
.LBB2_2:
0xb: {  	p0 =	sne.s32 s10, $0x9DC0  }
.Ltmp0:
0xc: {  	_ = 	snop;
	(pc) =	sbr.rel @p0 .LBB2_2-.Ltmp0, $3  }
0xd: {  	_ =	sdelay $0x1  }
0xe: {  	s11 =	sshra.s32 s10, $0x2  }
0xf: {  	s10 =	sadd.s32 $0x40, s10;
	[tilespmem:s11+$0x1400] =	vst v0  }
0x10: {  	s10 =	simm.s32 $0x0  }
.LBB2_4:
0x11: {  	s11 =	smul.u32 $0x28, s10;
	_ =	sdelay $0x1  }
0x12: {  	s11 =	sadd.s32 s4, s11  }
0x13: {  	s11 =	sshll.u32 s11, $0x4  }
0x14: {  	s11 =	sadd.s32 s2, s11  }
0x15: {  	[tilespmem:s3], [sflag:$0x1] =	stream.linear.gather [hbm4b:s11+s3], $0x1400, $0x38;
	[tilespmem:$0x3B80] =	vst v63  }
0x16: {  	_ =	swait.ge [sflag:s7], $0x1400  }
0x17: {  	[sflag:s7] =	ssyncset.done $0x0  }
0x18: {  	s11 =	simm.s32 $0x100;
	[sflag:s7] =	ssyncadd.s32 $0xFFFFEC00  }
0x19: {  	v2 =	vld [tilespmem:s11+$0x80];
	_ =	sdelay $0x3  }
0x1a: {  	v3 =	vld [tilespmem:s11+$0xFFFFFF80]  }
0x1b: {  	v4 =	vld [tilespmem:s11+$0xFFFFFF00];
	_ =	sdelay $0x2  }
0x1c: {  	[tilespmem:v2+s8+$0x0] =	vst.idx.add.f32.msk $0xffff, v1  }
0x1d: {  	v2 =	vld [tilespmem:s11+$0x90];
	_ =	sdelay $0x1  }
0x1e: {  	v5 =	vld [tilespmem:s11+$0x0]  }
0x1f: {  	[tilespmem:v3+s8+$0x0] =	vst.idx.add.f32.msk $0xffff, v1  }
0x20: {  	[tilespmem:v4+s8+$0x0] =	vst.idx.add.f32.msk $0xffff, v1  }
0x21: {  	v3 =	vld [tilespmem:s11+$0xFFFFFF10]  }
0x22: {  	v4 =	vld [tilespmem:s11+$0xFFFFFF90];
	_ =	sdelay $0x1  }
0x23: {  	[tilespmem:v2+s8+$0x0] =	vst.idx.add.f32.msk $0xffff, v1  }
0x24: {  	v2 =	vld [tilespmem:s11+$0xA0]  }
0x25: {  	[tilespmem:v5+s8+$0x0] =	vst.idx.add.f32.msk $0xffff, v1  }
0x26: {  	v5 =	vld [tilespmem:s11+$0x10];
	_ =	sdelay $0x1  }
0x27: {  	[tilespmem:v3+s8+$0x0] =	vst.idx.add.f32.msk $0xffff, v1  }
0x28: {  	[tilespmem:v4+s8+$0x0] =	vst.idx.add.f32.msk $0xffff, v1  }
0x29: {  	v3 =	vld [tilespmem:s11+$0xFFFFFF20]  }
0x2a: {  	v4 =	vld [tilespmem:s11+$0xFFFFFFA0]  }
0x2b: {  	[tilespmem:v2+s8+$0x0] =	vst.idx.add.f32.msk $0xffff, v1  }
0x2c: {  	v2 =	vld [tilespmem:s11+$0xB0]  }
0x2d: {  	[tilespmem:v5+s8+$0x0] =	vst.idx.add.f32.msk $0xffff, v1  }
0x2e: {  	v5 =	vld [tilespmem:s11+$0x20];
	_ =	sdelay $0x2  }
0x2f: {  	[tilespmem:v3+s8+$0x0] =	vst.idx.add.f32.msk $0xffff, v1  }
0x30: {  	[tilespmem:v4+s8+$0x0] =	vst.idx.add.f32.msk $0xffff, v1  }
0x31: {  	v3 =	vld [tilespmem:s11+$0xFFFFFF30]  }
0x32: {  	[tilespmem:v2+s8+$0x0] =	vst.idx.add.f32.msk $0xffff, v1  }
0x33: {  	v2 =	vld [tilespmem:s11+$0xC0]  }
0x34: {  	[tilespmem:v5+s8+$0x0] =	vst.idx.add.f32.msk $0xffff, v1  }
0x35: {  	v4 =	vld [tilespmem:s11+$0xFFFFFFB0]  }
0x36: {  	v5 =	vld [tilespmem:s11+$0x30];
	_ =	sdelay $0x2  }
0x37: {  	[tilespmem:v3+s8+$0x0] =	vst.idx.add.f32.msk $0xffff, v1  }
0x38: {  	v3 =	vld [tilespmem:s11+$0xFFFFFF40]  }
0x39: {  	[tilespmem:v2+s8+$0x0] =	vst.idx.add.f32.msk $0xffff, v1  }
0x3a: {  	v2 =	vld [tilespmem:s11+$0xD0]  }
0x3b: {  	[tilespmem:v4+s8+$0x0] =	vst.idx.add.f32.msk $0xffff, v1  }
0x3c: {  	[tilespmem:v5+s8+$0x0] =	vst.idx.add.f32.msk $0xffff, v1  }
0x3d: {  	v4 =	vld [tilespmem:s11+$0xFFFFFFC0]  }
0x3e: {  	v5 =	vld [tilespmem:s11+$0x40];
	_ =	sdelay $0x1  }
0x3f: {  	[tilespmem:v3+s8+$0x0] =	vst.idx.add.f32.msk $0xffff, v1  }
0x40: {  	v6 =	vld [tilespmem:s11+$0xFFFFFF50]  }
0x41: {  	[tilespmem:v2+s8+$0x0] =	vst.idx.add.f32.msk $0xffff, v1  }
0x42: {  	v7 =	vld [tilespmem:s11+$0xE0];
	_ =	sdelay $0x1  }
0x43: {  	[tilespmem:v4+s8+$0x0] =	vst.idx.add.f32.msk $0xffff, v1  }
0x44: {  	[tilespmem:v5+s8+$0x0] =	vst.idx.add.f32.msk $0xffff, v1  }
0x45: {  	v3 =	vld [tilespmem:s11+$0xFFFFFFD0]  }
0x46: {  	v4 =	vld [tilespmem:s11+$0x50]  }
0x47: {  	[tilespmem:v6+s8+$0x0] =	vst.idx.add.f32.msk $0xffff, v1  }
0x48: {  	v2 =	vld [tilespmem:s11+$0xFFFFFF60]  }
0x49: {  	[tilespmem:v7+s8+$0x0] =	vst.idx.add.f32.msk $0xffff, v1  }
0x4a: {  	s12 =	simm.s32 $0x0;
	s13 =	simm.s32 $0x300;
	v5 =	vld [tilespmem:s11+$0xF0]  }
.LBB2_5:
0x4b: {  	v6 =	vld [tilespmem:s13+$0x80];
	s12 =	sadd.s32 $0x4, s12  }
0x4c: {  	v7 =	vld [tilespmem:s13+$0xFFFFFF80];
	p0 =	slt.u32 s12, $0x24  }
0x4d: {  	v8 =	vld [tilespmem:s13+$0x0]  }
0x4e: {  	v9 =	vld [tilespmem:s13+$0xFFFFFF00]  }
0x4f: {  	[tilespmem:v3+s8+$0x0] =	vst.idx.add.f32.msk $0xffff, v1  }
0x50: {  	[tilespmem:v4+s8+$0x0] =	vst.idx.add.f32.msk $0xffff, v1  }
0x51: {  	v3 =	vld [tilespmem:s11+$0xFFFFFFE0]  }
0x52: {  	[tilespmem:v5+s8+$0x0] =	vst.idx.add.f32.msk $0xffff, v1  }
0x53: {  	[tilespmem:v6+s8+$0x0] =	vst.idx.add.f32.msk $0xffff, v1  }
0x54: {  	v4 =	vld [tilespmem:s13+$0x90]  }
0x55: {  	[tilespmem:v7+s8+$0x0] =	vst.idx.add.f32.msk $0xffff, v1  }
0x56: {  	[tilespmem:v9+s8+$0x0] =	vst.idx.add.f32.msk $0xffff, v1  }
0x57: {  	[tilespmem:v8+s8+$0x0] =	vst.idx.add.f32.msk $0xffff, v1  }
0x58: {  	v5 =	vld [tilespmem:s13+$0xFFFFFF10]  }
0x59: {  	v6 =	vld [tilespmem:s13+$0xFFFFFF90]  }
0x5a: {  	v7 =	vld [tilespmem:s13+$0x10]  }
0x5b: {  	v8 =	vld [tilespmem:s11+$0x60]  }
0x5c: {  	[tilespmem:v4+s8+$0x0] =	vst.idx.add.f32.msk $0xffff, v1  }
0x5d: {  	v4 =	vld [tilespmem:s13+$0xA0]  }
0x5e: {  	[tilespmem:v2+s8+$0x0] =	vst.idx.add.f32.msk $0xffff, v1  }
0x5f: {  	[tilespmem:v3+s8+$0x0] =	vst.idx.add.f32.msk $0xffff, v1  }
0x60: {  	[tilespmem:v5+s8+$0x0] =	vst.idx.add.f32.msk $0xffff, v1  }
0x61: {  	[tilespmem:v6+s8+$0x0] =	vst.idx.add.f32.msk $0xffff, v1  }
0x62: {  	[tilespmem:v7+s8+$0x0] =	vst.idx.add.f32.msk $0xffff, v1  }
0x63: {  	v2 =	vld [tilespmem:s13+$0xFFFFFF20]  }
0x64: {  	v3 =	vld [tilespmem:s13+$0xFFFFFFA0]  }
0x65: {  	[tilespmem:v4+s8+$0x0] =	vst.idx.add.f32.msk $0xffff, v1  }
0x66: {  	v4 =	vld [tilespmem:s13+$0xB0]  }
0x67: {  	v5 =	vld [tilespmem:s13+$0x20]  }
0x68: {  	[tilespmem:v8+s8+$0x0] =	vst.idx.add.f32.msk $0xffff, v1  }
0x69: {  	v6 =	vld [tilespmem:s11+$0xFFFFFF70]  }
0x6a: {  	v7 =	vld [tilespmem:s11+$0xFFFFFFF0]  }
0x6b: {  	[tilespmem:v2+s8+$0x0] =	vst.idx.add.f32.msk $0xffff, v1  }
0x6c: {  	[tilespmem:v3+s8+$0x0] =	vst.idx.add.f32.msk $0xffff, v1  }
0x6d: {  	v2 =	vld [tilespmem:s13+$0xFFFFFF30]  }
0x6e: {  	[tilespmem:v4+s8+$0x0] =	vst.idx.add.f32.msk $0xffff, v1  }
0x6f: {  	v3 =	vld [tilespmem:s13+$0xC0]  }
0x70: {  	[tilespmem:v5+s8+$0x0] =	vst.idx.add.f32.msk $0xffff, v1  }
0x71: {  	v4 =	vld [tilespmem:s13+$0xFFFFFFB0]  }
0x72: {  	v5 =	vld [tilespmem:s13+$0x30]  }
0x73: {  	v8 =	vld [tilespmem:s11+$0x70];
	s11 =	smov.u32 s13  }
0x74: {  	[tilespmem:v6+s8+$0x0] =	vst.idx.add.f32.msk $0xffff, v1  }
0x75: {  	[tilespmem:v2+s8+$0x0] =	vst.idx.add.f32.msk $0xffff, v1  }
0x76: {  	v2 =	vld [tilespmem:s13+$0xFFFFFF40]  }
0x77: {  	[tilespmem:v3+s8+$0x0] =	vst.idx.add.f32.msk $0xffff, v1  }
0x78: {  	v3 =	vld [tilespmem:s13+$0xD0]  }
0x79: {  	[tilespmem:v4+s8+$0x0] =	vst.idx.add.f32.msk $0xffff, v1  }
0x7a: {  	[tilespmem:v5+s8+$0x0] =	vst.idx.add.f32.msk $0xffff, v1  }
0x7b: {  	v4 =	vld [tilespmem:s13+$0xFFFFFFC0]  }
0x7c: {  	v5 =	vld [tilespmem:s13+$0x40]  }
0x7d: {  	[tilespmem:v7+s8+$0x0] =	vst.idx.add.f32.msk $0xffff, v1  }
0x7e: {  	[tilespmem:v2+s8+$0x0] =	vst.idx.add.f32.msk $0xffff, v1  }
0x7f: {  	v2 =	vld [tilespmem:s13+$0xFFFFFF50]  }
0x80: {  	[tilespmem:v3+s8+$0x0] =	vst.idx.add.f32.msk $0xffff, v1  }
0x81: {  	v6 =	vld [tilespmem:s13+$0xE0]  }
0x82: {  	[tilespmem:v8+s8+$0x0] =	vst.idx.add.f32.msk $0xffff, v1  }
0x83: {  	[tilespmem:v4+s8+$0x0] =	vst.idx.add.f32.msk $0xffff, v1  }
0x84: {  	[tilespmem:v5+s8+$0x0] =	vst.idx.add.f32.msk $0xffff, v1  }
0x85: {  	v3 =	vld [tilespmem:s13+$0xFFFFFFD0]  }
.Ltmp1:
0x86: {  	v4 =	vld [tilespmem:s13+$0x50];
	(pc) =	sbr.rel @p0 .LBB2_5-.Ltmp1, $4  }
0x87: {  	[tilespmem:v2+s8+$0x0] =	vst.idx.add.f32.msk $0xffff, v1  }
0x88: {  	v2 =	vld [tilespmem:s13+$0xFFFFFF60]  }
0x89: {  	[tilespmem:v6+s8+$0x0] =	vst.idx.add.f32.msk $0xffff, v1  }
0x8a: {  	s13 =	sadd.s32 $0x200, s13;
	v5 =	vld [tilespmem:s11+$0xF0]  }
0x8b: {  	_ =	sdelay $0x3  }
0x8c: {  	[tilespmem:v3+s8+$0x0] =	vst.idx.add.f32.msk $0xffff, v1  }
0x8d: {  	[tilespmem:v4+s8+$0x0] =	vst.idx.add.f32.msk $0xffff, v1  }
0x8e: {  	v3 =	vld [tilespmem:s11+$0xFFFFFFE0]  }
0x8f: {  	v4 =	vld [tilespmem:s11+$0x60];
	_ =	sdelay $0x4  }
0x90: {  	[tilespmem:v2+s8+$0x0] =	vst.idx.add.f32.msk $0xffff, v1  }
0x91: {  	v2 =	vld [tilespmem:s11+$0xFFFFFF70]  }
0x92: {  	[tilespmem:v3+s8+$0x0] =	vst.idx.add.f32.msk $0xffff, v1  }
0x93: {  	[tilespmem:v4+s8+$0x0] =	vst.idx.add.f32.msk $0xffff, v1  }
0x94: {  	v3 =	vld [tilespmem:s11+$0xFFFFFFF0]  }
0x95: {  	v4 =	vld [tilespmem:s11+$0x70];
	_ =	sdelay $0x1  }
0x96: {  	s10 =	sadd.s32 $0x1, s10  }
0x97: {  	p0 =	sne.s32 s10, $0x4  }
.Ltmp2:
0x98: {  	_ = 	snop;
	(pc) =	sbr.rel @p0 .LBB2_4-.Ltmp2, $4  }
0x99: {  	[tilespmem:v5+s8+$0x0] =	vst.idx.add.f32.msk $0xffff, v1  }
0x9a: {  	[tilespmem:v2+s8+$0x0] =	vst.idx.add.f32.msk $0xffff, v1  }
0x9b: {  	[tilespmem:v3+s8+$0x0] =	vst.idx.add.f32.msk $0xffff, v1  }
0x9c: {  	[tilespmem:v4+s8+$0x0] =	vst.idx.add.f32.msk $0xffff, v1  }
0x9d: {  	s9 =	sadd.s32 $0x1, s9  }
0x9e: {  	p0 =	sne.s32 s9, s6  }
.Ltmp3:
0x9f: {  	_ = 	snop;
	(pc) =	sbr.rel @p0 .LBB2_1-.Ltmp3, $4  }
0xa0: {  	[hbm4b:s5+s3] =	stream.linear.scatter [tilespmem:s8], [sflag:$0x1], $0x2780, $0x38;
	[tilespmem:$0x3B80] =	vst v63  }
0xa1: {  	_ =	swait.ge [sflag:s7], $0x2780  }
0xa2: {  	[sflag:s7] =	ssyncset.done $0x0  }
0xa3: {  	[sflag:s7] =	ssyncadd.s32 $0xFFFFD880  }
0xa4: {  	_ =	sfence.sel $0x180000  }
0xa5: {  	[bflag:$0x0] =	sbarrier.arrive $0xFFFF  }
0xa6: {  	p0 =	sne.s32 s1, $0x0;
	_ =	strace $0x90000047  }
0xa7: {  	s0 =	sadd.s32 @!p0 $0x100000, s0;
	[bflag:$0x2] =	sbarrier.arrive $0xFFFF  }
0xa8: {  	[sflag:s0] =	ssyncadd.tile.s32 @!p0 $0x1;
	_ =	shalt  }
.Lfunc_end2:
_tile_overlayer_lowered:
.L_overlay_start_2:
0xa9: {  	(tag) =	ssettag $0x2  }
0xaa: {  	s0 =	rddreg [dreg:$0x0];
	s2 =	stileid.u32  }
0xab: {  	s1 =	rddreg [dreg:$0x1];
	p0 =	sne.s32 s2, $0x0  }
0xac: {  	s3 =	rddreg [dreg:$0x2];
	[bflag:$0x3] =	sbarrier.arrive $0xFFFF;
	s2 =	simm.s32 @!p0 $0x1C01  }
0xad: {  	[timem:s3], [sflag:s2] =	dma.local @!p0 [hbm:s0], s1  }
0xae: {  	s0 =	simm.s32 @!p0 $0x1  }
0xaf: {  	_ =	swait.ge @!p0 [sflag:s0], s1  }
0xb0: {  	s1 =	ssub.s32 @!p0 $0x0, s1;
	[sflag:s0] =	ssyncset.done @!p0 $0x0  }
0xb1: {  	[sflag:s0] =	ssyncadd.s32 @!p0 s1  }
0xb2: {  	[bflag:$0x3] =	sbarrier.arrive $0xFFFF  }
0xb3: {  	_ =	shalt  }

</sc_bundles>
